<compile_context>
chip_gen: v7x
topology: tpu7x:2x2x1
jax: 0.10.2.dev20260603
libtpu: 0.0.44.dev20260713+nightly
codegen_flags: <defaults>
</compile_context>

<pallas_src>
import functools

import jax
import jax.numpy as jnp
from jax.experimental import pallas as pl

_N = 10000
_D = 128
_NPAD = 10240
_BM = 512
_BN = 1024
_EDGE_MUL = 4


def _sim_block_kernel(a_ref, bt_ref, o_ref, mx_ref):
    i = pl.program_id(0)
    j = pl.program_id(1)
    s = jnp.dot(a_ref[...], bt_ref[...], preferred_element_type=jnp.float32)
    rows = i * _BM + jax.lax.broadcasted_iota(jnp.int32, (_BM, _BN), 0)
    cols = j * _BN + jax.lax.broadcasted_iota(jnp.int32, (_BM, _BN), 1)
    valid = (rows < _N) & (cols < _N)
    s = jnp.where(valid, s, -jnp.inf)
    o_ref[...] = s
    bmax = jnp.max(s, keepdims=True).reshape(1, 1)

    @pl.when((i == 0) & (j == 0))
    def _init():
        mx_ref[...] = bmax

    @pl.when((i > 0) | (j > 0))
    def _acc():
        mx_ref[...] = jnp.maximum(mx_ref[...], bmax)


def _similarity(xn):
    xnt = xn.T
    grid = (_NPAD // _BM, _NPAD // _BN)
    s, mx = pl.pallas_call(
        _sim_block_kernel,
        grid=grid,
        in_specs=[
            pl.BlockSpec((_BM, _D), lambda i, j: (i, 0)),
            pl.BlockSpec((_D, _BN), lambda i, j: (0, j)),
        ],
        out_specs=[
            pl.BlockSpec((_BM, _BN), lambda i, j: (i, j)),
            pl.BlockSpec((1, 1), lambda i, j: (0, 0)),
        ],
        out_shape=[
            jax.ShapeDtypeStruct((_NPAD, _NPAD), jnp.float32),
            jax.ShapeDtypeStruct((1, 1), jnp.float32),
        ],
    )(xn, xnt)
    return s, mx[0, 0]


def _encode(x, edge_index, Ws):
    src = edge_index[0]
    dst = edge_index[1]
    deg = jax.ops.segment_sum(
        jnp.ones((src.shape[0],), dtype=x.dtype), dst, num_segments=_N)
    inv_deg = 1.0 / jnp.clip(deg, 1.0, None)
    h = x
    for W in Ws:
        msgs = h[src]
        agg = jax.ops.segment_sum(msgs, dst, num_segments=_N) * inv_deg[:, None]
        h = jax.nn.relu(agg @ W) + h
    return h


def kernel(x, edge_index, W0, W1):
    view1_x = x
    view1_edge_index = edge_index

    xp = _encode(x, edge_index, [W0, W1])
    nrm = jnp.linalg.norm(xp, axis=1, keepdims=True)
    xn = xp / jnp.clip(nrm, 1e-12, None)
    xn_pad = jnp.zeros((_NPAD, _D), jnp.float32).at[:_N].set(xn)

    s_pad, m = _similarity(xn_pad)
    adj = s_pad[:_N, :_N]

    src = edge_index[0]
    dst = edge_index[1]
    adj = adj.at[src, dst].add(m)

    k = _EDGE_MUL * edge_index.shape[1]
    vals, flat_idx = jax.lax.top_k(adj.reshape(-1), k)
    rows = flat_idx // _N
    cols = flat_idx % _N

    seg_max = jax.ops.segment_max(vals, rows, num_segments=_N)
    e = jnp.exp(vals - seg_max[rows])
    seg_sum = jax.ops.segment_sum(e, rows, num_segments=_N)
    edge_weight = e / seg_sum[rows]

    edge_index_ = jnp.stack(
        [rows.astype(jnp.int64), cols.astype(jnp.int64)], axis=0)
    return (view1_x, view1_edge_index, x, edge_index_, edge_weight)

# --- scband reference (transcript-rebuilt; emitter-appended) ---
"""Pipeline reference for scband-topology-augmentor-8014408974928 (READ-ONLY COPY).

The authoritative reference and input builder live on the scoring server;
editing this copy changes nothing except your own understanding.
"""

import jax, jax.numpy as jnp
import numpy as np

N = 10000
D = 128
E = 160000
NUM_LAYERS = 2
EDGE_MUL = 4
KEEP_EDGES = True


def setup_inputs(seed: int = 0) -> dict:
    key = jax.random.key(seed)
    k1, k2, k3, k4 = jax.random.split(key, 4)
    x = jax.random.normal(k1, (N, D), dtype=jnp.float32)
    edge_index = jax.random.randint(k2, (2, E), 0, N, dtype=jnp.int64)
    scale = 1.0 / np.sqrt(D)
    W0 = jax.random.normal(k3, (D, D), dtype=jnp.float32) * scale
    W1 = jax.random.normal(k4, (D, D), dtype=jnp.float32) * scale
    return {"x": x, "edge_index": edge_index, "W0": W0, "W1": W1}


def _encoder(x, edge_index, Ws):
    # GCN-style encoder with skip connections (dropout=0.0 -> identity)
    src = edge_index[0]
    dst = edge_index[1]
    deg = jax.ops.segment_sum(jnp.ones((src.shape[0],), dtype=x.dtype), dst, num_segments=N)
    inv_deg = 1.0 / jnp.clip(deg, 1.0, None)
    h = x
    for W in Ws:
        msgs = h[src]
        agg = jax.ops.segment_sum(msgs, dst, num_segments=N) * inv_deg[:, None]
        h = jax.nn.relu(agg @ W) + h  # skip connection
    return h


def _compute_sim(xp):
    nrm = jnp.linalg.norm(xp, axis=1, keepdims=True)
    xn = xp / jnp.clip(nrm, 1e-12, None)
    return xn @ xn.T


def _segment_softmax(vals, seg_ids, num_segments):
    m = jax.ops.segment_max(vals, seg_ids, num_segments=num_segments)
    e = jnp.exp(vals - m[seg_ids])
    s = jax.ops.segment_sum(e, seg_ids, num_segments=num_segments)
    return e / s[seg_ids]


def reference(x, edge_index, W0, W1):
    # view1: identity augmentor
    view1_x = x
    view1_edge_index = edge_index
    # encoder producing higher-order features
    x_prime = _encoder(x, edge_index, [W0, W1])
    # no_grad block in torch: similarity + global topk edges + segment softmax
    adj = _compute_sim(x_prime)
    src = edge_index[0]
    dst = edge_index[1]
    if KEEP_EDGES:
        adj = adj.at[src, dst].add(adj.max())
    k = EDGE_MUL * edge_index.shape[1]
    vals, flat_idx = jax.lax.top_k(adj.reshape(-1), k)
    rows = flat_idx // N
    cols = flat_idx % N
    edge_index_ = jnp.stack([rows.astype(jnp.int64), cols.astype(jnp.int64)], axis=0)
    edge_weight = _segment_softmax(vals, rows, N)
    # (view1, view2)
    return (view1_x, view1_edge_index, x, edge_index_, edge_weight)

if __name__ == "__main__":
    import jax
    _d = setup_inputs()
    print(jax.jit(kernel)(*tuple(_d.values())))

</pallas_src>

<mosaic_0001>
module attributes {stable_mosaic.version = 14 : i64} {
  func.func @_sim_block_kernel(%arg0: i32, %arg1: i32, %arg2: memref<512x128xf32, #tpu.memory_space<vmem>>, %arg3: memref<128x1024xf32, #tpu.memory_space<vmem>>, %arg4: memref<512x1024xf32, #tpu.memory_space<vmem>>, %arg5: memref<1x1xf32, #tpu.memory_space<vmem>>) attributes {dimension_semantics = [#tpu.dimension_semantics<arbitrary>, #tpu.dimension_semantics<arbitrary>], iteration_bounds = array<i64: 20, 10>, scalar_prefetch = 0 : i64, scratch_operands = 0 : i64, tpu.core_type = #tpu.core_type<tc>, window_params = [{transform_indices = @transform_0, window_bounds = array<i64: 512, 128>}, {transform_indices = @transform_1, window_bounds = array<i64: 128, 1024>}, {transform_indices = @transform_2, window_bounds = array<i64: 512, 1024>}, {pipeline_mode = #tpu.pipeline_mode<synchronous>, transform_indices = @transform_3, window_bounds = array<i64: 1, 1>}]} {
    %get3A = arith.constant 0 : index
    %get3A_0 = arith.constant 0 : index
    %get3A_1 = vector.load %arg2[%get3A, %get3A_0] : memref<512x128xf32, #tpu.memory_space<vmem>>, vector<512x128xf32>
    %get3A_2 = arith.constant 0 : index
    %get3A_3 = arith.constant 0 : index
    %get3A_4 = vector.load %arg3[%get3A_2, %get3A_3] : memref<128x1024xf32, #tpu.memory_space<vmem>>, vector<128x1024xf32>
    %dot_general3A = arith.constant dense<0.000000e+00> : vector<512x1024xf32>
    %dot_general3A_5 = tpu.matmul %get3A_1, %get3A_4, %dot_general3A {dimension_numbers = #tpu.dot_dimension_numbers<[1], [0], [0], [1], [0, 0, 1, 1], [], []>, transpose_lhs_hint = false} : vector<512x128xf32>, vector<128x1024xf32>, vector<512x1024xf32> -> vector<512x1024xf32>
    %mul3A = arith.constant 512 : i32
    %mul3A_6 = arith.muli %arg0, %mul3A : i32
    %iota3A = tpu.iota {dimensions = array<i32: 0>} : vector<512x1024xi32>
    %add3A = vector.broadcast %mul3A_6 : i32 to vector<512x1024xi32>
    %add3A_7 = arith.addi %add3A, %iota3A : vector<512x1024xi32>
    %mul3A_8 = arith.constant 1024 : i32
    %mul3A_9 = arith.muli %arg1, %mul3A_8 : i32
    %iota3A_10 = tpu.iota {dimensions = array<i32: 1>} : vector<512x1024xi32>
    %add3A_11 = vector.broadcast %mul3A_9 : i32 to vector<512x1024xi32>
    %add3A_12 = arith.addi %add3A_11, %iota3A_10 : vector<512x1024xi32>
    %lt3A = arith.constant 10000 : i32
    %lt3A_13 = vector.broadcast %lt3A : i32 to vector<512x1024xi32>
    %lt3A_14 = arith.cmpi slt, %add3A_7, %lt3A_13 : vector<512x1024xi32>
    %lt3A_15 = arith.constant 10000 : i32
    %lt3A_16 = vector.broadcast %lt3A_15 : i32 to vector<512x1024xi32>
    %lt3A_17 = arith.cmpi slt, %add3A_12, %lt3A_16 : vector<512x1024xi32>
    %and3A = arith.andi %lt3A_14, %lt3A_17 : vector<512x1024xi1>
    %jit3A = arith.constant 0xFF800000 : f32
    %broadcast_in_dim3A = vector.broadcast %jit3A : f32 to vector<512x1024xf32>
    %select_n3A = arith.select %and3A, %dot_general3A_5, %broadcast_in_dim3A : vector<512x1024xi1>, vector<512x1024xf32>
    %swap3A = arith.constant 0 : index
    %swap3A_18 = arith.constant 0 : index
    %swap3A_19 = vector.load %arg4[%swap3A, %swap3A_18] : memref<512x1024xf32, #tpu.memory_space<vmem>>, vector<512x1024xf32>
    tpu.vector_store %arg4[%swap3A, %swap3A_18], %select_n3A {strides = array<i32>} : memref<512x1024xf32, #tpu.memory_space<vmem>>, vector<512x1024xf32>,
    %reduce_max3A = vector.shape_cast %select_n3A : vector<512x1024xf32> to vector<1x512x1024xf32>
    %reduce_max3A_20 = arith.constant dense<0xFF800000> : vector<1xf32>
    %reduce_max3A_21 = vector.multi_reduction <maximumf>, %reduce_max3A, %reduce_max3A_20 [1, 2] : vector<1x512x1024xf32> to vector<1xf32>
    %reduce_max3A_22 = vector.shape_cast %reduce_max3A_21 : vector<1xf32> to vector<1x1x1xf32>
    %reduce_max3A_23 = vector.extract %reduce_max3A_22[0, 0, 0] : f32 from vector<1x1x1xf32>
    %broadcast_in_dim3A_24 = vector.broadcast %reduce_max3A_23 : f32 to vector<1x1xf32>
    %eq3A = arith.constant 0 : i32
    %eq3A_25 = arith.cmpi eq, %arg0, %eq3A : i32
    %eq3A_26 = arith.constant 0 : i32
    %eq3A_27 = arith.cmpi eq, %arg1, %eq3A_26 : i32
    %and3A_28 = arith.andi %eq3A_25, %eq3A_27 : i1
    %convert_element_type3A = arith.extui %and3A_28 : i1 to i32
    %cond3A = arith.constant 0 : i32
    %cond3A_29 = arith.cmpi ne, %convert_element_type3A, %cond3A : i32
    scf.if %cond3A_29 {
      %swap3A_36 = arith.constant 0 : index
      %swap3A_37 = arith.constant 0 : index
      %swap3A_38 = vector.load %arg5[%swap3A_36, %swap3A_37] : memref<1x1xf32, #tpu.memory_space<vmem>>, vector<1x1xf32>
      tpu.vector_store %arg5[%swap3A_36, %swap3A_37], %broadcast_in_dim3A_24 {strides = array<i32>} : memref<1x1xf32, #tpu.memory_space<vmem>>, vector<1x1xf32>,
    } else {
    }
    %gt3A = arith.constant 0 : i32
    %gt3A_30 = arith.cmpi sgt, %arg0, %gt3A : i32
    %gt3A_31 = arith.constant 0 : i32
    %gt3A_32 = arith.cmpi sgt, %arg1, %gt3A_31 : i32
    %or3A = arith.ori %gt3A_30, %gt3A_32 : i1
    %convert_element_type3A_33 = arith.extui %or3A : i1 to i32
    %cond3A_34 = arith.constant 0 : i32
    %cond3A_35 = arith.cmpi ne, %convert_element_type3A_33, %cond3A_34 : i32
    scf.if %cond3A_35 {
      %get3A_36 = arith.constant 0 : index
      %get3A_37 = arith.constant 0 : index
      %get3A_38 = vector.load %arg5[%get3A_36, %get3A_37] : memref<1x1xf32, #tpu.memory_space<vmem>>, vector<1x1xf32>
      %max3A = arith.maximumf %get3A_38, %broadcast_in_dim3A_24 : vector<1x1xf32>
      %swap3A_39 = arith.constant 0 : index
      %swap3A_40 = arith.constant 0 : index
      %swap3A_41 = vector.load %arg5[%swap3A_39, %swap3A_40] : memref<1x1xf32, #tpu.memory_space<vmem>>, vector<1x1xf32>
      tpu.vector_store %arg5[%swap3A_39, %swap3A_40], %max3A {strides = array<i32>} : memref<1x1xf32, #tpu.memory_space<vmem>>, vector<1x1xf32>,
    } else {
    }
    return
  }
  func.func @transform_0(%arg0: i32, %arg1: i32) -> (i32, i32) {
    %c0_i32 = arith.constant 0 : i32
    %c0_i32_0 = arith.constant 0 : i32
    return %arg0, %c0_i32 : i32, i32
  }
  func.func @transform_1(%arg0: i32, %arg1: i32) -> (i32, i32) {
    %c0_i32 = arith.constant 0 : i32
    %c0_i32_0 = arith.constant 0 : i32
    return %c0_i32, %arg1 : i32, i32
  }
  func.func @transform_2(%arg0: i32, %arg1: i32) -> (i32, i32) {
    %c0_i32 = arith.constant 0 : i32
    return %arg0, %arg1 : i32, i32
  }
  func.func @transform_3(%arg0: i32, %arg1: i32) -> (i32, i32) {
    %c0_i32 = arith.constant 0 : i32
    %c0_i32_0 = arith.constant 0 : i32
    %c0_i32_1 = arith.constant 0 : i32
    return %c0_i32, %c0_i32_0 : i32, i32
  }
}

</mosaic_0001>

<sc_bundles>
// kernel: scatter_offload_async_start.1
scs
__scs_entry_jumppad:
0x0: {  	(pc) =	sbr.rel $0x88, $3  }
0x1: {  	(tag) =	ssettag $0x0;
	lr =	simm.s32 $0x1  }
0x2: {  	[smem:$0x3F9D] =	sst lr;
	_ =	strace $0xD0000000  }
0x3: {  	_ = 	snop  }
0x4: {  	_ = 	snop  }
0x5: {  	_ = 	snop  }
0x6: {  	_ = 	snop  }
0x7: {  	_ = 	snop  }
__scs_overlays_trampoline_lowered:
0x8: {  	[smem:$0x3FAC] =	sst s0  }
0x9: {  	[smem:$0x3FAD] =	sst s1  }
0xa: {  	[smem:$0x3FAE] =	sst s2  }
0xb: {  	[smem:$0x3FAF] =	sst s3  }
0xc: {  	[smem:$0x3FB0] =	sst s4  }
0xd: {  	[smem:$0x3FB1] =	sst s5  }
0xe: {  	[smem:$0x3FB2] =	sst s6  }
0xf: {  	[smem:$0x3FB3] =	sst s7  }
0x10: {  	[smem:$0x3FB4] =	sst s8  }
0x11: {  	[smem:$0x3FB5] =	sst s9;
	s0 =	simm.s32 @!p0 $0x0  }
0x12: {  	s1 =	sld [smem:$0x3F9B];
	s0 =	simm.s32 @p0 $0x1  }
0x13: {  	[smem:$0x3FB6] =	sst s0;
	s0 =	simm.s32 @!p1 $0x0  }
0x14: {  	s2 =	sld [smem:$0x3F9A];
	s0 =	simm.s32 @p1 $0x1  }
0x15: {  	[smem:$0x3FB7] =	sst s0;
	s0 =	simm.s32 @!p2 $0x0  }
0x16: {  	s3 =	sld [smem:$0x3FDB];
	s0 =	simm.s32 @p2 $0x1  }
0x17: {  	s4 =	simm.s32 $0x1BF5;
	[smem:$0x3FB9] =	sst s0  }
0x18: {  	s0 =	sld [smem:$0x3F9C];
	_ =	swait.ge [sflag:s4], $0x0  }
0x19: {  	s7 =	sld [smem:$0x3F9D]  }
0x1a: {  	s8 =	sadd.s32 $0xFFFFE003, lr  }
0x1b: {  	s9 =	sadd.s32 $0xFFFFFEF7, lr;
	s5 =	simm.s32 $0xFFFFFFFF;
	p2 =	slt.u32 s8, $0xFFFFF086  }
0x1c: {  	p1 =	slt.u32 s9, $0xF7A;
	s5 =	simm.s32 @!p2 $0x0  }
0x1d: {  	s5 =	simm.s32 @p1 $0x1;
	p0 =	seq.s32 s7, s2  }
0x1e: {  	s7 =	smul.u32 @!p0 $0xF7A, s2;
	p2 =	seq.s32 @!p0 s5, $0x0  }
0x1f: {  	s9 =	smul.u32 $0xF7A, s1;
	s8 =	simm.s32 @!p0 $0x1BF5;
	p2 =	por !p2, p0  }
0x20: {  	[sflag:s8] =	ssyncset.s32 @!p0 $0xFFFFF086;
	s6 =	sadd.s32 @!p0 s3, s7;
	s7 =	simm.s32 @!p0 $0x108  }
0x21: {  	s3 =	sadd.s32 s3, s9;
	s6 =	sadd.s32 @!p0 $0x88, s6;
	s7 =	simm.s32 @p2 $0x1082  }
0x22: {  	[simem:s7], [sflag:s8] =	dma.local @!p0 [hbm:s6], $0xF7A  }
0x23: {  	s9 =	sor.u32 $0xD0000000, s2;
	s6 =	simm.s32 $0x108;
	_ =	swait.ge @!p0 [sflag:s8], $0x0  }
0x24: {  	s3 =	sadd.s32 $0x88, s3;
	s6 =	simm.s32 @!p1 $0x1082;
	[sflag:s4] =	ssyncset.s32 $0xFFFFF086  }
0x25: {  	[simem:s6], [sflag:s4] =	dma.local [hbm:s3], $0xF7A  }
0x26: {  	[smem:$0x3F9D] =	sst s1;
	(tag) =	ssettag s2;
	_ =	strace s9  }
0x27: {  	s1 =	sld [smem:$0x3FAD]  }
0x28: {  	s2 =	sld [smem:$0x3FAE]  }
0x29: {  	s4 =	sld [smem:$0x3FB0]  }
0x2a: {  	p0 =	seq.s32 s5, $0x0;
	s5 =	sld [smem:$0x3FB1]  }
0x2b: {  	s6 =	sld [smem:$0x3FB2]  }
0x2c: {  	s7 =	sld [smem:$0x3FB3]  }
0x2d: {  	s3 =	simm.s32 $0x108;
	s8 =	sld [smem:$0x3FB4]  }
0x2e: {  	s3 =	simm.s32 @!p0 $0x1082;
	s9 =	sld [smem:$0x3FB5]  }
0x2f: {  	lr =	sadd.s32 s0, s3;
	s0 =	sld [smem:$0x3FAC]  }
0x30: {  	s3 =	sld [smem:$0x3FAF]  }
0x31: {  	[smem:$0x3FB8] =	sst s10  }
0x32: {  	s10 =	sld [smem:$0x3FB6];
	_ =	sdelay $0x3  }
0x33: {  	p0 =	seq.s32 s10, $0x1;
	s10 =	sld [smem:$0x3FB8];
	_ =	sdelay $0x3  }
0x34: {  	[smem:$0x3FB8] =	sst s10  }
0x35: {  	s10 =	sld [smem:$0x3FB7];
	_ =	sdelay $0x3  }
0x36: {  	p1 =	seq.s32 s10, $0x1;
	s10 =	sld [smem:$0x3FB8];
	_ =	sdelay $0x3  }
0x37: {  	[smem:$0x3FB8] =	sst s10  }
0x38: {  	s10 =	sld [smem:$0x3FB9]  }
0x39: {  	_ = 	snop;
	(pc) =	sbr.ind lr, $3  }
0x3a: {  	_ = 	snop  }
0x3b: {  	_ = 	snop  }
0x3c: {  	p2 =	seq.s32 s10, $0x1;
	s10 =	sld [smem:$0x3FB8]  }
0x3d: {  	_ =	shalt  }
0x3e: {  	_ =	shalt  }
0x3f: {  	_ =	shalt  }
0x40: {  	_ =	shalt  }
0x41: {  	_ =	shalt  }
0x42: {  	_ =	shalt  }
0x43: {  	_ =	shalt  }
0x44: {  	_ =	shalt  }
0x45: {  	_ =	shalt  }
0x46: {  	_ =	shalt  }
0x47: {  	_ =	shalt  }
0x48: {  	_ =	shalt  }
0x49: {  	_ =	shalt  }
0x4a: {  	_ =	shalt  }
0x4b: {  	_ =	shalt  }
0x4c: {  	_ =	shalt  }
0x4d: {  	_ =	shalt  }
0x4e: {  	_ =	shalt  }
0x4f: {  	_ =	shalt  }
0x50: {  	_ =	shalt  }
0x51: {  	_ =	shalt  }
0x52: {  	_ =	shalt  }
0x53: {  	_ =	shalt  }
0x54: {  	_ =	shalt  }
0x55: {  	_ =	shalt  }
0x56: {  	_ =	shalt  }
0x57: {  	_ =	shalt  }
0x58: {  	_ =	shalt  }
0x59: {  	_ =	shalt  }
0x5a: {  	_ =	shalt  }
0x5b: {  	_ =	shalt  }
0x5c: {  	_ =	shalt  }
0x5d: {  	_ =	shalt  }
0x5e: {  	_ =	shalt  }
0x5f: {  	_ =	shalt  }
0x60: {  	_ =	shalt  }
0x61: {  	_ =	shalt  }
0x62: {  	_ =	shalt  }
0x63: {  	_ =	shalt  }
0x64: {  	_ =	shalt  }
0x65: {  	_ =	shalt  }
0x66: {  	_ =	shalt  }
0x67: {  	_ =	shalt  }
0x68: {  	_ =	shalt  }
0x69: {  	_ =	shalt  }
0x6a: {  	_ =	shalt  }
0x6b: {  	_ =	shalt  }
0x6c: {  	_ =	shalt  }
0x6d: {  	_ =	shalt  }
0x6e: {  	_ =	shalt  }
0x6f: {  	_ =	shalt  }
0x70: {  	_ =	shalt  }
0x71: {  	_ =	shalt  }
0x72: {  	_ =	shalt  }
0x73: {  	_ =	shalt  }
0x74: {  	_ =	shalt  }
0x75: {  	_ =	shalt  }
0x76: {  	_ =	shalt  }
0x77: {  	_ =	shalt  }
0x78: {  	_ =	shalt  }
0x79: {  	_ =	shalt  }
0x7a: {  	_ =	shalt  }
0x7b: {  	_ =	shalt  }
0x7c: {  	_ =	shalt  }
0x7d: {  	_ =	shalt  }
0x7e: {  	_ =	shalt  }
0x7f: {  	_ =	shalt  }
0x80: {  	_ =	shalt  }
0x81: {  	_ =	shalt  }
0x82: {  	_ =	shalt  }
0x83: {  	_ =	shalt  }
0x84: {  	_ =	shalt  }
0x85: {  	_ =	shalt  }
0x86: {  	_ =	shalt  }
0x87: {  	_ =	shalt  }
.Lfunc_end0:
.L_simem_size_0:
called_computation.1_lowered:
.L_overlay_start_0:
0x88: {  	s2 =	sld [smem:$0x3FD9]  }
0x89: {  	s3 =	sld [smem:$0x3FFE];
	_ =	sdelay $0x1  }
0x8a: {  	s1 =	srdreg.scid  }
0x8b: {  	s0 =	sand.u32 $0x1, s1  }
0x8c: {  	s28 =	sshll.u32 s0, $0xA;
	s2 =	sadd.s32 s3, s2  }
0x8d: {  	s2 =	sadd.s32 s2, s28  }
0x8e: {  	[smem:$0x3FC4] =	sst s2  }
0x8f: {  	_ = 	snop  }
0x90: {  	s2 =	sld [smem:$0x3FD0];
	_ =	sdelay $0x2  }
0x91: {  	s5 =	simm.s32 $0xD;
	s29 =	simm.s32 $0x10  }
0x92: {  	[smem:s29], [sflag:s5] =	dma.local [hbm:s2], $0x1  }
0x93: {  	_ =	swait.eq [sflag:s5], $0x1  }
0x94: {  	s30 =	sld [smem:$0x11]  }
0x95: {  	s4 =	sld [smem:$0x12];
	[sflag:s5] =	ssyncset.done $0x0  }
0x96: {  	s7 =	sld [smem:$0x13];
	[sflag:s5] =	ssyncadd.s32 $0xFFFFFFFF  }
0x97: {  	s31 =	sld [smem:$0x14];
	(tm) =	ssettm $0x1  }
0x98: {  	s14 =	sld [smem:$0x3FFB];
	_ =	sdelay $0x3  }
0x99: {  	_ =	strace s14  }
0x9a: {  	s2 =	sld [smem:$0x3FFC];
	_ =	sdelay $0x3  }
0x9b: {  	_ =	strace s2  }
0x9c: {  	s2 =	sld [smem:$0x3FFD];
	_ =	sdelay $0x3  }
0x9d: {  	_ =	strace s2  }
0x9e: {  	_ =	strace $0x8FFFFFFF  }
0x9f: {  	s15 =	sld [smem:$0x3FDB];
	_ =	sdelay $0x1  }
0xa0: {  	s6 =	simm.s32 $_scs_section_size  }
0xa1: {  	s8 =	simm.s32 $_size__tile_overlayer_lowered;
	s9 =	simm.s32 $_tile_overlayer_lowered  }
0xa2: {  	s19 =	simm.s32 $0x1BFF;
	s17 =	sshll.u32 s9, $0x1;
	s10 =	sadd.s32 s6, s15  }
0xa3: {  	s20 =	simm.s32 $0x0;
	s16 =	sshll.u32 s8, $0x1;
	s18 =	sadd.s32 s17, s10  }
0xa4: {  	[timem:s20], [sflag:s19] =	dma.local [hbm:s18], s16  }
0xa5: {  	_ =	swait.ge [sflag:s19], s16  }
0xa6: {  	s6 =	ssub.s32 $0x0, s16;
	[sflag:s19] =	ssyncset.done $0x0  }
0xa7: {  	[sflag:s19] =	ssyncadd.s32 s6;
	_ =	sdelay $0x1  }
0xa8: {  	s21 =	simm.s32 $0x1B8B  }
0xa9: {  	_ =	swait.ge [sflag:s21], $0x1  }
0xaa: {  	[sflag:s21] =	ssyncset.done $0x0  }
0xab: {  	[sflag:s21] =	ssyncadd.s32 $0xFFFFFFFF  }
0xac: {  	s6 =	sld [smem:$0x0]  }
0xad: {  	s8 =	sand.u32 $0xFFFFFFFE, s1  }
0xae: {  	p0 =	sne.s32 s1, s8  }
0xaf: {  	s8 =	sshll.u32 @p0 s8, $0xE  }
0xb0: {  	s9 =	sadd.s32 @p0 $0x11B8D, s8;
	s11 =	sshll.u32 @p0 s6, $0x11  }
0xb1: {  	s9 =	sor.u32 @p0 s11, s9  }
0xb2: {  	[sflag:s9] =	ssyncadd.remote.s32 @p0 $0x1;
	_ =	sdelay $0x1  }
0xb3: {  	s9 =	simm.s32 @p0 $0x1B8D  }
0xb4: {  	_ =	swait.eq @p0 [sflag:s9], $0x1  }
0xb5: {  	[sflag:s9] =	ssyncadd.s32 @p0 $0xFFFFFFFF  }
0xb6: {  	s11 =	sshll.u32 @!p0 s1, $0xE  }
0xb7: {  	s11 =	sor.u32 @!p0 $0x4000, s11;
	s9 =	simm.s32 @!p0 $0x1B8D  }
0xb8: {  	s13 =	sshll.u32 @!p0 s6, $0x11;
	s12 =	sadd.s32 @!p0 $0x11B8D, s11;
	_ =	swait.eq @!p0 [sflag:s9], $0x1  }
0xb9: {  	[sflag:s9] =	ssyncadd.s32 @!p0 $0xFFFFFFFF;
	s9 =	sor.u32 @!p0 s13, s12  }
0xba: {  	s23 =	simm.s32 $0x1B8E;
	s22 =	sld [smem:$0x3FFE];
	[sflag:s9] =	ssyncadd.remote.s32 @!p0 $0x1  }
0xbb: {  	s24 =	simm.s32 $execute0_lowered;
	[smem:$0x3FD2] =	sst s23  }
0xbc: {  	s12 =	sshll.u32 s24, $0x1;
	_ =	strace $0x8000004C;
	[dreg:$0x1] =	wrdreg $0xFFFFFFFF  }
0xbd: {  	s25 =	simm.s32 $_size_execute0_lowered;
	s12 =	sadd.s32 s10, s12;
	[dreg:$0x0] =	wrdreg $0x0  }
0xbe: {  	s13 =	sshll.u32 s25, $0x1;
	[dreg:$0x2] =	wrdreg s12  }
0xbf: {  	[dreg:$0x3] =	wrdreg s13  }
0xc0: {  	[dreg:$0x4] =	wrdreg $0xC0  }
0xc1: {  	s26 =	simm.s32 $execute1_lowered;
	_ =	task [dreg:s20], $0x5FFFF  }
0xc2: {  	s12 =	sshll.u32 s26, $0x1;
	[dreg:$0x1] =	wrdreg $0xFFFFFFFF  }
0xc3: {  	s10 =	sadd.s32 s10, s12;
	[dreg:$0x0] =	wrdreg $0x60  }
0xc4: {  	[dreg:$0x2] =	wrdreg s10  }
0xc5: {  	[dreg:$0x3] =	wrdreg s7  }
0xc6: {  	[dreg:$0x4] =	wrdreg s4  }
0xc7: {  	[dreg:$0x5] =	wrdreg $0xB  }
0xc8: {  	_ =	task.clear_ibuf [dreg:s20], $0x6FFFF;
	_ =	strace $0x9000004C  }
0xc9: {  	s28 =	simm.s32 $0xB;
	_ =	strace $0x8000004E  }
0xca: {  	_ =	swait.ge [sflag:s28], $0x1  }
0xcb: {  	[sflag:s28] =	ssyncadd.s32 $0xFFFFFFFF  }
0xcc: {  	_ =	strace $0x9000004E  }
0xcd: {  	s7 =	sld [smem:$0x0];
	_ =	sdelay $0x3  }
0xce: {  	s8 =	sadd.s32 @p0 $0x11BF3, s8;
	s10 =	sshll.u32 @p0 s7, $0x11  }
0xcf: {  	s8 =	sor.u32 @p0 s10, s8  }
0xd0: {  	[sflag:s8] =	ssyncadd.remote.s32 @p0 $0x1;
	_ =	sdelay $0x1  }
0xd1: {  	s8 =	simm.s32 @p0 $0x1BF3  }
0xd2: {  	_ =	swait.eq @p0 [sflag:s8], $0x1  }
0xd3: {  	[sflag:s8] =	ssyncadd.s32 @p0 $0xFFFFFFFF;
	_ =	sdelay $0x1  }
0xd4: {  	s8 =	simm.s32 @!p0 $0x1BF3  }
0xd5: {  	s7 =	sshll.u32 @!p0 s7, $0x11;
	s10 =	sadd.s32 @!p0 $0x11BF3, s11;
	_ =	swait.eq @!p0 [sflag:s8], $0x1  }
0xd6: {  	s7 =	sor.u32 @!p0 s7, s10;
	[sflag:s8] =	ssyncadd.s32 @!p0 $0xFFFFFFFF  }
0xd7: {  	[sflag:s7] =	ssyncadd.remote.s32 @!p0 $0x1  }
0xd8: {  	_ =	strace $0x8000004F;
	[dreg:$0x1] =	wrdreg $0xFFFFFFFF  }
0xd9: {  	[dreg:$0x0] =	wrdreg $0x2030  }
0xda: {  	[dreg:$0x2] =	wrdreg s4  }
0xdb: {  	[dreg:$0x3] =	wrdreg s30  }
0xdc: {  	[dreg:$0x4] =	wrdreg s22  }
0xdd: {  	[dreg:$0x5] =	wrdreg s31  }
0xde: {  	[dreg:$0x6] =	wrdreg s1  }
0xdf: {  	[dreg:$0x7] =	wrdreg s6  }
0xe0: {  	[dreg:$0x8] =	wrdreg $0xC  }
0xe1: {  	_ =	task.clear_ibuf [dreg:s20], $0x9FFFF;
	_ =	strace $0x9000004F  }
0xe2: {  	s29 =	simm.s32 $0xC;
	_ =	strace $0x80000051  }
0xe3: {  	_ =	swait.ge [sflag:s29], $0x1  }
0xe4: {  	[sflag:s29] =	ssyncadd.s32 $0xFFFFFFFF  }
0xe5: {  	_ =	strace $0x90000051  }
0xe6: {  	_ =	sfence  }
0xe7: {  	s30 =	sld [smem:$0x0];
	_ =	sdelay $0x2  }
0xe8: {  	s31 =	sshll.u32 s1, $0xD;
	s1 =	sshrl.u32 s1, $0x2  }
0xe9: {  	s4 =	sand.u32 $0x4000, s31;
	s1 =	sadd.s32 s1, s30  }
0xea: {  	s0 =	sor.u32 s4, s0;
	s1 =	sshll.u32 s1, $0x11  }
0xeb: {  	s0 =	sor.u32 s1, s0  }
0xec: {  	s0 =	sadd.s32 $0x8F2B, s0  }
0xed: {  	[sflag:s0] =	ssyncadd.remote.s32 $0x1  }
0xee: {  	_ =	sfence.sel $0xFFFF  }
0xef: {  	[dreg:$0x0] =	wrdreg $0xFFFFFFFF;
	(pc) =	sbr.abs _section_cstart, $3  }
0xf0: {  	[dreg:$0x1] =	wrdreg $0xFFFFFFFF  }
0xf1: {  	_ =	task.clear_ibuf [dreg:s20], $0x2FFFF;
	_ =	strace $0x9FFFFFFF  }
0xf2: {  	(tm) =	ssettm $0x7FFFFFFF  }
0xf3: {  	_ =	shalt  }
tec
execute0_lowered:
.L_overlay_start_1:
0x0: {  	(tag) =	ssettag $0x1  }
0x1: {  	s4 =	rddreg [dreg:$0x0]  }
0x2: {  	s2 =	rddreg [dreg:$0x1]  }
0x3: {  	s3 =	rddreg [dreg:$0x2]  }
0x4: {  	s0 =	rddreg [dreg:$0x3];
	s5 =	stileid.u32;
	[bflag:$0x3] =	sbarrier.arrive $0xFFFF  }
0x5: {  	s1 =	simm.s32 $_size_execute1_lowered;
	s29 =	srdreg.scid;
	p0 =	sne.s32 s5, $0x0  }
0x6: {  	s1 =	sshll.u32 s1, $0x1;
	s6 =	simm.s32 @!p0 $0x1C3F;
	s7 =	simm.s32 @!p0 $0x4060  }
0x7: {  	[timem:s7], [sflag:s6] =	dma.local @!p0 [hbm:s4], s1  }
0x8: {  	s31 =	simm.s32 $0x2;
	s8 =	simm.s32 $0x0;
	s4 =	sshll.u32 s29, $0x7  }
.Ltmp0:
0x9: {  	s5 =	sshll.u32 s5, $0x8;
	s4 =	sand.u32 $0x80, s4;
	(pc) =	sbr.rel .LBB2_1-.Ltmp0, $4  }
0xa: {  	s12 =	simm.s32 $0x0;
	s10 =	simm.s32 $0x0;
	s4 =	sor.u32 s5, s4  }
0xb: {  	_ =	strace $0x8000004D;
	s5 =	simm.s32 $0x1;
	s30 =	ssub.s32 $0x2700, s4  }
0xc: {  	s11 =	simm.s32 $0x0;
	[sflag:s5] =	ssyncpa.u1 $0x0;
	s6 =	sshrl.u32 s30, $0xC  }
0xd: {  	s9 =	smov.u32 s4;
	[sflag:s31] =	ssyncpa.u1 $0x0;
	s7 =	sadd.s32 $0x2, s6  }
.LBB2_4:
0xe: {  	_ = 	snop  }
.LBB2_7:
0xf: {  	_ =	sdelay $0x3  }
0x10: {  	[tilespmem:v0+s16+$0x0 ss:$0x1] =	vst.idx.msk @p1 $0xffff, v2  }
0x11: {  	v56 =	vld.idx.msk [tilespmem:v1+s15+$0x0 ss:$0x1], $0xffff;
	s24 =	sor.u32 $0x70, s15;
	[tilespmem:v0+s17+$0x0 ss:$0x1] =	vst.idx.msk @p1 $0xffff, v4  }
0x12: {  	s25 =	sor.u32 $0x10, s15;
	[tilespmem:v0+s18+$0x0 ss:$0x1] =	vst.idx.msk @p1 $0xffff, v3;
	v57 =	vld.idx.msk [tilespmem:v1+s24+$0x0 ss:$0x1], $0xffff  }
0x13: {  	s26 =	sor.u32 $0x20, s15;
	[tilespmem:v0+s19+$0x0 ss:$0x1] =	vst.idx.msk @p1 $0xffff, v5;
	v58 =	vld.idx.msk [tilespmem:v1+s25+$0x0 ss:$0x1], $0xffff  }
0x14: {  	s28 =	sor.u32 $0x30, s15;
	[tilespmem:v0+s20+$0x0 ss:$0x1] =	vst.idx.msk @p1 $0xffff, v6;
	v59 =	vld.idx.msk [tilespmem:v1+s26+$0x0 ss:$0x1], $0xffff  }
0x15: {  	s29 =	sor.u32 $0x40, s15;
	[tilespmem:v0+s21+$0x0 ss:$0x1] =	vst.idx.msk @p1 $0xffff, v7;
	v60 =	vld.idx.msk [tilespmem:v1+s28+$0x0 ss:$0x1], $0xffff  }
0x16: {  	s30 =	sor.u32 $0x50, s15;
	v61 =	vld.idx.msk [tilespmem:v1+s29+$0x0 ss:$0x1], $0xffff;
	[tilespmem:v0+s15+$0x0 ss:$0x1] =	vst.idx.msk $0xffff, v56  }
0x17: {  	s31 =	sor.u32 $0x60, s15;
	v62 =	vld.idx.msk [tilespmem:v1+s30+$0x0 ss:$0x1], $0xffff;
	[tilespmem:v0+s24+$0x0 ss:$0x1] =	vst.idx.msk $0xffff, v57  }
0x18: {  	v63 =	vld.idx.msk [tilespmem:v1+s31+$0x0 ss:$0x1], $0xffff;
	[tilespmem:v0+s25+$0x0 ss:$0x1] =	vst.idx.msk $0xffff, v58  }
0x19: {  	[tilespmem:v0+s26+$0x0 ss:$0x1] =	vst.idx.msk $0xffff, v59  }
0x1a: {  	[tilespmem:v0+s28+$0x0 ss:$0x1] =	vst.idx.msk $0xffff, v60  }
0x1b: {  	[tilespmem:v0+s29+$0x0 ss:$0x1] =	vst.idx.msk $0xffff, v61  }
0x1c: {  	[tilespmem:v0+s30+$0x0 ss:$0x1] =	vst.idx.msk $0xffff, v62  }
0x1d: {  	[tilespmem:v0+s31+$0x0 ss:$0x1] =	vst.idx.msk $0xffff, v63  }
.LBB2_8:
0x1e: {  	s15 =	sand.u32 $0x1FFFFFF, s10  }
0x1f: {  	s16 =	smulhi.u32 $0x1A36E2F, s15;
	_ =	sdelay $0x1  }
0x20: {  	s16 =	sshrl.u32 s16, $0x6  }
0x21: {  	s16 =	smul.u32 $0x2710, s16;
	_ =	sdelay $0x1  }
0x22: {  	s15 =	ssub.s32 s15, s16  }
0x23: {  	s15 =	sshll.u32 s15, $0x4  }
0x24: {  	s15 =	sadd.s32 s3, s15  }
0x25: {  	[hbm4b:s15+s8] =	stream.linear.scatter [tilespmem:s14], [sflag:$0x2], s13, $0x38;
	[tilespmem:$0x10000] =	vst v63  }
.LBB2_9:
0x26: {  	p1 =	slt.u32 s11, $0x2  }
0x27: {  	p2 =	sgt.s32 @!p1 s12, $0x2690  }
0x28: {  	s13 =	smov.u32 s12;
	s14 =	sshra.s32 @!p1 s12, $0x1F;
	p2 =	por !p2, p1  }
0x29: {  	s12 =	sand.u32 @!p1 s14, s12;
	s13 =	simm.s32 @p2 $0x2690  }
0x2a: {  	s12 =	ssub.s32 @!p1 s13, s12  }
0x2b: {  	s12 =	sadd.s32 @!p1 $0xFFFFD970, s12  }
0x2c: {  	s13 =	sshll.u32 @!p1 s12, $0x9  }
0x2d: {  	p2 =	sgt.s32 @!p1 s12, $0x7F;
	s12 =	ssub.s32 @!p1 $0x10000, s13  }
0x2e: {  	s14 =	sadd.s32 $0x1000, s9;
	p2 =	por !p2, p1;
	s12 =	sshrl.u32 @!p1 s12, $0x2  }
0x2f: {  	s12 =	simm.s32 @!p2 $0x0;
	p2 =	sgt.s32 s14, $0x270F  }
0x30: {  	s14 =	smov.u32 @p2 s4;
	p2 =	sne.s32 s11, s7  }
.Ltmp1:
0x31: {  	_ = 	snop;
	(pc) =	sbr.rel @!p2 .LBB2_10-.Ltmp1, $4  }
0x32: {  	s13 =	simm.s32 @!p1 $0x2  }
0x33: {  	_ =	swait.ge @!p1 [sflag:s13], s12;
	s15 =	ssub.s32 @!p1 $0x0, s12  }
0x34: {  	s12 =	smov.u32 s10;
	s11 =	sadd.s32 $0x1, s11;
	[sflag:s13] =	ssyncset.done @!p1 $0x0  }
0x35: {  	s10 =	smov.u32 s9;
	s9 =	smov.u32 s14;
	[sflag:s13] =	ssyncadd.s32 @!p1 s15  }
.LBB2_1:
0x36: {  	p1 =	sgt.u32 s11, s6  }
0x37: {  	s13 =	sand.u32 @!p1 $0x1FFFFFF, s9  }
0x38: {  	p2 =	sgt.s32 @!p1 s9, $0x2690;
	s14 =	smulhi.u32 @!p1 $0x1A36E2F, s13  }
0x39: {  	s15 =	smov.u32 s9;
	s16 =	sshra.s32 @!p1 s9, $0x1F;
	p2 =	por !p2, p1  }
0x3a: {  	s16 =	sand.u32 @!p1 s16, s9;
	s15 =	simm.s32 @p2 $0x2690;
	s14 =	sshrl.u32 @!p1 s14, $0x6  }
0x3b: {  	s15 =	ssub.s32 @!p1 s15, s16;
	s14 =	smul.u32 @!p1 $0x2710, s14  }
0x3c: {  	s16 =	sxor.u32 @!p1 $0xFFFFFFFF, s11;
	s15 =	sadd.s32 @!p1 $0xFFFFD970, s15  }
0x3d: {  	s16 =	sshll.u32 @!p1 s16, $0xE;
	s13 =	ssub.s32 @!p1 s13, s14;
	s14 =	sshll.u32 @!p1 s15, $0x9  }
0x3e: {  	s16 =	sand.u32 @!p1 $0x4000, s16;
	p2 =	sgt.s32 @!p1 s15, $0x7F;
	s14 =	ssub.s32 @!p1 $0x10000, s14  }
0x3f: {  	p2 =	por !p2, p1;
	s13 =	sshll.u32 @!p1 s13, $0x4;
	s14 =	sshrl.u32 @!p1 s14, $0x2  }
0x40: {  	s15 =	simm.s32 @!p1 $0x0;
	s13 =	sadd.s32 @!p1 s2, s13;
	s14 =	simm.s32 @!p2 $0x0  }
0x41: {  	[tilespmem:s16], [sflag:$0x1] =	stream.linear.gather @!p1 [hbm4b:s13+s15], s14, $0x38;
	[tilespmem:$0x10000] =	vst v63  }
0x42: {  	p1 =	seq.s32 s11, $0x0  }
0x43: {  	p2 =	sge.u32 @!p1 s11, s7  }
0x44: {  	p1 =	por p1, p2  }
.Ltmp2:
0x45: {  	_ = 	snop;
	(pc) =	sbr.rel @p1 .LBB2_9-.Ltmp2, $1  }
0x46: {  	_ =	sdelay $0x3  }
0x47: {  	p1 =	sgt.s32 s10, $0x2690;
	s13 =	smov.u32 s10;
	s14 =	sshra.s32 s10, $0x1F  }
0x48: {  	s13 =	simm.s32 @!p1 $0x2690;
	s14 =	sand.u32 s14, s10  }
0x49: {  	s13 =	ssub.s32 s13, s14  }
0x4a: {  	s13 =	sadd.s32 $0xFFFFD970, s13  }
0x4b: {  	s31 =	sshll.u32 s13, $0x9  }
0x4c: {  	s14 =	ssub.s32 $0x10000, s31  }
0x4d: {  	p1 =	sgt.s32 s13, $0x7F;
	s13 =	sshrl.u32 s14, $0x2;
	s14 =	sadd.s32 $0x80, s10  }
0x4e: {  	s13 =	simm.s32 @p1 $0x0;
	p1 =	slt.s32 s14, $0x2710  }
0x4f: {  	s14 =	simm.s32 @!p1 $0x2710  }
0x50: {  	s16 =	ssub.s32 s14, s10  }
0x51: {  	p1 =	slt.s32 s16, $0x1  }
.Ltmp3:
0x52: {  	_ = 	snop;
	(pc) =	sbr.rel @p1 .LBB2_8-.Ltmp3, $4  }
0x53: {  	_ = 	snop  }
0x54: {  	s15 =	sshll.u32 s11, $0xE;
	_ =	swait.ge [sflag:s5], s13  }
0x55: {  	s15 =	sand.u32 $0x4000, s15;
	s17 =	ssub.s32 $0x0, s13;
	[sflag:s5] =	ssyncset.done $0x0  }
0x56: {  	s14 =	sor.u32 $0x8000, s15;
	[sflag:s5] =	ssyncadd.s32 s17  }
0x57: {  	p2 =	sne.s32 s16, $0x1  }
.Ltmp4:
0x58: {  	v1 =	vmov s15;
	v0 =	vmov s14;
	(pc) =	sbr.rel @!p2 .LBB2_4-.Ltmp4, $3  }
0x59: {  	_ =	sdelay $0x1  }
0x5a: {  	s17 =	simm.s32 $0x0  }
0x5b: {  	s23 =	sadd.s32 $0xFFFFFFFF, s16;
	p1 =	por $0x0, $0x0;
	s15 =	sand.u32 $0x3F80, s17  }
0x5c: {  	_ =	sdelay $0x3  }
0x5d: {  	v6 =	vld.idx.msk [tilespmem:v1+s15+$0x0 ss:$0x1], $0xffff;
	s24 =	sor.u32 $0x70, s15  }
0x5e: {  	s16 =	sor.u32 $0x10, s15;
	v8 =	vld.idx.msk [tilespmem:v1+s24+$0x0 ss:$0x1], $0xffff  }
0x5f: {  	s17 =	sor.u32 $0x20, s15;
	p2 =	sne.s32 s23, $0x1;
	v2 =	vld.idx.msk [tilespmem:v1+s16+$0x0 ss:$0x1], $0xffff  }
.Ltmp5:
0x60: {  	s18 =	sor.u32 $0x30, s15;
	v4 =	vld.idx.msk [tilespmem:v1+s17+$0x0 ss:$0x1], $0xffff;
	(pc) =	sbr.rel @!p2 .LBB2_7-.Ltmp5, $4  }
0x61: {  	s19 =	sor.u32 $0x40, s15;
	v3 =	vld.idx.msk [tilespmem:v1+s18+$0x0 ss:$0x1], $0xffff  }
0x62: {  	s21 =	sor.u32 $0x60, s15;
	v5 =	vld.idx.msk [tilespmem:v1+s19+$0x0 ss:$0x1], $0xffff  }
0x63: {  	s20 =	sor.u32 $0x50, s15;
	s22 =	simm.s32 $0x80;
	v7 =	vld.idx.msk [tilespmem:v1+s21+$0x0 ss:$0x1], $0xffff;
	[tilespmem:v0+s15+$0x0 ss:$0x1] =	vst.idx.msk $0xffff, v6  }
0x64: {  	s23 =	sadd.s32 $0xFFFFFFFF, s23;
	p1 =	por $0x1, $0x1;
	v6 =	vld.idx.msk [tilespmem:v1+s20+$0x0 ss:$0x1], $0xffff;
	s15 =	sand.u32 $0x3F80, s22;
	[tilespmem:v0+s24+$0x0 ss:$0x1] =	vst.idx.msk $0xffff, v8  }
.LBB2_6:
0x65: {  	p2 =	sne.s32 s23, $0x1;
	v8 =	vld.idx.msk [tilespmem:v1+s15+$0x0 ss:$0x1], $0xffff;
	s24 =	sor.u32 $0x70, s15;
	[tilespmem:v0+s16+$0x0 ss:$0x1] =	vst.idx.msk $0xffff, v2;
	s16 =	sor.u32 $0x10, s15  }
0x66: {  	s25 =	sor.u32 $0x30, s15;
	s26 =	sor.u32 $0x40, s15;
	v9 =	vld.idx.msk [tilespmem:v1+s24+$0x0 ss:$0x1], $0xffff;
	[tilespmem:v0+s17+$0x0 ss:$0x1] =	vst.idx.msk $0xffff, v4;
	s17 =	sor.u32 $0x20, s15  }
0x67: {  	s28 =	sor.u32 $0x50, s15;
	s29 =	sor.u32 $0x60, s15;
	v2 =	vld.idx.msk [tilespmem:v1+s16+$0x0 ss:$0x1], $0xffff;
	[tilespmem:v0+s18+$0x0 ss:$0x1] =	vst.idx.msk $0xffff, v3;
	s18 =	smov.u32 s25  }
.Ltmp6:
0x68: {  	v4 =	vld.idx.msk [tilespmem:v1+s17+$0x0 ss:$0x1], $0xffff;
	[tilespmem:v0+s19+$0x0 ss:$0x1] =	vst.idx.msk $0xffff, v5;
	s19 =	smov.u32 s26;
	(pc) =	sbr.rel @p2 .LBB2_6-.Ltmp6, $4  }
0x69: {  	v3 =	vld.idx.msk [tilespmem:v1+s18+$0x0 ss:$0x1], $0xffff;
	[tilespmem:v0+s20+$0x0 ss:$0x1] =	vst.idx.msk $0xffff, v6;
	s20 =	smov.u32 s28  }
0x6a: {  	v5 =	vld.idx.msk [tilespmem:v1+s19+$0x0 ss:$0x1], $0xffff;
	[tilespmem:v0+s21+$0x0 ss:$0x1] =	vst.idx.msk $0xffff, v7;
	s21 =	smov.u32 s29  }
0x6b: {  	s22 =	sadd.s32 $0x80, s22;
	[tilespmem:v0+s15+$0x0 ss:$0x1] =	vst.idx.msk $0xffff, v8;
	v6 =	vld.idx.msk [tilespmem:v1+s20+$0x0 ss:$0x1], $0xffff  }
0x6c: {  	s23 =	sadd.s32 $0xFFFFFFFF, s23;
	s15 =	sand.u32 $0x3F80, s22;
	v7 =	vld.idx.msk [tilespmem:v1+s21+$0x0 ss:$0x1], $0xffff;
	[tilespmem:v0+s24+$0x0 ss:$0x1] =	vst.idx.msk $0xffff, v9  }
.Ltmp7:
0x6d: {  	_ = 	snop;
	(pc) =	sbr.rel .LBB2_7-.Ltmp7, $1  }
0x6e: {  	_ =	sdelay $0x3  }
.LBB2_10:
0x6f: {  	_ =	sfence.sel $0x180000  }
0x70: {  	s2 =	simm.s32 $0x1;
	[bflag:$0x0] =	sbarrier.arrive $0xFFFF  }
0x71: {  	s31 =	simm.s32 $0x2;
	[sflag:s2] =	ssyncpa.u1 $0x1  }
0x72: {  	[sflag:s31] =	ssyncpa.u1 $0x1  }
0x73: {  	_ =	strace $0x9000004D  }
0x74: {  	s0 =	sadd.s32 @!p0 $0x100000, s0;
	[bflag:$0x2] =	sbarrier.arrive $0xFFFF  }
0x75: {  	[sflag:s0] =	ssyncadd.tile.s32 @!p0 $0x1;
	s0 =	simm.s32 @!p0 $0x3F  }
0x76: {  	_ =	swait.ge @!p0 [sflag:s0], s1  }
0x77: {  	s1 =	ssub.s32 @!p0 $0x0, s1;
	[sflag:s0] =	ssyncset.done @!p0 $0x0  }
0x78: {  	[sflag:s0] =	ssyncadd.s32 @!p0 s1  }
0x79: {  	[bflag:$0x3] =	sbarrier.arrive $0xFFFF  }
0x7a: {  	_ =	shalt  }
.Lfunc_end2:
execute1_lowered:
.L_overlay_start_2:
0x7b: {  	(tag) =	ssettag $0x2  }
0x7c: {  	s1 =	rddreg [dreg:$0x0]  }
0x7d: {  	s15 =	rddreg [dreg:$0x1]  }
0x7e: {  	s2 =	rddreg [dreg:$0x2]  }
0x7f: {  	s14 =	rddreg [dreg:$0x3]  }
0x80: {  	s3 =	rddreg [dreg:$0x4];
	_ =	strace $0x80000050;
	s0 =	simm.s32 $0x1  }
0x81: {  	v0 =	vimm.s32 $0x0;
	[sflag:s0] =	ssyncpa.u1 $0x0;
	s0 =	simm.s32 $0x108  }
0x82: {  	[tilespmem:s0+$0x70] =	vst v0  }
0x83: {  	[tilespmem:s0+$0x60] =	vst v0  }
0x84: {  	[tilespmem:s0+$0x50] =	vst v0  }
0x85: {  	[tilespmem:s0+$0x40] =	vst v0  }
0x86: {  	[tilespmem:s0+$0x30] =	vst v0  }
0x87: {  	[tilespmem:s0+$0x20] =	vst v0  }
0x88: {  	s6 =	sadd.s32 $0x14C00, s2;
	s5 =	sand.u32 $0x1, s3;
	s3 =	simm.s32 $0x40;
	[tilespmem:s0+$0x10] =	vst v0  }
.LBB3_1:
0x89: {  	s3 =	sadd.s32 $0x40, s3;
	[tilespmem:s0+$0x0] =	vst v0;
	s0 =	sadd.s32 $0x80, s0  }
0x8a: {  	p0 =	slt.u32 s3, $0x3C40;
	[tilespmem:s0+$0x70] =	vst v0  }
0x8b: {  	[tilespmem:s0+$0x60] =	vst v0  }
.Ltmp8:
0x8c: {  	[tilespmem:s0+$0x50] =	vst v0;
	(pc) =	sbr.rel @p0 .LBB3_1-.Ltmp8, $4  }
0x8d: {  	[tilespmem:s0+$0x40] =	vst v0  }
0x8e: {  	[tilespmem:s0+$0x30] =	vst v0  }
0x8f: {  	[tilespmem:s0+$0x20] =	vst v0  }
0x90: {  	[tilespmem:s0+$0x10] =	vst v0  }
0x91: {  	s9 =	stileid.u32  }
0x92: {  	s2 =	smul.u32 $0x14, s9  }
0x93: {  	s3 =	smin.u32 s9, $0xE  }
0x94: {  	s2 =	sadd.s32 s3, s2  }
0x95: {  	p0 =	slt.u32 s9, $0xE;
	s7 =	smul.u32 $0xF0, s2;
	s2 =	simm.s32 $0x13B0  }
0x96: {  	s2 =	simm.s32 @!p0 $0x12C0  }
0x97: {  	s2 =	sadd.s32 s2, s7  }
0x98: {  	s8 =	smin.u32 s2, $0x13880  }
0x99: {  	s2 =	ssub.s32 s8, s7  }
0x9a: {  	p0 =	sgt.s32 s2, $0x0  }
0x9b: {  	s29 =	simm.s32 $0x2;
	s10 =	simm.s32 $0x9;
	s2 =	simm.s32 @!p0 $0x0  }
0x9c: {  	s4 =	simm.s32 $0xA;
	s11 =	simm.s32 $0xB;
	s28 =	smulhi.u32 $0x88888889, s2  }
0x9d: {  	[dreg:$0x7] =	wrdreg s5;
	s31 =	smul.u32 $0x2710, s5;
	s12 =	simm.s32 $0x1  }
0x9e: {  	s22 =	simm.s32 $0x0;
	s18 =	simm.s32 $0xC;
	s30 =	sshrl.u32 s28, $0x7  }
0x9f: {  	s20 =	simm.s32 $0x0;
	s21 =	simm.s32 $0x0;
	s3 =	smul.u32 $0xF0, s30  }
.Ltmp9:
0xa0: {  	[tilespmem:s0+$0x0] =	vst v0;
	v0 =	vimm.s32 $0xFFFFFFFF;
	[sflag:s29] =	ssyncpa.u1 $0x0;
	s16 =	sshll.u32 s9, $0x8;
	(pc) =	sbr.rel .LBB3_3-.Ltmp9, $4  }
0xa1: {  	[tilespmem:$0xF208] =	vst v0;
	[sflag:s10] =	ssyncpa.u1 $0x0;
	p0 =	sne.s32 s2, s3;
	s2 =	simm.s32 $0x1  }
0xa2: {  	s14 =	sadd.s32 s31, s14;
	[sflag:s4] =	ssyncpa.u1 $0x0;
	s2 =	simm.s32 @!p0 $0x0  }
0xa3: {  	s15 =	sadd.s32 s31, s15;
	[sflag:s11] =	ssyncpa.u1 $0x0;
	s13 =	sadd.s32 s2, s30  }
0xa4: {  	v0 =	vlaneseq.u32;
	s19 =	smov.u32 s7;
	p0 =	por $0x0, $0x0;
	s17 =	sadd.s32 $0x1, s13  }
.LBB3_18:
0xa5: {  	s0 =	sshrl.u32 s31, $0x2  }
.LBB3_20:
0xa6: {  	_ =	swait.ge [sflag:s18], s0  }
0xa7: {  	s31 =	ssub.s32 $0x0, s0;
	v1 =	vmov s24;
	vm0 =	veq.s32 v0, $0x0;
	[sflag:s18] =	ssyncset.done $0x0  }
0xa8: {  	vm15 =	veq.s32 v0, $0x2;
	v1 =	vsel vm0, s30, v1;
	[sflag:s18] =	ssyncadd.s32 s31  }
0xa9: {  	v1 =	vsel vm15, s22, v1;
	[sflag:s18] =	ssyncpa.u1 $0x1  }
0xaa: {  	[tilespmem:$0xF208] =	vst v1  }
.LBB3_21:
0xab: {  	s0 =	sadd.s32 $0xF0, s19  }
0xac: {  	s2 =	smov.u32 s7;
	p1 =	slt.s32 s0, s8  }
0xad: {  	s2 =	smov.u32 @p1 s0;
	p1 =	sne.s32 s21, s17  }
.Ltmp10:
0xae: {  	_ = 	snop;
	(pc) =	sbr.rel @!p1 .LBB3_22-.Ltmp10, $3  }
0xaf: {  	_ =	sdelay $0x1  }
0xb0: {  	s22 =	smov.u32 s20;
	s31 =	sadd.s32 $0x1, s21;
	s20 =	smov.u32 s19  }
0xb1: {  	p0 =	por !p0, !p0;
	s21 =	smov.u32 s31;
	s19 =	smov.u32 s2  }
.LBB3_3:
0xb2: {  	p1 =	sge.u32 s21, s13  }
0xb3: {  	s0 =	smulhi.u32 @!p1 $0xAAAAAAAB, s21  }
0xb4: {  	s2 =	smov.u32 s19;
	p2 =	sgt.s32 @!p1 s19, $0x13790  }
0xb5: {  	s3 =	sshra.s32 @!p1 s19, $0x1F;
	p2 =	por !p2, p1;
	s0 =	sshrl.u32 @!p1 s0, $0x1  }
0xb6: {  	s3 =	sand.u32 @!p1 s3, s19;
	s2 =	simm.s32 @p2 $0x13790;
	s0 =	smul.u32 @!p1 $0x3, s0  }
0xb7: {  	s2 =	ssub.s32 @!p1 s2, s3  }
0xb8: {  	s2 =	sadd.s32 @!p1 $0xFFFEC870, s2;
	s0 =	ssub.s32 @!p1 s21, s0  }
0xb9: {  	s3 =	sshll.u32 @!p1 s2, $0x2;
	p2 =	sgt.s32 @!p1 s2, $0xEF;
	s0 =	smul.u32 @!p1 $0x3C0, s0  }
0xba: {  	s4 =	sand.u32 @!p1 $0x7, s19;
	s2 =	ssub.s32 @!p1 $0x3C0, s3;
	p2 =	por !p2, p1  }
0xbb: {  	s3 =	sshrl.u32 @!p1 s19, $0x3;
	s2 =	sshrl.u32 @!p1 s2, $0x2;
	s0 =	sshrl.u32 @!p1 s0, $0x2  }
0xbc: {  	s3 =	sadd.s32 @!p1 s3, s14;
	s2 =	simm.s32 @!p2 $0x0;
	s0 =	sadd.s32 @!p1 $0x10248, s0  }
0xbd: {  	[tilespmem:s0], [sflag:$0xA] =	stream.linear.gather @!p1 [hbm4b:s3+s4], s2, $0x38;
	[tilespmem:$0x1F6F8] =	vst v63  }
0xbe: {  	s0 =	sadd.s32 $0xFFFFFFFF, s21  }
0xbf: {  	p1 =	sge.u32 s0, s13  }
0xc0: {  	p2 =	sgt.s32 @!p1 s20, $0x13790  }
0xc1: {  	s2 =	smov.u32 s20;
	s3 =	sshra.s32 @!p1 s20, $0x1F;
	p2 =	por !p2, p1  }
0xc2: {  	s3 =	sand.u32 @!p1 s3, s20;
	s2 =	simm.s32 @p2 $0x13790  }
0xc3: {  	s2 =	ssub.s32 @!p1 s2, s3  }
0xc4: {  	s2 =	sadd.s32 @!p1 $0xFFFEC870, s2  }
0xc5: {  	s4 =	sand.u32 @!p1 $0x1, s0;
	s3 =	sshll.u32 @!p1 s2, $0x2  }
0xc6: {  	p2 =	sgt.s32 @!p1 s2, $0xEF;
	s2 =	ssub.s32 @!p1 $0x3C0, s3;
	s3 =	smulhi.u32 @!p1 $0xAAAAAAAB, s0  }
0xc7: {  	s23 =	smul.u32 @!p1 $0x3C0, s4;
	p2 =	por !p2, p1;
	s2 =	sshrl.u32 @!p1 s2, $0x2  }
0xc8: {  	s5 =	simm.s32 @!p1 $0xA;
	s2 =	simm.s32 @!p2 $0x0;
	s3 =	sshrl.u32 @!p1 s3, $0x1  }
0xc9: {  	s23 =	sshrl.u32 @!p1 s23, $0x2;
	_ =	swait.ge @!p1 [sflag:s5], s2;
	s3 =	smul.u32 @!p1 $0x3, s3  }
0xca: {  	s23 =	sadd.s32 @!p1 $0x10518, s23;
	s24 =	ssub.s32 @!p1 $0x0, s2;
	[sflag:s5] =	ssyncset.done @!p1 $0x0  }
0xcb: {  	[sflag:s5] =	ssyncadd.s32 @!p1 s24;
	s5 =	sshrl.u32 @!p1 s20, $0x3;
	s0 =	ssub.s32 @!p1 s0, s3  }
0xcc: {  	s24 =	sand.u32 @!p1 $0x7, s20;
	s5 =	sadd.s32 @!p1 s5, s15;
	s0 =	smul.u32 @!p1 $0x3C0, s0  }
0xcd: {  	[tilespmem:s23], [sflag:$0xB] =	stream.linear.gather @!p1 [hbm4b:s5+s24], s2, $0x38;
	[tilespmem:$0x1F6F8] =	vst v63  }
0xce: {  	s3 =	ssub.s32 @!p1 $0x13880, s20;
	s2 =	smul.u32 @!p1 $0x1E000, s4  }
0xcf: {  	p2 =	slt.s32 @!p1 s3, $0xF0  }
0xd0: {  	p2 =	por !p2, p1;
	s0 =	sshrl.u32 @!p1 s0, $0x2;
	s2 =	sshrl.u32 @!p1 s2, $0x2  }
0xd1: {  	s3 =	simm.s32 @p2 $0xF0;
	s0 =	sadd.s32 @!p1 $0x10248, s0;
	s2 =	sor.u32 @!p1 $0x106F8, s2  }
0xd2: {  	[tilespmem:s2], [sflag:$0x9] =	stream.indirect.gather @!p1 [hbm4b:s6+s3], $0x80, s0, s3, $0xb8;
	[tilespmem:$0x1F6F8] =	vst v63  }
0xd3: {  	p1 =	slt.u32 s21, $0x2  }
.Ltmp11:
0xd4: {  	_ = 	snop;
	(pc) =	sbr.rel @p1 .LBB3_21-.Ltmp11, $1  }
0xd5: {  	_ =	sdelay $0x3  }
0xd6: {  	p1 =	sgt.s32 s22, $0x13790  }
0xd7: {  	s0 =	smov.u32 s22;
	s2 =	sshra.s32 s22, $0x1F;
	s3 =	ssub.s32 $0x13880, s22  }
0xd8: {  	s0 =	simm.s32 @!p1 $0x13790;
	s2 =	sand.u32 s2, s22;
	p1 =	slt.s32 s3, $0xF0  }
0xd9: {  	s0 =	ssub.s32 s0, s2;
	s3 =	simm.s32 @!p1 $0xF0  }
0xda: {  	s0 =	sadd.s32 $0xFFFEC870, s0;
	s25 =	sshll.u32 s3, $0x7  }
0xdb: {  	s26 =	sshll.u32 s0, $0x2;
	s2 =	sand.u32 $0x3FFFFF80, s25  }
0xdc: {  	p1 =	sgt.s32 s0, $0xEF;
	s29 =	ssub.s32 $0x3C0, s26;
	_ =	swait.ge [sflag:s10], s2  }
0xdd: {  	s2 =	ssub.s32 $0x0, s2;
	[sflag:s10] =	ssyncset.done $0x0;
	s0 =	sshrl.u32 s29, $0x2  }
0xde: {  	[sflag:s10] =	ssyncadd.s32 s2;
	s0 =	simm.s32 @p1 $0x0  }
0xdf: {  	_ =	swait.ge [sflag:s11], s0  }
0xe0: {  	s0 =	ssub.s32 $0x0, s0;
	[sflag:s11] =	ssyncset.done $0x0  }
0xe1: {  	[sflag:s11] =	ssyncadd.s32 s0  }
0xe2: {  	v1 =	vld [tilespmem:$0xF208];
	_ =	sdelay $0x4  }
0xe3: {  	(v2sf) =	vpush v1, $0x0  }
0xe4: {  	(v2sf) =	vpush v1, $0x1  }
0xe5: {  	(v2sf) =	vpush v1, $0x2;
	_ =	sdelay $0x3  }
0xe6: {  	s0 =	sadd.s32 $0xF0, s22  }
0xe7: {  	s2 =	ssub.s32 $0x27100, s22;
	p1 =	slt.s32 s8, s0  }
0xe8: {  	s0 =	smov.u32 @p1 s8;
	p1 =	sgt.s32 s2, $0x0  }
0xe9: {  	s26 =	ssub.s32 s0, s22;
	s2 =	simm.s32 @!p1 $0x0  }
0xea: {  	p1 =	slt.s32 s2, s26  }
0xeb: {  	s26 =	smov.u32 @p1 s2  }
0xec: {  	s25 =	simm.s32 $0x1;
	p1 =	slt.s32 s26, $0x1  }
.Ltmp12:
0xed: {  	s25 =	simm.s32 @!p0 $0x0;
	(pc) =	sbr.rel @p1 .LBB3_8-.Ltmp12, $4  }
0xee: {  	s31 =	smul.u32 $0x3C0, s25  }
0xef: {  	s28 =	spop (v2sf)  }
0xf0: {  	s0 =	sshrl.u32 s31, $0x2;
	s30 =	spop (v2sf)  }
0xf1: {  	s23 =	sadd.s32 $0x10518, s0;
	s22 =	spop (v2sf)  }
0xf2: {  	s0 =	smin.u32 s26, $0x10  }
0xf3: {  	v1 =	vmov s0  }
0xf4: {  	p2 =	sgt.s32 s26, $0x10;
	vm1 =	vgt.u32 v1, v0  }
.Ltmp13:
0xf5: {  	_ = 	snop;
	(pc) =	sbr.rel @!p2 .LBB3_7-.Ltmp13, $2  }
0xf6: {  	_ =	sdelay $0x2  }
0xf7: {  	s4 =	simm.s32 $0x10;
	s24 =	sadd.s32 $0xFFFFFFF0, s26;
	s0 =	smov.u32 s23;
	vm0 =	vmmov vm1  }
.LBB3_6:
0xf8: {  	s2 =	smin.u32 s24, $0x10;
	s4 =	sadd.s32 $0x10, s4;
	v1 =	vld.msk [tilespmem:s0+$0x0 ss:$0x1], vm1  }
0xf9: {  	v2 =	vmov s2;
	p2 =	slt.s32 s4, s26  }
0xfa: {  	vm1 =	vgt.u32 v2, v0  }
.Ltmp14:
0xfb: {  	(pc) =	sbr.rel @p2 .LBB3_6-.Ltmp14, $3  }
0xfc: {  	_ =	sdelay $0x1  }
0xfd: {  	v1 =	vshll.u32 v1, $0x4  }
0xfe: {  	s24 =	sadd.s32 $0xFFFFFFF0, s24;
	[tilespmem:s0+$0x0] =	vst.msk vm0, v1;
	s0 =	sadd.s32 $0x10, s0;
	vm0 =	vmmov vm1  }
.LBB3_7:
0xff: {  	_ =	sdelay $0x4  }
0x100: {  	v1 =	vld.msk [tilespmem:s0+$0x0 ss:$0x1], vm1;
	_ =	sdelay $0x4  }
0x101: {  	v1 =	vshll.u32 v1, $0x4  }
0x102: {  	[tilespmem:s0+$0x0] =	vst.msk vm0, v1  }
.LBB3_8:
0x103: {  	s0 =	sand.u32 $0x1, s21  }
0x104: {  	s0 =	smul.u32 $0xF0, s0  }
0x105: {  	p2 =	sne.s32 s30, $0xFFFFFFFF  }
0x106: {  	v1 =	vld.msk @!p2 [tilespmem:s0+$0x10518], $0x1;
	_ =	sdelay $0x4  }
0x107: {  	(v2sf) =	vpush @!p2 v1, $0x0;
	_ =	sdelay $0xc  }
.Ltmp15:
0x108: {  	_ = 	snop;
	(pc) =	sbr.rel @p1 .LBB3_19-.Ltmp15, $4  }
0x109: {  	_ = 	snop  }
0x10a: {  	s29 =	spop @!p2 (v2sf)  }
0x10b: {  	s22 =	simm.s32 @!p2 $0x0;
	s24 =	smov.u32 s29  }
0x10c: {  	[sflag:s18] =	ssyncpa.u1 $0x0;
	s29 =	smov.u32 @p2 s28;
	s24 =	smov.u32 @p2 s30  }
0x10d: {  	v1 =	vld.msk [tilespmem:s23+$0x0], $0x1;
	_ =	sdelay $0x4  }
0x10e: {  	(v2sf) =	vpush v1, $0x0;
	_ =	sdelay $0xe  }
0x10f: {  	s2 =	smul.u32 $0x1E000, s25;
	s0 =	spop (v2sf)  }
0x110: {  	s26 =	ssub.s32 $0x0, s26;
	p1 =	seq.s32 s29, s0  }
0x111: {  	s30 =	sadd.s32 $0x1, s26;
	s2 =	sshrl.u32 s2, $0x2;
	p2 =	sgt.s32 @!p1 s29, $0x0  }
0x112: {  	s25 =	sor.u32 $0x10738, s2;
	s2 =	smov.u32 s29;
	p2 =	por !p2, p1  }
0x113: {  	s2 =	simm.s32 @p2 $0x0;
	p2 =	seq.s32 s30, $0x0  }
.Ltmp16:
0x114: {  	_ = 	snop;
	(pc) =	sbr.rel @p2 .LBB3_11-.Ltmp16, $4  }
0x115: {  	_ = 	snop  }
0x116: {  	s28 =	simm.s32 $0x0;
	s31 =	sadd.s32 $0x1, s23;
	s2 =	smin.u32 @!p1 s2, $0x270F0  }
0x117: {  	s4 =	simm.s32 @!p1 $0x1;
	s5 =	simm.s32 @!p1 $0x7988;
	s3 =	sand.u32 @!p1 $0x3FFF8, s2  }
0x118: {  	s4 =	smov.u32 @p1 s28;
	s2 =	sand.u32 @!p1 $0x7, s2;
	s3 =	sadd.s32 @!p1 s1, s3  }
.LBB3_10:
0x119: {  	s9 =	smov.u32 s4  }
0x11a: {  	[tilespmem:s5], [sflag:$0x2] =	stream.linear.gather @!p1 [hbm4b:s3+s2], $0x80, $0x38;
	[tilespmem:$0x1F6F8] =	vst v63  }
0x11b: {  	s30 =	sadd.s32 $0x1, s30;
	s2 =	smov.u32 s0;
	v1 =	vld.msk [tilespmem:s31+$0x0], $0x1  }
0x11c: {  	p2 =	seq.s32 s30, $0x0;
	_ =	sdelay $0x3  }
0x11d: {  	(v2sf) =	vpush v1, $0x0;
	_ =	sdelay $0xe  }
0x11e: {  	s0 =	spop (v2sf)  }
0x11f: {  	p1 =	seq.s32 s2, s0  }
0x120: {  	p3 =	sgt.s32 @!p1 s2, $0x0;
	s3 =	sshll.u32 @!p1 s4, $0x9;
	s4 =	sadd.s32 @!p1 $0x1, s4  }
.Ltmp17:
0x121: {  	p3 =	por !p3, p1;
	s3 =	sshra.s32 @!p1 s3, $0x2;
	(pc) =	sbr.rel @!p2 .LBB3_10-.Ltmp17, $4  }
0x122: {  	s4 =	smov.u32 @p1 s9;
	s2 =	simm.s32 @p3 $0x0;
	s5 =	sadd.s32 @!p1 $0x7988, s3  }
0x123: {  	s2 =	smin.u32 @!p1 s2, $0x270F0  }
0x124: {  	s3 =	sand.u32 @!p1 $0x3FFF8, s2;
	s2 =	sand.u32 @!p1 $0x7, s2  }
0x125: {  	s31 =	sadd.s32 $0x1, s31;
	s3 =	sadd.s32 @!p1 s1, s3  }
.LBB3_11:
0x126: {  	[tilespmem:s5], [sflag:$0x2] =	stream.linear.gather @!p1 [hbm4b:s3+s2], $0x80, $0x38;
	[tilespmem:$0x1F6F8] =	vst v63  }
.Ltmp18:
0x127: {  	s0 =	sshll.u32 s4, $0x7;
	(pc) =	sbr.rel .LBB3_12-.Ltmp18, $4  }
0x128: {  	s30 =	simm.s32 $0x2;
	s0 =	sand.u32 $0x3FFFFF80, s0  }
0x129: {  	_ =	swait.ge [sflag:s30], s0  }
0x12a: {  	s0 =	ssub.s32 $0x0, s0;
	[sflag:s30] =	ssyncset.done $0x0  }
0x12b: {  	s31 =	simm.s32 $0x0;
	[sflag:s30] =	ssyncadd.s32 s0  }
.LBB3_13:
0x12c: {  	v1 =	vld [tilespmem:s25+$0xFFFFFFC0];
	_ =	sdelay $0x3  }
0x12d: {  	s0 =	sshra.s32 s0, $0x2  }
0x12e: {  	[tilespmem:s0+$0x108] =	vst.add.f32.msk $0xffff, v1  }
0x12f: {  	v1 =	vld [tilespmem:s25+$0xFFFFFFD0];
	_ =	sdelay $0x4  }
0x130: {  	[tilespmem:s0+$0x118] =	vst.add.f32.msk $0xffff, v1  }
0x131: {  	v1 =	vld [tilespmem:s25+$0xFFFFFFE0];
	_ =	sdelay $0x4  }
0x132: {  	[tilespmem:s0+$0x128] =	vst.add.f32.msk $0xffff, v1  }
0x133: {  	v1 =	vld [tilespmem:s25+$0xFFFFFFF0];
	_ =	sdelay $0x4  }
0x134: {  	[tilespmem:s0+$0x138] =	vst.add.f32.msk $0xffff, v1  }
0x135: {  	v1 =	vld [tilespmem:s25+$0x0];
	_ =	sdelay $0x4  }
0x136: {  	[tilespmem:s0+$0x148] =	vst.add.f32.msk $0xffff, v1  }
0x137: {  	v1 =	vld [tilespmem:s25+$0x10];
	_ =	sdelay $0x4  }
0x138: {  	[tilespmem:s0+$0x158] =	vst.add.f32.msk $0xffff, v1  }
0x139: {  	v1 =	vld [tilespmem:s25+$0x20];
	_ =	sdelay $0x4  }
0x13a: {  	[tilespmem:s0+$0x168] =	vst.add.f32.msk $0xffff, v1  }
0x13b: {  	v1 =	vld [tilespmem:s25+$0x30];
	_ =	sdelay $0x4  }
0x13c: {  	[tilespmem:s0+$0x178] =	vst.add.f32.msk $0xffff, v1  }
.LBB3_17:
0x13d: {  	s26 =	sadd.s32 $0x1, s26  }
0x13e: {  	p1 =	seq.s32 s26, $0x0  }
.Ltmp19:
0x13f: {  	_ = 	snop;
	(pc) =	sbr.rel @p1 .LBB3_18-.Ltmp19, $2  }
0x140: {  	_ =	sdelay $0x2  }
0x141: {  	s23 =	sadd.s32 $0x1, s23;
	s25 =	sadd.s32 $0x80, s25;
	s29 =	smov.u32 s30  }
.LBB3_12:
0x142: {  	v1 =	vld.msk [tilespmem:s23+$0x0], $0x1;
	_ =	sdelay $0x4  }
0x143: {  	(v2sf) =	vpush v1, $0x0;
	_ =	sdelay $0xe  }
0x144: {  	s30 =	spop (v2sf)  }
0x145: {  	p1 =	sne.s32 s29, s30  }
.Ltmp20:
0x146: {  	_ = 	snop;
	(pc) =	sbr.rel @!p1 .LBB3_13-.Ltmp20, $2  }
0x147: {  	_ =	sdelay $0x2  }
0x148: {  	s0 =	sshll.u32 s22, $0x9  }
0x149: {  	p1 =	seq.s32 s29, s24  }
.Ltmp21:
0x14a: {  	_ = 	snop;
	(pc) =	sbr.rel @!p1 .LBB3_15-.Ltmp21, $1  }
0x14b: {  	_ =	sdelay $0x3  }
0x14c: {  	s0 =	sshra.s32 s0, $0x2  }
.Ltmp22:
0x14d: {  	s0 =	sadd.s32 $0x108, s0;
	(pc) =	sbr.rel .LBB3_16-.Ltmp22, $4  }
0x14e: {  	[spmem:s16] =	stream.linear.scatter [tilespmem:s0], [sflag:$0x1], $0x80, $0x38;
	[tilespmem:$0x1F6F8] =	vst v63  }
0x14f: {  	_ =	swait.ge [sflag:s12], $0x80  }
0x150: {  	[sflag:s12] =	ssyncset.done $0x0  }
0x151: {  	[sflag:s12] =	ssyncadd.s32 $0xFFFFFF80  }
.LBB3_15:
0x152: {  	s2 =	sshll.u32 s28, $0x9  }
0x153: {  	s2 =	sshra.s32 s2, $0x2  }
0x154: {  	v1 =	vld [tilespmem:s2+$0x7988];
	_ =	sdelay $0x3  }
0x155: {  	s0 =	sshra.s32 s0, $0x2  }
0x156: {  	[tilespmem:s0+$0x108] =	vst.add.f32.msk $0xffff, v1  }
0x157: {  	v1 =	vld [tilespmem:s2+$0x7998];
	_ =	sdelay $0x4  }
0x158: {  	[tilespmem:s0+$0x118] =	vst.add.f32.msk $0xffff, v1  }
0x159: {  	v1 =	vld [tilespmem:s2+$0x79A8];
	_ =	sdelay $0x4  }
0x15a: {  	[tilespmem:s0+$0x128] =	vst.add.f32.msk $0xffff, v1  }
0x15b: {  	v1 =	vld [tilespmem:s2+$0x79B8];
	_ =	sdelay $0x4  }
0x15c: {  	[tilespmem:s0+$0x138] =	vst.add.f32.msk $0xffff, v1  }
0x15d: {  	v1 =	vld [tilespmem:s2+$0x79C8];
	_ =	sdelay $0x4  }
0x15e: {  	[tilespmem:s0+$0x148] =	vst.add.f32.msk $0xffff, v1  }
0x15f: {  	v1 =	vld [tilespmem:s2+$0x79D8];
	_ =	sdelay $0x4  }
0x160: {  	[tilespmem:s0+$0x158] =	vst.add.f32.msk $0xffff, v1  }
0x161: {  	v1 =	vld [tilespmem:s2+$0x79E8];
	_ =	sdelay $0x4  }
0x162: {  	[tilespmem:s0+$0x168] =	vst.add.f32.msk $0xffff, v1  }
0x163: {  	v1 =	vld [tilespmem:s2+$0x79F8];
	_ =	sdelay $0x2  }
0x164: {  	p1 =	sgt.u32 s29, $0x270F0  }
0x165: {  	s2 =	sand.u32 @!p1 $0x3FFF8, s29  }
0x166: {  	s3 =	sadd.s32 $0x108, s0;
	[tilespmem:s0+$0x178] =	vst.add.f32.msk $0xffff, v1;
	s0 =	sadd.s32 @!p1 s1, s2;
	s2 =	sand.u32 @!p1 $0x7, s29  }
0x167: {  	[hbm4b:s0+s2] =	stream.linear.scatter @!p1 [tilespmem:s3], [sflag:$0xC], $0x80, $0x38;
	[tilespmem:$0x1F6F8] =	vst v63  }
0x168: {  	s0 =	simm.s32 $0x0  }
0x169: {  	s0 =	simm.s32 @!p1 $0x200  }
0x16a: {  	s31 =	sadd.s32 s0, s31  }
.LBB3_16:
0x16b: {  	s0 =	sadd.s32 $0x1, s22  }
0x16c: {  	s2 =	smulhi.u32 $0x88888889, s0;
	_ =	sdelay $0x1  }
0x16d: {  	v1 =	vld [tilespmem:s25+$0xFFFFFFC0];
	s2 =	sshrl.u32 s2, $0x7  }
0x16e: {  	s2 =	smul.u32 $0xF0, s2;
	_ =	sdelay $0x1  }
0x16f: {  	s22 =	ssub.s32 s0, s2  }
0x170: {  	s0 =	sshll.u32 s22, $0x7  }
0x171: {  	[tilespmem:s0+$0x108] =	vst v1  }
0x172: {  	v1 =	vld [tilespmem:s25+$0xFFFFFFD0];
	_ =	sdelay $0x4  }
0x173: {  	[tilespmem:s0+$0x118] =	vst v1  }
0x174: {  	v1 =	vld [tilespmem:s25+$0xFFFFFFE0];
	_ =	sdelay $0x4  }
0x175: {  	[tilespmem:s0+$0x128] =	vst v1  }
0x176: {  	v1 =	vld [tilespmem:s25+$0xFFFFFFF0];
	_ =	sdelay $0x4  }
0x177: {  	[tilespmem:s0+$0x138] =	vst v1  }
0x178: {  	v1 =	vld [tilespmem:s25+$0x0];
	_ =	sdelay $0x4  }
0x179: {  	[tilespmem:s0+$0x148] =	vst v1  }
0x17a: {  	v1 =	vld [tilespmem:s25+$0x10];
	_ =	sdelay $0x4  }
0x17b: {  	[tilespmem:s0+$0x158] =	vst v1  }
0x17c: {  	v1 =	vld [tilespmem:s25+$0x20];
	_ =	sdelay $0x4  }
0x17d: {  	[tilespmem:s0+$0x168] =	vst v1  }
0x17e: {  	v1 =	vld [tilespmem:s25+$0x30]  }
.Ltmp23:
0x17f: {  	_ = 	snop;
	(pc) =	sbr.rel .LBB3_17-.Ltmp23, $2  }
0x180: {  	_ =	sdelay $0x2  }
0x181: {  	s28 =	sadd.s32 $0x1, s28;
	[tilespmem:s0+$0x178] =	vst v1  }
.LBB3_19:
.Ltmp24:
0x182: {  	(pc) =	sbr.rel .LBB3_20-.Ltmp24, $4  }
0x183: {  	_ = 	snop  }
0x184: {  	s0 =	simm.s32 $0x2  }
0x185: {  	_ =	swait.ge [sflag:s0], $0x0  }
0x186: {  	s30 =	smov.u32 s29;
	[sflag:s0] =	ssyncset.done $0x0;
	s0 =	simm.s32 $0x0  }
.LBB3_22:
0x187: {  	_ =	sfence.sel $0x180000  }
0x188: {  	s0 =	simm.s32 $0x9;
	[bflag:$0x0] =	sbarrier.arrive $0xFFFF  }
0x189: {  	s24 =	simm.s32 $0xA;
	[sflag:s0] =	ssyncpa.u1 $0x1  }
0x18a: {  	s25 =	simm.s32 $0xB;
	[sflag:s24] =	ssyncpa.u1 $0x1  }
0x18b: {  	s26 =	simm.s32 $0x2;
	[sflag:s25] =	ssyncpa.u1 $0x1  }
0x18c: {  	[sflag:s26] =	ssyncpa.u1 $0x1  }
0x18d: {  	v0 =	vld [tilespmem:$0xF208];
	_ =	sdelay $0x4  }
0x18e: {  	(v2sf) =	vpush v0, $0x0  }
0x18f: {  	(v2sf) =	vpush v0, $0x1;
	_ =	sdelay $0x1  }
0x190: {  	(v2sf) =	vpush v0, $0x2;
	_ =	sdelay $0xb  }
0x191: {  	s0 =	spop (v2sf)  }
0x192: {  	s2 =	spop (v2sf)  }
0x193: {  	s3 =	smov.u32 s0;
	p0 =	sne.s32 s0, s2  }
0x194: {  	s4 =	spop (v2sf);
	s3 =	simm.s32 @!p0 $0xFFFFFFFF  }
0x195: {  	v2 =	vimm.s32 $0x1;
	v3 =	vlaneseq.u32;
	p0 =	seq.s32 s4, $0xFFFFFFFF;
	v1 =	vmov s3  }
0x196: {  	s16 =	stileid.u32;
	v0 =	vperm.xlane v0, v2;
	p1 =	sne.s32 @!p0 s0, s2;
	v1 =	vperm.xlane v1, v3  }
0x197: {  	vm0 =	vcmask $0x3F04;
	s6 =	simm.s32 $0xF208;
	s0 =	simm.s32 @!p0 $0x1;
	p1 =	por !p1, p0  }
0x198: {  	s3 =	sshll.u32 s16, $0x1;
	s2 =	sshll.u32 @!p0 s4, $0x9;
	s0 =	simm.s32 @p1 $0x0;
	v0 =	vsel vm0, v1, v0  }
0x199: {  	s5 =	sor.u32 $0x1000, s3;
	s2 =	sshra.s32 @!p0 s2, $0x2;
	s0 =	sor.u32 @!p0 s0, s3;
	[tilespmem:$0xF208] =	vst v0  }
0x19a: {  	[spmem:s5] =	stream.linear.scatter [tilespmem:s6], [sflag:$0x1], $0x2, $0x38;
	[tilespmem:$0x1F6F8] =	vst v63  }
0x19b: {  	s2 =	sadd.s32 @!p0 $0x108, s2;
	s0 =	sshll.u32 @!p0 s0, $0x7  }
0x19c: {  	[spmem:s0] =	stream.linear.scatter @!p0 [tilespmem:s2], [sflag:$0x1], $0x80, $0x38;
	[tilespmem:$0x1F6F8] =	vst v63  }
0x19d: {  	s0 =	simm.s32 @!p0 $0x82  }
0x19e: {  	s28 =	simm.s32 $0x1;
	s0 =	simm.s32 @p0 $0x2  }
0x19f: {  	_ =	swait.ge [sflag:s28], s0  }
0x1a0: {  	s0 =	ssub.s32 $0x0, s0;
	[sflag:s28] =	ssyncset.done $0x0  }
0x1a1: {  	p0 =	sne.s32 s16, $0x0;
	[sflag:s28] =	ssyncadd.s32 s0  }
.Ltmp25:
0x1a2: {  	_ =	sfence.stream.spmem;
	(pc) =	sbr.rel @p0 .LBB3_39-.Ltmp25, $4  }
0x1a3: {  	s29 =	simm.s32 $0x3;
	[bflag:$0x0] =	sbarrier.arrive $0xFFFF  }
0x1a4: {  	s30 =	simm.s32 $0x4;
	[sflag:s29] =	ssyncpa.u1 $0x1  }
0x1a5: {  	s31 =	simm.s32 $0x3C;
	[sflag:s30] =	ssyncpa.u1 $0x1  }
0x1a6: {  	s15 =	rddreg [dreg:$0x7];
	[sflag:s31] =	ssyncpa.u1 $0x1  }
0x1a7: {  	_ =	sfence.stream.spmem;
	s0 =	simm.s32 $0x5  }
0x1a8: {  	s2 =	simm.s32 $0x1000;
	s3 =	simm.s32 $0xF218;
	[sflag:s0] =	ssyncpa.u1 $0x0  }
0x1a9: {  	[tilespmem:s3], [sflag:$0x5] =	stream.linear.gather [spmem:s2], $0x20, $0x38;
	[tilespmem:$0x1F6F8] =	vst v63  }
0x1aa: {  	s26 =	simm.s32 $0x0;
	s28 =	simm.s32 $0xF238  }
0x1ab: {  	[tilespmem:s28], [sflag:$0x5] =	stream.linear.gather [spmem:s26], $0x1000, $0x38;
	[tilespmem:$0x1F6F8] =	vst v63  }
0x1ac: {  	_ =	swait.ge [sflag:s0], $0x1020  }
0x1ad: {  	[sflag:s0] =	ssyncset.done $0x0  }
0x1ae: {  	s29 =	simm.s32 $0x0;
	[sflag:s0] =	ssyncadd.s32 $0xFFFFEFE0  }
0x1af: {  	v0 =	vld.msk [tilespmem:s29+$0xF218], $0x1;
	_ =	sdelay $0x1  }
0x1b0: {  	s30 =	simm.s32 $0x1  }
0x1b1: {  	v1 =	vld.msk [tilespmem:s30+$0xF218], $0x1;
	_ =	sdelay $0x1  }
0x1b2: {  	(v2sf) =	vpush v0, $0x0;
	_ =	sdelay $0x2  }
0x1b3: {  	(v2sf) =	vpush v1, $0x0;
	_ =	sdelay $0x2  }
0x1b4: {  	s31 =	simm.s32 $0x2  }
0x1b5: {  	v0 =	vld.msk [tilespmem:s31+$0xF218], $0x1;
	_ =	sdelay $0x2  }
0x1b6: {  	s4 =	simm.s32 $0xFFFFFFFF;
	s5 =	simm.s32 $0xFFFFFFFF;
	s0 =	simm.s32 $0xC  }
.LBB3_24:
0x1b7: {  	s2 =	smov.u32 s5;
	s3 =	smov.u32 s4  }
0x1b8: {  	s4 =	sshra.s32 s0, $0x2;
	p1 =	sne.s32 s0, $0x7C;
	s0 =	sadd.s32 $0x4, s0;
	(v2sf) =	vpush v0, $0x0  }
0x1b9: {  	v0 =	vld.msk [tilespmem:s4+$0xF218], $0x1  }
.Ltmp26:
0x1ba: {  	(pc) =	sbr.rel @p1 .LBB3_24-.Ltmp26, $4  }
0x1bb: {  	s5 =	spop (v2sf)  }
0x1bc: {  	p2 =	sne.s32 s3, $0xFFFFFFFF;
	s4 =	smov.u32 s5  }
0x1bd: {  	p3 =	seq.s32 s5, $0xFFFFFFFF;
	s4 =	smov.u32 @p2 s3  }
0x1be: {  	s5 =	smov.u32 @p3 s2;
	s4 =	smov.u32 @p3 s3  }
0x1bf: {  	(v2sf) =	vpush v0, $0x0;
	_ =	sdelay $0x8  }
0x1c0: {  	s0 =	spop (v2sf)  }
0x1c1: {  	p1 =	sne.s32 s4, $0xFFFFFFFF;
	s2 =	smov.u32 s0  }
0x1c2: {  	s9 =	simm.s32 $0x6;
	p2 =	seq.s32 s0, $0xFFFFFFFF;
	s2 =	smov.u32 @p1 s4  }
0x1c3: {  	s6 =	simm.s32 $0x0;
	s2 =	smov.u32 @p2 s4;
	s3 =	spop (v2sf)  }
0x1c4: {  	s0 =	smov.u32 @p2 s5;
	p1 =	sne.s32 s2, $0xFFFFFFFF;
	s4 =	smov.u32 s3  }
.Ltmp27:
0x1c5: {  	p2 =	seq.s32 s3, $0xFFFFFFFF;
	s4 =	smov.u32 @p1 s2;
	(pc) =	sbr.rel .LBB3_26-.Ltmp27, $4  }
0x1c6: {  	s10 =	simm.s32 $0xF188;
	s4 =	smov.u32 @p2 s2;
	s7 =	spop (v2sf)  }
0x1c7: {  	s11 =	simm.s32 $0x0;
	p1 =	sne.s32 s4, $0xFFFFFFFF;
	s8 =	smov.u32 s7  }
0x1c8: {  	s3 =	smov.u32 @p2 s0;
	p2 =	seq.s32 s7, $0xFFFFFFFF;
	s8 =	smov.u32 @p1 s4  }
0x1c9: {  	[sflag:s9] =	ssyncpa.u1 $0x0;
	s7 =	smov.u32 @p2 s3;
	s8 =	smov.u32 @p2 s4  }
.LBB3_32:
0x1ca: {  	p1 =	sgt.u32 s12, $0x270F0  }
0x1cb: {  	p2 =	seq.s32 @!p1 s12, s8  }
0x1cc: {  	p1 =	por p1, p2  }
0x1cd: {  	p2 =	sne.s32 @!p1 s12, s7  }
0x1ce: {  	p1 =	por p1, !p2  }
0x1cf: {  	s0 =	sshll.u32 @p1 s11, $0x9  }
0x1d0: {  	s0 =	sand.u32 @!p1 $0x3FFF8, s12  }
0x1d1: {  	s2 =	sand.u32 @!p1 $0x7, s12;
	s0 =	sadd.s32 @!p1 s1, s0  }
0x1d2: {  	[tilespmem:s10], [sflag:$0x6] =	stream.linear.gather @!p1 [hbm4b:s0+s2], $0x80, $0x38;
	[tilespmem:$0x1F6F8] =	vst v63  }
0x1d3: {  	_ =	swait.ge @!p1 [sflag:s9], $0x80  }
0x1d4: {  	[sflag:s9] =	ssyncset.done @!p1 $0x0  }
0x1d5: {  	[sflag:s9] =	ssyncadd.s32 @!p1 $0xFFFFFF80  }
0x1d6: {  	v1 =	vld @!p1 [tilespmem:$0xF188];
	_ =	sdelay $0x2  }
0x1d7: {  	s0 =	sshll.u32 @!p1 s11, $0x9  }
0x1d8: {  	s2 =	sshrl.u32 @!p1 s0, $0x2  }
0x1d9: {  	[tilespmem:s2+$0xF238] =	vst.add.f32.msk @!p1 $0xffff, v1  }
0x1da: {  	v1 =	vld @!p1 [tilespmem:$0xF198];
	_ =	sdelay $0x4  }
0x1db: {  	[tilespmem:s2+$0xF248] =	vst.add.f32.msk @!p1 $0xffff, v1  }
0x1dc: {  	v1 =	vld @!p1 [tilespmem:$0xF1A8];
	_ =	sdelay $0x4  }
0x1dd: {  	[tilespmem:s2+$0xF258] =	vst.add.f32.msk @!p1 $0xffff, v1  }
0x1de: {  	v1 =	vld @!p1 [tilespmem:$0xF1B8];
	_ =	sdelay $0x4  }
0x1df: {  	[tilespmem:s2+$0xF268] =	vst.add.f32.msk @!p1 $0xffff, v1  }
0x1e0: {  	v1 =	vld @!p1 [tilespmem:$0xF1C8];
	_ =	sdelay $0x4  }
0x1e1: {  	[tilespmem:s2+$0xF278] =	vst.add.f32.msk @!p1 $0xffff, v1  }
0x1e2: {  	v1 =	vld @!p1 [tilespmem:$0xF1D8];
	_ =	sdelay $0x4  }
0x1e3: {  	[tilespmem:s2+$0xF288] =	vst.add.f32.msk @!p1 $0xffff, v1  }
0x1e4: {  	v1 =	vld @!p1 [tilespmem:$0xF1E8];
	_ =	sdelay $0x4  }
0x1e5: {  	[tilespmem:s2+$0xF298] =	vst.add.f32.msk @!p1 $0xffff, v1  }
0x1e6: {  	v1 =	vld @!p1 [tilespmem:$0xF1F8];
	_ =	sdelay $0x4  }
0x1e7: {  	[tilespmem:s2+$0xF2A8] =	vst.add.f32.msk @!p1 $0xffff, v1  }
0x1e8: {  	s0 =	sshrl.u32 s0, $0x2;
	[tilespmem:s6+$0xF218] =	vst.msk $0x1, v0  }
0x1e9: {  	v0 =	vld [tilespmem:s0+$0xF238];
	_ =	sdelay $0x2  }
0x1ea: {  	s31 =	sshll.u32 s6, $0x9  }
0x1eb: {  	s2 =	sshra.s32 s31, $0x2  }
0x1ec: {  	[tilespmem:s2+$0xF238] =	vst v0  }
0x1ed: {  	v0 =	vld [tilespmem:s0+$0xF248];
	_ =	sdelay $0x4  }
0x1ee: {  	[tilespmem:s2+$0xF248] =	vst v0  }
0x1ef: {  	v0 =	vld [tilespmem:s0+$0xF258];
	_ =	sdelay $0x4  }
0x1f0: {  	[tilespmem:s2+$0xF258] =	vst v0  }
0x1f1: {  	v0 =	vld [tilespmem:s0+$0xF268];
	_ =	sdelay $0x4  }
0x1f2: {  	[tilespmem:s2+$0xF268] =	vst v0  }
0x1f3: {  	v0 =	vld [tilespmem:s0+$0xF278];
	_ =	sdelay $0x4  }
0x1f4: {  	[tilespmem:s2+$0xF278] =	vst v0  }
0x1f5: {  	v0 =	vld [tilespmem:s0+$0xF288];
	_ =	sdelay $0x4  }
0x1f6: {  	[tilespmem:s2+$0xF288] =	vst v0  }
0x1f7: {  	v0 =	vld [tilespmem:s0+$0xF298];
	_ =	sdelay $0x4  }
0x1f8: {  	[tilespmem:s2+$0xF298] =	vst v0  }
0x1f9: {  	v0 =	vld [tilespmem:s0+$0xF2A8];
	_ =	sdelay $0x4  }
0x1fa: {  	s6 =	sadd.s32 $0x1, s6;
	[tilespmem:s2+$0xF2A8] =	vst v0  }
.LBB3_33:
0x1fb: {  	s11 =	sadd.s32 $0x1, s11  }
0x1fc: {  	p1 =	sne.s32 s11, $0x20  }
.Ltmp28:
0x1fd: {  	_ = 	snop;
	(pc) =	sbr.rel @!p1 .LBB3_34-.Ltmp28, $1  }
0x1fe: {  	_ =	sdelay $0x3  }
.LBB3_26:
0x1ff: {  	v0 =	vld.msk [tilespmem:s11+$0xF218], $0x1;
	_ =	sdelay $0x4  }
0x200: {  	(v2sf) =	vpush v0, $0x0;
	_ =	sdelay $0xe  }
0x201: {  	s12 =	spop (v2sf)  }
0x202: {  	p1 =	seq.s32 s12, $0xFFFFFFFF  }
.Ltmp29:
0x203: {  	_ = 	snop;
	(pc) =	sbr.rel @p1 .LBB3_33-.Ltmp29, $1  }
0x204: {  	_ =	sdelay $0x3  }
0x205: {  	p1 =	slt.s32 s6, $0x1  }
.Ltmp30:
0x206: {  	_ = 	snop;
	(pc) =	sbr.rel @p1 .LBB3_32-.Ltmp30, $1  }
0x207: {  	_ =	sdelay $0x3  }
0x208: {  	s13 =	simm.s32 $0xF218;
	p1 =	por $0x0, $0x0  }
0x209: {  	v1 =	vld.msk @!p1 [tilespmem:s13+$0x0], $0x1;
	_ =	sdelay $0x4  }
0x20a: {  	(v2sf) =	vpush @!p1 v1, $0x0;
	_ =	sdelay $0xd  }
0x20b: {  	p3 =	sne.s32 s6, $0x1  }
.Ltmp31:
0x20c: {  	s0 =	spop @!p1 (v2sf);
	(pc) =	sbr.rel @!p3 .LBB3_30-.Ltmp31, $4  }
0x20d: {  	p2 =	seq.s32 @!p1 s12, s0  }
0x20e: {  	s14 =	simm.s32 $0x0;
	p2 =	por !p2, p1  }
0x20f: {  	s2 =	simm.s32 $0xFFFFFFFF;
	s14 =	simm.s32 @p2 $0xFFFFFFFF  }
0x210: {  	s0 =	simm.s32 $0x1;
	s14 =	smov.u32 @p1 s2  }
.LBB3_29:
0x211: {  	s2 =	smov.u32 s14;
	p1 =	sne.s32 s14, $0xFFFFFFFF  }
0x212: {  	s13 =	sadd.s32 $0x1, s13;
	s14 =	smov.u32 s0;
	s0 =	sadd.s32 $0x1, s0  }
0x213: {  	p2 =	sne.s32 s6, s0;
	v1 =	vld.msk @!p1 [tilespmem:s13+$0x0], $0x1;
	_ =	sdelay $0x4  }
0x214: {  	(v2sf) =	vpush @!p1 v1, $0x0;
	_ =	sdelay $0xe  }
.Ltmp32:
0x215: {  	s3 =	spop @!p1 (v2sf);
	(pc) =	sbr.rel @p2 .LBB3_29-.Ltmp32, $4  }
0x216: {  	p3 =	seq.s32 @!p1 s12, s3  }
0x217: {  	p3 =	por !p3, p1  }
0x218: {  	s14 =	simm.s32 @p3 $0xFFFFFFFF  }
0x219: {  	s14 =	smov.u32 @p1 s2  }
.LBB3_30:
0x21a: {  	p1 =	seq.s32 s14, $0xFFFFFFFF  }
.Ltmp33:
0x21b: {  	_ = 	snop;
	(pc) =	sbr.rel @p1 .LBB3_32-.Ltmp33, $1  }
0x21c: {  	_ =	sdelay $0x3  }
0x21d: {  	s0 =	sshll.u32 s11, $0x7  }
0x21e: {  	s0 =	sand.u32 $0x3FFFFF80, s0  }
0x21f: {  	v0 =	vld [tilespmem:s0+$0xF238];
	_ =	sdelay $0x2  }
0x220: {  	s2 =	sshll.u32 s14, $0x9  }
0x221: {  	s2 =	sshra.s32 s2, $0x2  }
0x222: {  	[tilespmem:s2+$0xF238] =	vst.add.f32.msk $0xffff, v0  }
0x223: {  	v0 =	vld [tilespmem:s0+$0xF248];
	_ =	sdelay $0x4  }
0x224: {  	[tilespmem:s2+$0xF248] =	vst.add.f32.msk $0xffff, v0  }
0x225: {  	v0 =	vld [tilespmem:s0+$0xF258];
	_ =	sdelay $0x4  }
0x226: {  	[tilespmem:s2+$0xF258] =	vst.add.f32.msk $0xffff, v0  }
0x227: {  	v0 =	vld [tilespmem:s0+$0xF268];
	_ =	sdelay $0x4  }
0x228: {  	[tilespmem:s2+$0xF268] =	vst.add.f32.msk $0xffff, v0  }
0x229: {  	v0 =	vld [tilespmem:s0+$0xF278];
	_ =	sdelay $0x4  }
0x22a: {  	[tilespmem:s2+$0xF278] =	vst.add.f32.msk $0xffff, v0  }
0x22b: {  	v0 =	vld [tilespmem:s0+$0xF288];
	_ =	sdelay $0x4  }
0x22c: {  	[tilespmem:s2+$0xF288] =	vst.add.f32.msk $0xffff, v0  }
0x22d: {  	v0 =	vld [tilespmem:s0+$0xF298];
	_ =	sdelay $0x4  }
0x22e: {  	[tilespmem:s2+$0xF298] =	vst.add.f32.msk $0xffff, v0  }
0x22f: {  	v0 =	vld [tilespmem:s0+$0xF2A8]  }
.Ltmp34:
0x230: {  	_ = 	snop;
	(pc) =	sbr.rel .LBB3_33-.Ltmp34, $2  }
0x231: {  	_ =	sdelay $0x2  }
0x232: {  	[tilespmem:s2+$0xF2A8] =	vst.add.f32.msk $0xffff, v0  }
.LBB3_34:
0x233: {  	s0 =	simm.s32 $0x6;
	p1 =	seq.s32 s6, $0x0  }
0x234: {  	[sflag:s0] =	ssyncpa.u1 $0x1;
	v0 =	vimm.s32 @p1 $0xFFFFFFFF  }
0x235: {  	s9 =	sadd.s32 $0xFFFFFFFF, s6;
	[tilespmem:$0x10238] =	vst @p1 v0  }
0x236: {  	v0 =	vld.msk @!p1 [tilespmem:s9+$0xF218], $0x1;
	_ =	sdelay $0x1  }
0x237: {  	v1 =	vld.msk @!p1 [tilespmem:$0xF218], $0x1;
	_ =	sdelay $0x2  }
0x238: {  	p2 =	seq.s32 @!p1 s9, $0x0;
	v0 =	vbroadcast @!p1 v0, $0x0  }
0x239: {  	vm0 =	vmmov @!p1 $0x1;
	p2 =	por !p2, p1  }
0x23a: {  	v1 =	vnsel @!p1 vm0, $0xFFFFFFFF, v1;
	vm0 =	vcmask @!p1 $0x308;
	v0 =	vpsel !p2, $0xFFFFFFFF, v0  }
0x23b: {  	p2 =	sne.s32 @!p1 s8, s7;
	v0 =	vsel @!p1 vm0, v1, v0  }
0x23c: {  	s0 =	simm.s32 @!p1 $0xF238;
	s2 =	simm.s32 @!p1 $0x0;
	p3 =	por !p2, p1;
	[tilespmem:$0x10238] =	vst @!p1 v0  }
0x23d: {  	[spmem:s2] =	stream.linear.scatter @!p1 [tilespmem:s0], [sflag:$0x1], $0x80, $0x38;
	[tilespmem:$0x1F6F8] =	vst v63  }
0x23e: {  	s0 =	sshll.u32 @!p3 s9, $0x9  }
0x23f: {  	s0 =	sshra.s32 @!p3 s0, $0x2  }
0x240: {  	s2 =	simm.s32 @!p3 $0x80;
	s0 =	sadd.s32 @!p3 $0xF238, s0  }
0x241: {  	[spmem:s2] =	stream.linear.scatter @!p3 [tilespmem:s0], [sflag:$0x1], $0x80, $0x38;
	[tilespmem:$0x1F6F8] =	vst v63  }
0x242: {  	s0 =	simm.s32 @!p3 $0x1  }
0x243: {  	_ =	swait.ge @!p3 [sflag:s0], $0x100  }
0x244: {  	p1 =	por p2, p1;
	[sflag:s0] =	ssyncset.done @!p3 $0x0  }
0x245: {  	[sflag:s0] =	ssyncadd.s32 @!p3 $0xFFFFFF00;
	s0 =	simm.s32 @!p1 $0x1  }
0x246: {  	_ =	swait.ge @!p1 [sflag:s0], $0x80  }
0x247: {  	s29 =	simm.s32 $0x10238;
	[sflag:s0] =	ssyncset.done @!p1 $0x0  }
0x248: {  	s30 =	simm.s32 $0x1000;
	s31 =	simm.s32 $0x1;
	[sflag:s0] =	ssyncadd.s32 @!p1 $0xFFFFFF80  }
0x249: {  	[spmem:s30] =	stream.linear.scatter [tilespmem:s29], [sflag:$0x1], $0x10, $0x38;
	[tilespmem:$0x1F6F8] =	vst v63  }
0x24a: {  	_ =	swait.ge [sflag:s31], $0x10  }
0x24b: {  	[sflag:s31] =	ssyncset.done $0x0  }
0x24c: {  	p1 =	seq.s32 s15, $0x0;
	s8 =	rddreg [dreg:$0x4];
	[sflag:s31] =	ssyncadd.s32 $0xFFFFFFF0  }
0x24d: {  	s2 =	sshll.u32 @p1 s8, $0xE;
	s7 =	rddreg [dreg:$0x5]  }
0x24e: {  	s0 =	sadd.s32 @p1 $0x15C3C, s2;
	s2 =	sshll.u32 @p1 s7, $0x11  }
0x24f: {  	_ =	sfence.stream.spmem;
	s0 =	sor.u32 @p1 s2, s0  }
0x250: {  	[sflag:s0] =	ssyncadd.remote.s32 @p1 $0x1;
	s0 =	simm.s32 @p1 $0x4  }
0x251: {  	s3 =	simm.s32 @!p1 $0x3C;
	s2 =	sand.u32 $0xFFFFFFFE, s8;
	_ =	swait.ge @p1 [sflag:s0], $0x22  }
0x252: {  	s4 =	simm.s32 @!p1 $0x0;
	s2 =	sadd.s32 @!p1 $0x4, s2;
	[sflag:s0] =	ssyncset.done @p1 $0x0  }
0x253: {  	s5 =	simm.s32 @!p1 $0x100;
	[sflag:s0] =	ssyncadd.s32 @p1 $0xFFFFFFDE;
	s0 =	sshll.u32 @!p1 s2, $0x1A  }
0x254: {  	s2 =	sshll.u32 @!p1 s2, $0xD;
	s0 =	sor.u32 @!p1 s0, s7;
	_ =	swait.eq @!p1 [sflag:s3], $0x1  }
0x255: {  	s2 =	sor.u32 @!p1 $0x1C04, s2;
	s3 =	simm.s32 @!p1 $0x1C03;
	s0 =	sor.u32 @!p1 $0x80004000, s0  }
0x256: {  	[spmem:s5], [sflag:s2] =	dma.general @!p1 [spmem:s4], [sflag:s3], length:$0x20, [dreg:$0x0], stride_count:$0x0, ici_dest:s0, dma_misc:DstOpCode:WRITE  }
0x257: {  	p2 =	slt.s32 s9, $0x2;
	s4 =	simm.s32 @!p1 $0x200;
	s5 =	simm.s32 @!p1 $0x202  }
0x258: {  	[spmem:s5], [sflag:s2] =	dma.general @!p1 [spmem:s4], [sflag:s3], length:$0x2, [dreg:$0x0], stride_count:$0x0, ici_dest:s0, dma_misc:DstOpCode:WRITE  }
.Ltmp35:
0x259: {  	s0 =	simm.s32 @!p1 $0x3;
	(pc) =	sbr.rel @p2 .LBB3_38-.Ltmp35, $4  }
0x25a: {  	s2 =	sshll.u32 @!p1 s8, $0xE;
	_ =	swait.ge @!p1 [sflag:s0], $0x22  }
0x25b: {  	s3 =	sshll.u32 @!p1 s7, $0x11;
	s2 =	sadd.s32 @!p1 $0x11C3C, s2;
	[sflag:s0] =	ssyncset.done @!p1 $0x0  }
0x25c: {  	[sflag:s0] =	ssyncadd.s32 @!p1 $0xFFFFFFDE;
	s0 =	sor.u32 @!p1 s3, s2  }
0x25d: {  	[sflag:s0] =	ssyncadd.remote.s32 @!p1 $0xFFFFFFFF;
	s0 =	simm.s32 $0x0  }
0x25e: {  	s0 =	simm.s32 $0xF219  }
0x25f: {  	v0 =	vld.msk [tilespmem:s0+$0x0], $0x1;
	_ =	sdelay $0x4  }
0x260: {  	(v2sf) =	vpush v0, $0x0;
	_ =	sdelay $0xb  }
0x261: {  	s31 =	sadd.s32 $0xFFFFFFFE, s6  }
0x262: {  	s0 =	sadd.s32 $0xFFFFFFFF, s31  }
0x263: {  	p2 =	sne.s32 s0, $0x0  }
.Ltmp36:
0x264: {  	s2 =	spop (v2sf);
	(pc) =	sbr.rel @!p2 .LBB3_37-.Ltmp36, $4  }
0x265: {  	s4 =	simm.s32 $0xF2B8;
	s7 =	simm.s32 $0x0;
	p1 =	sgt.u32 s2, $0x270F0  }
0x266: {  	s5 =	simm.s32 $0x0;
	s6 =	simm.s32 $0xF21A;
	s3 =	sand.u32 @!p1 $0x3FFF8, s2  }
0x267: {  	s2 =	sand.u32 @!p1 $0x7, s2;
	s7 =	simm.s32 @!p1 $0x200;
	s3 =	sadd.s32 @!p1 s1, s3  }
0x268: {  	[hbm4b:s3+s2] =	stream.linear.scatter @!p1 [tilespmem:s4], [sflag:$0x5], $0x80, $0x38;
	[tilespmem:$0x1F6F8] =	vst v63  }
.LBB3_36:
0x269: {  	v0 =	vld.msk [tilespmem:s6+$0x0], $0x1;
	s0 =	sadd.s32 $0xFFFFFFFF, s0;
	s5 =	sadd.s32 s5, s7  }
0x26a: {  	p1 =	sne.s32 s0, $0x0;
	_ =	sdelay $0x3  }
0x26b: {  	(v2sf) =	vpush v0, $0x0;
	_ =	sdelay $0xe  }
.Ltmp37:
0x26c: {  	s2 =	spop (v2sf);
	(pc) =	sbr.rel @p1 .LBB3_36-.Ltmp37, $4  }
0x26d: {  	s7 =	simm.s32 $0x0;
	p2 =	sgt.u32 s2, $0x270F0  }
0x26e: {  	s4 =	sadd.s32 $0x80, s4;
	s7 =	simm.s32 @!p2 $0x200;
	s3 =	sand.u32 @!p2 $0x3FFF8, s2  }
0x26f: {  	s6 =	sadd.s32 $0x1, s6;
	s2 =	sand.u32 @!p2 $0x7, s2;
	s3 =	sadd.s32 @!p2 s1, s3  }
0x270: {  	[hbm4b:s3+s2] =	stream.linear.scatter @!p2 [tilespmem:s4], [sflag:$0x5], $0x80, $0x38;
	[tilespmem:$0x1F6F8] =	vst v63  }
.LBB3_37:
0x271: {  	s0 =	sadd.s32 s5, s7  }
0x272: {  	s0 =	sshrl.u32 s0, $0x2  }
.LBB3_38:
0x273: {  	s2 =	simm.s32 $0x5  }
0x274: {  	_ =	swait.ge [sflag:s2], s0  }
0x275: {  	s31 =	ssub.s32 $0x0, s0;
	[sflag:s2] =	ssyncset.done $0x0  }
0x276: {  	[sflag:s2] =	ssyncadd.s32 s31  }
0x277: {  	[sflag:s2] =	ssyncpa.u1 $0x1  }
.LBB3_39:
0x278: {  	s0 =	sor.u32 s15, s16  }
0x279: {  	p1 =	sne.s32 s0, $0x0  }
.Ltmp38:
0x27a: {  	_ = 	snop;
	(pc) =	sbr.rel @p1 .LBB3_54-.Ltmp38, $3  }
0x27b: {  	_ =	sdelay $0x1  }
0x27c: {  	[bflag:$0x0] =	sbarrier.arrive $0xFFFF  }
0x27d: {  	_ =	sfence  }
0x27e: {  	s0 =	simm.s32 $0x7  }
0x27f: {  	s2 =	simm.s32 $0x1000;
	s3 =	simm.s32 $0xF218;
	[sflag:s0] =	ssyncpa.u1 $0x0  }
0x280: {  	[tilespmem:s3], [sflag:$0x7] =	stream.linear.gather [spmem:s2], $0x20, $0x38;
	[tilespmem:$0x1F6F8] =	vst v63  }
0x281: {  	s30 =	simm.s32 $0xF238;
	s2 =	simm.s32 $0x0  }
0x282: {  	[tilespmem:s30], [sflag:$0x7] =	stream.linear.gather [spmem:s2], $0x1000, $0x38;
	[tilespmem:$0x1F6F8] =	vst v63  }
.Ltmp39:
0x283: {  	_ = 	snop;
	(pc) =	sbr.rel .LBB3_41-.Ltmp39, $4  }
0x284: {  	_ =	swait.ge [sflag:s0], $0x1020  }
0x285: {  	[sflag:s0] =	ssyncset.done $0x0  }
0x286: {  	s31 =	simm.s32 $0x8;
	[sflag:s0] =	ssyncadd.s32 $0xFFFFEFE0  }
0x287: {  	s3 =	simm.s32 $0x0;
	[sflag:s31] =	ssyncpa.u1 $0x0  }
.LBB3_47:
0x288: {  	p1 =	slt.u32 s4, $0x270F1  }
0x289: {  	s0 =	sand.u32 @p1 $0x3FFF8, s4  }
0x28a: {  	s4 =	sand.u32 @p1 $0x7, s4;
	s5 =	simm.s32 @p1 $0xF188;
	s0 =	sadd.s32 @p1 s1, s0  }
0x28b: {  	[tilespmem:s5], [sflag:$0x8] =	stream.linear.gather @p1 [hbm4b:s0+s4], $0x80, $0x38;
	[tilespmem:$0x1F6F8] =	vst v63  }
0x28c: {  	s0 =	simm.s32 @p1 $0x8  }
0x28d: {  	_ =	swait.ge @p1 [sflag:s0], $0x80  }
0x28e: {  	[sflag:s0] =	ssyncset.done @p1 $0x0  }
0x28f: {  	[sflag:s0] =	ssyncadd.s32 @p1 $0xFFFFFF80  }
0x290: {  	v1 =	vld @p1 [tilespmem:$0xF188];
	_ =	sdelay $0x2  }
0x291: {  	s0 =	sshll.u32 @p1 s3, $0x9  }
0x292: {  	s4 =	sshrl.u32 @p1 s0, $0x2  }
0x293: {  	[tilespmem:s4+$0xF238] =	vst.add.f32.msk @p1 $0xffff, v1  }
0x294: {  	v1 =	vld @p1 [tilespmem:$0xF198];
	_ =	sdelay $0x4  }
0x295: {  	[tilespmem:s4+$0xF248] =	vst.add.f32.msk @p1 $0xffff, v1  }
0x296: {  	v1 =	vld @p1 [tilespmem:$0xF1A8];
	_ =	sdelay $0x4  }
0x297: {  	[tilespmem:s4+$0xF258] =	vst.add.f32.msk @p1 $0xffff, v1  }
0x298: {  	v1 =	vld @p1 [tilespmem:$0xF1B8];
	_ =	sdelay $0x4  }
0x299: {  	[tilespmem:s4+$0xF268] =	vst.add.f32.msk @p1 $0xffff, v1  }
0x29a: {  	v1 =	vld @p1 [tilespmem:$0xF1C8];
	_ =	sdelay $0x4  }
0x29b: {  	[tilespmem:s4+$0xF278] =	vst.add.f32.msk @p1 $0xffff, v1  }
0x29c: {  	v1 =	vld @p1 [tilespmem:$0xF1D8];
	_ =	sdelay $0x4  }
0x29d: {  	[tilespmem:s4+$0xF288] =	vst.add.f32.msk @p1 $0xffff, v1  }
0x29e: {  	v1 =	vld @p1 [tilespmem:$0xF1E8];
	_ =	sdelay $0x4  }
0x29f: {  	[tilespmem:s4+$0xF298] =	vst.add.f32.msk @p1 $0xffff, v1  }
0x2a0: {  	v1 =	vld @p1 [tilespmem:$0xF1F8];
	_ =	sdelay $0x3  }
0x2a1: {  	s5 =	sshll.u32 @!p1 s3, $0x9  }
0x2a2: {  	s5 =	smov.u32 @p1 s0;
	[tilespmem:s4+$0xF2A8] =	vst.add.f32.msk @p1 $0xffff, v1  }
0x2a3: {  	s0 =	sshrl.u32 s5, $0x2;
	[tilespmem:s2+$0xF218] =	vst.msk $0x1, v0  }
0x2a4: {  	v0 =	vld [tilespmem:s0+$0xF238];
	_ =	sdelay $0x2  }
0x2a5: {  	s31 =	sshll.u32 s2, $0x9  }
0x2a6: {  	s4 =	sshra.s32 s31, $0x2  }
0x2a7: {  	[tilespmem:s4+$0xF238] =	vst v0  }
0x2a8: {  	v0 =	vld [tilespmem:s0+$0xF248];
	_ =	sdelay $0x4  }
0x2a9: {  	[tilespmem:s4+$0xF248] =	vst v0  }
0x2aa: {  	v0 =	vld [tilespmem:s0+$0xF258];
	_ =	sdelay $0x4  }
0x2ab: {  	[tilespmem:s4+$0xF258] =	vst v0  }
0x2ac: {  	v0 =	vld [tilespmem:s0+$0xF268];
	_ =	sdelay $0x4  }
0x2ad: {  	[tilespmem:s4+$0xF268] =	vst v0  }
0x2ae: {  	v0 =	vld [tilespmem:s0+$0xF278];
	_ =	sdelay $0x4  }
0x2af: {  	[tilespmem:s4+$0xF278] =	vst v0  }
0x2b0: {  	v0 =	vld [tilespmem:s0+$0xF288];
	_ =	sdelay $0x4  }
0x2b1: {  	[tilespmem:s4+$0xF288] =	vst v0  }
0x2b2: {  	v0 =	vld [tilespmem:s0+$0xF298];
	_ =	sdelay $0x4  }
0x2b3: {  	[tilespmem:s4+$0xF298] =	vst v0  }
0x2b4: {  	v0 =	vld [tilespmem:s0+$0xF2A8];
	_ =	sdelay $0x4  }
0x2b5: {  	s2 =	sadd.s32 $0x1, s2;
	[tilespmem:s4+$0xF2A8] =	vst v0  }
.LBB3_48:
0x2b6: {  	s3 =	sadd.s32 $0x1, s3  }
0x2b7: {  	p1 =	sne.s32 s3, $0x20  }
.Ltmp40:
0x2b8: {  	_ = 	snop;
	(pc) =	sbr.rel @!p1 .LBB3_49-.Ltmp40, $1  }
0x2b9: {  	_ =	sdelay $0x3  }
.LBB3_41:
0x2ba: {  	v0 =	vld.msk [tilespmem:s3+$0xF218], $0x1;
	_ =	sdelay $0x4  }
0x2bb: {  	(v2sf) =	vpush v0, $0x0;
	_ =	sdelay $0xe  }
0x2bc: {  	s4 =	spop (v2sf)  }
0x2bd: {  	p1 =	seq.s32 s4, $0xFFFFFFFF  }
.Ltmp41:
0x2be: {  	_ = 	snop;
	(pc) =	sbr.rel @p1 .LBB3_48-.Ltmp41, $1  }
0x2bf: {  	_ =	sdelay $0x3  }
0x2c0: {  	p1 =	slt.s32 s2, $0x1  }
.Ltmp42:
0x2c1: {  	_ = 	snop;
	(pc) =	sbr.rel @p1 .LBB3_47-.Ltmp42, $1  }
0x2c2: {  	_ =	sdelay $0x3  }
0x2c3: {  	s5 =	simm.s32 $0xF218;
	p1 =	por $0x0, $0x0  }
0x2c4: {  	v1 =	vld.msk @!p1 [tilespmem:s5+$0x0], $0x1;
	_ =	sdelay $0x4  }
0x2c5: {  	(v2sf) =	vpush @!p1 v1, $0x0;
	_ =	sdelay $0xd  }
0x2c6: {  	p3 =	sne.s32 s2, $0x1  }
.Ltmp43:
0x2c7: {  	s0 =	spop @!p1 (v2sf);
	(pc) =	sbr.rel @!p3 .LBB3_45-.Ltmp43, $4  }
0x2c8: {  	p2 =	seq.s32 @!p1 s4, s0  }
0x2c9: {  	s6 =	simm.s32 $0x0;
	p2 =	por !p2, p1  }
0x2ca: {  	s7 =	simm.s32 $0xFFFFFFFF;
	s6 =	simm.s32 @p2 $0xFFFFFFFF  }
0x2cb: {  	s0 =	simm.s32 $0x1;
	s6 =	smov.u32 @p1 s7  }
.LBB3_44:
0x2cc: {  	s7 =	smov.u32 s6;
	p1 =	sne.s32 s6, $0xFFFFFFFF  }
0x2cd: {  	s5 =	sadd.s32 $0x1, s5;
	s6 =	smov.u32 s0;
	s0 =	sadd.s32 $0x1, s0  }
0x2ce: {  	p2 =	sne.s32 s2, s0;
	v1 =	vld.msk @!p1 [tilespmem:s5+$0x0], $0x1;
	_ =	sdelay $0x4  }
0x2cf: {  	(v2sf) =	vpush @!p1 v1, $0x0;
	_ =	sdelay $0xe  }
.Ltmp44:
0x2d0: {  	s8 =	spop @!p1 (v2sf);
	(pc) =	sbr.rel @p2 .LBB3_44-.Ltmp44, $4  }
0x2d1: {  	p3 =	seq.s32 @!p1 s4, s8  }
0x2d2: {  	p3 =	por !p3, p1  }
0x2d3: {  	s6 =	simm.s32 @p3 $0xFFFFFFFF  }
0x2d4: {  	s6 =	smov.u32 @p1 s7  }
.LBB3_45:
0x2d5: {  	p1 =	seq.s32 s6, $0xFFFFFFFF  }
.Ltmp45:
0x2d6: {  	_ = 	snop;
	(pc) =	sbr.rel @p1 .LBB3_47-.Ltmp45, $1  }
0x2d7: {  	_ =	sdelay $0x3  }
0x2d8: {  	s0 =	sshll.u32 s3, $0x7  }
0x2d9: {  	s0 =	sand.u32 $0x3FFFFF80, s0  }
0x2da: {  	v0 =	vld [tilespmem:s0+$0xF238];
	_ =	sdelay $0x2  }
0x2db: {  	s4 =	sshll.u32 s6, $0x9  }
0x2dc: {  	s4 =	sshra.s32 s4, $0x2  }
0x2dd: {  	[tilespmem:s4+$0xF238] =	vst.add.f32.msk $0xffff, v0  }
0x2de: {  	v0 =	vld [tilespmem:s0+$0xF248];
	_ =	sdelay $0x4  }
0x2df: {  	[tilespmem:s4+$0xF248] =	vst.add.f32.msk $0xffff, v0  }
0x2e0: {  	v0 =	vld [tilespmem:s0+$0xF258];
	_ =	sdelay $0x4  }
0x2e1: {  	[tilespmem:s4+$0xF258] =	vst.add.f32.msk $0xffff, v0  }
0x2e2: {  	v0 =	vld [tilespmem:s0+$0xF268];
	_ =	sdelay $0x4  }
0x2e3: {  	[tilespmem:s4+$0xF268] =	vst.add.f32.msk $0xffff, v0  }
0x2e4: {  	v0 =	vld [tilespmem:s0+$0xF278];
	_ =	sdelay $0x4  }
0x2e5: {  	[tilespmem:s4+$0xF278] =	vst.add.f32.msk $0xffff, v0  }
0x2e6: {  	v0 =	vld [tilespmem:s0+$0xF288];
	_ =	sdelay $0x4  }
0x2e7: {  	[tilespmem:s4+$0xF288] =	vst.add.f32.msk $0xffff, v0  }
0x2e8: {  	v0 =	vld [tilespmem:s0+$0xF298];
	_ =	sdelay $0x4  }
0x2e9: {  	[tilespmem:s4+$0xF298] =	vst.add.f32.msk $0xffff, v0  }
0x2ea: {  	v0 =	vld [tilespmem:s0+$0xF2A8]  }
.Ltmp46:
0x2eb: {  	_ = 	snop;
	(pc) =	sbr.rel .LBB3_48-.Ltmp46, $2  }
0x2ec: {  	_ =	sdelay $0x2  }
0x2ed: {  	[tilespmem:s4+$0xF2A8] =	vst.add.f32.msk $0xffff, v0  }
.LBB3_49:
0x2ee: {  	p1 =	slt.s32 s2, $0x1  }
.Ltmp47:
0x2ef: {  	_ = 	snop;
	(pc) =	sbr.rel @p1 .LBB3_53-.Ltmp47, $3  }
0x2f0: {  	_ =	sdelay $0x1  }
0x2f1: {  	s0 =	simm.s32 $0x8  }
0x2f2: {  	s3 =	simm.s32 $0x0;
	[sflag:s0] =	ssyncpa.u1 $0x1  }
0x2f3: {  	s0 =	simm.s32 $0xF218  }
0x2f4: {  	v0 =	vld.msk [tilespmem:s0+$0x0], $0x1;
	_ =	sdelay $0x4  }
0x2f5: {  	(v2sf) =	vpush v0, $0x0;
	_ =	sdelay $0xe  }
0x2f6: {  	s0 =	sadd.s32 $0xFFFFFFFF, s2;
	s5 =	spop (v2sf)  }
0x2f7: {  	p2 =	sne.s32 s0, $0x0;
	p1 =	sgt.u32 s5, $0x270F0  }
.Ltmp48:
0x2f8: {  	s6 =	sand.u32 @!p1 $0x3FFF8, s5;
	(pc) =	sbr.rel @!p2 .LBB3_52-.Ltmp48, $4  }
0x2f9: {  	s4 =	simm.s32 $0xF238;
	s5 =	sand.u32 @!p1 $0x7, s5;
	s2 =	sadd.s32 @!p1 s1, s6  }
0x2fa: {  	[hbm4b:s2+s5] =	stream.linear.scatter @!p1 [tilespmem:s4], [sflag:$0x7], $0x80, $0x38;
	[tilespmem:$0x1F6F8] =	vst v63  }
0x2fb: {  	s5 =	simm.s32 $0x0  }
0x2fc: {  	s2 =	simm.s32 $0xF219;
	s5 =	simm.s32 @!p1 $0x200  }
.LBB3_51:
0x2fd: {  	v0 =	vld.msk [tilespmem:s2+$0x0], $0x1;
	s0 =	sadd.s32 $0xFFFFFFFF, s0;
	s3 =	sadd.s32 s3, s5  }
0x2fe: {  	p1 =	sne.s32 s0, $0x0;
	_ =	sdelay $0x3  }
0x2ff: {  	(v2sf) =	vpush v0, $0x0;
	_ =	sdelay $0xe  }
.Ltmp49:
0x300: {  	s6 =	spop (v2sf);
	(pc) =	sbr.rel @p1 .LBB3_51-.Ltmp49, $4  }
0x301: {  	s5 =	simm.s32 $0x0;
	p2 =	sgt.u32 s6, $0x270F0  }
0x302: {  	s4 =	sadd.s32 $0x80, s4;
	s5 =	simm.s32 @!p2 $0x200;
	s7 =	sand.u32 @!p2 $0x3FFF8, s6  }
0x303: {  	s2 =	sadd.s32 $0x1, s2;
	s6 =	sand.u32 @!p2 $0x7, s6;
	s7 =	sadd.s32 @!p2 s1, s7  }
0x304: {  	[hbm4b:s7+s6] =	stream.linear.scatter @!p2 [tilespmem:s4], [sflag:$0x7], $0x80, $0x38;
	[tilespmem:$0x1F6F8] =	vst v63  }
.LBB3_52:
0x305: {  	s0 =	sadd.s32 s3, s5  }
0x306: {  	s3 =	sshrl.u32 s0, $0x2  }
.LBB3_53:
0x307: {  	s0 =	simm.s32 $0x7  }
0x308: {  	_ =	swait.ge [sflag:s0], s3  }
0x309: {  	s1 =	ssub.s32 $0x0, s3;
	[sflag:s0] =	ssyncset.done $0x0  }
0x30a: {  	[sflag:s0] =	ssyncadd.s32 s1  }
0x30b: {  	[sflag:s0] =	ssyncpa.u1 $0x1  }
.LBB3_54:
0x30c: {  	_ =	sfence;
	s0 =	simm.s32 $0x1  }
0x30d: {  	[sflag:s0] =	ssyncpa.u1 $0x1  }
0x30e: {  	_ =	strace $0x90000050  }
0x30f: {  	[bflag:$0x2] =	sbarrier.arrive $0xFFFF  }
0x310: {  	s0 =	rddreg [dreg:$0x6]  }
0x311: {  	s0 =	sadd.s32 @!p0 $0x100000, s0  }
0x312: {  	[sflag:s0] =	ssyncadd.tile.s32 @!p0 $0x1;
	_ =	shalt  }
.Lfunc_end3:
_tile_overlayer_lowered:
.L_overlay_start_3:
0x313: {  	(tag) =	ssettag $0x3  }
0x314: {  	s0 =	rddreg [dreg:$0x0];
	s2 =	stileid.u32  }
0x315: {  	s1 =	rddreg [dreg:$0x1];
	p0 =	sne.s32 s2, $0x0  }
0x316: {  	s3 =	rddreg [dreg:$0x2];
	[bflag:$0x3] =	sbarrier.arrive $0xFFFF;
	s2 =	simm.s32 @!p0 $0x1C01  }
0x317: {  	[timem:s3], [sflag:s2] =	dma.local @!p0 [hbm:s0], s1  }
0x318: {  	s0 =	simm.s32 @!p0 $0x1  }
0x319: {  	_ =	swait.ge @!p0 [sflag:s0], s1  }
0x31a: {  	s1 =	ssub.s32 @!p0 $0x0, s1;
	[sflag:s0] =	ssyncset.done @!p0 $0x0  }
0x31b: {  	[sflag:s0] =	ssyncadd.s32 @!p0 s1  }
0x31c: {  	[bflag:$0x3] =	sbarrier.arrive $0xFFFF  }
0x31d: {  	_ =	shalt  }

// kernel: scatter_offload_async_start.2
scs
__scs_entry_jumppad:
0x0: {  	(pc) =	sbr.rel $0x88, $3  }
0x1: {  	(tag) =	ssettag $0x0;
	lr =	simm.s32 $0x1  }
0x2: {  	[smem:$0x3F9D] =	sst lr;
	_ =	strace $0xD0000000  }
0x3: {  	_ = 	snop  }
0x4: {  	_ = 	snop  }
0x5: {  	_ = 	snop  }
0x6: {  	_ = 	snop  }
0x7: {  	_ = 	snop  }
__scs_overlays_trampoline_lowered:
0x8: {  	[smem:$0x3FAC] =	sst s0  }
0x9: {  	[smem:$0x3FAD] =	sst s1  }
0xa: {  	[smem:$0x3FAE] =	sst s2  }
0xb: {  	[smem:$0x3FAF] =	sst s3  }
0xc: {  	[smem:$0x3FB0] =	sst s4  }
0xd: {  	[smem:$0x3FB1] =	sst s5  }
0xe: {  	[smem:$0x3FB2] =	sst s6  }
0xf: {  	[smem:$0x3FB3] =	sst s7  }
0x10: {  	[smem:$0x3FB4] =	sst s8  }
0x11: {  	[smem:$0x3FB5] =	sst s9;
	s0 =	simm.s32 @!p0 $0x0  }
0x12: {  	s1 =	sld [smem:$0x3F9B];
	s0 =	simm.s32 @p0 $0x1  }
0x13: {  	[smem:$0x3FB6] =	sst s0;
	s0 =	simm.s32 @!p1 $0x0  }
0x14: {  	s2 =	sld [smem:$0x3F9A];
	s0 =	simm.s32 @p1 $0x1  }
0x15: {  	[smem:$0x3FB7] =	sst s0;
	s0 =	simm.s32 @!p2 $0x0  }
0x16: {  	s3 =	sld [smem:$0x3FDB];
	s0 =	simm.s32 @p2 $0x1  }
0x17: {  	s4 =	simm.s32 $0x1BF5;
	[smem:$0x3FB9] =	sst s0  }
0x18: {  	s0 =	sld [smem:$0x3F9C];
	_ =	swait.ge [sflag:s4], $0x0  }
0x19: {  	s7 =	sld [smem:$0x3F9D]  }
0x1a: {  	s8 =	sadd.s32 $0xFFFFE003, lr  }
0x1b: {  	s9 =	sadd.s32 $0xFFFFFEF7, lr;
	s5 =	simm.s32 $0xFFFFFFFF;
	p2 =	slt.u32 s8, $0xFFFFF086  }
0x1c: {  	p1 =	slt.u32 s9, $0xF7A;
	s5 =	simm.s32 @!p2 $0x0  }
0x1d: {  	s5 =	simm.s32 @p1 $0x1;
	p0 =	seq.s32 s7, s2  }
0x1e: {  	s7 =	smul.u32 @!p0 $0xF7A, s2;
	p2 =	seq.s32 @!p0 s5, $0x0  }
0x1f: {  	s9 =	smul.u32 $0xF7A, s1;
	s8 =	simm.s32 @!p0 $0x1BF5;
	p2 =	por !p2, p0  }
0x20: {  	[sflag:s8] =	ssyncset.s32 @!p0 $0xFFFFF086;
	s6 =	sadd.s32 @!p0 s3, s7;
	s7 =	simm.s32 @!p0 $0x108  }
0x21: {  	s3 =	sadd.s32 s3, s9;
	s6 =	sadd.s32 @!p0 $0x88, s6;
	s7 =	simm.s32 @p2 $0x1082  }
0x22: {  	[simem:s7], [sflag:s8] =	dma.local @!p0 [hbm:s6], $0xF7A  }
0x23: {  	s9 =	sor.u32 $0xD0000000, s2;
	s6 =	simm.s32 $0x108;
	_ =	swait.ge @!p0 [sflag:s8], $0x0  }
0x24: {  	s3 =	sadd.s32 $0x88, s3;
	s6 =	simm.s32 @!p1 $0x1082;
	[sflag:s4] =	ssyncset.s32 $0xFFFFF086  }
0x25: {  	[simem:s6], [sflag:s4] =	dma.local [hbm:s3], $0xF7A  }
0x26: {  	[smem:$0x3F9D] =	sst s1;
	(tag) =	ssettag s2;
	_ =	strace s9  }
0x27: {  	s1 =	sld [smem:$0x3FAD]  }
0x28: {  	s2 =	sld [smem:$0x3FAE]  }
0x29: {  	s4 =	sld [smem:$0x3FB0]  }
0x2a: {  	p0 =	seq.s32 s5, $0x0;
	s5 =	sld [smem:$0x3FB1]  }
0x2b: {  	s6 =	sld [smem:$0x3FB2]  }
0x2c: {  	s7 =	sld [smem:$0x3FB3]  }
0x2d: {  	s3 =	simm.s32 $0x108;
	s8 =	sld [smem:$0x3FB4]  }
0x2e: {  	s3 =	simm.s32 @!p0 $0x1082;
	s9 =	sld [smem:$0x3FB5]  }
0x2f: {  	lr =	sadd.s32 s0, s3;
	s0 =	sld [smem:$0x3FAC]  }
0x30: {  	s3 =	sld [smem:$0x3FAF]  }
0x31: {  	[smem:$0x3FB8] =	sst s10  }
0x32: {  	s10 =	sld [smem:$0x3FB6];
	_ =	sdelay $0x3  }
0x33: {  	p0 =	seq.s32 s10, $0x1;
	s10 =	sld [smem:$0x3FB8];
	_ =	sdelay $0x3  }
0x34: {  	[smem:$0x3FB8] =	sst s10  }
0x35: {  	s10 =	sld [smem:$0x3FB7];
	_ =	sdelay $0x3  }
0x36: {  	p1 =	seq.s32 s10, $0x1;
	s10 =	sld [smem:$0x3FB8];
	_ =	sdelay $0x3  }
0x37: {  	[smem:$0x3FB8] =	sst s10  }
0x38: {  	s10 =	sld [smem:$0x3FB9]  }
0x39: {  	_ = 	snop;
	(pc) =	sbr.ind lr, $3  }
0x3a: {  	_ = 	snop  }
0x3b: {  	_ = 	snop  }
0x3c: {  	p2 =	seq.s32 s10, $0x1;
	s10 =	sld [smem:$0x3FB8]  }
0x3d: {  	_ =	shalt  }
0x3e: {  	_ =	shalt  }
0x3f: {  	_ =	shalt  }
0x40: {  	_ =	shalt  }
0x41: {  	_ =	shalt  }
0x42: {  	_ =	shalt  }
0x43: {  	_ =	shalt  }
0x44: {  	_ =	shalt  }
0x45: {  	_ =	shalt  }
0x46: {  	_ =	shalt  }
0x47: {  	_ =	shalt  }
0x48: {  	_ =	shalt  }
0x49: {  	_ =	shalt  }
0x4a: {  	_ =	shalt  }
0x4b: {  	_ =	shalt  }
0x4c: {  	_ =	shalt  }
0x4d: {  	_ =	shalt  }
0x4e: {  	_ =	shalt  }
0x4f: {  	_ =	shalt  }
0x50: {  	_ =	shalt  }
0x51: {  	_ =	shalt  }
0x52: {  	_ =	shalt  }
0x53: {  	_ =	shalt  }
0x54: {  	_ =	shalt  }
0x55: {  	_ =	shalt  }
0x56: {  	_ =	shalt  }
0x57: {  	_ =	shalt  }
0x58: {  	_ =	shalt  }
0x59: {  	_ =	shalt  }
0x5a: {  	_ =	shalt  }
0x5b: {  	_ =	shalt  }
0x5c: {  	_ =	shalt  }
0x5d: {  	_ =	shalt  }
0x5e: {  	_ =	shalt  }
0x5f: {  	_ =	shalt  }
0x60: {  	_ =	shalt  }
0x61: {  	_ =	shalt  }
0x62: {  	_ =	shalt  }
0x63: {  	_ =	shalt  }
0x64: {  	_ =	shalt  }
0x65: {  	_ =	shalt  }
0x66: {  	_ =	shalt  }
0x67: {  	_ =	shalt  }
0x68: {  	_ =	shalt  }
0x69: {  	_ =	shalt  }
0x6a: {  	_ =	shalt  }
0x6b: {  	_ =	shalt  }
0x6c: {  	_ =	shalt  }
0x6d: {  	_ =	shalt  }
0x6e: {  	_ =	shalt  }
0x6f: {  	_ =	shalt  }
0x70: {  	_ =	shalt  }
0x71: {  	_ =	shalt  }
0x72: {  	_ =	shalt  }
0x73: {  	_ =	shalt  }
0x74: {  	_ =	shalt  }
0x75: {  	_ =	shalt  }
0x76: {  	_ =	shalt  }
0x77: {  	_ =	shalt  }
0x78: {  	_ =	shalt  }
0x79: {  	_ =	shalt  }
0x7a: {  	_ =	shalt  }
0x7b: {  	_ =	shalt  }
0x7c: {  	_ =	shalt  }
0x7d: {  	_ =	shalt  }
0x7e: {  	_ =	shalt  }
0x7f: {  	_ =	shalt  }
0x80: {  	_ =	shalt  }
0x81: {  	_ =	shalt  }
0x82: {  	_ =	shalt  }
0x83: {  	_ =	shalt  }
0x84: {  	_ =	shalt  }
0x85: {  	_ =	shalt  }
0x86: {  	_ =	shalt  }
0x87: {  	_ =	shalt  }
.Lfunc_end0:
.L_simem_size_0:
called_computation.2_lowered:
.L_overlay_start_0:
0x88: {  	s2 =	sld [smem:$0x3FD9]  }
0x89: {  	s3 =	sld [smem:$0x3FFE];
	_ =	sdelay $0x1  }
0x8a: {  	s1 =	srdreg.scid  }
0x8b: {  	s0 =	sand.u32 $0x1, s1  }
0x8c: {  	s13 =	sshll.u32 s0, $0xA;
	s2 =	sadd.s32 s3, s2  }
0x8d: {  	s2 =	sadd.s32 s2, s13  }
0x8e: {  	[smem:$0x3FC4] =	sst s2  }
0x8f: {  	_ = 	snop  }
0x90: {  	s2 =	sld [smem:$0x3FD0];
	_ =	sdelay $0x2  }
0x91: {  	s14 =	simm.s32 $0xD;
	s4 =	simm.s32 $0x10  }
0x92: {  	[smem:s4], [sflag:s14] =	dma.local [hbm:s2], $0x1  }
0x93: {  	_ =	swait.eq [sflag:s14], $0x1  }
0x94: {  	s15 =	sld [smem:$0x11];
	[sflag:s14] =	ssyncset.done $0x0  }
0x95: {  	s16 =	sld [smem:$0x13];
	[sflag:s14] =	ssyncadd.s32 $0xFFFFFFFF  }
0x96: {  	s17 =	sld [smem:$0x14];
	(tm) =	ssettm $0x1  }
0x97: {  	s5 =	sld [smem:$0x3FFB];
	_ =	sdelay $0x3  }
0x98: {  	_ =	strace s5  }
0x99: {  	s5 =	sld [smem:$0x3FFC];
	_ =	sdelay $0x3  }
0x9a: {  	_ =	strace s5  }
0x9b: {  	s5 =	sld [smem:$0x3FFD];
	_ =	sdelay $0x3  }
0x9c: {  	_ =	strace s5  }
0x9d: {  	_ =	strace $0x8FFFFFFF  }
0x9e: {  	s18 =	sld [smem:$0x3FDB];
	_ =	sdelay $0x1  }
0x9f: {  	s6 =	simm.s32 $_scs_section_size  }
0xa0: {  	s7 =	simm.s32 $_size__tile_overlayer_lowered;
	s8 =	simm.s32 $_tile_overlayer_lowered  }
0xa1: {  	s21 =	simm.s32 $0x1BFF;
	s20 =	sshll.u32 s8, $0x1;
	s5 =	sadd.s32 s6, s18  }
0xa2: {  	s9 =	simm.s32 $0x0;
	s19 =	sshll.u32 s7, $0x1;
	s7 =	sadd.s32 s20, s5  }
0xa3: {  	[timem:s9], [sflag:s21] =	dma.local [hbm:s7], s19  }
0xa4: {  	_ =	swait.ge [sflag:s21], s19  }
0xa5: {  	s6 =	ssub.s32 $0x0, s19;
	[sflag:s21] =	ssyncset.done $0x0  }
0xa6: {  	[sflag:s21] =	ssyncadd.s32 s6;
	_ =	sdelay $0x1  }
0xa7: {  	s22 =	simm.s32 $0x1B8B  }
0xa8: {  	_ =	swait.ge [sflag:s22], $0x1  }
0xa9: {  	[sflag:s22] =	ssyncset.done $0x0  }
0xaa: {  	s23 =	sld [smem:$0x3FFE];
	[sflag:s22] =	ssyncadd.s32 $0xFFFFFFFF  }
0xab: {  	s25 =	simm.s32 $0x1B8E;
	s24 =	sld [smem:$0x0]  }
0xac: {  	s26 =	simm.s32 $execute0_lowered;
	[smem:$0x3FD2] =	sst s25  }
0xad: {  	s8 =	sshll.u32 s26, $0x1;
	_ =	strace $0x80000052;
	[dreg:$0x1] =	wrdreg $0xFFFFFFFF  }
0xae: {  	s28 =	simm.s32 $_size_execute0_lowered;
	s5 =	sadd.s32 s5, s8;
	[dreg:$0x0] =	wrdreg $0x0  }
0xaf: {  	s8 =	sshll.u32 s28, $0x1;
	[dreg:$0x2] =	wrdreg s5  }
0xb0: {  	[dreg:$0x3] =	wrdreg s8  }
0xb1: {  	[dreg:$0x4] =	wrdreg $0xC0  }
0xb2: {  	_ =	task [dreg:s9], $0x5FFFF  }
0xb3: {  	[dreg:$0x1] =	wrdreg $0xFFFFFFFF  }
0xb4: {  	[dreg:$0x0] =	wrdreg $0x60  }
0xb5: {  	[dreg:$0x2] =	wrdreg s16  }
0xb6: {  	[dreg:$0x3] =	wrdreg s15  }
0xb7: {  	[dreg:$0x4] =	wrdreg s23  }
0xb8: {  	[dreg:$0x5] =	wrdreg s17  }
0xb9: {  	[dreg:$0x6] =	wrdreg s1  }
0xba: {  	[dreg:$0x7] =	wrdreg s24  }
0xbb: {  	[dreg:$0x8] =	wrdreg $0x9  }
0xbc: {  	_ =	task.clear_ibuf [dreg:s9], $0x9FFFF;
	_ =	strace $0x90000052  }
0xbd: {  	s29 =	simm.s32 $0x9;
	_ =	strace $0x80000054  }
0xbe: {  	_ =	swait.ge [sflag:s29], $0x1  }
0xbf: {  	[sflag:s29] =	ssyncadd.s32 $0xFFFFFFFF  }
0xc0: {  	_ =	strace $0x90000054  }
0xc1: {  	_ =	sfence  }
0xc2: {  	s30 =	sld [smem:$0x0];
	_ =	sdelay $0x2  }
0xc3: {  	s31 =	sshll.u32 s1, $0xD;
	s1 =	sshrl.u32 s1, $0x2  }
0xc4: {  	s3 =	sand.u32 $0x4000, s31;
	s1 =	sadd.s32 s1, s30  }
0xc5: {  	s0 =	sor.u32 s3, s0;
	s1 =	sshll.u32 s1, $0x11  }
0xc6: {  	s0 =	sor.u32 s1, s0  }
0xc7: {  	s0 =	sadd.s32 $0x8F2B, s0  }
0xc8: {  	[sflag:s0] =	ssyncadd.remote.s32 $0x1  }
0xc9: {  	_ =	sfence.sel $0xFFFF  }
0xca: {  	[dreg:$0x0] =	wrdreg $0xFFFFFFFF;
	(pc) =	sbr.abs _section_cstart, $3  }
0xcb: {  	[dreg:$0x1] =	wrdreg $0xFFFFFFFF  }
0xcc: {  	_ =	task.clear_ibuf [dreg:s9], $0x2FFFF;
	_ =	strace $0x9FFFFFFF  }
0xcd: {  	(tm) =	ssettm $0x7FFFFFFF  }
tec
execute0_lowered:
.L_overlay_start_1:
0x0: {  	(tag) =	ssettag $0x1  }
0x1: {  	s1 =	rddreg [dreg:$0x0]  }
0x2: {  	s15 =	rddreg [dreg:$0x1]  }
0x3: {  	s2 =	rddreg [dreg:$0x2]  }
0x4: {  	s14 =	rddreg [dreg:$0x3]  }
0x5: {  	s3 =	rddreg [dreg:$0x4];
	_ =	strace $0x80000053;
	s0 =	simm.s32 $0x1  }
0x6: {  	v0 =	vimm.s32 $0x0;
	[sflag:s0] =	ssyncpa.u1 $0x0;
	s0 =	simm.s32 $0x108  }
0x7: {  	[tilespmem:s0+$0x70] =	vst v0  }
0x8: {  	[tilespmem:s0+$0x60] =	vst v0  }
0x9: {  	[tilespmem:s0+$0x50] =	vst v0  }
0xa: {  	[tilespmem:s0+$0x40] =	vst v0  }
0xb: {  	[tilespmem:s0+$0x30] =	vst v0  }
0xc: {  	[tilespmem:s0+$0x20] =	vst v0  }
0xd: {  	s6 =	sadd.s32 $0x3C400, s2;
	s5 =	sand.u32 $0x1, s3;
	s3 =	simm.s32 $0x40;
	[tilespmem:s0+$0x10] =	vst v0  }
.LBB2_1:
0xe: {  	s3 =	sadd.s32 $0x40, s3;
	[tilespmem:s0+$0x0] =	vst v0;
	s0 =	sadd.s32 $0x80, s0  }
0xf: {  	p0 =	slt.u32 s3, $0x3C40;
	[tilespmem:s0+$0x70] =	vst v0  }
0x10: {  	[tilespmem:s0+$0x60] =	vst v0  }
.Ltmp0:
0x11: {  	[tilespmem:s0+$0x50] =	vst v0;
	(pc) =	sbr.rel @p0 .LBB2_1-.Ltmp0, $4  }
0x12: {  	[tilespmem:s0+$0x40] =	vst v0  }
0x13: {  	[tilespmem:s0+$0x30] =	vst v0  }
0x14: {  	[tilespmem:s0+$0x20] =	vst v0  }
0x15: {  	[tilespmem:s0+$0x10] =	vst v0  }
0x16: {  	s9 =	stileid.u32  }
0x17: {  	s2 =	smul.u32 $0x14, s9  }
0x18: {  	s3 =	smin.u32 s9, $0xE  }
0x19: {  	s2 =	sadd.s32 s3, s2  }
0x1a: {  	p0 =	slt.u32 s9, $0xE;
	s7 =	smul.u32 $0xF0, s2;
	s2 =	simm.s32 $0x13B0  }
0x1b: {  	s2 =	simm.s32 @!p0 $0x12C0  }
0x1c: {  	s2 =	sadd.s32 s2, s7  }
0x1d: {  	s8 =	smin.u32 s2, $0x13880  }
0x1e: {  	s2 =	ssub.s32 s8, s7  }
0x1f: {  	p0 =	sgt.s32 s2, $0x0  }
0x20: {  	s29 =	simm.s32 $0x2;
	s10 =	simm.s32 $0x9;
	s2 =	simm.s32 @!p0 $0x0  }
0x21: {  	s4 =	simm.s32 $0xA;
	s11 =	simm.s32 $0xB;
	s28 =	smulhi.u32 $0x88888889, s2  }
0x22: {  	[dreg:$0x7] =	wrdreg s5;
	s31 =	smul.u32 $0x2710, s5;
	s12 =	simm.s32 $0x1  }
0x23: {  	s22 =	simm.s32 $0x0;
	s18 =	simm.s32 $0xC;
	s30 =	sshrl.u32 s28, $0x7  }
0x24: {  	s20 =	simm.s32 $0x0;
	s21 =	simm.s32 $0x0;
	s3 =	smul.u32 $0xF0, s30  }
.Ltmp1:
0x25: {  	[tilespmem:s0+$0x0] =	vst v0;
	v0 =	vimm.s32 $0xFFFFFFFF;
	[sflag:s29] =	ssyncpa.u1 $0x0;
	s16 =	sshll.u32 s9, $0x8;
	(pc) =	sbr.rel .LBB2_3-.Ltmp1, $4  }
0x26: {  	[tilespmem:$0xF208] =	vst v0;
	[sflag:s10] =	ssyncpa.u1 $0x0;
	p0 =	sne.s32 s2, s3;
	s2 =	simm.s32 $0x1  }
0x27: {  	s14 =	sadd.s32 s31, s14;
	[sflag:s4] =	ssyncpa.u1 $0x0;
	s2 =	simm.s32 @!p0 $0x0  }
0x28: {  	s15 =	sadd.s32 s31, s15;
	[sflag:s11] =	ssyncpa.u1 $0x0;
	s13 =	sadd.s32 s2, s30  }
0x29: {  	v0 =	vlaneseq.u32;
	s19 =	smov.u32 s7;
	p0 =	por $0x0, $0x0;
	s17 =	sadd.s32 $0x1, s13  }
.LBB2_18:
0x2a: {  	s0 =	sshrl.u32 s31, $0x2  }
.LBB2_20:
0x2b: {  	_ =	swait.ge [sflag:s18], s0  }
0x2c: {  	s31 =	ssub.s32 $0x0, s0;
	v1 =	vmov s24;
	vm0 =	veq.s32 v0, $0x0;
	[sflag:s18] =	ssyncset.done $0x0  }
0x2d: {  	vm15 =	veq.s32 v0, $0x2;
	v1 =	vsel vm0, s30, v1;
	[sflag:s18] =	ssyncadd.s32 s31  }
0x2e: {  	v1 =	vsel vm15, s22, v1;
	[sflag:s18] =	ssyncpa.u1 $0x1  }
0x2f: {  	[tilespmem:$0xF208] =	vst v1  }
.LBB2_21:
0x30: {  	s0 =	sadd.s32 $0xF0, s19  }
0x31: {  	s2 =	smov.u32 s7;
	p1 =	slt.s32 s0, s8  }
0x32: {  	s2 =	smov.u32 @p1 s0;
	p1 =	sne.s32 s21, s17  }
.Ltmp2:
0x33: {  	_ = 	snop;
	(pc) =	sbr.rel @!p1 .LBB2_22-.Ltmp2, $3  }
0x34: {  	_ =	sdelay $0x1  }
0x35: {  	s22 =	smov.u32 s20;
	s31 =	sadd.s32 $0x1, s21;
	s20 =	smov.u32 s19  }
0x36: {  	p0 =	por !p0, !p0;
	s21 =	smov.u32 s31;
	s19 =	smov.u32 s2  }
.LBB2_3:
0x37: {  	p1 =	sge.u32 s21, s13  }
0x38: {  	s0 =	smulhi.u32 @!p1 $0xAAAAAAAB, s21  }
0x39: {  	s2 =	smov.u32 s19;
	p2 =	sgt.s32 @!p1 s19, $0x13790  }
0x3a: {  	s3 =	sshra.s32 @!p1 s19, $0x1F;
	p2 =	por !p2, p1;
	s0 =	sshrl.u32 @!p1 s0, $0x1  }
0x3b: {  	s3 =	sand.u32 @!p1 s3, s19;
	s2 =	simm.s32 @p2 $0x13790;
	s0 =	smul.u32 @!p1 $0x3, s0  }
0x3c: {  	s2 =	ssub.s32 @!p1 s2, s3  }
0x3d: {  	s2 =	sadd.s32 @!p1 $0xFFFEC870, s2;
	s0 =	ssub.s32 @!p1 s21, s0  }
0x3e: {  	s3 =	sshll.u32 @!p1 s2, $0x2;
	p2 =	sgt.s32 @!p1 s2, $0xEF;
	s0 =	smul.u32 @!p1 $0x3C0, s0  }
0x3f: {  	s4 =	sand.u32 @!p1 $0x7, s19;
	s2 =	ssub.s32 @!p1 $0x3C0, s3;
	p2 =	por !p2, p1  }
0x40: {  	s3 =	sshrl.u32 @!p1 s19, $0x3;
	s2 =	sshrl.u32 @!p1 s2, $0x2;
	s0 =	sshrl.u32 @!p1 s0, $0x2  }
0x41: {  	s3 =	sadd.s32 @!p1 s3, s14;
	s2 =	simm.s32 @!p2 $0x0;
	s0 =	sadd.s32 @!p1 $0x10248, s0  }
0x42: {  	[tilespmem:s0], [sflag:$0xA] =	stream.linear.gather @!p1 [hbm4b:s3+s4], s2, $0x38;
	[tilespmem:$0x1F6F8] =	vst v63  }
0x43: {  	s0 =	sadd.s32 $0xFFFFFFFF, s21  }
0x44: {  	p1 =	sge.u32 s0, s13  }
0x45: {  	p2 =	sgt.s32 @!p1 s20, $0x13790  }
0x46: {  	s2 =	smov.u32 s20;
	s3 =	sshra.s32 @!p1 s20, $0x1F;
	p2 =	por !p2, p1  }
0x47: {  	s3 =	sand.u32 @!p1 s3, s20;
	s2 =	simm.s32 @p2 $0x13790  }
0x48: {  	s2 =	ssub.s32 @!p1 s2, s3  }
0x49: {  	s2 =	sadd.s32 @!p1 $0xFFFEC870, s2  }
0x4a: {  	s4 =	sand.u32 @!p1 $0x1, s0;
	s3 =	sshll.u32 @!p1 s2, $0x2  }
0x4b: {  	p2 =	sgt.s32 @!p1 s2, $0xEF;
	s2 =	ssub.s32 @!p1 $0x3C0, s3;
	s3 =	smulhi.u32 @!p1 $0xAAAAAAAB, s0  }
0x4c: {  	s23 =	smul.u32 @!p1 $0x3C0, s4;
	p2 =	por !p2, p1;
	s2 =	sshrl.u32 @!p1 s2, $0x2  }
0x4d: {  	s5 =	simm.s32 @!p1 $0xA;
	s2 =	simm.s32 @!p2 $0x0;
	s3 =	sshrl.u32 @!p1 s3, $0x1  }
0x4e: {  	s23 =	sshrl.u32 @!p1 s23, $0x2;
	_ =	swait.ge @!p1 [sflag:s5], s2;
	s3 =	smul.u32 @!p1 $0x3, s3  }
0x4f: {  	s23 =	sadd.s32 @!p1 $0x10518, s23;
	s24 =	ssub.s32 @!p1 $0x0, s2;
	[sflag:s5] =	ssyncset.done @!p1 $0x0  }
0x50: {  	[sflag:s5] =	ssyncadd.s32 @!p1 s24;
	s5 =	sshrl.u32 @!p1 s20, $0x3;
	s0 =	ssub.s32 @!p1 s0, s3  }
0x51: {  	s24 =	sand.u32 @!p1 $0x7, s20;
	s5 =	sadd.s32 @!p1 s5, s15;
	s0 =	smul.u32 @!p1 $0x3C0, s0  }
0x52: {  	[tilespmem:s23], [sflag:$0xB] =	stream.linear.gather @!p1 [hbm4b:s5+s24], s2, $0x38;
	[tilespmem:$0x1F6F8] =	vst v63  }
0x53: {  	s3 =	ssub.s32 @!p1 $0x13880, s20;
	s2 =	smul.u32 @!p1 $0x1E000, s4  }
0x54: {  	p2 =	slt.s32 @!p1 s3, $0xF0  }
0x55: {  	p2 =	por !p2, p1;
	s0 =	sshrl.u32 @!p1 s0, $0x2;
	s2 =	sshrl.u32 @!p1 s2, $0x2  }
0x56: {  	s3 =	simm.s32 @p2 $0xF0;
	s0 =	sadd.s32 @!p1 $0x10248, s0;
	s2 =	sor.u32 @!p1 $0x106F8, s2  }
0x57: {  	[tilespmem:s2], [sflag:$0x9] =	stream.indirect.gather @!p1 [hbm4b:s6+s3], $0x80, s0, s3, $0xb8;
	[tilespmem:$0x1F6F8] =	vst v63  }
0x58: {  	p1 =	slt.u32 s21, $0x2  }
.Ltmp3:
0x59: {  	_ = 	snop;
	(pc) =	sbr.rel @p1 .LBB2_21-.Ltmp3, $1  }
0x5a: {  	_ =	sdelay $0x3  }
0x5b: {  	p1 =	sgt.s32 s22, $0x13790  }
0x5c: {  	s0 =	smov.u32 s22;
	s2 =	sshra.s32 s22, $0x1F;
	s3 =	ssub.s32 $0x13880, s22  }
0x5d: {  	s0 =	simm.s32 @!p1 $0x13790;
	s2 =	sand.u32 s2, s22;
	p1 =	slt.s32 s3, $0xF0  }
0x5e: {  	s0 =	ssub.s32 s0, s2;
	s3 =	simm.s32 @!p1 $0xF0  }
0x5f: {  	s0 =	sadd.s32 $0xFFFEC870, s0;
	s25 =	sshll.u32 s3, $0x7  }
0x60: {  	s26 =	sshll.u32 s0, $0x2;
	s2 =	sand.u32 $0x3FFFFF80, s25  }
0x61: {  	p1 =	sgt.s32 s0, $0xEF;
	s29 =	ssub.s32 $0x3C0, s26;
	_ =	swait.ge [sflag:s10], s2  }
0x62: {  	s2 =	ssub.s32 $0x0, s2;
	[sflag:s10] =	ssyncset.done $0x0;
	s0 =	sshrl.u32 s29, $0x2  }
0x63: {  	[sflag:s10] =	ssyncadd.s32 s2;
	s0 =	simm.s32 @p1 $0x0  }
0x64: {  	_ =	swait.ge [sflag:s11], s0  }
0x65: {  	s0 =	ssub.s32 $0x0, s0;
	[sflag:s11] =	ssyncset.done $0x0  }
0x66: {  	[sflag:s11] =	ssyncadd.s32 s0  }
0x67: {  	v1 =	vld [tilespmem:$0xF208];
	_ =	sdelay $0x4  }
0x68: {  	(v2sf) =	vpush v1, $0x0  }
0x69: {  	(v2sf) =	vpush v1, $0x1  }
0x6a: {  	(v2sf) =	vpush v1, $0x2;
	_ =	sdelay $0x3  }
0x6b: {  	s0 =	sadd.s32 $0xF0, s22  }
0x6c: {  	s2 =	ssub.s32 $0x27100, s22;
	p1 =	slt.s32 s8, s0  }
0x6d: {  	s0 =	smov.u32 @p1 s8;
	p1 =	sgt.s32 s2, $0x0  }
0x6e: {  	s26 =	ssub.s32 s0, s22;
	s2 =	simm.s32 @!p1 $0x0  }
0x6f: {  	p1 =	slt.s32 s2, s26  }
0x70: {  	s26 =	smov.u32 @p1 s2  }
0x71: {  	s25 =	simm.s32 $0x1;
	p1 =	slt.s32 s26, $0x1  }
.Ltmp4:
0x72: {  	s25 =	simm.s32 @!p0 $0x0;
	(pc) =	sbr.rel @p1 .LBB2_8-.Ltmp4, $4  }
0x73: {  	s31 =	smul.u32 $0x3C0, s25  }
0x74: {  	s28 =	spop (v2sf)  }
0x75: {  	s0 =	sshrl.u32 s31, $0x2;
	s30 =	spop (v2sf)  }
0x76: {  	s23 =	sadd.s32 $0x10518, s0;
	s22 =	spop (v2sf)  }
0x77: {  	s0 =	smin.u32 s26, $0x10  }
0x78: {  	v1 =	vmov s0  }
0x79: {  	p2 =	sgt.s32 s26, $0x10;
	vm1 =	vgt.u32 v1, v0  }
.Ltmp5:
0x7a: {  	_ = 	snop;
	(pc) =	sbr.rel @!p2 .LBB2_7-.Ltmp5, $2  }
0x7b: {  	_ =	sdelay $0x2  }
0x7c: {  	s4 =	simm.s32 $0x10;
	s24 =	sadd.s32 $0xFFFFFFF0, s26;
	s0 =	smov.u32 s23;
	vm0 =	vmmov vm1  }
.LBB2_6:
0x7d: {  	s2 =	smin.u32 s24, $0x10;
	s4 =	sadd.s32 $0x10, s4;
	v1 =	vld.msk [tilespmem:s0+$0x0 ss:$0x1], vm1  }
0x7e: {  	v2 =	vmov s2;
	p2 =	slt.s32 s4, s26  }
0x7f: {  	vm1 =	vgt.u32 v2, v0  }
.Ltmp6:
0x80: {  	(pc) =	sbr.rel @p2 .LBB2_6-.Ltmp6, $3  }
0x81: {  	_ =	sdelay $0x1  }
0x82: {  	v1 =	vshll.u32 v1, $0x4  }
0x83: {  	s24 =	sadd.s32 $0xFFFFFFF0, s24;
	[tilespmem:s0+$0x0] =	vst.msk vm0, v1;
	s0 =	sadd.s32 $0x10, s0;
	vm0 =	vmmov vm1  }
.LBB2_7:
0x84: {  	_ =	sdelay $0x4  }
0x85: {  	v1 =	vld.msk [tilespmem:s0+$0x0 ss:$0x1], vm1;
	_ =	sdelay $0x4  }
0x86: {  	v1 =	vshll.u32 v1, $0x4  }
0x87: {  	[tilespmem:s0+$0x0] =	vst.msk vm0, v1  }
.LBB2_8:
0x88: {  	s0 =	sand.u32 $0x1, s21  }
0x89: {  	s0 =	smul.u32 $0xF0, s0  }
0x8a: {  	p2 =	sne.s32 s30, $0xFFFFFFFF  }
0x8b: {  	v1 =	vld.msk @!p2 [tilespmem:s0+$0x10518], $0x1;
	_ =	sdelay $0x4  }
0x8c: {  	(v2sf) =	vpush @!p2 v1, $0x0;
	_ =	sdelay $0xc  }
.Ltmp7:
0x8d: {  	_ = 	snop;
	(pc) =	sbr.rel @p1 .LBB2_19-.Ltmp7, $4  }
0x8e: {  	_ = 	snop  }
0x8f: {  	s29 =	spop @!p2 (v2sf)  }
0x90: {  	s22 =	simm.s32 @!p2 $0x0;
	s24 =	smov.u32 s29  }
0x91: {  	[sflag:s18] =	ssyncpa.u1 $0x0;
	s29 =	smov.u32 @p2 s28;
	s24 =	smov.u32 @p2 s30  }
0x92: {  	v1 =	vld.msk [tilespmem:s23+$0x0], $0x1;
	_ =	sdelay $0x4  }
0x93: {  	(v2sf) =	vpush v1, $0x0;
	_ =	sdelay $0xe  }
0x94: {  	s2 =	smul.u32 $0x1E000, s25;
	s0 =	spop (v2sf)  }
0x95: {  	s26 =	ssub.s32 $0x0, s26;
	p1 =	seq.s32 s29, s0  }
0x96: {  	s30 =	sadd.s32 $0x1, s26;
	s2 =	sshrl.u32 s2, $0x2;
	p2 =	sgt.s32 @!p1 s29, $0x0  }
0x97: {  	s25 =	sor.u32 $0x10738, s2;
	s2 =	smov.u32 s29;
	p2 =	por !p2, p1  }
0x98: {  	s2 =	simm.s32 @p2 $0x0;
	p2 =	seq.s32 s30, $0x0  }
.Ltmp8:
0x99: {  	_ = 	snop;
	(pc) =	sbr.rel @p2 .LBB2_11-.Ltmp8, $4  }
0x9a: {  	_ = 	snop  }
0x9b: {  	s28 =	simm.s32 $0x0;
	s31 =	sadd.s32 $0x1, s23;
	s2 =	smin.u32 @!p1 s2, $0x270F0  }
0x9c: {  	s4 =	simm.s32 @!p1 $0x1;
	s5 =	simm.s32 @!p1 $0x7988;
	s3 =	sand.u32 @!p1 $0x3FFF8, s2  }
0x9d: {  	s4 =	smov.u32 @p1 s28;
	s2 =	sand.u32 @!p1 $0x7, s2;
	s3 =	sadd.s32 @!p1 s1, s3  }
.LBB2_10:
0x9e: {  	s9 =	smov.u32 s4  }
0x9f: {  	[tilespmem:s5], [sflag:$0x2] =	stream.linear.gather @!p1 [hbm4b:s3+s2], $0x80, $0x38;
	[tilespmem:$0x1F6F8] =	vst v63  }
0xa0: {  	s30 =	sadd.s32 $0x1, s30;
	s2 =	smov.u32 s0;
	v1 =	vld.msk [tilespmem:s31+$0x0], $0x1  }
0xa1: {  	p2 =	seq.s32 s30, $0x0;
	_ =	sdelay $0x3  }
0xa2: {  	(v2sf) =	vpush v1, $0x0;
	_ =	sdelay $0xe  }
0xa3: {  	s0 =	spop (v2sf)  }
0xa4: {  	p1 =	seq.s32 s2, s0  }
0xa5: {  	p3 =	sgt.s32 @!p1 s2, $0x0;
	s3 =	sshll.u32 @!p1 s4, $0x9;
	s4 =	sadd.s32 @!p1 $0x1, s4  }
.Ltmp9:
0xa6: {  	p3 =	por !p3, p1;
	s3 =	sshra.s32 @!p1 s3, $0x2;
	(pc) =	sbr.rel @!p2 .LBB2_10-.Ltmp9, $4  }
0xa7: {  	s4 =	smov.u32 @p1 s9;
	s2 =	simm.s32 @p3 $0x0;
	s5 =	sadd.s32 @!p1 $0x7988, s3  }
0xa8: {  	s2 =	smin.u32 @!p1 s2, $0x270F0  }
0xa9: {  	s3 =	sand.u32 @!p1 $0x3FFF8, s2;
	s2 =	sand.u32 @!p1 $0x7, s2  }
0xaa: {  	s31 =	sadd.s32 $0x1, s31;
	s3 =	sadd.s32 @!p1 s1, s3  }
.LBB2_11:
0xab: {  	[tilespmem:s5], [sflag:$0x2] =	stream.linear.gather @!p1 [hbm4b:s3+s2], $0x80, $0x38;
	[tilespmem:$0x1F6F8] =	vst v63  }
.Ltmp10:
0xac: {  	s0 =	sshll.u32 s4, $0x7;
	(pc) =	sbr.rel .LBB2_12-.Ltmp10, $4  }
0xad: {  	s30 =	simm.s32 $0x2;
	s0 =	sand.u32 $0x3FFFFF80, s0  }
0xae: {  	_ =	swait.ge [sflag:s30], s0  }
0xaf: {  	s0 =	ssub.s32 $0x0, s0;
	[sflag:s30] =	ssyncset.done $0x0  }
0xb0: {  	s31 =	simm.s32 $0x0;
	[sflag:s30] =	ssyncadd.s32 s0  }
.LBB2_13:
0xb1: {  	v1 =	vld [tilespmem:s25+$0xFFFFFFC0];
	_ =	sdelay $0x3  }
0xb2: {  	s0 =	sshra.s32 s0, $0x2  }
0xb3: {  	[tilespmem:s0+$0x108] =	vst.add.f32.msk $0xffff, v1  }
0xb4: {  	v1 =	vld [tilespmem:s25+$0xFFFFFFD0];
	_ =	sdelay $0x4  }
0xb5: {  	[tilespmem:s0+$0x118] =	vst.add.f32.msk $0xffff, v1  }
0xb6: {  	v1 =	vld [tilespmem:s25+$0xFFFFFFE0];
	_ =	sdelay $0x4  }
0xb7: {  	[tilespmem:s0+$0x128] =	vst.add.f32.msk $0xffff, v1  }
0xb8: {  	v1 =	vld [tilespmem:s25+$0xFFFFFFF0];
	_ =	sdelay $0x4  }
0xb9: {  	[tilespmem:s0+$0x138] =	vst.add.f32.msk $0xffff, v1  }
0xba: {  	v1 =	vld [tilespmem:s25+$0x0];
	_ =	sdelay $0x4  }
0xbb: {  	[tilespmem:s0+$0x148] =	vst.add.f32.msk $0xffff, v1  }
0xbc: {  	v1 =	vld [tilespmem:s25+$0x10];
	_ =	sdelay $0x4  }
0xbd: {  	[tilespmem:s0+$0x158] =	vst.add.f32.msk $0xffff, v1  }
0xbe: {  	v1 =	vld [tilespmem:s25+$0x20];
	_ =	sdelay $0x4  }
0xbf: {  	[tilespmem:s0+$0x168] =	vst.add.f32.msk $0xffff, v1  }
0xc0: {  	v1 =	vld [tilespmem:s25+$0x30];
	_ =	sdelay $0x4  }
0xc1: {  	[tilespmem:s0+$0x178] =	vst.add.f32.msk $0xffff, v1  }
.LBB2_17:
0xc2: {  	s26 =	sadd.s32 $0x1, s26  }
0xc3: {  	p1 =	seq.s32 s26, $0x0  }
.Ltmp11:
0xc4: {  	_ = 	snop;
	(pc) =	sbr.rel @p1 .LBB2_18-.Ltmp11, $2  }
0xc5: {  	_ =	sdelay $0x2  }
0xc6: {  	s23 =	sadd.s32 $0x1, s23;
	s25 =	sadd.s32 $0x80, s25;
	s29 =	smov.u32 s30  }
.LBB2_12:
0xc7: {  	v1 =	vld.msk [tilespmem:s23+$0x0], $0x1;
	_ =	sdelay $0x4  }
0xc8: {  	(v2sf) =	vpush v1, $0x0;
	_ =	sdelay $0xe  }
0xc9: {  	s30 =	spop (v2sf)  }
0xca: {  	p1 =	sne.s32 s29, s30  }
.Ltmp12:
0xcb: {  	_ = 	snop;
	(pc) =	sbr.rel @!p1 .LBB2_13-.Ltmp12, $2  }
0xcc: {  	_ =	sdelay $0x2  }
0xcd: {  	s0 =	sshll.u32 s22, $0x9  }
0xce: {  	p1 =	seq.s32 s29, s24  }
.Ltmp13:
0xcf: {  	_ = 	snop;
	(pc) =	sbr.rel @!p1 .LBB2_15-.Ltmp13, $1  }
0xd0: {  	_ =	sdelay $0x3  }
0xd1: {  	s0 =	sshra.s32 s0, $0x2  }
.Ltmp14:
0xd2: {  	s0 =	sadd.s32 $0x108, s0;
	(pc) =	sbr.rel .LBB2_16-.Ltmp14, $4  }
0xd3: {  	[spmem:s16] =	stream.linear.scatter [tilespmem:s0], [sflag:$0x1], $0x80, $0x38;
	[tilespmem:$0x1F6F8] =	vst v63  }
0xd4: {  	_ =	swait.ge [sflag:s12], $0x80  }
0xd5: {  	[sflag:s12] =	ssyncset.done $0x0  }
0xd6: {  	[sflag:s12] =	ssyncadd.s32 $0xFFFFFF80  }
.LBB2_15:
0xd7: {  	s2 =	sshll.u32 s28, $0x9  }
0xd8: {  	s2 =	sshra.s32 s2, $0x2  }
0xd9: {  	v1 =	vld [tilespmem:s2+$0x7988];
	_ =	sdelay $0x3  }
0xda: {  	s0 =	sshra.s32 s0, $0x2  }
0xdb: {  	[tilespmem:s0+$0x108] =	vst.add.f32.msk $0xffff, v1  }
0xdc: {  	v1 =	vld [tilespmem:s2+$0x7998];
	_ =	sdelay $0x4  }
0xdd: {  	[tilespmem:s0+$0x118] =	vst.add.f32.msk $0xffff, v1  }
0xde: {  	v1 =	vld [tilespmem:s2+$0x79A8];
	_ =	sdelay $0x4  }
0xdf: {  	[tilespmem:s0+$0x128] =	vst.add.f32.msk $0xffff, v1  }
0xe0: {  	v1 =	vld [tilespmem:s2+$0x79B8];
	_ =	sdelay $0x4  }
0xe1: {  	[tilespmem:s0+$0x138] =	vst.add.f32.msk $0xffff, v1  }
0xe2: {  	v1 =	vld [tilespmem:s2+$0x79C8];
	_ =	sdelay $0x4  }
0xe3: {  	[tilespmem:s0+$0x148] =	vst.add.f32.msk $0xffff, v1  }
0xe4: {  	v1 =	vld [tilespmem:s2+$0x79D8];
	_ =	sdelay $0x4  }
0xe5: {  	[tilespmem:s0+$0x158] =	vst.add.f32.msk $0xffff, v1  }
0xe6: {  	v1 =	vld [tilespmem:s2+$0x79E8];
	_ =	sdelay $0x4  }
0xe7: {  	[tilespmem:s0+$0x168] =	vst.add.f32.msk $0xffff, v1  }
0xe8: {  	v1 =	vld [tilespmem:s2+$0x79F8];
	_ =	sdelay $0x2  }
0xe9: {  	p1 =	sgt.u32 s29, $0x270F0  }
0xea: {  	s2 =	sand.u32 @!p1 $0x3FFF8, s29  }
0xeb: {  	s3 =	sadd.s32 $0x108, s0;
	[tilespmem:s0+$0x178] =	vst.add.f32.msk $0xffff, v1;
	s0 =	sadd.s32 @!p1 s1, s2;
	s2 =	sand.u32 @!p1 $0x7, s29  }
0xec: {  	[hbm4b:s0+s2] =	stream.linear.scatter @!p1 [tilespmem:s3], [sflag:$0xC], $0x80, $0x38;
	[tilespmem:$0x1F6F8] =	vst v63  }
0xed: {  	s0 =	simm.s32 $0x0  }
0xee: {  	s0 =	simm.s32 @!p1 $0x200  }
0xef: {  	s31 =	sadd.s32 s0, s31  }
.LBB2_16:
0xf0: {  	s0 =	sadd.s32 $0x1, s22  }
0xf1: {  	s2 =	smulhi.u32 $0x88888889, s0;
	_ =	sdelay $0x1  }
0xf2: {  	v1 =	vld [tilespmem:s25+$0xFFFFFFC0];
	s2 =	sshrl.u32 s2, $0x7  }
0xf3: {  	s2 =	smul.u32 $0xF0, s2;
	_ =	sdelay $0x1  }
0xf4: {  	s22 =	ssub.s32 s0, s2  }
0xf5: {  	s0 =	sshll.u32 s22, $0x7  }
0xf6: {  	[tilespmem:s0+$0x108] =	vst v1  }
0xf7: {  	v1 =	vld [tilespmem:s25+$0xFFFFFFD0];
	_ =	sdelay $0x4  }
0xf8: {  	[tilespmem:s0+$0x118] =	vst v1  }
0xf9: {  	v1 =	vld [tilespmem:s25+$0xFFFFFFE0];
	_ =	sdelay $0x4  }
0xfa: {  	[tilespmem:s0+$0x128] =	vst v1  }
0xfb: {  	v1 =	vld [tilespmem:s25+$0xFFFFFFF0];
	_ =	sdelay $0x4  }
0xfc: {  	[tilespmem:s0+$0x138] =	vst v1  }
0xfd: {  	v1 =	vld [tilespmem:s25+$0x0];
	_ =	sdelay $0x4  }
0xfe: {  	[tilespmem:s0+$0x148] =	vst v1  }
0xff: {  	v1 =	vld [tilespmem:s25+$0x10];
	_ =	sdelay $0x4  }
0x100: {  	[tilespmem:s0+$0x158] =	vst v1  }
0x101: {  	v1 =	vld [tilespmem:s25+$0x20];
	_ =	sdelay $0x4  }
0x102: {  	[tilespmem:s0+$0x168] =	vst v1  }
0x103: {  	v1 =	vld [tilespmem:s25+$0x30]  }
.Ltmp15:
0x104: {  	_ = 	snop;
	(pc) =	sbr.rel .LBB2_17-.Ltmp15, $2  }
0x105: {  	_ =	sdelay $0x2  }
0x106: {  	s28 =	sadd.s32 $0x1, s28;
	[tilespmem:s0+$0x178] =	vst v1  }
.LBB2_19:
.Ltmp16:
0x107: {  	(pc) =	sbr.rel .LBB2_20-.Ltmp16, $4  }
0x108: {  	_ = 	snop  }
0x109: {  	s0 =	simm.s32 $0x2  }
0x10a: {  	_ =	swait.ge [sflag:s0], $0x0  }
0x10b: {  	s30 =	smov.u32 s29;
	[sflag:s0] =	ssyncset.done $0x0;
	s0 =	simm.s32 $0x0  }
.LBB2_22:
0x10c: {  	_ =	sfence.sel $0x180000  }
0x10d: {  	s0 =	simm.s32 $0x9;
	[bflag:$0x0] =	sbarrier.arrive $0xFFFF  }
0x10e: {  	s24 =	simm.s32 $0xA;
	[sflag:s0] =	ssyncpa.u1 $0x1  }
0x10f: {  	s25 =	simm.s32 $0xB;
	[sflag:s24] =	ssyncpa.u1 $0x1  }
0x110: {  	s26 =	simm.s32 $0x2;
	[sflag:s25] =	ssyncpa.u1 $0x1  }
0x111: {  	[sflag:s26] =	ssyncpa.u1 $0x1  }
0x112: {  	v0 =	vld [tilespmem:$0xF208];
	_ =	sdelay $0x4  }
0x113: {  	(v2sf) =	vpush v0, $0x0  }
0x114: {  	(v2sf) =	vpush v0, $0x1;
	_ =	sdelay $0x1  }
0x115: {  	(v2sf) =	vpush v0, $0x2;
	_ =	sdelay $0xb  }
0x116: {  	s0 =	spop (v2sf)  }
0x117: {  	s2 =	spop (v2sf)  }
0x118: {  	s3 =	smov.u32 s0;
	p0 =	sne.s32 s0, s2  }
0x119: {  	s4 =	spop (v2sf);
	s3 =	simm.s32 @!p0 $0xFFFFFFFF  }
0x11a: {  	v2 =	vimm.s32 $0x1;
	v3 =	vlaneseq.u32;
	p0 =	seq.s32 s4, $0xFFFFFFFF;
	v1 =	vmov s3  }
0x11b: {  	s16 =	stileid.u32;
	v0 =	vperm.xlane v0, v2;
	p1 =	sne.s32 @!p0 s0, s2;
	v1 =	vperm.xlane v1, v3  }
0x11c: {  	vm0 =	vcmask $0x3F04;
	s6 =	simm.s32 $0xF208;
	s0 =	simm.s32 @!p0 $0x1;
	p1 =	por !p1, p0  }
0x11d: {  	s3 =	sshll.u32 s16, $0x1;
	s2 =	sshll.u32 @!p0 s4, $0x9;
	s0 =	simm.s32 @p1 $0x0;
	v0 =	vsel vm0, v1, v0  }
0x11e: {  	s5 =	sor.u32 $0x1000, s3;
	s2 =	sshra.s32 @!p0 s2, $0x2;
	s0 =	sor.u32 @!p0 s0, s3;
	[tilespmem:$0xF208] =	vst v0  }
0x11f: {  	[spmem:s5] =	stream.linear.scatter [tilespmem:s6], [sflag:$0x1], $0x2, $0x38;
	[tilespmem:$0x1F6F8] =	vst v63  }
0x120: {  	s2 =	sadd.s32 @!p0 $0x108, s2;
	s0 =	sshll.u32 @!p0 s0, $0x7  }
0x121: {  	[spmem:s0] =	stream.linear.scatter @!p0 [tilespmem:s2], [sflag:$0x1], $0x80, $0x38;
	[tilespmem:$0x1F6F8] =	vst v63  }
0x122: {  	s0 =	simm.s32 @!p0 $0x82  }
0x123: {  	s28 =	simm.s32 $0x1;
	s0 =	simm.s32 @p0 $0x2  }
0x124: {  	_ =	swait.ge [sflag:s28], s0  }
0x125: {  	s0 =	ssub.s32 $0x0, s0;
	[sflag:s28] =	ssyncset.done $0x0  }
0x126: {  	p0 =	sne.s32 s16, $0x0;
	[sflag:s28] =	ssyncadd.s32 s0  }
.Ltmp17:
0x127: {  	_ =	sfence.stream.spmem;
	(pc) =	sbr.rel @p0 .LBB2_39-.Ltmp17, $4  }
0x128: {  	s29 =	simm.s32 $0x3;
	[bflag:$0x0] =	sbarrier.arrive $0xFFFF  }
0x129: {  	s30 =	simm.s32 $0x4;
	[sflag:s29] =	ssyncpa.u1 $0x1  }
0x12a: {  	s31 =	simm.s32 $0x3C;
	[sflag:s30] =	ssyncpa.u1 $0x1  }
0x12b: {  	s15 =	rddreg [dreg:$0x7];
	[sflag:s31] =	ssyncpa.u1 $0x1  }
0x12c: {  	_ =	sfence.stream.spmem;
	s0 =	simm.s32 $0x5  }
0x12d: {  	s2 =	simm.s32 $0x1000;
	s3 =	simm.s32 $0xF218;
	[sflag:s0] =	ssyncpa.u1 $0x0  }
0x12e: {  	[tilespmem:s3], [sflag:$0x5] =	stream.linear.gather [spmem:s2], $0x20, $0x38;
	[tilespmem:$0x1F6F8] =	vst v63  }
0x12f: {  	s26 =	simm.s32 $0x0;
	s28 =	simm.s32 $0xF238  }
0x130: {  	[tilespmem:s28], [sflag:$0x5] =	stream.linear.gather [spmem:s26], $0x1000, $0x38;
	[tilespmem:$0x1F6F8] =	vst v63  }
0x131: {  	_ =	swait.ge [sflag:s0], $0x1020  }
0x132: {  	[sflag:s0] =	ssyncset.done $0x0  }
0x133: {  	s29 =	simm.s32 $0x0;
	[sflag:s0] =	ssyncadd.s32 $0xFFFFEFE0  }
0x134: {  	v0 =	vld.msk [tilespmem:s29+$0xF218], $0x1;
	_ =	sdelay $0x1  }
0x135: {  	s30 =	simm.s32 $0x1  }
0x136: {  	v1 =	vld.msk [tilespmem:s30+$0xF218], $0x1;
	_ =	sdelay $0x1  }
0x137: {  	(v2sf) =	vpush v0, $0x0;
	_ =	sdelay $0x2  }
0x138: {  	(v2sf) =	vpush v1, $0x0;
	_ =	sdelay $0x2  }
0x139: {  	s31 =	simm.s32 $0x2  }
0x13a: {  	v0 =	vld.msk [tilespmem:s31+$0xF218], $0x1;
	_ =	sdelay $0x2  }
0x13b: {  	s4 =	simm.s32 $0xFFFFFFFF;
	s5 =	simm.s32 $0xFFFFFFFF;
	s0 =	simm.s32 $0xC  }
.LBB2_24:
0x13c: {  	s2 =	smov.u32 s5;
	s3 =	smov.u32 s4  }
0x13d: {  	s4 =	sshra.s32 s0, $0x2;
	p1 =	sne.s32 s0, $0x7C;
	s0 =	sadd.s32 $0x4, s0;
	(v2sf) =	vpush v0, $0x0  }
0x13e: {  	v0 =	vld.msk [tilespmem:s4+$0xF218], $0x1  }
.Ltmp18:
0x13f: {  	(pc) =	sbr.rel @p1 .LBB2_24-.Ltmp18, $4  }
0x140: {  	s5 =	spop (v2sf)  }
0x141: {  	p2 =	sne.s32 s3, $0xFFFFFFFF;
	s4 =	smov.u32 s5  }
0x142: {  	p3 =	seq.s32 s5, $0xFFFFFFFF;
	s4 =	smov.u32 @p2 s3  }
0x143: {  	s5 =	smov.u32 @p3 s2;
	s4 =	smov.u32 @p3 s3  }
0x144: {  	(v2sf) =	vpush v0, $0x0;
	_ =	sdelay $0x8  }
0x145: {  	s0 =	spop (v2sf)  }
0x146: {  	p1 =	sne.s32 s4, $0xFFFFFFFF;
	s2 =	smov.u32 s0  }
0x147: {  	s9 =	simm.s32 $0x6;
	p2 =	seq.s32 s0, $0xFFFFFFFF;
	s2 =	smov.u32 @p1 s4  }
0x148: {  	s6 =	simm.s32 $0x0;
	s2 =	smov.u32 @p2 s4;
	s3 =	spop (v2sf)  }
0x149: {  	s0 =	smov.u32 @p2 s5;
	p1 =	sne.s32 s2, $0xFFFFFFFF;
	s4 =	smov.u32 s3  }
.Ltmp19:
0x14a: {  	p2 =	seq.s32 s3, $0xFFFFFFFF;
	s4 =	smov.u32 @p1 s2;
	(pc) =	sbr.rel .LBB2_26-.Ltmp19, $4  }
0x14b: {  	s10 =	simm.s32 $0xF188;
	s4 =	smov.u32 @p2 s2;
	s7 =	spop (v2sf)  }
0x14c: {  	s11 =	simm.s32 $0x0;
	p1 =	sne.s32 s4, $0xFFFFFFFF;
	s8 =	smov.u32 s7  }
0x14d: {  	s3 =	smov.u32 @p2 s0;
	p2 =	seq.s32 s7, $0xFFFFFFFF;
	s8 =	smov.u32 @p1 s4  }
0x14e: {  	[sflag:s9] =	ssyncpa.u1 $0x0;
	s7 =	smov.u32 @p2 s3;
	s8 =	smov.u32 @p2 s4  }
.LBB2_32:
0x14f: {  	p1 =	sgt.u32 s12, $0x270F0  }
0x150: {  	p2 =	seq.s32 @!p1 s12, s8  }
0x151: {  	p1 =	por p1, p2  }
0x152: {  	p2 =	sne.s32 @!p1 s12, s7  }
0x153: {  	p1 =	por p1, !p2  }
0x154: {  	s0 =	sshll.u32 @p1 s11, $0x9  }
0x155: {  	s0 =	sand.u32 @!p1 $0x3FFF8, s12  }
0x156: {  	s2 =	sand.u32 @!p1 $0x7, s12;
	s0 =	sadd.s32 @!p1 s1, s0  }
0x157: {  	[tilespmem:s10], [sflag:$0x6] =	stream.linear.gather @!p1 [hbm4b:s0+s2], $0x80, $0x38;
	[tilespmem:$0x1F6F8] =	vst v63  }
0x158: {  	_ =	swait.ge @!p1 [sflag:s9], $0x80  }
0x159: {  	[sflag:s9] =	ssyncset.done @!p1 $0x0  }
0x15a: {  	[sflag:s9] =	ssyncadd.s32 @!p1 $0xFFFFFF80  }
0x15b: {  	v1 =	vld @!p1 [tilespmem:$0xF188];
	_ =	sdelay $0x2  }
0x15c: {  	s0 =	sshll.u32 @!p1 s11, $0x9  }
0x15d: {  	s2 =	sshrl.u32 @!p1 s0, $0x2  }
0x15e: {  	[tilespmem:s2+$0xF238] =	vst.add.f32.msk @!p1 $0xffff, v1  }
0x15f: {  	v1 =	vld @!p1 [tilespmem:$0xF198];
	_ =	sdelay $0x4  }
0x160: {  	[tilespmem:s2+$0xF248] =	vst.add.f32.msk @!p1 $0xffff, v1  }
0x161: {  	v1 =	vld @!p1 [tilespmem:$0xF1A8];
	_ =	sdelay $0x4  }
0x162: {  	[tilespmem:s2+$0xF258] =	vst.add.f32.msk @!p1 $0xffff, v1  }
0x163: {  	v1 =	vld @!p1 [tilespmem:$0xF1B8];
	_ =	sdelay $0x4  }
0x164: {  	[tilespmem:s2+$0xF268] =	vst.add.f32.msk @!p1 $0xffff, v1  }
0x165: {  	v1 =	vld @!p1 [tilespmem:$0xF1C8];
	_ =	sdelay $0x4  }
0x166: {  	[tilespmem:s2+$0xF278] =	vst.add.f32.msk @!p1 $0xffff, v1  }
0x167: {  	v1 =	vld @!p1 [tilespmem:$0xF1D8];
	_ =	sdelay $0x4  }
0x168: {  	[tilespmem:s2+$0xF288] =	vst.add.f32.msk @!p1 $0xffff, v1  }
0x169: {  	v1 =	vld @!p1 [tilespmem:$0xF1E8];
	_ =	sdelay $0x4  }
0x16a: {  	[tilespmem:s2+$0xF298] =	vst.add.f32.msk @!p1 $0xffff, v1  }
0x16b: {  	v1 =	vld @!p1 [tilespmem:$0xF1F8];
	_ =	sdelay $0x4  }
0x16c: {  	[tilespmem:s2+$0xF2A8] =	vst.add.f32.msk @!p1 $0xffff, v1  }
0x16d: {  	s0 =	sshrl.u32 s0, $0x2;
	[tilespmem:s6+$0xF218] =	vst.msk $0x1, v0  }
0x16e: {  	v0 =	vld [tilespmem:s0+$0xF238];
	_ =	sdelay $0x2  }
0x16f: {  	s31 =	sshll.u32 s6, $0x9  }
0x170: {  	s2 =	sshra.s32 s31, $0x2  }
0x171: {  	[tilespmem:s2+$0xF238] =	vst v0  }
0x172: {  	v0 =	vld [tilespmem:s0+$0xF248];
	_ =	sdelay $0x4  }
0x173: {  	[tilespmem:s2+$0xF248] =	vst v0  }
0x174: {  	v0 =	vld [tilespmem:s0+$0xF258];
	_ =	sdelay $0x4  }
0x175: {  	[tilespmem:s2+$0xF258] =	vst v0  }
0x176: {  	v0 =	vld [tilespmem:s0+$0xF268];
	_ =	sdelay $0x4  }
0x177: {  	[tilespmem:s2+$0xF268] =	vst v0  }
0x178: {  	v0 =	vld [tilespmem:s0+$0xF278];
	_ =	sdelay $0x4  }
0x179: {  	[tilespmem:s2+$0xF278] =	vst v0  }
0x17a: {  	v0 =	vld [tilespmem:s0+$0xF288];
	_ =	sdelay $0x4  }
0x17b: {  	[tilespmem:s2+$0xF288] =	vst v0  }
0x17c: {  	v0 =	vld [tilespmem:s0+$0xF298];
	_ =	sdelay $0x4  }
0x17d: {  	[tilespmem:s2+$0xF298] =	vst v0  }
0x17e: {  	v0 =	vld [tilespmem:s0+$0xF2A8];
	_ =	sdelay $0x4  }
0x17f: {  	s6 =	sadd.s32 $0x1, s6;
	[tilespmem:s2+$0xF2A8] =	vst v0  }
.LBB2_33:
0x180: {  	s11 =	sadd.s32 $0x1, s11  }
0x181: {  	p1 =	sne.s32 s11, $0x20  }
.Ltmp20:
0x182: {  	_ = 	snop;
	(pc) =	sbr.rel @!p1 .LBB2_34-.Ltmp20, $1  }
0x183: {  	_ =	sdelay $0x3  }
.LBB2_26:
0x184: {  	v0 =	vld.msk [tilespmem:s11+$0xF218], $0x1;
	_ =	sdelay $0x4  }
0x185: {  	(v2sf) =	vpush v0, $0x0;
	_ =	sdelay $0xe  }
0x186: {  	s12 =	spop (v2sf)  }
0x187: {  	p1 =	seq.s32 s12, $0xFFFFFFFF  }
.Ltmp21:
0x188: {  	_ = 	snop;
	(pc) =	sbr.rel @p1 .LBB2_33-.Ltmp21, $1  }
0x189: {  	_ =	sdelay $0x3  }
0x18a: {  	p1 =	slt.s32 s6, $0x1  }
.Ltmp22:
0x18b: {  	_ = 	snop;
	(pc) =	sbr.rel @p1 .LBB2_32-.Ltmp22, $1  }
0x18c: {  	_ =	sdelay $0x3  }
0x18d: {  	s13 =	simm.s32 $0xF218;
	p1 =	por $0x0, $0x0  }
0x18e: {  	v1 =	vld.msk @!p1 [tilespmem:s13+$0x0], $0x1;
	_ =	sdelay $0x4  }
0x18f: {  	(v2sf) =	vpush @!p1 v1, $0x0;
	_ =	sdelay $0xd  }
0x190: {  	p3 =	sne.s32 s6, $0x1  }
.Ltmp23:
0x191: {  	s0 =	spop @!p1 (v2sf);
	(pc) =	sbr.rel @!p3 .LBB2_30-.Ltmp23, $4  }
0x192: {  	p2 =	seq.s32 @!p1 s12, s0  }
0x193: {  	s14 =	simm.s32 $0x0;
	p2 =	por !p2, p1  }
0x194: {  	s2 =	simm.s32 $0xFFFFFFFF;
	s14 =	simm.s32 @p2 $0xFFFFFFFF  }
0x195: {  	s0 =	simm.s32 $0x1;
	s14 =	smov.u32 @p1 s2  }
.LBB2_29:
0x196: {  	s2 =	smov.u32 s14;
	p1 =	sne.s32 s14, $0xFFFFFFFF  }
0x197: {  	s13 =	sadd.s32 $0x1, s13;
	s14 =	smov.u32 s0;
	s0 =	sadd.s32 $0x1, s0  }
0x198: {  	p2 =	sne.s32 s6, s0;
	v1 =	vld.msk @!p1 [tilespmem:s13+$0x0], $0x1;
	_ =	sdelay $0x4  }
0x199: {  	(v2sf) =	vpush @!p1 v1, $0x0;
	_ =	sdelay $0xe  }
.Ltmp24:
0x19a: {  	s3 =	spop @!p1 (v2sf);
	(pc) =	sbr.rel @p2 .LBB2_29-.Ltmp24, $4  }
0x19b: {  	p3 =	seq.s32 @!p1 s12, s3  }
0x19c: {  	p3 =	por !p3, p1  }
0x19d: {  	s14 =	simm.s32 @p3 $0xFFFFFFFF  }
0x19e: {  	s14 =	smov.u32 @p1 s2  }
.LBB2_30:
0x19f: {  	p1 =	seq.s32 s14, $0xFFFFFFFF  }
.Ltmp25:
0x1a0: {  	_ = 	snop;
	(pc) =	sbr.rel @p1 .LBB2_32-.Ltmp25, $1  }
0x1a1: {  	_ =	sdelay $0x3  }
0x1a2: {  	s0 =	sshll.u32 s11, $0x7  }
0x1a3: {  	s0 =	sand.u32 $0x3FFFFF80, s0  }
0x1a4: {  	v0 =	vld [tilespmem:s0+$0xF238];
	_ =	sdelay $0x2  }
0x1a5: {  	s2 =	sshll.u32 s14, $0x9  }
0x1a6: {  	s2 =	sshra.s32 s2, $0x2  }
0x1a7: {  	[tilespmem:s2+$0xF238] =	vst.add.f32.msk $0xffff, v0  }
0x1a8: {  	v0 =	vld [tilespmem:s0+$0xF248];
	_ =	sdelay $0x4  }
0x1a9: {  	[tilespmem:s2+$0xF248] =	vst.add.f32.msk $0xffff, v0  }
0x1aa: {  	v0 =	vld [tilespmem:s0+$0xF258];
	_ =	sdelay $0x4  }
0x1ab: {  	[tilespmem:s2+$0xF258] =	vst.add.f32.msk $0xffff, v0  }
0x1ac: {  	v0 =	vld [tilespmem:s0+$0xF268];
	_ =	sdelay $0x4  }
0x1ad: {  	[tilespmem:s2+$0xF268] =	vst.add.f32.msk $0xffff, v0  }
0x1ae: {  	v0 =	vld [tilespmem:s0+$0xF278];
	_ =	sdelay $0x4  }
0x1af: {  	[tilespmem:s2+$0xF278] =	vst.add.f32.msk $0xffff, v0  }
0x1b0: {  	v0 =	vld [tilespmem:s0+$0xF288];
	_ =	sdelay $0x4  }
0x1b1: {  	[tilespmem:s2+$0xF288] =	vst.add.f32.msk $0xffff, v0  }
0x1b2: {  	v0 =	vld [tilespmem:s0+$0xF298];
	_ =	sdelay $0x4  }
0x1b3: {  	[tilespmem:s2+$0xF298] =	vst.add.f32.msk $0xffff, v0  }
0x1b4: {  	v0 =	vld [tilespmem:s0+$0xF2A8]  }
.Ltmp26:
0x1b5: {  	_ = 	snop;
	(pc) =	sbr.rel .LBB2_33-.Ltmp26, $2  }
0x1b6: {  	_ =	sdelay $0x2  }
0x1b7: {  	[tilespmem:s2+$0xF2A8] =	vst.add.f32.msk $0xffff, v0  }
.LBB2_34:
0x1b8: {  	s0 =	simm.s32 $0x6;
	p1 =	seq.s32 s6, $0x0  }
0x1b9: {  	[sflag:s0] =	ssyncpa.u1 $0x1;
	v0 =	vimm.s32 @p1 $0xFFFFFFFF  }
0x1ba: {  	s9 =	sadd.s32 $0xFFFFFFFF, s6;
	[tilespmem:$0x10238] =	vst @p1 v0  }
0x1bb: {  	v0 =	vld.msk @!p1 [tilespmem:s9+$0xF218], $0x1;
	_ =	sdelay $0x1  }
0x1bc: {  	v1 =	vld.msk @!p1 [tilespmem:$0xF218], $0x1;
	_ =	sdelay $0x2  }
0x1bd: {  	p2 =	seq.s32 @!p1 s9, $0x0;
	v0 =	vbroadcast @!p1 v0, $0x0  }
0x1be: {  	vm0 =	vmmov @!p1 $0x1;
	p2 =	por !p2, p1  }
0x1bf: {  	v1 =	vnsel @!p1 vm0, $0xFFFFFFFF, v1;
	vm0 =	vcmask @!p1 $0x308;
	v0 =	vpsel !p2, $0xFFFFFFFF, v0  }
0x1c0: {  	p2 =	sne.s32 @!p1 s8, s7;
	v0 =	vsel @!p1 vm0, v1, v0  }
0x1c1: {  	s0 =	simm.s32 @!p1 $0xF238;
	s2 =	simm.s32 @!p1 $0x0;
	p3 =	por !p2, p1;
	[tilespmem:$0x10238] =	vst @!p1 v0  }
0x1c2: {  	[spmem:s2] =	stream.linear.scatter @!p1 [tilespmem:s0], [sflag:$0x1], $0x80, $0x38;
	[tilespmem:$0x1F6F8] =	vst v63  }
0x1c3: {  	s0 =	sshll.u32 @!p3 s9, $0x9  }
0x1c4: {  	s0 =	sshra.s32 @!p3 s0, $0x2  }
0x1c5: {  	s2 =	simm.s32 @!p3 $0x80;
	s0 =	sadd.s32 @!p3 $0xF238, s0  }
0x1c6: {  	[spmem:s2] =	stream.linear.scatter @!p3 [tilespmem:s0], [sflag:$0x1], $0x80, $0x38;
	[tilespmem:$0x1F6F8] =	vst v63  }
0x1c7: {  	s0 =	simm.s32 @!p3 $0x1  }
0x1c8: {  	_ =	swait.ge @!p3 [sflag:s0], $0x100  }
0x1c9: {  	p1 =	por p2, p1;
	[sflag:s0] =	ssyncset.done @!p3 $0x0  }
0x1ca: {  	[sflag:s0] =	ssyncadd.s32 @!p3 $0xFFFFFF00;
	s0 =	simm.s32 @!p1 $0x1  }
0x1cb: {  	_ =	swait.ge @!p1 [sflag:s0], $0x80  }
0x1cc: {  	s29 =	simm.s32 $0x10238;
	[sflag:s0] =	ssyncset.done @!p1 $0x0  }
0x1cd: {  	s30 =	simm.s32 $0x1000;
	s31 =	simm.s32 $0x1;
	[sflag:s0] =	ssyncadd.s32 @!p1 $0xFFFFFF80  }
0x1ce: {  	[spmem:s30] =	stream.linear.scatter [tilespmem:s29], [sflag:$0x1], $0x10, $0x38;
	[tilespmem:$0x1F6F8] =	vst v63  }
0x1cf: {  	_ =	swait.ge [sflag:s31], $0x10  }
0x1d0: {  	[sflag:s31] =	ssyncset.done $0x0  }
0x1d1: {  	p1 =	seq.s32 s15, $0x0;
	s8 =	rddreg [dreg:$0x4];
	[sflag:s31] =	ssyncadd.s32 $0xFFFFFFF0  }
0x1d2: {  	s2 =	sshll.u32 @p1 s8, $0xE;
	s7 =	rddreg [dreg:$0x5]  }
0x1d3: {  	s0 =	sadd.s32 @p1 $0x15C3C, s2;
	s2 =	sshll.u32 @p1 s7, $0x11  }
0x1d4: {  	_ =	sfence.stream.spmem;
	s0 =	sor.u32 @p1 s2, s0  }
0x1d5: {  	[sflag:s0] =	ssyncadd.remote.s32 @p1 $0x1;
	s0 =	simm.s32 @p1 $0x4  }
0x1d6: {  	s3 =	simm.s32 @!p1 $0x3C;
	s2 =	sand.u32 $0xFFFFFFFE, s8;
	_ =	swait.ge @p1 [sflag:s0], $0x22  }
0x1d7: {  	s4 =	simm.s32 @!p1 $0x0;
	s2 =	sadd.s32 @!p1 $0x4, s2;
	[sflag:s0] =	ssyncset.done @p1 $0x0  }
0x1d8: {  	s5 =	simm.s32 @!p1 $0x100;
	[sflag:s0] =	ssyncadd.s32 @p1 $0xFFFFFFDE;
	s0 =	sshll.u32 @!p1 s2, $0x1A  }
0x1d9: {  	s2 =	sshll.u32 @!p1 s2, $0xD;
	s0 =	sor.u32 @!p1 s0, s7;
	_ =	swait.eq @!p1 [sflag:s3], $0x1  }
0x1da: {  	s2 =	sor.u32 @!p1 $0x1C04, s2;
	s3 =	simm.s32 @!p1 $0x1C03;
	s0 =	sor.u32 @!p1 $0x80004000, s0  }
0x1db: {  	[spmem:s5], [sflag:s2] =	dma.general @!p1 [spmem:s4], [sflag:s3], length:$0x20, [dreg:$0x0], stride_count:$0x0, ici_dest:s0, dma_misc:DstOpCode:WRITE  }
0x1dc: {  	p2 =	slt.s32 s9, $0x2;
	s4 =	simm.s32 @!p1 $0x200;
	s5 =	simm.s32 @!p1 $0x202  }
0x1dd: {  	[spmem:s5], [sflag:s2] =	dma.general @!p1 [spmem:s4], [sflag:s3], length:$0x2, [dreg:$0x0], stride_count:$0x0, ici_dest:s0, dma_misc:DstOpCode:WRITE  }
.Ltmp27:
0x1de: {  	s0 =	simm.s32 @!p1 $0x3;
	(pc) =	sbr.rel @p2 .LBB2_38-.Ltmp27, $4  }
0x1df: {  	s2 =	sshll.u32 @!p1 s8, $0xE;
	_ =	swait.ge @!p1 [sflag:s0], $0x22  }
0x1e0: {  	s3 =	sshll.u32 @!p1 s7, $0x11;
	s2 =	sadd.s32 @!p1 $0x11C3C, s2;
	[sflag:s0] =	ssyncset.done @!p1 $0x0  }
0x1e1: {  	[sflag:s0] =	ssyncadd.s32 @!p1 $0xFFFFFFDE;
	s0 =	sor.u32 @!p1 s3, s2  }
0x1e2: {  	[sflag:s0] =	ssyncadd.remote.s32 @!p1 $0xFFFFFFFF;
	s0 =	simm.s32 $0x0  }
0x1e3: {  	s0 =	simm.s32 $0xF219  }
0x1e4: {  	v0 =	vld.msk [tilespmem:s0+$0x0], $0x1;
	_ =	sdelay $0x4  }
0x1e5: {  	(v2sf) =	vpush v0, $0x0;
	_ =	sdelay $0xb  }
0x1e6: {  	s31 =	sadd.s32 $0xFFFFFFFE, s6  }
0x1e7: {  	s0 =	sadd.s32 $0xFFFFFFFF, s31  }
0x1e8: {  	p2 =	sne.s32 s0, $0x0  }
.Ltmp28:
0x1e9: {  	s2 =	spop (v2sf);
	(pc) =	sbr.rel @!p2 .LBB2_37-.Ltmp28, $4  }
0x1ea: {  	s4 =	simm.s32 $0xF2B8;
	s7 =	simm.s32 $0x0;
	p1 =	sgt.u32 s2, $0x270F0  }
0x1eb: {  	s5 =	simm.s32 $0x0;
	s6 =	simm.s32 $0xF21A;
	s3 =	sand.u32 @!p1 $0x3FFF8, s2  }
0x1ec: {  	s2 =	sand.u32 @!p1 $0x7, s2;
	s7 =	simm.s32 @!p1 $0x200;
	s3 =	sadd.s32 @!p1 s1, s3  }
0x1ed: {  	[hbm4b:s3+s2] =	stream.linear.scatter @!p1 [tilespmem:s4], [sflag:$0x5], $0x80, $0x38;
	[tilespmem:$0x1F6F8] =	vst v63  }
.LBB2_36:
0x1ee: {  	v0 =	vld.msk [tilespmem:s6+$0x0], $0x1;
	s0 =	sadd.s32 $0xFFFFFFFF, s0;
	s5 =	sadd.s32 s5, s7  }
0x1ef: {  	p1 =	sne.s32 s0, $0x0;
	_ =	sdelay $0x3  }
0x1f0: {  	(v2sf) =	vpush v0, $0x0;
	_ =	sdelay $0xe  }
.Ltmp29:
0x1f1: {  	s2 =	spop (v2sf);
	(pc) =	sbr.rel @p1 .LBB2_36-.Ltmp29, $4  }
0x1f2: {  	s7 =	simm.s32 $0x0;
	p2 =	sgt.u32 s2, $0x270F0  }
0x1f3: {  	s4 =	sadd.s32 $0x80, s4;
	s7 =	simm.s32 @!p2 $0x200;
	s3 =	sand.u32 @!p2 $0x3FFF8, s2  }
0x1f4: {  	s6 =	sadd.s32 $0x1, s6;
	s2 =	sand.u32 @!p2 $0x7, s2;
	s3 =	sadd.s32 @!p2 s1, s3  }
0x1f5: {  	[hbm4b:s3+s2] =	stream.linear.scatter @!p2 [tilespmem:s4], [sflag:$0x5], $0x80, $0x38;
	[tilespmem:$0x1F6F8] =	vst v63  }
.LBB2_37:
0x1f6: {  	s0 =	sadd.s32 s5, s7  }
0x1f7: {  	s0 =	sshrl.u32 s0, $0x2  }
.LBB2_38:
0x1f8: {  	s2 =	simm.s32 $0x5  }
0x1f9: {  	_ =	swait.ge [sflag:s2], s0  }
0x1fa: {  	s31 =	ssub.s32 $0x0, s0;
	[sflag:s2] =	ssyncset.done $0x0  }
0x1fb: {  	[sflag:s2] =	ssyncadd.s32 s31  }
0x1fc: {  	[sflag:s2] =	ssyncpa.u1 $0x1  }
.LBB2_39:
0x1fd: {  	s0 =	sor.u32 s15, s16  }
0x1fe: {  	p1 =	sne.s32 s0, $0x0  }
.Ltmp30:
0x1ff: {  	_ = 	snop;
	(pc) =	sbr.rel @p1 .LBB2_54-.Ltmp30, $3  }
0x200: {  	_ =	sdelay $0x1  }
0x201: {  	[bflag:$0x0] =	sbarrier.arrive $0xFFFF  }
0x202: {  	_ =	sfence  }
0x203: {  	s0 =	simm.s32 $0x7  }
0x204: {  	s2 =	simm.s32 $0x1000;
	s3 =	simm.s32 $0xF218;
	[sflag:s0] =	ssyncpa.u1 $0x0  }
0x205: {  	[tilespmem:s3], [sflag:$0x7] =	stream.linear.gather [spmem:s2], $0x20, $0x38;
	[tilespmem:$0x1F6F8] =	vst v63  }
0x206: {  	s30 =	simm.s32 $0xF238;
	s2 =	simm.s32 $0x0  }
0x207: {  	[tilespmem:s30], [sflag:$0x7] =	stream.linear.gather [spmem:s2], $0x1000, $0x38;
	[tilespmem:$0x1F6F8] =	vst v63  }
.Ltmp31:
0x208: {  	_ = 	snop;
	(pc) =	sbr.rel .LBB2_41-.Ltmp31, $4  }
0x209: {  	_ =	swait.ge [sflag:s0], $0x1020  }
0x20a: {  	[sflag:s0] =	ssyncset.done $0x0  }
0x20b: {  	s31 =	simm.s32 $0x8;
	[sflag:s0] =	ssyncadd.s32 $0xFFFFEFE0  }
0x20c: {  	s3 =	simm.s32 $0x0;
	[sflag:s31] =	ssyncpa.u1 $0x0  }
.LBB2_47:
0x20d: {  	p1 =	slt.u32 s4, $0x270F1  }
0x20e: {  	s0 =	sand.u32 @p1 $0x3FFF8, s4  }
0x20f: {  	s4 =	sand.u32 @p1 $0x7, s4;
	s5 =	simm.s32 @p1 $0xF188;
	s0 =	sadd.s32 @p1 s1, s0  }
0x210: {  	[tilespmem:s5], [sflag:$0x8] =	stream.linear.gather @p1 [hbm4b:s0+s4], $0x80, $0x38;
	[tilespmem:$0x1F6F8] =	vst v63  }
0x211: {  	s0 =	simm.s32 @p1 $0x8  }
0x212: {  	_ =	swait.ge @p1 [sflag:s0], $0x80  }
0x213: {  	[sflag:s0] =	ssyncset.done @p1 $0x0  }
0x214: {  	[sflag:s0] =	ssyncadd.s32 @p1 $0xFFFFFF80  }
0x215: {  	v1 =	vld @p1 [tilespmem:$0xF188];
	_ =	sdelay $0x2  }
0x216: {  	s0 =	sshll.u32 @p1 s3, $0x9  }
0x217: {  	s4 =	sshrl.u32 @p1 s0, $0x2  }
0x218: {  	[tilespmem:s4+$0xF238] =	vst.add.f32.msk @p1 $0xffff, v1  }
0x219: {  	v1 =	vld @p1 [tilespmem:$0xF198];
	_ =	sdelay $0x4  }
0x21a: {  	[tilespmem:s4+$0xF248] =	vst.add.f32.msk @p1 $0xffff, v1  }
0x21b: {  	v1 =	vld @p1 [tilespmem:$0xF1A8];
	_ =	sdelay $0x4  }
0x21c: {  	[tilespmem:s4+$0xF258] =	vst.add.f32.msk @p1 $0xffff, v1  }
0x21d: {  	v1 =	vld @p1 [tilespmem:$0xF1B8];
	_ =	sdelay $0x4  }
0x21e: {  	[tilespmem:s4+$0xF268] =	vst.add.f32.msk @p1 $0xffff, v1  }
0x21f: {  	v1 =	vld @p1 [tilespmem:$0xF1C8];
	_ =	sdelay $0x4  }
0x220: {  	[tilespmem:s4+$0xF278] =	vst.add.f32.msk @p1 $0xffff, v1  }
0x221: {  	v1 =	vld @p1 [tilespmem:$0xF1D8];
	_ =	sdelay $0x4  }
0x222: {  	[tilespmem:s4+$0xF288] =	vst.add.f32.msk @p1 $0xffff, v1  }
0x223: {  	v1 =	vld @p1 [tilespmem:$0xF1E8];
	_ =	sdelay $0x4  }
0x224: {  	[tilespmem:s4+$0xF298] =	vst.add.f32.msk @p1 $0xffff, v1  }
0x225: {  	v1 =	vld @p1 [tilespmem:$0xF1F8];
	_ =	sdelay $0x3  }
0x226: {  	s5 =	sshll.u32 @!p1 s3, $0x9  }
0x227: {  	s5 =	smov.u32 @p1 s0;
	[tilespmem:s4+$0xF2A8] =	vst.add.f32.msk @p1 $0xffff, v1  }
0x228: {  	s0 =	sshrl.u32 s5, $0x2;
	[tilespmem:s2+$0xF218] =	vst.msk $0x1, v0  }
0x229: {  	v0 =	vld [tilespmem:s0+$0xF238];
	_ =	sdelay $0x2  }
0x22a: {  	s31 =	sshll.u32 s2, $0x9  }
0x22b: {  	s4 =	sshra.s32 s31, $0x2  }
0x22c: {  	[tilespmem:s4+$0xF238] =	vst v0  }
0x22d: {  	v0 =	vld [tilespmem:s0+$0xF248];
	_ =	sdelay $0x4  }
0x22e: {  	[tilespmem:s4+$0xF248] =	vst v0  }
0x22f: {  	v0 =	vld [tilespmem:s0+$0xF258];
	_ =	sdelay $0x4  }
0x230: {  	[tilespmem:s4+$0xF258] =	vst v0  }
0x231: {  	v0 =	vld [tilespmem:s0+$0xF268];
	_ =	sdelay $0x4  }
0x232: {  	[tilespmem:s4+$0xF268] =	vst v0  }
0x233: {  	v0 =	vld [tilespmem:s0+$0xF278];
	_ =	sdelay $0x4  }
0x234: {  	[tilespmem:s4+$0xF278] =	vst v0  }
0x235: {  	v0 =	vld [tilespmem:s0+$0xF288];
	_ =	sdelay $0x4  }
0x236: {  	[tilespmem:s4+$0xF288] =	vst v0  }
0x237: {  	v0 =	vld [tilespmem:s0+$0xF298];
	_ =	sdelay $0x4  }
0x238: {  	[tilespmem:s4+$0xF298] =	vst v0  }
0x239: {  	v0 =	vld [tilespmem:s0+$0xF2A8];
	_ =	sdelay $0x4  }
0x23a: {  	s2 =	sadd.s32 $0x1, s2;
	[tilespmem:s4+$0xF2A8] =	vst v0  }
.LBB2_48:
0x23b: {  	s3 =	sadd.s32 $0x1, s3  }
0x23c: {  	p1 =	sne.s32 s3, $0x20  }
.Ltmp32:
0x23d: {  	_ = 	snop;
	(pc) =	sbr.rel @!p1 .LBB2_49-.Ltmp32, $1  }
0x23e: {  	_ =	sdelay $0x3  }
.LBB2_41:
0x23f: {  	v0 =	vld.msk [tilespmem:s3+$0xF218], $0x1;
	_ =	sdelay $0x4  }
0x240: {  	(v2sf) =	vpush v0, $0x0;
	_ =	sdelay $0xe  }
0x241: {  	s4 =	spop (v2sf)  }
0x242: {  	p1 =	seq.s32 s4, $0xFFFFFFFF  }
.Ltmp33:
0x243: {  	_ = 	snop;
	(pc) =	sbr.rel @p1 .LBB2_48-.Ltmp33, $1  }
0x244: {  	_ =	sdelay $0x3  }
0x245: {  	p1 =	slt.s32 s2, $0x1  }
.Ltmp34:
0x246: {  	_ = 	snop;
	(pc) =	sbr.rel @p1 .LBB2_47-.Ltmp34, $1  }
0x247: {  	_ =	sdelay $0x3  }
0x248: {  	s5 =	simm.s32 $0xF218;
	p1 =	por $0x0, $0x0  }
0x249: {  	v1 =	vld.msk @!p1 [tilespmem:s5+$0x0], $0x1;
	_ =	sdelay $0x4  }
0x24a: {  	(v2sf) =	vpush @!p1 v1, $0x0;
	_ =	sdelay $0xd  }
0x24b: {  	p3 =	sne.s32 s2, $0x1  }
.Ltmp35:
0x24c: {  	s0 =	spop @!p1 (v2sf);
	(pc) =	sbr.rel @!p3 .LBB2_45-.Ltmp35, $4  }
0x24d: {  	p2 =	seq.s32 @!p1 s4, s0  }
0x24e: {  	s6 =	simm.s32 $0x0;
	p2 =	por !p2, p1  }
0x24f: {  	s7 =	simm.s32 $0xFFFFFFFF;
	s6 =	simm.s32 @p2 $0xFFFFFFFF  }
0x250: {  	s0 =	simm.s32 $0x1;
	s6 =	smov.u32 @p1 s7  }
.LBB2_44:
0x251: {  	s7 =	smov.u32 s6;
	p1 =	sne.s32 s6, $0xFFFFFFFF  }
0x252: {  	s5 =	sadd.s32 $0x1, s5;
	s6 =	smov.u32 s0;
	s0 =	sadd.s32 $0x1, s0  }
0x253: {  	p2 =	sne.s32 s2, s0;
	v1 =	vld.msk @!p1 [tilespmem:s5+$0x0], $0x1;
	_ =	sdelay $0x4  }
0x254: {  	(v2sf) =	vpush @!p1 v1, $0x0;
	_ =	sdelay $0xe  }
.Ltmp36:
0x255: {  	s8 =	spop @!p1 (v2sf);
	(pc) =	sbr.rel @p2 .LBB2_44-.Ltmp36, $4  }
0x256: {  	p3 =	seq.s32 @!p1 s4, s8  }
0x257: {  	p3 =	por !p3, p1  }
0x258: {  	s6 =	simm.s32 @p3 $0xFFFFFFFF  }
0x259: {  	s6 =	smov.u32 @p1 s7  }
.LBB2_45:
0x25a: {  	p1 =	seq.s32 s6, $0xFFFFFFFF  }
.Ltmp37:
0x25b: {  	_ = 	snop;
	(pc) =	sbr.rel @p1 .LBB2_47-.Ltmp37, $1  }
0x25c: {  	_ =	sdelay $0x3  }
0x25d: {  	s0 =	sshll.u32 s3, $0x7  }
0x25e: {  	s0 =	sand.u32 $0x3FFFFF80, s0  }
0x25f: {  	v0 =	vld [tilespmem:s0+$0xF238];
	_ =	sdelay $0x2  }
0x260: {  	s4 =	sshll.u32 s6, $0x9  }
0x261: {  	s4 =	sshra.s32 s4, $0x2  }
0x262: {  	[tilespmem:s4+$0xF238] =	vst.add.f32.msk $0xffff, v0  }
0x263: {  	v0 =	vld [tilespmem:s0+$0xF248];
	_ =	sdelay $0x4  }
0x264: {  	[tilespmem:s4+$0xF248] =	vst.add.f32.msk $0xffff, v0  }
0x265: {  	v0 =	vld [tilespmem:s0+$0xF258];
	_ =	sdelay $0x4  }
0x266: {  	[tilespmem:s4+$0xF258] =	vst.add.f32.msk $0xffff, v0  }
0x267: {  	v0 =	vld [tilespmem:s0+$0xF268];
	_ =	sdelay $0x4  }
0x268: {  	[tilespmem:s4+$0xF268] =	vst.add.f32.msk $0xffff, v0  }
0x269: {  	v0 =	vld [tilespmem:s0+$0xF278];
	_ =	sdelay $0x4  }
0x26a: {  	[tilespmem:s4+$0xF278] =	vst.add.f32.msk $0xffff, v0  }
0x26b: {  	v0 =	vld [tilespmem:s0+$0xF288];
	_ =	sdelay $0x4  }
0x26c: {  	[tilespmem:s4+$0xF288] =	vst.add.f32.msk $0xffff, v0  }
0x26d: {  	v0 =	vld [tilespmem:s0+$0xF298];
	_ =	sdelay $0x4  }
0x26e: {  	[tilespmem:s4+$0xF298] =	vst.add.f32.msk $0xffff, v0  }
0x26f: {  	v0 =	vld [tilespmem:s0+$0xF2A8]  }
.Ltmp38:
0x270: {  	_ = 	snop;
	(pc) =	sbr.rel .LBB2_48-.Ltmp38, $2  }
0x271: {  	_ =	sdelay $0x2  }
0x272: {  	[tilespmem:s4+$0xF2A8] =	vst.add.f32.msk $0xffff, v0  }
.LBB2_49:
0x273: {  	p1 =	slt.s32 s2, $0x1  }
.Ltmp39:
0x274: {  	_ = 	snop;
	(pc) =	sbr.rel @p1 .LBB2_53-.Ltmp39, $3  }
0x275: {  	_ =	sdelay $0x1  }
0x276: {  	s0 =	simm.s32 $0x8  }
0x277: {  	s3 =	simm.s32 $0x0;
	[sflag:s0] =	ssyncpa.u1 $0x1  }
0x278: {  	s0 =	simm.s32 $0xF218  }
0x279: {  	v0 =	vld.msk [tilespmem:s0+$0x0], $0x1;
	_ =	sdelay $0x4  }
0x27a: {  	(v2sf) =	vpush v0, $0x0;
	_ =	sdelay $0xe  }
0x27b: {  	s0 =	sadd.s32 $0xFFFFFFFF, s2;
	s5 =	spop (v2sf)  }
0x27c: {  	p2 =	sne.s32 s0, $0x0;
	p1 =	sgt.u32 s5, $0x270F0  }
.Ltmp40:
0x27d: {  	s6 =	sand.u32 @!p1 $0x3FFF8, s5;
	(pc) =	sbr.rel @!p2 .LBB2_52-.Ltmp40, $4  }
0x27e: {  	s4 =	simm.s32 $0xF238;
	s5 =	sand.u32 @!p1 $0x7, s5;
	s2 =	sadd.s32 @!p1 s1, s6  }
0x27f: {  	[hbm4b:s2+s5] =	stream.linear.scatter @!p1 [tilespmem:s4], [sflag:$0x7], $0x80, $0x38;
	[tilespmem:$0x1F6F8] =	vst v63  }
0x280: {  	s5 =	simm.s32 $0x0  }
0x281: {  	s2 =	simm.s32 $0xF219;
	s5 =	simm.s32 @!p1 $0x200  }
.LBB2_51:
0x282: {  	v0 =	vld.msk [tilespmem:s2+$0x0], $0x1;
	s0 =	sadd.s32 $0xFFFFFFFF, s0;
	s3 =	sadd.s32 s3, s5  }
0x283: {  	p1 =	sne.s32 s0, $0x0;
	_ =	sdelay $0x3  }
0x284: {  	(v2sf) =	vpush v0, $0x0;
	_ =	sdelay $0xe  }
.Ltmp41:
0x285: {  	s6 =	spop (v2sf);
	(pc) =	sbr.rel @p1 .LBB2_51-.Ltmp41, $4  }
0x286: {  	s5 =	simm.s32 $0x0;
	p2 =	sgt.u32 s6, $0x270F0  }
0x287: {  	s4 =	sadd.s32 $0x80, s4;
	s5 =	simm.s32 @!p2 $0x200;
	s7 =	sand.u32 @!p2 $0x3FFF8, s6  }
0x288: {  	s2 =	sadd.s32 $0x1, s2;
	s6 =	sand.u32 @!p2 $0x7, s6;
	s7 =	sadd.s32 @!p2 s1, s7  }
0x289: {  	[hbm4b:s7+s6] =	stream.linear.scatter @!p2 [tilespmem:s4], [sflag:$0x7], $0x80, $0x38;
	[tilespmem:$0x1F6F8] =	vst v63  }
.LBB2_52:
0x28a: {  	s0 =	sadd.s32 s3, s5  }
0x28b: {  	s3 =	sshrl.u32 s0, $0x2  }
.LBB2_53:
0x28c: {  	s0 =	simm.s32 $0x7  }
0x28d: {  	_ =	swait.ge [sflag:s0], s3  }
0x28e: {  	s1 =	ssub.s32 $0x0, s3;
	[sflag:s0] =	ssyncset.done $0x0  }
0x28f: {  	[sflag:s0] =	ssyncadd.s32 s1  }
0x290: {  	[sflag:s0] =	ssyncpa.u1 $0x1  }
.LBB2_54:
0x291: {  	_ =	sfence;
	s0 =	simm.s32 $0x1  }
0x292: {  	[sflag:s0] =	ssyncpa.u1 $0x1  }
0x293: {  	_ =	strace $0x90000053  }
0x294: {  	[bflag:$0x2] =	sbarrier.arrive $0xFFFF  }
0x295: {  	s0 =	rddreg [dreg:$0x6]  }
0x296: {  	s0 =	sadd.s32 @!p0 $0x100000, s0  }
0x297: {  	[sflag:s0] =	ssyncadd.tile.s32 @!p0 $0x1;
	_ =	shalt  }
.Lfunc_end2:
_tile_overlayer_lowered:
.L_overlay_start_2:
0x298: {  	(tag) =	ssettag $0x2  }
0x299: {  	s0 =	rddreg [dreg:$0x0];
	s2 =	stileid.u32  }
0x29a: {  	s1 =	rddreg [dreg:$0x1];
	p0 =	sne.s32 s2, $0x0  }
0x29b: {  	s3 =	rddreg [dreg:$0x2];
	[bflag:$0x3] =	sbarrier.arrive $0xFFFF;
	s2 =	simm.s32 @!p0 $0x1C01  }
0x29c: {  	[timem:s3], [sflag:s2] =	dma.local @!p0 [hbm:s0], s1  }
0x29d: {  	s0 =	simm.s32 @!p0 $0x1  }
0x29e: {  	_ =	swait.ge @!p0 [sflag:s0], s1  }
0x29f: {  	s1 =	ssub.s32 @!p0 $0x0, s1;
	[sflag:s0] =	ssyncset.done @!p0 $0x0  }
0x2a0: {  	[sflag:s0] =	ssyncadd.s32 @!p0 s1  }
0x2a1: {  	[bflag:$0x3] =	sbarrier.arrive $0xFFFF  }
0x2a2: {  	_ =	shalt  }

// kernel: scatter_offload_async_start.3
scs
__scs_entry_jumppad:
0x0: {  	(pc) =	sbr.rel $0x88, $3  }
0x1: {  	(tag) =	ssettag $0x0;
	lr =	simm.s32 $0x1  }
0x2: {  	[smem:$0x3F9D] =	sst lr;
	_ =	strace $0xD0000000  }
0x3: {  	_ = 	snop  }
0x4: {  	_ = 	snop  }
0x5: {  	_ = 	snop  }
0x6: {  	_ = 	snop  }
0x7: {  	_ = 	snop  }
__scs_overlays_trampoline_lowered:
0x8: {  	[smem:$0x3FAC] =	sst s0  }
0x9: {  	[smem:$0x3FAD] =	sst s1  }
0xa: {  	[smem:$0x3FAE] =	sst s2  }
0xb: {  	[smem:$0x3FAF] =	sst s3  }
0xc: {  	[smem:$0x3FB0] =	sst s4  }
0xd: {  	[smem:$0x3FB1] =	sst s5  }
0xe: {  	[smem:$0x3FB2] =	sst s6  }
0xf: {  	[smem:$0x3FB3] =	sst s7  }
0x10: {  	[smem:$0x3FB4] =	sst s8  }
0x11: {  	[smem:$0x3FB5] =	sst s9;
	s0 =	simm.s32 @!p0 $0x0  }
0x12: {  	s1 =	sld [smem:$0x3F9B];
	s0 =	simm.s32 @p0 $0x1  }
0x13: {  	[smem:$0x3FB6] =	sst s0;
	s0 =	simm.s32 @!p1 $0x0  }
0x14: {  	s2 =	sld [smem:$0x3F9A];
	s0 =	simm.s32 @p1 $0x1  }
0x15: {  	[smem:$0x3FB7] =	sst s0;
	s0 =	simm.s32 @!p2 $0x0  }
0x16: {  	s3 =	sld [smem:$0x3FDB];
	s0 =	simm.s32 @p2 $0x1  }
0x17: {  	s4 =	simm.s32 $0x1BF5;
	[smem:$0x3FB9] =	sst s0  }
0x18: {  	s0 =	sld [smem:$0x3F9C];
	_ =	swait.ge [sflag:s4], $0x0  }
0x19: {  	s7 =	sld [smem:$0x3F9D]  }
0x1a: {  	s8 =	sadd.s32 $0xFFFFE003, lr  }
0x1b: {  	s9 =	sadd.s32 $0xFFFFFEF7, lr;
	s5 =	simm.s32 $0xFFFFFFFF;
	p2 =	slt.u32 s8, $0xFFFFF086  }
0x1c: {  	p1 =	slt.u32 s9, $0xF7A;
	s5 =	simm.s32 @!p2 $0x0  }
0x1d: {  	s5 =	simm.s32 @p1 $0x1;
	p0 =	seq.s32 s7, s2  }
0x1e: {  	s7 =	smul.u32 @!p0 $0xF7A, s2;
	p2 =	seq.s32 @!p0 s5, $0x0  }
0x1f: {  	s9 =	smul.u32 $0xF7A, s1;
	s8 =	simm.s32 @!p0 $0x1BF5;
	p2 =	por !p2, p0  }
0x20: {  	[sflag:s8] =	ssyncset.s32 @!p0 $0xFFFFF086;
	s6 =	sadd.s32 @!p0 s3, s7;
	s7 =	simm.s32 @!p0 $0x108  }
0x21: {  	s3 =	sadd.s32 s3, s9;
	s6 =	sadd.s32 @!p0 $0x88, s6;
	s7 =	simm.s32 @p2 $0x1082  }
0x22: {  	[simem:s7], [sflag:s8] =	dma.local @!p0 [hbm:s6], $0xF7A  }
0x23: {  	s9 =	sor.u32 $0xD0000000, s2;
	s6 =	simm.s32 $0x108;
	_ =	swait.ge @!p0 [sflag:s8], $0x0  }
0x24: {  	s3 =	sadd.s32 $0x88, s3;
	s6 =	simm.s32 @!p1 $0x1082;
	[sflag:s4] =	ssyncset.s32 $0xFFFFF086  }
0x25: {  	[simem:s6], [sflag:s4] =	dma.local [hbm:s3], $0xF7A  }
0x26: {  	[smem:$0x3F9D] =	sst s1;
	(tag) =	ssettag s2;
	_ =	strace s9  }
0x27: {  	s1 =	sld [smem:$0x3FAD]  }
0x28: {  	s2 =	sld [smem:$0x3FAE]  }
0x29: {  	s4 =	sld [smem:$0x3FB0]  }
0x2a: {  	p0 =	seq.s32 s5, $0x0;
	s5 =	sld [smem:$0x3FB1]  }
0x2b: {  	s6 =	sld [smem:$0x3FB2]  }
0x2c: {  	s7 =	sld [smem:$0x3FB3]  }
0x2d: {  	s3 =	simm.s32 $0x108;
	s8 =	sld [smem:$0x3FB4]  }
0x2e: {  	s3 =	simm.s32 @!p0 $0x1082;
	s9 =	sld [smem:$0x3FB5]  }
0x2f: {  	lr =	sadd.s32 s0, s3;
	s0 =	sld [smem:$0x3FAC]  }
0x30: {  	s3 =	sld [smem:$0x3FAF]  }
0x31: {  	[smem:$0x3FB8] =	sst s10  }
0x32: {  	s10 =	sld [smem:$0x3FB6];
	_ =	sdelay $0x3  }
0x33: {  	p0 =	seq.s32 s10, $0x1;
	s10 =	sld [smem:$0x3FB8];
	_ =	sdelay $0x3  }
0x34: {  	[smem:$0x3FB8] =	sst s10  }
0x35: {  	s10 =	sld [smem:$0x3FB7];
	_ =	sdelay $0x3  }
0x36: {  	p1 =	seq.s32 s10, $0x1;
	s10 =	sld [smem:$0x3FB8];
	_ =	sdelay $0x3  }
0x37: {  	[smem:$0x3FB8] =	sst s10  }
0x38: {  	s10 =	sld [smem:$0x3FB9]  }
0x39: {  	_ = 	snop;
	(pc) =	sbr.ind lr, $3  }
0x3a: {  	_ = 	snop  }
0x3b: {  	_ = 	snop  }
0x3c: {  	p2 =	seq.s32 s10, $0x1;
	s10 =	sld [smem:$0x3FB8]  }
0x3d: {  	_ =	shalt  }
0x3e: {  	_ =	shalt  }
0x3f: {  	_ =	shalt  }
0x40: {  	_ =	shalt  }
0x41: {  	_ =	shalt  }
0x42: {  	_ =	shalt  }
0x43: {  	_ =	shalt  }
0x44: {  	_ =	shalt  }
0x45: {  	_ =	shalt  }
0x46: {  	_ =	shalt  }
0x47: {  	_ =	shalt  }
0x48: {  	_ =	shalt  }
0x49: {  	_ =	shalt  }
0x4a: {  	_ =	shalt  }
0x4b: {  	_ =	shalt  }
0x4c: {  	_ =	shalt  }
0x4d: {  	_ =	shalt  }
0x4e: {  	_ =	shalt  }
0x4f: {  	_ =	shalt  }
0x50: {  	_ =	shalt  }
0x51: {  	_ =	shalt  }
0x52: {  	_ =	shalt  }
0x53: {  	_ =	shalt  }
0x54: {  	_ =	shalt  }
0x55: {  	_ =	shalt  }
0x56: {  	_ =	shalt  }
0x57: {  	_ =	shalt  }
0x58: {  	_ =	shalt  }
0x59: {  	_ =	shalt  }
0x5a: {  	_ =	shalt  }
0x5b: {  	_ =	shalt  }
0x5c: {  	_ =	shalt  }
0x5d: {  	_ =	shalt  }
0x5e: {  	_ =	shalt  }
0x5f: {  	_ =	shalt  }
0x60: {  	_ =	shalt  }
0x61: {  	_ =	shalt  }
0x62: {  	_ =	shalt  }
0x63: {  	_ =	shalt  }
0x64: {  	_ =	shalt  }
0x65: {  	_ =	shalt  }
0x66: {  	_ =	shalt  }
0x67: {  	_ =	shalt  }
0x68: {  	_ =	shalt  }
0x69: {  	_ =	shalt  }
0x6a: {  	_ =	shalt  }
0x6b: {  	_ =	shalt  }
0x6c: {  	_ =	shalt  }
0x6d: {  	_ =	shalt  }
0x6e: {  	_ =	shalt  }
0x6f: {  	_ =	shalt  }
0x70: {  	_ =	shalt  }
0x71: {  	_ =	shalt  }
0x72: {  	_ =	shalt  }
0x73: {  	_ =	shalt  }
0x74: {  	_ =	shalt  }
0x75: {  	_ =	shalt  }
0x76: {  	_ =	shalt  }
0x77: {  	_ =	shalt  }
0x78: {  	_ =	shalt  }
0x79: {  	_ =	shalt  }
0x7a: {  	_ =	shalt  }
0x7b: {  	_ =	shalt  }
0x7c: {  	_ =	shalt  }
0x7d: {  	_ =	shalt  }
0x7e: {  	_ =	shalt  }
0x7f: {  	_ =	shalt  }
0x80: {  	_ =	shalt  }
0x81: {  	_ =	shalt  }
0x82: {  	_ =	shalt  }
0x83: {  	_ =	shalt  }
0x84: {  	_ =	shalt  }
0x85: {  	_ =	shalt  }
0x86: {  	_ =	shalt  }
0x87: {  	_ =	shalt  }
.Lfunc_end0:
.L_simem_size_0:
called_computation.3_lowered:
.L_overlay_start_0:
0x88: {  	s0 =	sld [smem:$0x3FD9]  }
0x89: {  	s1 =	sld [smem:$0x3FFE];
	_ =	sdelay $0x3  }
0x8a: {  	s0 =	sadd.s32 s1, s0  }
0x8b: {  	[smem:$0x3FC4] =	sst s0  }
0x8c: {  	_ = 	snop  }
0x8d: {  	s0 =	sld [smem:$0x3FD0];
	_ =	sdelay $0x2  }
0x8e: {  	s14 =	simm.s32 $0xD;
	s2 =	simm.s32 $0x10  }
0x8f: {  	[smem:s2], [sflag:s14] =	dma.local [hbm:s0], $0x1  }
0x90: {  	_ =	swait.eq [sflag:s14], $0x1  }
0x91: {  	s15 =	sld [smem:$0x10];
	[sflag:s14] =	ssyncset.done $0x0  }
0x92: {  	s16 =	sld [smem:$0x11];
	[sflag:s14] =	ssyncadd.s32 $0xFFFFFFFF  }
0x93: {  	s17 =	sld [smem:$0x12];
	(tm) =	ssettm $0x1  }
0x94: {  	s3 =	sld [smem:$0x3FFB];
	_ =	sdelay $0x3  }
0x95: {  	_ =	strace s3  }
0x96: {  	s3 =	sld [smem:$0x3FFC];
	_ =	sdelay $0x3  }
0x97: {  	_ =	strace s3  }
0x98: {  	s3 =	sld [smem:$0x3FFD];
	_ =	sdelay $0x3  }
0x99: {  	_ =	strace s3  }
0x9a: {  	_ =	strace $0x8FFFFFFF  }
0x9b: {  	s18 =	sld [smem:$0x3FDB];
	_ =	sdelay $0x1  }
0x9c: {  	s4 =	simm.s32 $_scs_section_size  }
0x9d: {  	s5 =	simm.s32 $_size__tile_overlayer_lowered;
	s6 =	simm.s32 $_tile_overlayer_lowered  }
0x9e: {  	s21 =	simm.s32 $0x1BFF;
	s20 =	sshll.u32 s6, $0x1;
	s3 =	sadd.s32 s4, s18  }
0x9f: {  	s7 =	simm.s32 $0x0;
	s19 =	sshll.u32 s5, $0x1;
	s5 =	sadd.s32 s20, s3  }
0xa0: {  	[timem:s7], [sflag:s21] =	dma.local [hbm:s5], s19  }
0xa1: {  	_ =	swait.ge [sflag:s21], s19  }
0xa2: {  	s4 =	ssub.s32 $0x0, s19;
	[sflag:s21] =	ssyncset.done $0x0  }
0xa3: {  	[sflag:s21] =	ssyncadd.s32 s4;
	_ =	sdelay $0x1  }
0xa4: {  	s22 =	simm.s32 $0x1B8B  }
0xa5: {  	_ =	swait.ge [sflag:s22], $0x1  }
0xa6: {  	[sflag:s22] =	ssyncset.done $0x0  }
0xa7: {  	s23 =	simm.s32 $0x1B8E;
	[sflag:s22] =	ssyncadd.s32 $0xFFFFFFFF  }
0xa8: {  	s24 =	simm.s32 $execute0_lowered;
	[smem:$0x3FD2] =	sst s23  }
0xa9: {  	s4 =	sshll.u32 s24, $0x1;
	_ =	strace $0x80000058;
	[dreg:$0x1] =	wrdreg $0xFFFFFFFF  }
0xaa: {  	s25 =	simm.s32 $_size_execute0_lowered;
	s3 =	sadd.s32 s3, s4;
	[dreg:$0x0] =	wrdreg $0x0  }
0xab: {  	s4 =	sshll.u32 s25, $0x1;
	[dreg:$0x2] =	wrdreg s3  }
0xac: {  	[dreg:$0x3] =	wrdreg s4  }
0xad: {  	[dreg:$0x4] =	wrdreg $0xC0  }
0xae: {  	_ =	task [dreg:s7], $0x5FFFF  }
0xaf: {  	[dreg:$0x1] =	wrdreg $0xFFFFFFFF  }
0xb0: {  	[dreg:$0x0] =	wrdreg $0x60  }
0xb1: {  	[dreg:$0x2] =	wrdreg s16  }
0xb2: {  	[dreg:$0x3] =	wrdreg s17  }
0xb3: {  	[dreg:$0x4] =	wrdreg s15  }
0xb4: {  	[dreg:$0x5] =	wrdreg $0x9  }
0xb5: {  	_ =	task.clear_ibuf [dreg:s7], $0x6FFFF;
	_ =	strace $0x90000058  }
0xb6: {  	s26 =	simm.s32 $0x9;
	_ =	strace $0x8000005A  }
0xb7: {  	_ =	swait.ge [sflag:s26], $0x1  }
0xb8: {  	[sflag:s26] =	ssyncadd.s32 $0xFFFFFFFF  }
0xb9: {  	_ =	strace $0x9000005A  }
0xba: {  	_ =	sfence  }
0xbb: {  	s28 =	sld [smem:$0x0];
	_ =	sdelay $0x1  }
0xbc: {  	s29 =	srdreg.scid  }
0xbd: {  	s30 =	sshll.u32 s29, $0xD;
	s31 =	sshrl.u32 s29, $0x2  }
0xbe: {  	s1 =	sand.u32 $0x1, s29;
	s2 =	sand.u32 $0x4000, s30;
	s0 =	sadd.s32 s31, s28  }
0xbf: {  	s1 =	sor.u32 s2, s1;
	s0 =	sshll.u32 s0, $0x11  }
0xc0: {  	s0 =	sor.u32 s0, s1  }
0xc1: {  	s0 =	sadd.s32 $0x8F2B, s0  }
0xc2: {  	[sflag:s0] =	ssyncadd.remote.s32 $0x1  }
0xc3: {  	_ =	sfence.sel $0xFFFF  }
0xc4: {  	[dreg:$0x0] =	wrdreg $0xFFFFFFFF;
	(pc) =	sbr.abs _section_cstart, $3  }
0xc5: {  	[dreg:$0x1] =	wrdreg $0xFFFFFFFF  }
0xc6: {  	_ =	task.clear_ibuf [dreg:s7], $0x2FFFF;
	_ =	strace $0x9FFFFFFF  }
0xc7: {  	(tm) =	ssettm $0x7FFFFFFF  }
tec
execute0_lowered:
.L_overlay_start_1:
0x0: {  	(tag) =	ssettag $0x1  }
0x1: {  	s1 =	rddreg [dreg:$0x0]  }
0x2: {  	s2 =	rddreg [dreg:$0x1]  }
0x3: {  	s3 =	rddreg [dreg:$0x2]  }
0x4: {  	s0 =	rddreg [dreg:$0x3];
	_ =	strace $0x80000059;
	s5 =	simm.s32 $0x1  }
0x5: {  	v1 =	vimm.s32 $0xFFFFFFFF;
	[sflag:s5] =	ssyncpa.u1 $0x0  }
0x6: {  	[tilespmem:$0x10] =	vst v1  }
0x7: {  	v0 =	vimm.f32 $-Inf;
	[tilespmem:$0x20] =	vst v1  }
0x8: {  	[tilespmem:$0x30] =	vst v0  }
0x9: {  	[tilespmem:$0x40] =	vst v0  }
0xa: {  	[tilespmem:$0x50] =	vst v0  }
0xb: {  	s4 =	stileid.u32;
	[tilespmem:$0x60] =	vst v1  }
0xc: {  	s7 =	simm.s32 $0x2;
	s9 =	simm.s32 $0x8;
	s11 =	simm.s32 $0x9;
	[tilespmem:$0x70] =	vst v1  }
0xd: {  	s14 =	simm.s32 $0x0;
	p0 =	por $0x0, $0x0;
	s15 =	simm.s32 $0xFFFFC280;
	[tilespmem:$0x80] =	vst v1  }
0xe: {  	s16 =	simm.s32 $0xFFFFFFFE;
	s17 =	simm.s32 $0xF;
	s18 =	simm.s32 $0x30;
	v1 =	vimm.s32 $0x0;
	[tilespmem:$0xB0] =	vst v0  }
.Ltmp0:
0xf: {  	s21 =	simm.s32 $0x0;
	s19 =	simm.s32 $0x0;
	[tilespmem:$0x90] =	vst v1;
	(pc) =	sbr.rel .LBB2_1-.Ltmp0, $4  }
0x10: {  	s6 =	smul.u32 $0x9C40, s4;
	[tilespmem:$0xA0] =	vst v1;
	[sflag:s7] =	ssyncpa.u1 $0x0;
	s7 =	simm.s32 $0x7  }
0x11: {  	s10 =	sshll.u32 s4, $0x1;
	s12 =	sshllo.u32 s4, $0x1;
	[sflag:s7] =	ssyncpa.u1 $0x0  }
0x12: {  	vm0 =	vmmov $0xffff;
	v2 =	vlaneseq.u32;
	vm1 =	vmxor vm1, vm1;
	s13 =	sor.u32 $0x80, s10;
	s8 =	sadd.s32 $0x9C40, s6;
	[sflag:s9] =	ssyncpa.u1 $0x0  }
0x13: {  	vm2 =	vmmov $0x1;
	v3 =	vimm.f32 $0.0e+00;
	vm3 =	vcmask $0x3F3C;
	s20 =	smov.u32 s6;
	[sflag:s11] =	ssyncpa.u1 $0x0;
	s11 =	sor.u32 $0x81, s10  }
.LBB2_10:
0x14: {  	p1 =	slt.u32 s19, $0x3  }
0x15: {  	s21 =	simm.s32 @!p1 $0x2  }
0x16: {  	_ =	swait.ge @!p1 [sflag:s21], $0x1F40  }
0x17: {  	[sflag:s21] =	ssyncset.done @!p1 $0x0  }
0x18: {  	[sflag:s21] =	ssyncadd.s32 @!p1 $0xFFFFE0C0;
	s21 =	simm.s32 @!p1 $0x9  }
0x19: {  	_ =	swait.ge @!p1 [sflag:s21], $0x10  }
0x1a: {  	s19 =	sadd.s32 $0x1, s19;
	[sflag:s21] =	ssyncset.done @!p1 $0x0  }
0x1b: {  	[sflag:s21] =	ssyncadd.s32 @!p1 $0xFFFFFFF0;
	p1 =	sne.s32 s19, $0x8  }
.Ltmp1:
0x1c: {  	_ = 	snop;
	(pc) =	sbr.rel @!p1 .LBB2_11-.Ltmp1, $4  }
0x1d: {  	s22 =	sadd.s32 $0x1F40, s20  }
0x1e: {  	s23 =	smov.u32 s6;
	p2 =	slt.s32 s22, s8  }
0x1f: {  	p0 =	por !p0, !p0;
	s15 =	sadd.s32 $0x1F40, s15;
	s23 =	smov.u32 @p2 s22  }
0x20: {  	s16 =	sadd.s32 $0x1, s16;
	s21 =	smov.u32 s20;
	s20 =	smov.u32 s23  }
.LBB2_1:
0x21: {  	p1 =	sgt.u32 s19, $0x4  }
0x22: {  	s22 =	sadd.s32 @!p1 $0xFFFFFFFD, s19  }
0x23: {  	s22 =	smin.u32 @!p1 s19, s22  }
0x24: {  	s22 =	smul.u32 @!p1 $0x7D00, s22;
	_ =	sdelay $0x1  }
0x25: {  	s23 =	sshrl.u32 @!p1 s20, $0x3;
	s22 =	sshra.s32 @!p1 s22, $0x2  }
0x26: {  	s24 =	sand.u32 @!p1 $0x7, s20;
	s23 =	sadd.s32 @!p1 s2, s23;
	s22 =	sadd.s32 @!p1 $0x100, s22  }
0x27: {  	[tilespmem:s22], [sflag:$0x7] =	stream.linear.gather @!p1 [hbm4b:s23+s24], $0x1F40, $0x38;
	[tilespmem:$0x11A60] =	vst v63  }
0x28: {  	s22 =	sadd.s32 $0xFFFFFFFF, s19  }
0x29: {  	p1 =	sgt.u32 s22, $0x4  }
.Ltmp2:
0x2a: {  	_ = 	snop;
	(pc) =	sbr.rel @p1 .LBB2_5-.Ltmp2, $1  }
0x2b: {  	_ =	sdelay $0x3  }
0x2c: {  	s23 =	sadd.s32 $0xFFFFFFFC, s19;
	p1 =	slt.u32 s22, $0x3  }
0x2d: {  	s23 =	smov.u32 @p1 s22  }
0x2e: {  	s23 =	smul.u32 $0x7D00, s23  }
0x2f: {  	_ =	swait.ge [sflag:s7], $0x1F40  }
0x30: {  	[sflag:s7] =	ssyncset.done $0x0;
	s23 =	sshra.s32 s23, $0x2  }
0x31: {  	[sflag:s7] =	ssyncadd.s32 $0xFFFFE0C0;
	(ifvalue) =	ssetifvalue $0xFFFFFFFF;
	v4 =	vld.msk [tilespmem:s23+$0x100 ss:$0x1], $0xffff;
	_ =	sdelay $0x2  }
0x32: {  	p1 =	sne.s32 s19, $0x1  }
0x33: {  	v5 =	vimm.s32 @!p1 $0x0  }
0x34: {  	v5 =	vperm.xlane @!p1 v4, v5  }
0x35: {  	s24 =	sshll.u32 s19, $0x4;
	vm4 =	vlt.u32 v4, $0x2800  }
0x36: {  	s24 =	sand.u32 $0x10, s24;
	v4 =	vnsel vm4, $0xFFFFFFFE, v4;
	vm4 =	vlt.u32 @!p1 v5, $0x2800  }
0x37: {  	[tilespmem:s24+$0x60] =	vst v4;
	v4 =	vnsel @!p1 vm4, $0xFFFFFFFE, v5  }
0x38: {  	s26 =	sadd.s32 $0x2030, s23;
	[tilespmem:$0x80] =	vst @!p1 v4  }
0x39: {  	v4 =	vld.msk [tilespmem:s26+$0x0 ss:$0x1], $0xffff;
	_ =	sdelay $0x4  }
0x3a: {  	(xrf1) =	vunique.msk.u32 $0xffff, v4;
	_ =	sdelay $0xd  }
0x3b: {  	v5 =	vimm.s32 $0xFFFFFFFF;
	v6, _, _ =	vpop (xrf1)  }
0x3c: {  	vm5 =	vne.s32 v4, v5;
	vm4 =	veq.s32 v6, v2  }
0x3d: {  	vm6 =	vlt.u32 v4, $0x2800;
	vm4 =	vmand vm5, vm4  }
0x3e: {  	vm4 =	vmand vm6, vm4  }
0x3f: {  	v5 =	vnsel vm4, $0xFFFFFFFF, v4  }
0x40: {  	s31 =	sand.u32 $0x1, s22  }
0x41: {  	s22 =	simm.s32 $0x1F40;
	p1 =	seq.s32 s31, $0x1  }
0x42: {  	s22 =	simm.s32 @!p1 $0x0  }
0x43: {  	s23 =	sadd.s32 $0x7DF0, s22;
	(ifvalue) =	ssetifvalue $0xFFFFFFFF  }
0x44: {  	v4 =	vperm.xlane v4, v1;
	[tilespmem:s23], [sflag:$0x8] =	stream.indirect_vreg.gather [hbm4b:s1+s14], $0x1, v5, vm0, $0x4038;
	v5 =	vnsel vm6, $0xFFFFFFFE, v5;
	[tilespmem:$0x11A60] =	vst v63  }
0x45: {  	s25 =	sadd.s32 $0xFFFFFFF0, s26;
	s24 =	simm.s32 $0x0;
	[tilespmem:s26+$0x0] =	vst v5  }
.LBB2_3:
0x46: {  	v5 =	vld.msk [tilespmem:s25+$0x0 ss:$0x1], $0xffff;
	s24 =	sadd.s32 $0x10, s24;
	v6 =	vmov v4;
	s26 =	smov.u32 s25  }
0x47: {  	p1 =	slt.u32 s24, $0x1F30;
	_ =	sdelay $0x4  }
0x48: {  	v4 =	vperm.xlane v5, v1;
	(xrf1) =	vunique.msk.u32 $0xffff, v5;
	_ =	sdelay $0xd  }
0x49: {  	v7, _, _ =	vpop (xrf1)  }
0x4a: {  	vm5 =	vne.s32 v5, v6;
	vm4 =	veq.s32 v7, v2  }
0x4b: {  	vm6 =	vlt.u32 v5, $0x2800;
	vm4 =	vmand vm5, vm4  }
0x4c: {  	vm4 =	vmand vm6, vm4  }
0x4d: {  	v5 =	vnsel vm4, $0xFFFFFFFF, v5  }
.Ltmp3:
0x4e: {  	v6 =	vnsel vm6, $0xFFFFFFFE, v5;
	(pc) =	sbr.rel @p1 .LBB2_3-.Ltmp3, $3  }
0x4f: {  	_ =	sdelay $0x1  }
0x50: {  	s25 =	sadd.s32 $0xFFFFFFF0, s25;
	s23 =	sadd.s32 $0xFFFFFFF0, s23;
	(ifvalue) =	ssetifvalue $0xFFFFFFFF  }
0x51: {  	[tilespmem:s23], [sflag:$0x8] =	stream.indirect_vreg.gather [hbm4b:s1+s14], $0x1, v5, vm0, $0x4038;
	[tilespmem:s26+$0x0] =	vst v6  }
0x52: {  	s21 =	sshrl.u32 s21, $0x3  }
0x53: {  	s22 =	sadd.s32 $0x9D40, s22;
	s21 =	sadd.s32 s3, s21  }
0x54: {  	[tilespmem:s22], [sflag:$0x8] =	stream.linear.gather [hbm:s21], $0x1F40, $0x38;
	[tilespmem:$0x11A60] =	vst v63  }
.LBB2_5:
0x55: {  	p1 =	sgt.u32 s19, $0x7  }
.Ltmp4:
0x56: {  	_ = 	snop;
	(pc) =	sbr.rel @p1 .LBB2_7-.Ltmp4, $1  }
0x57: {  	_ =	sdelay $0x3  }
0x58: {  	s21 =	sshll.u32 s5, s19  }
0x59: {  	s21 =	sand.u32 $0x83, s21  }
0x5a: {  	p1 =	sne.s32 s21, $0x0  }
.Ltmp5:
0x5b: {  	_ = 	snop;
	(pc) =	sbr.rel @p1 .LBB2_10-.Ltmp5, $1  }
0x5c: {  	_ =	sdelay $0x3  }
.LBB2_7:
0x5d: {  	s21 =	sadd.s32 $0xFFFFFFFE, s19  }
0x5e: {  	s22 =	smulhi.u32 $0xAAAAAAAB, s21;
	_ =	sdelay $0x1  }
0x5f: {  	s22 =	sshrl.u32 s22, $0x1  }
0x60: {  	s22 =	smul.u32 $0x3, s22;
	_ =	sdelay $0x1  }
0x61: {  	s21 =	ssub.s32 s21, s22  }
0x62: {  	_ =	swait.ge [sflag:s9], $0x3E80;
	s25 =	smul.u32 $0x1F40, s21  }
0x63: {  	p1 =	sne.s32 s19, $0x6;
	[sflag:s9] =	ssyncset.done $0x0  }
0x64: {  	[sflag:s9] =	ssyncadd.s32 $0xFFFFC180;
	s21 =	sadd.s32 @!p1 $0x203F, s25  }
0x65: {  	[spmem:s11] =	stream.linear.scatter @!p1 [tilespmem:s21], [sflag:$0x1], $0x1, $0x38;
	[tilespmem:$0x11A60] =	vst v63  }
0x66: {  	s21 =	simm.s32 @!p1 $0x1  }
0x67: {  	_ =	swait.ge @!p1 [sflag:s21], $0x1  }
0x68: {  	s26 =	sshll.u32 s19, $0x4;
	[sflag:s21] =	ssyncset.done @!p1 $0x0  }
0x69: {  	[sflag:s21] =	ssyncadd.s32 @!p1 $0xFFFFFFFF;
	s21 =	sand.u32 $0x10, s26  }
0x6a: {  	v5 =	vld [tilespmem:s21+$0x10];
	s26 =	sxor.u32 $0x10, s21  }
0x6b: {  	v6 =	vld [tilespmem:s26+$0x60]  }
0x6c: {  	v4 =	vld [tilespmem:$0x80];
	_ =	sdelay $0x2  }
0x6d: {  	(v2sf) =	vpush v5, $0x0  }
0x6e: {  	(v2sf) =	vpush v6, $0x0  }
0x6f: {  	(v2sf) =	vpush v4, $0x0;
	_ =	sdelay $0xc  }
0x70: {  	s22 =	spop (v2sf)  }
0x71: {  	s24 =	spop (v2sf)  }
0x72: {  	s23 =	spop (v2sf)  }
0x73: {  	p2 =	seq.s32 s22, s24;
	p3 =	seq.s32 s23, s22  }
0x74: {  	p3 =	por p2, p3  }
0x75: {  	s22 =	sand.u32 $0x1, s19;
	v5 =	vpsel p3, $0xFFFFFFFF, v5  }
0x76: {  	s24 =	smul.u32 $0x1F40, s22;
	[tilespmem:s21+$0x10] =	vst.msk $0x1, v5  }
0x77: {  	v5 =	vld [tilespmem:$0x30]  }
0x78: {  	v6 =	vld [tilespmem:s24+$0x9D40]  }
0x79: {  	v7 =	vld [tilespmem:s21+$0x40];
	_ =	sdelay $0x2  }
0x7a: {  	vm4 =	vmmov vm1  }
0x7b: {  	vm5 =	vmmov vm2;
	vm4 =	vmmov @p2 vm2;
	s22 =	sshll.u32 s22, $0x4;
	v6 =	vmax.f32 v5, v6  }
0x7c: {  	vm5 =	vmmov @p3 vm1;
	s22 =	sor.u32 $0x11A40, s22;
	v5 =	vmax.f32 v5, v7;
	[tilespmem:s24+$0x9D40] =	vst.msk vm4, v6  }
0x7d: {  	[tilespmem:s22+$0x0] =	vst.msk vm5, v5  }
0x7e: {  	v5 =	vld [tilespmem:s24+$0x7DF0];
	_ =	sdelay $0x4  }
0x7f: {  	v5 =	vshift.insert v5, v3, s17  }
0x80: {  	s28 =	sor.u32 $0x40, s26  }
0x81: {  	v6 =	vimm.f32 $-Inf;
	[tilespmem:s28+$0x0] =	vst.msk $0x1, v5  }
0x82: {  	[tilespmem:s24+$0x7DFF] =	vst.msk $0x1, v6  }
0x83: {  	v5 =	vld [tilespmem:s25+$0x2030]  }
0x84: {  	s25 =	smulhi.u32 $0xAAAAAAAB, s16;
	_ =	sdelay $0x1  }
0x85: {  	s28 =	simm.s32 $0x1;
	s25 =	sshrl.u32 s25, $0x1  }
0x86: {  	s28 =	simm.s32 @!p0 $0x0;
	s25 =	smul.u32 $0xFFFE8900, s25  }
0x87: {  	s28 =	smul.u32 $0x7D00, s28;
	v5 =	vshift.insert v5, v1, s17  }
0x88: {  	s25 =	sshra.s32 s25, $0x2  }
0x89: {  	s28 =	sshrl.u32 s28, $0x2;
	s29 =	sadd.s32 s25, s15;
	[tilespmem:s26+$0x10] =	vst.msk $0x1, v5  }
0x8a: {  	s30 =	sadd.s32 $0x9D40, s28;
	v7 =	vld [tilespmem:s29+$0x0]  }
0x8b: {  	v8 =	vld [tilespmem:s30+$0x0];
	_ =	sdelay $0x4  }
0x8c: {  	vm4 =	vne.s32 v7, $0xFFFFFFFF;
	v6 =	vmax.f32 v8, v6  }
0x8d: {  	(xrf0) =	vmax.seg.scan.f32 vm4, v6  }
0x8e: {  	s31 =	sadd.s32 $0x5EC0, s28;
	v8 =	vld [tilespmem:$0xA0]  }
0x8f: {  	v9 =	vld [tilespmem:s31+$0x0];
	_ =	sdelay $0x1  }
0x90: {  	v6 =	vperm.xlane v5, v1;
	_ =	sdelay $0x1  }
0x91: {  	vm6 =	veq.s32 v7, v4;
	vm7 =	veq.s32 v7, v6;
	vm5 =	veq.s32 v8, $0x1;
	v8, _, _ =	vpop (xrf0)  }
0x92: {  	vm8 =	vgt.u32 v7, $0xFFFFFFFD;
	vm7 =	vmor vm7, vm6;
	v9 =	vmax.f32 v8, v9  }
0x93: {  	s25 =	sadd.s32 $0xDBC0, s28;
	v10 =	vld [tilespmem:$0x90];
	vm7 =	vmor vm7, vm8;
	v9 =	vsel vm6, v8, v9  }
0x94: {  	[tilespmem:s25+$0x0] =	vst v9;
	v9 =	vsel vm7, $0xFFFFFFFF, v7;
	_ =	sdelay $0x1  }
0x95: {  	vm9 =	vmand vm4, vm3  }
0x96: {  	s28 =	sadd.s32 $0x10, s30;
	s26 =	simm.s32 $0x0;
	s29 =	sadd.s32 $0x10, s29;
	v11 =	vsel vm9, $0xFF800000, v8  }
0x97: {  	s30 =	sadd.s32 $0x10, s25;
	s31 =	sadd.s32 $0x10, s31;
	vm4 =	vmor vm5, vm6;
	v7 =	vsel vm6, v8, v10;
	v8 =	vshift.insert v11, v0, s17;
	(ifvalue) =	ssetifvalue $0xFFFFFFFF  }
.LBB2_8:
0x98: {  	[hbm4b:s1+s14] =	stream.indirect_vreg.scatter [tilespmem:s25], [sflag:$0x2], $0x1, v9, vm0, $0x4038;
	[tilespmem:$0x11A60] =	vst v63  }
0x99: {  	s26 =	sadd.s32 $0x10, s26;
	s25 =	smov.u32 s30;
	v9 =	vld [tilespmem:s29+$0x0]  }
0x9a: {  	p2 =	slt.u32 s26, $0x1F30;
	v10 =	vld [tilespmem:s28+$0x0];
	_ =	sdelay $0x4  }
0x9b: {  	vm5 =	vne.s32 v9, $0xFFFFFFFF;
	v8 =	vmax.f32 v10, v8  }
0x9c: {  	(xrf0) =	vmax.seg.scan.f32 vm5, v8;
	_ =	sdelay $0x1  }
0x9d: {  	v8 =	vld [tilespmem:s31+$0x0]  }
0x9e: {  	vm6 =	veq.s32 v9, v4;
	vm7 =	veq.s32 v9, v6  }
0x9f: {  	vm8 =	vgt.u32 v9, $0xFFFFFFFD;
	vm4 =	vmor vm4, vm6;
	vm7 =	vmor vm7, vm6  }
0xa0: {  	vm7 =	vmor vm7, vm8  }
.Ltmp6:
0xa1: {  	vm5 =	vmand vm5, vm3;
	v9 =	vsel vm7, $0xFFFFFFFF, v9;
	v10, _, _ =	vpop (xrf0);
	(pc) =	sbr.rel @p2 .LBB2_8-.Ltmp6, $4  }
0xa2: {  	v7 =	vsel vm6, v10, v7;
	v8 =	vmax.f32 v10, v8;
	v11 =	vsel vm5, $0xFF800000, v10  }
0xa3: {  	v10 =	vsel vm6, v10, v8;
	v8 =	vshift.insert v11, v0, s17  }
0xa4: {  	s29 =	sadd.s32 $0x10, s29;
	s28 =	sadd.s32 $0x10, s28;
	[tilespmem:s30+$0x0] =	vst v10  }
0xa5: {  	s31 =	sadd.s32 $0x10, s31;
	s30 =	sadd.s32 $0x10, s30;
	(ifvalue) =	ssetifvalue $0xFFFFFFFF  }
0xa6: {  	_ =	sdelay $0x3  }
0xa7: {  	[hbm4b:s1+s14] =	stream.indirect_vreg.scatter [tilespmem:s25], [sflag:$0x2], $0x1, v9, vm0, $0x4038;
	[tilespmem:$0x11A60] =	vst v63  }
0xa8: {  	v4 =	vld [tilespmem:s24+$0xFAF0];
	_ =	sdelay $0x4  }
0xa9: {  	v4 =	vshift.insert v4, v3, s17;
	_ =	sdelay $0x1  }
0xaa: {  	[tilespmem:s18+$0x0] =	vst.msk $0x1, v4  }
0xab: {  	v4 =	vsel vm4, $0x1, v1;
	[tilespmem:$0x90] =	vst v7  }
0xac: {  	s24 =	sadd.s32 @!p1 $0xFAFF, s24;
	[tilespmem:$0xA0] =	vst v4  }
0xad: {  	[spmem:s12] =	stream.linear.scatter @!p1 [tilespmem:s24], [sflag:$0x1], $0x1, $0x38;
	[tilespmem:$0x11A60] =	vst v63  }
0xae: {  	s24 =	simm.s32 @!p1 $0x1  }
0xaf: {  	v4 =	vmctz.xlane @!p1 vm4;
	_ =	swait.ge @!p1 [sflag:s24], $0x1  }
0xb0: {  	(v2sf) =	vpush @!p1 v5, $0x0  }
0xb1: {  	(v2sf) =	vpush @!p1 v4, $0x0;
	_ =	sdelay $0xd  }
0xb2: {  	s25 =	spop @!p1 (v2sf)  }
0xb3: {  	s26 =	spop @!p1 (v2sf)  }
0xb4: {  	p2 =	sne.s32 @!p1 s23, s25;
	p3 =	slt.s32 @!p1 s26, $0xF  }
0xb5: {  	[sflag:s24] =	ssyncset.done @!p1 $0x0;
	p2 =	por p2, p1;
	p3 =	por !p3, p1  }
0xb6: {  	[sflag:s24] =	ssyncadd.s32 @!p1 $0xFFFFFFFF;
	v4 =	vimm.s32 @!p2 $0xFFFFFFFF;
	s26 =	simm.s32 @p3 $0xF  }
0xb7: {  	[tilespmem:$0x80] =	vst @!p2 v4;
	s23 =	sadd.s32 @!p1 $0x90, s26  }
0xb8: {  	[spmem:s10] =	stream.linear.scatter @!p1 [tilespmem:s23], [sflag:$0x1], $0x1, $0x38;
	[tilespmem:$0x11A60] =	vst v63  }
0xb9: {  	_ =	swait.ge @!p1 [sflag:s24], $0x1  }
0xba: {  	[sflag:s24] =	ssyncset.done @!p1 $0x0  }
0xbb: {  	s23 =	simm.s32 @!p1 $0x80;
	[sflag:s24] =	ssyncadd.s32 @!p1 $0xFFFFFFFF  }
0xbc: {  	[spmem:s13] =	stream.linear.scatter @!p1 [tilespmem:s23], [sflag:$0x1], $0x1, $0x38;
	[tilespmem:$0x11A60] =	vst v63  }
0xbd: {  	_ =	swait.ge @!p1 [sflag:s24], $0x1  }
0xbe: {  	[sflag:s24] =	ssyncset.done @!p1 $0x0  }
0xbf: {  	[sflag:s24] =	ssyncadd.s32 @!p1 $0xFFFFFFFF;
	(ifvalue) =	ssetifvalue $0xFFFFFFFF;
	v4 =	vld [tilespmem:s21+$0x10];
	_ =	sdelay $0x3  }
.Ltmp7:
0xc0: {  	_ = 	snop;
	(pc) =	sbr.rel .LBB2_10-.Ltmp7, $3  }
0xc1: {  	_ =	sdelay $0x1  }
0xc2: {  	(ifvalue) =	ssetifvalue $0xFFFFFFFF  }
0xc3: {  	[hbm4b:s1+s14] =	stream.indirect_vreg.scatter [tilespmem:s22], [sflag:$0x9], $0x1, v4, vm0, $0x4038;
	[tilespmem:$0x11A60] =	vst v63  }
.LBB2_11:
0xc4: {  	_ =	sfence.sel $0x180000  }
0xc5: {  	s2 =	simm.s32 $0x7;
	[bflag:$0x0] =	sbarrier.arrive $0xFFFF  }
0xc6: {  	s26 =	simm.s32 $0x8;
	[sflag:s2] =	ssyncpa.u1 $0x1  }
0xc7: {  	s28 =	simm.s32 $0x9;
	[sflag:s26] =	ssyncpa.u1 $0x1  }
0xc8: {  	[sflag:s28] =	ssyncpa.u1 $0x1  }
0xc9: {  	_ =	sfence.stream.spmem  }
0xca: {  	s29 =	simm.s32 $0x3;
	[bflag:$0x0] =	sbarrier.arrive $0xFFFF  }
0xcb: {  	s30 =	simm.s32 $0x4;
	[sflag:s29] =	ssyncpa.u1 $0x1  }
0xcc: {  	s31 =	simm.s32 $0x3C;
	[sflag:s30] =	ssyncpa.u1 $0x1  }
0xcd: {  	p0 =	sne.s32 s4, $0x0;
	[sflag:s31] =	ssyncpa.u1 $0x1  }
0xce: {  	s0 =	simm.s32 @p0 $0x1;
	_ =	sfence @p0  }
0xcf: {  	[sflag:s0] =	ssyncpa.u1 @p0 $0x1;
	s0 =	simm.s32 @p0 $0x2  }
0xd0: {  	[sflag:s0] =	ssyncpa.u1 @p0 $0x1  }
0xd1: {  	_ =	strace @p0 $0x90000059  }
0xd2: {  	[bflag:$0x2] =	sbarrier.arrive @p0 $0xFFFF  }
0xd3: {  	_ =	shalt @p0  }
.LBB2_12:
0xd4: {  	_ =	sfence.stream.spmem;
	s3 =	simm.s32 $0x5  }
0xd5: {  	s2 =	simm.s32 $0x80;
	s4 =	simm.s32 $0xC0;
	[sflag:s3] =	ssyncpa.u1 $0x0  }
0xd6: {  	[tilespmem:s4], [sflag:$0x5] =	stream.linear.gather [spmem:s2], $0x20, $0x38;
	[tilespmem:$0x11A60] =	vst v63  }
0xd7: {  	s30 =	simm.s32 $0xE0;
	s2 =	simm.s32 $0x0  }
0xd8: {  	[tilespmem:s30], [sflag:$0x5] =	stream.linear.gather [spmem:s2], $0x20, $0x38;
	[tilespmem:$0x11A60] =	vst v63  }
.Ltmp8:
0xd9: {  	_ = 	snop;
	(pc) =	sbr.rel .LBB2_13-.Ltmp8, $4  }
0xda: {  	_ =	swait.ge [sflag:s3], $0x40  }
0xdb: {  	[sflag:s3] =	ssyncset.done $0x0  }
0xdc: {  	s31 =	simm.s32 $0x6;
	[sflag:s3] =	ssyncadd.s32 $0xFFFFFFC0  }
0xdd: {  	s3 =	simm.s32 $0x0;
	[sflag:s31] =	ssyncpa.u1 $0x0  }
.LBB2_18:
0xde: {  	p0 =	sgt.u32 s4, $0x27FF  }
0xdf: {  	s5 =	sshrl.u32 @!p0 s4, $0x3  }
0xe0: {  	s4 =	sand.u32 @!p0 $0x7, s4;
	s6 =	simm.s32 @!p0 $0xB0;
	s5 =	sadd.s32 @!p0 s1, s5  }
0xe1: {  	[tilespmem:s6], [sflag:$0x6] =	stream.linear.gather @!p0 [hbm4b:s5+s4], $0x1, $0x38;
	[tilespmem:$0x11A60] =	vst v63  }
0xe2: {  	s4 =	simm.s32 @!p0 $0x6  }
0xe3: {  	_ =	swait.ge @!p0 [sflag:s4], $0x1  }
0xe4: {  	[sflag:s4] =	ssyncset.done @!p0 $0x0  }
0xe5: {  	[sflag:s4] =	ssyncadd.s32 @!p0 $0xFFFFFFFF  }
0xe6: {  	v1 =	vld.msk @!p0 [tilespmem:$0xB0], $0x1  }
0xe7: {  	v2 =	vld.msk @!p0 [tilespmem:s3+$0xE0], $0x1;
	_ =	sdelay $0x4  }
0xe8: {  	v1 =	vmax.f32 @!p0 v2, v1  }
0xe9: {  	[tilespmem:s3+$0xE0] =	vst.msk @!p0 $0x1, v1  }
0xea: {  	[tilespmem:s2+$0xC0] =	vst.msk $0x1, v0  }
0xeb: {  	v0 =	vld.msk [tilespmem:s3+$0xE0], $0x1;
	_ =	sdelay $0x4  }
0xec: {  	[tilespmem:s2+$0xE0] =	vst.msk $0x1, v0;
	s2 =	sadd.s32 $0x1, s2  }
.LBB2_20:
0xed: {  	s3 =	sadd.s32 $0x1, s3  }
0xee: {  	p0 =	sne.s32 s3, $0x20  }
.Ltmp9:
0xef: {  	_ = 	snop;
	(pc) =	sbr.rel @!p0 .LBB2_21-.Ltmp9, $1  }
0xf0: {  	_ =	sdelay $0x3  }
.LBB2_13:
0xf1: {  	v0 =	vld.msk [tilespmem:s3+$0xC0], $0x1;
	_ =	sdelay $0x4  }
0xf2: {  	(v2sf) =	vpush v0, $0x0;
	_ =	sdelay $0xe  }
0xf3: {  	s4 =	spop (v2sf)  }
0xf4: {  	p0 =	seq.s32 s4, $0xFFFFFFFF  }
.Ltmp10:
0xf5: {  	_ = 	snop;
	(pc) =	sbr.rel @p0 .LBB2_20-.Ltmp10, $1  }
0xf6: {  	_ =	sdelay $0x3  }
0xf7: {  	p0 =	slt.s32 s2, $0x1  }
.Ltmp11:
0xf8: {  	_ = 	snop;
	(pc) =	sbr.rel @p0 .LBB2_18-.Ltmp11, $1  }
0xf9: {  	_ =	sdelay $0x3  }
0xfa: {  	s5 =	simm.s32 $0xC0;
	p0 =	por $0x0, $0x0  }
0xfb: {  	v1 =	vld.msk @!p0 [tilespmem:s5+$0x0], $0x1;
	_ =	sdelay $0x4  }
0xfc: {  	(v2sf) =	vpush @!p0 v1, $0x0;
	_ =	sdelay $0xd  }
0xfd: {  	p2 =	sne.s32 s2, $0x1  }
.Ltmp12:
0xfe: {  	s6 =	spop @!p0 (v2sf);
	(pc) =	sbr.rel @!p2 .LBB2_17-.Ltmp12, $4  }
0xff: {  	p1 =	seq.s32 @!p0 s4, s6  }
0x100: {  	s6 =	simm.s32 $0x0;
	p1 =	por !p1, p0  }
0x101: {  	s8 =	simm.s32 $0xFFFFFFFF;
	s6 =	simm.s32 @p1 $0xFFFFFFFF  }
0x102: {  	s7 =	simm.s32 $0x1;
	s6 =	smov.u32 @p0 s8  }
.LBB2_16:
0x103: {  	s8 =	smov.u32 s6;
	p0 =	sne.s32 s6, $0xFFFFFFFF  }
0x104: {  	s5 =	sadd.s32 $0x1, s5;
	s6 =	smov.u32 s7;
	s7 =	sadd.s32 $0x1, s7  }
0x105: {  	p1 =	sne.s32 s2, s7;
	v1 =	vld.msk @!p0 [tilespmem:s5+$0x0], $0x1;
	_ =	sdelay $0x4  }
0x106: {  	(v2sf) =	vpush @!p0 v1, $0x0;
	_ =	sdelay $0xe  }
.Ltmp13:
0x107: {  	s9 =	spop @!p0 (v2sf);
	(pc) =	sbr.rel @p1 .LBB2_16-.Ltmp13, $4  }
0x108: {  	p2 =	seq.s32 @!p0 s4, s9  }
0x109: {  	p2 =	por !p2, p0  }
0x10a: {  	s6 =	simm.s32 @p2 $0xFFFFFFFF  }
0x10b: {  	s6 =	smov.u32 @p0 s8  }
.LBB2_17:
0x10c: {  	p0 =	sne.s32 s6, $0xFFFFFFFF  }
.Ltmp14:
0x10d: {  	_ = 	snop;
	(pc) =	sbr.rel @!p0 .LBB2_18-.Ltmp14, $1  }
0x10e: {  	_ =	sdelay $0x3  }
0x10f: {  	v0 =	vld.msk [tilespmem:s3+$0xE0], $0x1  }
0x110: {  	v1 =	vld.msk [tilespmem:s6+$0xE0], $0x1;
	_ =	sdelay $0x1  }
.Ltmp15:
0x111: {  	_ = 	snop;
	(pc) =	sbr.rel .LBB2_20-.Ltmp15, $3  }
0x112: {  	_ =	sdelay $0x1  }
0x113: {  	v0 =	vmax.f32 v1, v0  }
0x114: {  	[tilespmem:s6+$0xE0] =	vst.msk $0x1, v0  }
.LBB2_21:
0x115: {  	p0 =	slt.s32 s2, $0x1  }
.Ltmp16:
0x116: {  	_ = 	snop;
	(pc) =	sbr.rel @p0 .LBB2_25-.Ltmp16, $3  }
0x117: {  	_ =	sdelay $0x1  }
0x118: {  	s3 =	simm.s32 $0x6  }
0x119: {  	[sflag:s3] =	ssyncpa.u1 $0x1;
	s3 =	simm.s32 $0x0  }
0x11a: {  	s4 =	simm.s32 $0xC0  }
0x11b: {  	v0 =	vld.msk [tilespmem:s4+$0x0], $0x1;
	_ =	sdelay $0x4  }
0x11c: {  	(v2sf) =	vpush v0, $0x0;
	_ =	sdelay $0xe  }
0x11d: {  	s2 =	sadd.s32 $0xFFFFFFFF, s2;
	s5 =	spop (v2sf)  }
0x11e: {  	p1 =	sne.s32 s2, $0x0;
	p0 =	sgt.u32 s5, $0x27FF  }
.Ltmp17:
0x11f: {  	s6 =	sshrl.u32 @!p0 s5, $0x3;
	(pc) =	sbr.rel @!p1 .LBB2_24-.Ltmp17, $4  }
0x120: {  	s4 =	simm.s32 $0xE0;
	s5 =	sand.u32 @!p0 $0x7, s5;
	s6 =	sadd.s32 @!p0 s1, s6  }
0x121: {  	[hbm4b:s6+s5] =	stream.linear.scatter @!p0 [tilespmem:s4], [sflag:$0x5], $0x1, $0x38;
	[tilespmem:$0x11A60] =	vst v63  }
0x122: {  	s6 =	simm.s32 $0x0  }
0x123: {  	s5 =	simm.s32 $0xC1;
	s6 =	simm.s32 @!p0 $0x4  }
.LBB2_23:
0x124: {  	v0 =	vld.msk [tilespmem:s5+$0x0], $0x1;
	s2 =	sadd.s32 $0xFFFFFFFF, s2;
	s3 =	sadd.s32 s3, s6  }
0x125: {  	p0 =	sne.s32 s2, $0x0;
	_ =	sdelay $0x3  }
0x126: {  	(v2sf) =	vpush v0, $0x0;
	_ =	sdelay $0xe  }
.Ltmp18:
0x127: {  	s7 =	spop (v2sf);
	(pc) =	sbr.rel @p0 .LBB2_23-.Ltmp18, $4  }
0x128: {  	s6 =	simm.s32 $0x0;
	p1 =	sgt.u32 s7, $0x27FF  }
0x129: {  	s4 =	sadd.s32 $0x1, s4;
	s6 =	simm.s32 @!p1 $0x4;
	s8 =	sshrl.u32 @!p1 s7, $0x3  }
0x12a: {  	s5 =	sadd.s32 $0x1, s5;
	s7 =	sand.u32 @!p1 $0x7, s7;
	s8 =	sadd.s32 @!p1 s1, s8  }
0x12b: {  	[hbm4b:s8+s7] =	stream.linear.scatter @!p1 [tilespmem:s4], [sflag:$0x5], $0x1, $0x38;
	[tilespmem:$0x11A60] =	vst v63  }
.LBB2_24:
0x12c: {  	s1 =	sadd.s32 s3, s6  }
0x12d: {  	s3 =	sshrl.u32 s1, $0x2  }
.LBB2_25:
0x12e: {  	s1 =	simm.s32 $0x5  }
0x12f: {  	_ =	swait.ge [sflag:s1], s3  }
0x130: {  	s2 =	ssub.s32 $0x0, s3;
	[sflag:s1] =	ssyncset.done $0x0  }
0x131: {  	[sflag:s1] =	ssyncadd.s32 s2  }
0x132: {  	[sflag:s1] =	ssyncpa.u1 $0x1  }
0x133: {  	s30 =	simm.s32 $0x1;
	_ =	sfence  }
0x134: {  	s31 =	simm.s32 $0x2;
	[sflag:s30] =	ssyncpa.u1 $0x1  }
0x135: {  	[sflag:s31] =	ssyncpa.u1 $0x1  }
0x136: {  	_ =	strace $0x90000059  }
0x137: {  	s0 =	sadd.s32 $0x100000, s0;
	[bflag:$0x2] =	sbarrier.arrive $0xFFFF  }
0x138: {  	[sflag:s0] =	ssyncadd.tile.s32 $0x1;
	_ =	shalt  }
.Lfunc_end2:
_tile_overlayer_lowered:
.L_overlay_start_2:
0x139: {  	(tag) =	ssettag $0x2  }
0x13a: {  	s0 =	rddreg [dreg:$0x0];
	s2 =	stileid.u32  }
0x13b: {  	s1 =	rddreg [dreg:$0x1];
	p0 =	sne.s32 s2, $0x0  }
0x13c: {  	s3 =	rddreg [dreg:$0x2];
	[bflag:$0x3] =	sbarrier.arrive $0xFFFF;
	s2 =	simm.s32 @!p0 $0x1C01  }
0x13d: {  	[timem:s3], [sflag:s2] =	dma.local @!p0 [hbm:s0], s1  }
0x13e: {  	s0 =	simm.s32 @!p0 $0x1  }
0x13f: {  	_ =	swait.ge @!p0 [sflag:s0], s1  }
0x140: {  	s1 =	ssub.s32 @!p0 $0x0, s1;
	[sflag:s0] =	ssyncset.done @!p0 $0x0  }
0x141: {  	[sflag:s0] =	ssyncadd.s32 @!p0 s1  }
0x142: {  	[bflag:$0x3] =	sbarrier.arrive $0xFFFF  }
0x143: {  	_ =	shalt  }

// kernel: scatter_offload_async_start.4
scs
__scs_entry_jumppad:
0x0: {  	(pc) =	sbr.rel $0x88, $3  }
0x1: {  	(tag) =	ssettag $0x0;
	lr =	simm.s32 $0x1  }
0x2: {  	[smem:$0x3F9D] =	sst lr;
	_ =	strace $0xD0000000  }
0x3: {  	_ = 	snop  }
0x4: {  	_ = 	snop  }
0x5: {  	_ = 	snop  }
0x6: {  	_ = 	snop  }
0x7: {  	_ = 	snop  }
__scs_overlays_trampoline_lowered:
0x8: {  	[smem:$0x3FAC] =	sst s0  }
0x9: {  	[smem:$0x3FAD] =	sst s1  }
0xa: {  	[smem:$0x3FAE] =	sst s2  }
0xb: {  	[smem:$0x3FAF] =	sst s3  }
0xc: {  	[smem:$0x3FB0] =	sst s4  }
0xd: {  	[smem:$0x3FB1] =	sst s5  }
0xe: {  	[smem:$0x3FB2] =	sst s6  }
0xf: {  	[smem:$0x3FB3] =	sst s7  }
0x10: {  	[smem:$0x3FB4] =	sst s8  }
0x11: {  	[smem:$0x3FB5] =	sst s9;
	s0 =	simm.s32 @!p0 $0x0  }
0x12: {  	s1 =	sld [smem:$0x3F9B];
	s0 =	simm.s32 @p0 $0x1  }
0x13: {  	[smem:$0x3FB6] =	sst s0;
	s0 =	simm.s32 @!p1 $0x0  }
0x14: {  	s2 =	sld [smem:$0x3F9A];
	s0 =	simm.s32 @p1 $0x1  }
0x15: {  	[smem:$0x3FB7] =	sst s0;
	s0 =	simm.s32 @!p2 $0x0  }
0x16: {  	s3 =	sld [smem:$0x3FDB];
	s0 =	simm.s32 @p2 $0x1  }
0x17: {  	s4 =	simm.s32 $0x1BF5;
	[smem:$0x3FB9] =	sst s0  }
0x18: {  	s0 =	sld [smem:$0x3F9C];
	_ =	swait.ge [sflag:s4], $0x0  }
0x19: {  	s7 =	sld [smem:$0x3F9D]  }
0x1a: {  	s8 =	sadd.s32 $0xFFFFE003, lr  }
0x1b: {  	s9 =	sadd.s32 $0xFFFFFEF7, lr;
	s5 =	simm.s32 $0xFFFFFFFF;
	p2 =	slt.u32 s8, $0xFFFFF086  }
0x1c: {  	p1 =	slt.u32 s9, $0xF7A;
	s5 =	simm.s32 @!p2 $0x0  }
0x1d: {  	s5 =	simm.s32 @p1 $0x1;
	p0 =	seq.s32 s7, s2  }
0x1e: {  	s7 =	smul.u32 @!p0 $0xF7A, s2;
	p2 =	seq.s32 @!p0 s5, $0x0  }
0x1f: {  	s9 =	smul.u32 $0xF7A, s1;
	s8 =	simm.s32 @!p0 $0x1BF5;
	p2 =	por !p2, p0  }
0x20: {  	[sflag:s8] =	ssyncset.s32 @!p0 $0xFFFFF086;
	s6 =	sadd.s32 @!p0 s3, s7;
	s7 =	simm.s32 @!p0 $0x108  }
0x21: {  	s3 =	sadd.s32 s3, s9;
	s6 =	sadd.s32 @!p0 $0x88, s6;
	s7 =	simm.s32 @p2 $0x1082  }
0x22: {  	[simem:s7], [sflag:s8] =	dma.local @!p0 [hbm:s6], $0xF7A  }
0x23: {  	s9 =	sor.u32 $0xD0000000, s2;
	s6 =	simm.s32 $0x108;
	_ =	swait.ge @!p0 [sflag:s8], $0x0  }
0x24: {  	s3 =	sadd.s32 $0x88, s3;
	s6 =	simm.s32 @!p1 $0x1082;
	[sflag:s4] =	ssyncset.s32 $0xFFFFF086  }
0x25: {  	[simem:s6], [sflag:s4] =	dma.local [hbm:s3], $0xF7A  }
0x26: {  	[smem:$0x3F9D] =	sst s1;
	(tag) =	ssettag s2;
	_ =	strace s9  }
0x27: {  	s1 =	sld [smem:$0x3FAD]  }
0x28: {  	s2 =	sld [smem:$0x3FAE]  }
0x29: {  	s4 =	sld [smem:$0x3FB0]  }
0x2a: {  	p0 =	seq.s32 s5, $0x0;
	s5 =	sld [smem:$0x3FB1]  }
0x2b: {  	s6 =	sld [smem:$0x3FB2]  }
0x2c: {  	s7 =	sld [smem:$0x3FB3]  }
0x2d: {  	s3 =	simm.s32 $0x108;
	s8 =	sld [smem:$0x3FB4]  }
0x2e: {  	s3 =	simm.s32 @!p0 $0x1082;
	s9 =	sld [smem:$0x3FB5]  }
0x2f: {  	lr =	sadd.s32 s0, s3;
	s0 =	sld [smem:$0x3FAC]  }
0x30: {  	s3 =	sld [smem:$0x3FAF]  }
0x31: {  	[smem:$0x3FB8] =	sst s10  }
0x32: {  	s10 =	sld [smem:$0x3FB6];
	_ =	sdelay $0x3  }
0x33: {  	p0 =	seq.s32 s10, $0x1;
	s10 =	sld [smem:$0x3FB8];
	_ =	sdelay $0x3  }
0x34: {  	[smem:$0x3FB8] =	sst s10  }
0x35: {  	s10 =	sld [smem:$0x3FB7];
	_ =	sdelay $0x3  }
0x36: {  	p1 =	seq.s32 s10, $0x1;
	s10 =	sld [smem:$0x3FB8];
	_ =	sdelay $0x3  }
0x37: {  	[smem:$0x3FB8] =	sst s10  }
0x38: {  	s10 =	sld [smem:$0x3FB9]  }
0x39: {  	_ = 	snop;
	(pc) =	sbr.ind lr, $3  }
0x3a: {  	_ = 	snop  }
0x3b: {  	_ = 	snop  }
0x3c: {  	p2 =	seq.s32 s10, $0x1;
	s10 =	sld [smem:$0x3FB8]  }
0x3d: {  	_ =	shalt  }
0x3e: {  	_ =	shalt  }
0x3f: {  	_ =	shalt  }
0x40: {  	_ =	shalt  }
0x41: {  	_ =	shalt  }
0x42: {  	_ =	shalt  }
0x43: {  	_ =	shalt  }
0x44: {  	_ =	shalt  }
0x45: {  	_ =	shalt  }
0x46: {  	_ =	shalt  }
0x47: {  	_ =	shalt  }
0x48: {  	_ =	shalt  }
0x49: {  	_ =	shalt  }
0x4a: {  	_ =	shalt  }
0x4b: {  	_ =	shalt  }
0x4c: {  	_ =	shalt  }
0x4d: {  	_ =	shalt  }
0x4e: {  	_ =	shalt  }
0x4f: {  	_ =	shalt  }
0x50: {  	_ =	shalt  }
0x51: {  	_ =	shalt  }
0x52: {  	_ =	shalt  }
0x53: {  	_ =	shalt  }
0x54: {  	_ =	shalt  }
0x55: {  	_ =	shalt  }
0x56: {  	_ =	shalt  }
0x57: {  	_ =	shalt  }
0x58: {  	_ =	shalt  }
0x59: {  	_ =	shalt  }
0x5a: {  	_ =	shalt  }
0x5b: {  	_ =	shalt  }
0x5c: {  	_ =	shalt  }
0x5d: {  	_ =	shalt  }
0x5e: {  	_ =	shalt  }
0x5f: {  	_ =	shalt  }
0x60: {  	_ =	shalt  }
0x61: {  	_ =	shalt  }
0x62: {  	_ =	shalt  }
0x63: {  	_ =	shalt  }
0x64: {  	_ =	shalt  }
0x65: {  	_ =	shalt  }
0x66: {  	_ =	shalt  }
0x67: {  	_ =	shalt  }
0x68: {  	_ =	shalt  }
0x69: {  	_ =	shalt  }
0x6a: {  	_ =	shalt  }
0x6b: {  	_ =	shalt  }
0x6c: {  	_ =	shalt  }
0x6d: {  	_ =	shalt  }
0x6e: {  	_ =	shalt  }
0x6f: {  	_ =	shalt  }
0x70: {  	_ =	shalt  }
0x71: {  	_ =	shalt  }
0x72: {  	_ =	shalt  }
0x73: {  	_ =	shalt  }
0x74: {  	_ =	shalt  }
0x75: {  	_ =	shalt  }
0x76: {  	_ =	shalt  }
0x77: {  	_ =	shalt  }
0x78: {  	_ =	shalt  }
0x79: {  	_ =	shalt  }
0x7a: {  	_ =	shalt  }
0x7b: {  	_ =	shalt  }
0x7c: {  	_ =	shalt  }
0x7d: {  	_ =	shalt  }
0x7e: {  	_ =	shalt  }
0x7f: {  	_ =	shalt  }
0x80: {  	_ =	shalt  }
0x81: {  	_ =	shalt  }
0x82: {  	_ =	shalt  }
0x83: {  	_ =	shalt  }
0x84: {  	_ =	shalt  }
0x85: {  	_ =	shalt  }
0x86: {  	_ =	shalt  }
0x87: {  	_ =	shalt  }
.Lfunc_end0:
.L_simem_size_0:
called_computation.4_lowered:
.L_overlay_start_0:
0x88: {  	s0 =	sld [smem:$0x3FD9]  }
0x89: {  	s1 =	sld [smem:$0x3FFE];
	_ =	sdelay $0x3  }
0x8a: {  	s0 =	sadd.s32 s1, s0  }
0x8b: {  	[smem:$0x3FC4] =	sst s0  }
0x8c: {  	_ = 	snop  }
0x8d: {  	s0 =	sld [smem:$0x3FD0];
	_ =	sdelay $0x2  }
0x8e: {  	s13 =	simm.s32 $0xD;
	s2 =	simm.s32 $0x10  }
0x8f: {  	[smem:s2], [sflag:s13] =	dma.local [hbm:s0], $0x1  }
0x90: {  	_ =	swait.eq [sflag:s13], $0x1  }
0x91: {  	[sflag:s13] =	ssyncset.done $0x0  }
0x92: {  	[sflag:s13] =	ssyncadd.s32 $0xFFFFFFFF  }
0x93: {  	s14 =	sld [smem:$0x10];
	(tm) =	ssettm $0x1  }
0x94: {  	s15 =	sld [smem:$0x3FFB];
	_ =	sdelay $0x3  }
0x95: {  	_ =	strace s15  }
0x96: {  	s1 =	sld [smem:$0x3FFC];
	_ =	sdelay $0x3  }
0x97: {  	_ =	strace s1  }
0x98: {  	s1 =	sld [smem:$0x3FFD];
	_ =	sdelay $0x3  }
0x99: {  	_ =	strace s1  }
0x9a: {  	_ =	strace $0x8FFFFFFF  }
0x9b: {  	s16 =	sld [smem:$0x3FDB];
	_ =	sdelay $0x1  }
0x9c: {  	s17 =	simm.s32 $_scs_section_size  }
0x9d: {  	s3 =	simm.s32 $_size__tile_overlayer_lowered;
	s4 =	simm.s32 $_tile_overlayer_lowered  }
0x9e: {  	s20 =	simm.s32 $0x1BFF;
	s19 =	sshll.u32 s4, $0x1;
	s1 =	sadd.s32 s17, s16  }
0x9f: {  	s5 =	simm.s32 $0x0;
	s18 =	sshll.u32 s3, $0x1;
	s3 =	sadd.s32 s19, s1  }
0xa0: {  	[timem:s5], [sflag:s20] =	dma.local [hbm:s3], s18  }
0xa1: {  	_ =	swait.ge [sflag:s20], s18  }
0xa2: {  	s2 =	ssub.s32 $0x0, s18;
	[sflag:s20] =	ssyncset.done $0x0  }
0xa3: {  	[sflag:s20] =	ssyncadd.s32 s2;
	_ =	sdelay $0x1  }
0xa4: {  	s21 =	simm.s32 $0x1B8B  }
0xa5: {  	_ =	swait.ge [sflag:s21], $0x1  }
0xa6: {  	[sflag:s21] =	ssyncset.done $0x0  }
0xa7: {  	s23 =	simm.s32 $0x1B8E;
	s22 =	sld [smem:$0x3FFE];
	[sflag:s21] =	ssyncadd.s32 $0xFFFFFFFF  }
0xa8: {  	s24 =	simm.s32 $execute0_lowered;
	[smem:$0x3FD2] =	sst s23  }
0xa9: {  	s3 =	sshll.u32 s24, $0x1;
	_ =	strace $0x8000005B;
	[dreg:$0x1] =	wrdreg $0xFFFFFFFF  }
0xaa: {  	s25 =	simm.s32 $_size_execute0_lowered;
	s1 =	sadd.s32 s1, s3;
	[dreg:$0x0] =	wrdreg $0x0  }
0xab: {  	s3 =	sshll.u32 s25, $0x1;
	[dreg:$0x2] =	wrdreg s1  }
0xac: {  	[dreg:$0x3] =	wrdreg s3  }
0xad: {  	[dreg:$0x4] =	wrdreg $0xC0  }
0xae: {  	_ =	task [dreg:s5], $0x5FFFF  }
0xaf: {  	[dreg:$0x1] =	wrdreg $0xFFFFFFFF  }
0xb0: {  	[dreg:$0x0] =	wrdreg $0x60  }
0xb1: {  	[dreg:$0x2] =	wrdreg s22  }
0xb2: {  	[dreg:$0x3] =	wrdreg s14  }
0xb3: {  	[dreg:$0x4] =	wrdreg $0x9  }
0xb4: {  	_ =	task.clear_ibuf [dreg:s5], $0x5FFFF;
	_ =	strace $0x9000005B  }
0xb5: {  	s26 =	simm.s32 $0x9;
	_ =	strace $0x8000005D  }
0xb6: {  	_ =	swait.ge [sflag:s26], $0x1  }
0xb7: {  	[sflag:s26] =	ssyncadd.s32 $0xFFFFFFFF  }
0xb8: {  	_ =	strace $0x9000005D  }
0xb9: {  	_ =	sfence  }
0xba: {  	s28 =	sld [smem:$0x0];
	_ =	sdelay $0x1  }
0xbb: {  	s29 =	srdreg.scid  }
0xbc: {  	s30 =	sshll.u32 s29, $0xD;
	s31 =	sshrl.u32 s29, $0x2  }
0xbd: {  	s2 =	sand.u32 $0x4000, s30;
	s1 =	sand.u32 $0x1, s29;
	s0 =	sadd.s32 s31, s28  }
0xbe: {  	s1 =	sor.u32 s2, s1;
	s0 =	sshll.u32 s0, $0x11  }
0xbf: {  	s0 =	sor.u32 s0, s1  }
0xc0: {  	s0 =	sadd.s32 $0x8F2B, s0  }
0xc1: {  	[sflag:s0] =	ssyncadd.remote.s32 $0x1  }
0xc2: {  	_ =	sfence.sel $0xFFFF  }
0xc3: {  	[dreg:$0x0] =	wrdreg $0xFFFFFFFF;
	(pc) =	sbr.abs _section_cstart, $3  }
0xc4: {  	[dreg:$0x1] =	wrdreg $0xFFFFFFFF  }
0xc5: {  	_ =	task.clear_ibuf [dreg:s5], $0x2FFFF;
	_ =	strace $0x9FFFFFFF  }
0xc6: {  	(tm) =	ssettm $0x7FFFFFFF  }
0xc7: {  	_ =	shalt  }
tec
execute0_lowered:
.L_overlay_start_1:
0x0: {  	(tag) =	ssettag $0x1  }
0x1: {  	s6 =	rddreg [dreg:$0x0]  }
0x2: {  	s2 =	rddreg [dreg:$0x1]  }
0x3: {  	s0 =	rddreg [dreg:$0x2];
	_ =	strace $0x8000005C;
	s4 =	simm.s32 $0x1  }
0x4: {  	v1 =	vimm.s32 $0xFFFFFFFF;
	[sflag:s4] =	ssyncpa.u1 $0x0  }
0x5: {  	[tilespmem:$0x10] =	vst v1  }
0x6: {  	v0 =	vimm.f32 $0.0e+00;
	[tilespmem:$0x20] =	vst v1  }
0x7: {  	[tilespmem:$0x30] =	vst v0  }
0x8: {  	[tilespmem:$0x40] =	vst v0  }
0x9: {  	[tilespmem:$0x50] =	vst v0  }
0xa: {  	s3 =	stileid.u32;
	s7 =	simm.s32 $0x2;
	s9 =	simm.s32 $0x8;
	[tilespmem:$0x60] =	vst v1  }
0xb: {  	s11 =	simm.s32 $0x9;
	s14 =	simm.s32 $0x0;
	p0 =	por $0x0, $0x0;
	[tilespmem:$0x70] =	vst v1  }
0xc: {  	s15 =	simm.s32 $0xFFFFC280;
	s16 =	simm.s32 $0xFFFFFFFE;
	s17 =	simm.s32 $0xF;
	[tilespmem:$0x80] =	vst v1  }
0xd: {  	s18 =	simm.s32 $0x30;
	s21 =	simm.s32 $0x0;
	s5 =	smul.u32 $0x9C40, s3;
	v1 =	vimm.s32 $0x0;
	[tilespmem:$0xB0] =	vst v0  }
.Ltmp0:
0xe: {  	s19 =	simm.s32 $0x0;
	s1 =	sadd.s32 $0xF000, s6;
	[tilespmem:$0x90] =	vst v1;
	(pc) =	sbr.rel .LBB2_1-.Ltmp0, $4  }
0xf: {  	s6 =	sadd.s32 $0xF600, s6;
	[tilespmem:$0xA0] =	vst v1;
	[sflag:s7] =	ssyncpa.u1 $0x0;
	s7 =	simm.s32 $0x7  }
0x10: {  	s10 =	sshll.u32 s3, $0x1;
	s12 =	sshllo.u32 s3, $0x1;
	[sflag:s7] =	ssyncpa.u1 $0x0  }
0x11: {  	vm0 =	vmmov $0xffff;
	v2 =	vlaneseq.u32;
	s13 =	sor.u32 $0x80, s10;
	s8 =	sadd.s32 $0x9C40, s5;
	[sflag:s9] =	ssyncpa.u1 $0x0  }
0x12: {  	vm1 =	vmxor vm1, vm1;
	vm2 =	vmmov $0x1;
	vm3 =	vcmask $0x3F3C;
	s20 =	smov.u32 s5;
	[sflag:s11] =	ssyncpa.u1 $0x0;
	s11 =	sor.u32 $0x81, s10  }
.LBB2_10:
0x13: {  	p1 =	slt.u32 s19, $0x3  }
0x14: {  	s21 =	simm.s32 @!p1 $0x2  }
0x15: {  	_ =	swait.ge @!p1 [sflag:s21], $0x1F40  }
0x16: {  	[sflag:s21] =	ssyncset.done @!p1 $0x0  }
0x17: {  	[sflag:s21] =	ssyncadd.s32 @!p1 $0xFFFFE0C0;
	s21 =	simm.s32 @!p1 $0x9  }
0x18: {  	_ =	swait.ge @!p1 [sflag:s21], $0x10  }
0x19: {  	s19 =	sadd.s32 $0x1, s19;
	[sflag:s21] =	ssyncset.done @!p1 $0x0  }
0x1a: {  	[sflag:s21] =	ssyncadd.s32 @!p1 $0xFFFFFFF0;
	p1 =	sne.s32 s19, $0x8  }
.Ltmp1:
0x1b: {  	_ = 	snop;
	(pc) =	sbr.rel @!p1 .LBB2_11-.Ltmp1, $4  }
0x1c: {  	s22 =	sadd.s32 $0x1F40, s20  }
0x1d: {  	s23 =	smov.u32 s5;
	p2 =	slt.s32 s22, s8  }
0x1e: {  	p0 =	por !p0, !p0;
	s15 =	sadd.s32 $0x1F40, s15;
	s23 =	smov.u32 @p2 s22  }
0x1f: {  	s16 =	sadd.s32 $0x1, s16;
	s21 =	smov.u32 s20;
	s20 =	smov.u32 s23  }
.LBB2_1:
0x20: {  	p1 =	sgt.u32 s19, $0x4  }
0x21: {  	s22 =	sadd.s32 @!p1 $0xFFFFFFFD, s19  }
0x22: {  	s22 =	smin.u32 @!p1 s19, s22  }
0x23: {  	s22 =	smul.u32 @!p1 $0x7D00, s22;
	_ =	sdelay $0x1  }
0x24: {  	s23 =	sshrl.u32 @!p1 s20, $0x3;
	s22 =	sshra.s32 @!p1 s22, $0x2  }
0x25: {  	s24 =	sand.u32 @!p1 $0x7, s20;
	s23 =	sadd.s32 @!p1 s2, s23;
	s22 =	sadd.s32 @!p1 $0x100, s22  }
0x26: {  	[tilespmem:s22], [sflag:$0x7] =	stream.linear.gather @!p1 [hbm4b:s23+s24], $0x1F40, $0x38;
	[tilespmem:$0x11A60] =	vst v63  }
0x27: {  	s22 =	sadd.s32 $0xFFFFFFFF, s19  }
0x28: {  	p1 =	sgt.u32 s22, $0x4  }
.Ltmp2:
0x29: {  	_ = 	snop;
	(pc) =	sbr.rel @p1 .LBB2_5-.Ltmp2, $1  }
0x2a: {  	_ =	sdelay $0x3  }
0x2b: {  	s23 =	sadd.s32 $0xFFFFFFFC, s19;
	p1 =	slt.u32 s22, $0x3  }
0x2c: {  	s23 =	smov.u32 @p1 s22  }
0x2d: {  	s23 =	smul.u32 $0x7D00, s23  }
0x2e: {  	_ =	swait.ge [sflag:s7], $0x1F40  }
0x2f: {  	[sflag:s7] =	ssyncset.done $0x0;
	s23 =	sshra.s32 s23, $0x2  }
0x30: {  	[sflag:s7] =	ssyncadd.s32 $0xFFFFE0C0;
	(ifvalue) =	ssetifvalue $0xFFFFFFFF;
	v3 =	vld.msk [tilespmem:s23+$0x100 ss:$0x1], $0xffff;
	_ =	sdelay $0x2  }
0x31: {  	p1 =	sne.s32 s19, $0x1  }
0x32: {  	v4 =	vimm.s32 @!p1 $0x0  }
0x33: {  	v4 =	vperm.xlane @!p1 v3, v4  }
0x34: {  	s24 =	sshll.u32 s19, $0x4;
	vm4 =	vlt.u32 v3, $0x2800  }
0x35: {  	s24 =	sand.u32 $0x10, s24;
	v3 =	vnsel vm4, $0xFFFFFFFE, v3;
	vm4 =	vlt.u32 @!p1 v4, $0x2800  }
0x36: {  	[tilespmem:s24+$0x60] =	vst v3;
	v3 =	vnsel @!p1 vm4, $0xFFFFFFFE, v4  }
0x37: {  	s26 =	sadd.s32 $0x2030, s23;
	[tilespmem:$0x80] =	vst @!p1 v3  }
0x38: {  	v3 =	vld.msk [tilespmem:s26+$0x0 ss:$0x1], $0xffff;
	_ =	sdelay $0x4  }
0x39: {  	(xrf1) =	vunique.msk.u32 $0xffff, v3;
	_ =	sdelay $0xd  }
0x3a: {  	v4 =	vimm.s32 $0xFFFFFFFF;
	v5, _, _ =	vpop (xrf1)  }
0x3b: {  	vm5 =	vne.s32 v3, v4;
	vm4 =	veq.s32 v5, v2  }
0x3c: {  	vm6 =	vlt.u32 v3, $0x2800;
	vm4 =	vmand vm5, vm4  }
0x3d: {  	vm4 =	vmand vm6, vm4  }
0x3e: {  	v4 =	vnsel vm4, $0xFFFFFFFF, v3  }
0x3f: {  	s31 =	sand.u32 $0x1, s22  }
0x40: {  	s22 =	simm.s32 $0x1F40;
	p1 =	seq.s32 s31, $0x1  }
0x41: {  	s22 =	simm.s32 @!p1 $0x0  }
0x42: {  	s23 =	sadd.s32 $0x7DF0, s22;
	(ifvalue) =	ssetifvalue $0xFFFFFFFF  }
0x43: {  	v3 =	vperm.xlane v3, v1;
	[tilespmem:s23], [sflag:$0x8] =	stream.indirect_vreg.gather [hbm4b:s1+s14], $0x1, v4, vm0, $0x4038;
	v4 =	vnsel vm6, $0xFFFFFFFE, v4;
	[tilespmem:$0x11A60] =	vst v63  }
0x44: {  	s25 =	sadd.s32 $0xFFFFFFF0, s26;
	s24 =	simm.s32 $0x0;
	[tilespmem:s26+$0x0] =	vst v4  }
.LBB2_3:
0x45: {  	v4 =	vld.msk [tilespmem:s25+$0x0 ss:$0x1], $0xffff;
	s24 =	sadd.s32 $0x10, s24;
	v5 =	vmov v3;
	s26 =	smov.u32 s25  }
0x46: {  	p1 =	slt.u32 s24, $0x1F30;
	_ =	sdelay $0x4  }
0x47: {  	v3 =	vperm.xlane v4, v1;
	(xrf1) =	vunique.msk.u32 $0xffff, v4;
	_ =	sdelay $0xd  }
0x48: {  	v6, _, _ =	vpop (xrf1)  }
0x49: {  	vm5 =	vne.s32 v4, v5;
	vm4 =	veq.s32 v6, v2  }
0x4a: {  	vm6 =	vlt.u32 v4, $0x2800;
	vm4 =	vmand vm5, vm4  }
0x4b: {  	vm4 =	vmand vm6, vm4  }
0x4c: {  	v4 =	vnsel vm4, $0xFFFFFFFF, v4  }
.Ltmp3:
0x4d: {  	v5 =	vnsel vm6, $0xFFFFFFFE, v4;
	(pc) =	sbr.rel @p1 .LBB2_3-.Ltmp3, $3  }
0x4e: {  	_ =	sdelay $0x1  }
0x4f: {  	s25 =	sadd.s32 $0xFFFFFFF0, s25;
	s23 =	sadd.s32 $0xFFFFFFF0, s23;
	(ifvalue) =	ssetifvalue $0xFFFFFFFF  }
0x50: {  	[tilespmem:s23], [sflag:$0x8] =	stream.indirect_vreg.gather [hbm4b:s1+s14], $0x1, v4, vm0, $0x4038;
	[tilespmem:s26+$0x0] =	vst v5  }
0x51: {  	s21 =	sshrl.u32 s21, $0x3  }
0x52: {  	s22 =	sadd.s32 $0x9D40, s22;
	s21 =	sadd.s32 s6, s21  }
0x53: {  	[tilespmem:s22], [sflag:$0x8] =	stream.linear.gather [hbm:s21], $0x1F40, $0x38;
	[tilespmem:$0x11A60] =	vst v63  }
.LBB2_5:
0x54: {  	p1 =	sgt.u32 s19, $0x7  }
.Ltmp4:
0x55: {  	_ = 	snop;
	(pc) =	sbr.rel @p1 .LBB2_7-.Ltmp4, $1  }
0x56: {  	_ =	sdelay $0x3  }
0x57: {  	s21 =	sshll.u32 s4, s19  }
0x58: {  	s21 =	sand.u32 $0x83, s21  }
0x59: {  	p1 =	sne.s32 s21, $0x0  }
.Ltmp5:
0x5a: {  	_ = 	snop;
	(pc) =	sbr.rel @p1 .LBB2_10-.Ltmp5, $1  }
0x5b: {  	_ =	sdelay $0x3  }
.LBB2_7:
0x5c: {  	s21 =	sadd.s32 $0xFFFFFFFE, s19  }
0x5d: {  	s22 =	smulhi.u32 $0xAAAAAAAB, s21;
	_ =	sdelay $0x1  }
0x5e: {  	s22 =	sshrl.u32 s22, $0x1  }
0x5f: {  	s22 =	smul.u32 $0x3, s22;
	_ =	sdelay $0x1  }
0x60: {  	s21 =	ssub.s32 s21, s22  }
0x61: {  	_ =	swait.ge [sflag:s9], $0x3E80;
	s25 =	smul.u32 $0x1F40, s21  }
0x62: {  	p1 =	sne.s32 s19, $0x6;
	[sflag:s9] =	ssyncset.done $0x0  }
0x63: {  	[sflag:s9] =	ssyncadd.s32 $0xFFFFC180;
	s21 =	sadd.s32 @!p1 $0x203F, s25  }
0x64: {  	[spmem:s11] =	stream.linear.scatter @!p1 [tilespmem:s21], [sflag:$0x1], $0x1, $0x38;
	[tilespmem:$0x11A60] =	vst v63  }
0x65: {  	s21 =	simm.s32 @!p1 $0x1  }
0x66: {  	_ =	swait.ge @!p1 [sflag:s21], $0x1  }
0x67: {  	s26 =	sshll.u32 s19, $0x4;
	[sflag:s21] =	ssyncset.done @!p1 $0x0  }
0x68: {  	[sflag:s21] =	ssyncadd.s32 @!p1 $0xFFFFFFFF;
	s21 =	sand.u32 $0x10, s26  }
0x69: {  	v4 =	vld [tilespmem:s21+$0x10];
	s26 =	sxor.u32 $0x10, s21  }
0x6a: {  	v5 =	vld [tilespmem:s26+$0x60]  }
0x6b: {  	v3 =	vld [tilespmem:$0x80];
	_ =	sdelay $0x2  }
0x6c: {  	(v2sf) =	vpush v4, $0x0  }
0x6d: {  	(v2sf) =	vpush v5, $0x0  }
0x6e: {  	(v2sf) =	vpush v3, $0x0;
	_ =	sdelay $0xc  }
0x6f: {  	s31 =	spop (v2sf)  }
0x70: {  	s24 =	spop (v2sf)  }
0x71: {  	s23 =	spop (v2sf)  }
0x72: {  	p2 =	seq.s32 s31, s24;
	p3 =	seq.s32 s23, s31  }
0x73: {  	p3 =	por p2, p3  }
0x74: {  	s31 =	sand.u32 $0x1, s19;
	v4 =	vpsel p3, $0xFFFFFFFF, v4  }
0x75: {  	s24 =	smul.u32 $0x1F40, s31;
	[tilespmem:s21+$0x10] =	vst.msk $0x1, v4  }
0x76: {  	v4 =	vld [tilespmem:$0x30]  }
0x77: {  	v5 =	vld [tilespmem:s24+$0x9D40]  }
0x78: {  	v6 =	vld [tilespmem:s21+$0x40];
	_ =	sdelay $0x3  }
0x79: {  	vm4 =	vmmov vm1;
	v5 =	vadd.f32 v5, v4  }
0x7a: {  	vm5 =	vmmov vm2;
	vm4 =	vmmov @p2 vm2;
	s22 =	sshll.u32 s31, $0x4;
	v4 =	vadd.f32 v6, v4  }
0x7b: {  	vm5 =	vmmov @p3 vm1;
	s22 =	sor.u32 $0x11A40, s22;
	[tilespmem:s24+$0x9D40] =	vst.msk vm4, v5  }
0x7c: {  	[tilespmem:s22+$0x0] =	vst.msk vm5, v4  }
0x7d: {  	v4 =	vld [tilespmem:s24+$0x7DF0];
	_ =	sdelay $0x3  }
0x7e: {  	v5 =	vimm.f32 $0.0e+00  }
0x7f: {  	v4 =	vshift.insert v4, v5, s17  }
0x80: {  	s28 =	sor.u32 $0x40, s26  }
0x81: {  	[tilespmem:s28+$0x0] =	vst.msk $0x1, v4  }
0x82: {  	[tilespmem:s24+$0x7DFF] =	vst.msk $0x1, v5  }
0x83: {  	v4 =	vld [tilespmem:s25+$0x2030];
	_ =	sdelay $0x1  }
0x84: {  	s28 =	smulhi.u32 $0xAAAAAAAB, s16;
	s25 =	simm.s32 $0x1  }
0x85: {  	s25 =	simm.s32 @!p0 $0x0  }
0x86: {  	s28 =	sshrl.u32 s28, $0x1;
	s25 =	smul.u32 $0x7D00, s25  }
0x87: {  	s28 =	smul.u32 $0xFFFE8900, s28;
	v4 =	vshift.insert v4, v1, s17  }
0x88: {  	s29 =	sshrl.u32 s25, $0x2  }
0x89: {  	s28 =	sshra.s32 s28, $0x2;
	s25 =	sadd.s32 $0x9D40, s29;
	[tilespmem:s26+$0x10] =	vst.msk $0x1, v4  }
0x8a: {  	s30 =	sadd.s32 s28, s15;
	v6 =	vld [tilespmem:s25+$0x0]  }
0x8b: {  	v7 =	vld [tilespmem:s30+$0x0];
	_ =	sdelay $0x3  }
0x8c: {  	v5 =	vadd.f32 v6, v5  }
0x8d: {  	vm4 =	vne.s32 v7, $0xFFFFFFFF  }
0x8e: {  	(xrf2) =	vadd.seg.scan.f32 vm4, v5;
	_ =	sdelay $0x3  }
0x8f: {  	s26 =	sadd.s32 $0x5EC0, s29;
	v5 =	vperm.xlane v4, v1  }
0x90: {  	v6 =	vld [tilespmem:s26+$0x0]  }
0x91: {  	vm5 =	veq.s32 v7, v3;
	vm6 =	veq.s32 v7, v5  }
0x92: {  	vm7 =	vgt.u32 v7, $0xFFFFFFFD;
	vm6 =	vmor vm6, vm5  }
0x93: {  	vm6 =	vmor vm6, vm7  }
0x94: {  	v9 =	vld [tilespmem:$0xA0];
	v7 =	vsel vm6, $0xFFFFFFFF, v7  }
0x95: {  	v10 =	vld [tilespmem:$0x90];
	v6 =	vsel vm5, $0x0, v6;
	v8, _, _ =	vpop (xrf2)  }
0x96: {  	v6 =	vadd.f32 v8, v6  }
0x97: {  	s28 =	sadd.s32 $0xDBC0, s29  }
0x98: {  	vm4 =	vmand vm4, vm3;
	[tilespmem:s28+$0x0] =	vst v6;
	(ifvalue) =	ssetifvalue $0xFFFFFFFF  }
0x99: {  	vm6 =	veq.s32 v9, $0x1;
	[hbm4b:s1+s14] =	stream.indirect_vreg.scatter [tilespmem:s28], [sflag:$0x2], $0x1, v7, vm0, $0x4038;
	v7 =	vsel vm4, $0x0, v8;
	[tilespmem:$0x11A60] =	vst v63  }
0x9a: {  	s29 =	simm.s32 $0x0;
	s30 =	sadd.s32 $0x10, s30;
	vm4 =	vmor vm6, vm5;
	v6 =	vsel vm5, v8, v10;
	v7 =	vshift.insert v7, v0, s17  }
.LBB2_8:
0x9b: {  	v8 =	vld [tilespmem:s30+$0x0];
	s25 =	sadd.s32 $0x10, s25  }
0x9c: {  	s26 =	sadd.s32 $0x10, s26;
	v9 =	vld [tilespmem:s25+$0x0]  }
0x9d: {  	s29 =	sadd.s32 $0x10, s29;
	v10 =	vld [tilespmem:s26+$0x0]  }
0x9e: {  	p2 =	slt.u32 s29, $0x1F30;
	_ =	sdelay $0x2  }
0x9f: {  	v7 =	vadd.f32 v9, v7  }
0xa0: {  	vm5 =	vne.s32 v8, $0xFFFFFFFF  }
0xa1: {  	vm6 =	vmand vm5, vm3;
	(xrf2) =	vadd.seg.scan.f32 vm5, v7;
	_ =	sdelay $0x5  }
0xa2: {  	vm7 =	veq.s32 v8, v5;
	vm5 =	veq.s32 v8, v3  }
0xa3: {  	vm8 =	vgt.u32 v8, $0xFFFFFFFD;
	vm4 =	vmor vm4, vm5;
	vm7 =	vmor vm7, vm5  }
0xa4: {  	vm7 =	vmor vm7, vm8  }
0xa5: {  	v8 =	vsel vm7, $0xFFFFFFFF, v8  }
.Ltmp6:
0xa6: {  	v7 =	vsel vm5, $0x0, v10;
	v9, _, _ =	vpop (xrf2);
	(pc) =	sbr.rel @p2 .LBB2_8-.Ltmp6, $4  }
0xa7: {  	v6 =	vsel vm5, v9, v6;
	v10 =	vadd.f32 v9, v7;
	v7 =	vsel vm6, $0x0, v9  }
0xa8: {  	s28 =	sadd.s32 $0x10, s28;
	v7 =	vshift.insert v7, v0, s17  }
0xa9: {  	s30 =	sadd.s32 $0x10, s30;
	[tilespmem:s28+$0x0] =	vst v10;
	(ifvalue) =	ssetifvalue $0xFFFFFFFF  }
0xaa: {  	[hbm4b:s1+s14] =	stream.indirect_vreg.scatter [tilespmem:s28], [sflag:$0x2], $0x1, v8, vm0, $0x4038;
	[tilespmem:$0x11A60] =	vst v63  }
0xab: {  	v3 =	vld [tilespmem:s24+$0xFAF0];
	_ =	sdelay $0x4  }
0xac: {  	v3 =	vshift.insert v3, v0, s17;
	_ =	sdelay $0x1  }
0xad: {  	[tilespmem:s18+$0x0] =	vst.msk $0x1, v3  }
0xae: {  	v3 =	vsel vm4, $0x1, v1;
	[tilespmem:$0x90] =	vst v6  }
0xaf: {  	s24 =	sadd.s32 @!p1 $0xFAFF, s24;
	[tilespmem:$0xA0] =	vst v3  }
0xb0: {  	[spmem:s12] =	stream.linear.scatter @!p1 [tilespmem:s24], [sflag:$0x1], $0x1, $0x38;
	[tilespmem:$0x11A60] =	vst v63  }
0xb1: {  	s24 =	simm.s32 @!p1 $0x1  }
0xb2: {  	v3 =	vmctz.xlane @!p1 vm4;
	_ =	swait.ge @!p1 [sflag:s24], $0x1  }
0xb3: {  	(v2sf) =	vpush @!p1 v4, $0x0  }
0xb4: {  	(v2sf) =	vpush @!p1 v3, $0x0;
	_ =	sdelay $0xd  }
0xb5: {  	s25 =	spop @!p1 (v2sf)  }
0xb6: {  	s26 =	spop @!p1 (v2sf)  }
0xb7: {  	p2 =	sne.s32 @!p1 s23, s25;
	p3 =	slt.s32 @!p1 s26, $0xF  }
0xb8: {  	[sflag:s24] =	ssyncset.done @!p1 $0x0;
	p2 =	por p2, p1;
	p3 =	por !p3, p1  }
0xb9: {  	[sflag:s24] =	ssyncadd.s32 @!p1 $0xFFFFFFFF;
	v3 =	vimm.s32 @!p2 $0xFFFFFFFF;
	s26 =	simm.s32 @p3 $0xF  }
0xba: {  	[tilespmem:$0x80] =	vst @!p2 v3;
	s23 =	sadd.s32 @!p1 $0x90, s26  }
0xbb: {  	[spmem:s10] =	stream.linear.scatter @!p1 [tilespmem:s23], [sflag:$0x1], $0x1, $0x38;
	[tilespmem:$0x11A60] =	vst v63  }
0xbc: {  	_ =	swait.ge @!p1 [sflag:s24], $0x1  }
0xbd: {  	[sflag:s24] =	ssyncset.done @!p1 $0x0  }
0xbe: {  	s23 =	simm.s32 @!p1 $0x80;
	[sflag:s24] =	ssyncadd.s32 @!p1 $0xFFFFFFFF  }
0xbf: {  	[spmem:s13] =	stream.linear.scatter @!p1 [tilespmem:s23], [sflag:$0x1], $0x1, $0x38;
	[tilespmem:$0x11A60] =	vst v63  }
0xc0: {  	_ =	swait.ge @!p1 [sflag:s24], $0x1  }
0xc1: {  	[sflag:s24] =	ssyncset.done @!p1 $0x0  }
0xc2: {  	[sflag:s24] =	ssyncadd.s32 @!p1 $0xFFFFFFFF;
	(ifvalue) =	ssetifvalue $0xFFFFFFFF;
	v3 =	vld [tilespmem:s21+$0x10];
	_ =	sdelay $0x3  }
.Ltmp7:
0xc3: {  	_ = 	snop;
	(pc) =	sbr.rel .LBB2_10-.Ltmp7, $3  }
0xc4: {  	_ =	sdelay $0x1  }
0xc5: {  	(ifvalue) =	ssetifvalue $0xFFFFFFFF  }
0xc6: {  	[hbm4b:s1+s14] =	stream.indirect_vreg.scatter [tilespmem:s22], [sflag:$0x9], $0x1, v3, vm0, $0x4038;
	[tilespmem:$0x11A60] =	vst v63  }
.LBB2_11:
0xc7: {  	_ =	sfence.sel $0x180000  }
0xc8: {  	s2 =	simm.s32 $0x7;
	[bflag:$0x0] =	sbarrier.arrive $0xFFFF  }
0xc9: {  	s26 =	simm.s32 $0x8;
	[sflag:s2] =	ssyncpa.u1 $0x1  }
0xca: {  	s28 =	simm.s32 $0x9;
	[sflag:s26] =	ssyncpa.u1 $0x1  }
0xcb: {  	[sflag:s28] =	ssyncpa.u1 $0x1  }
0xcc: {  	_ =	sfence.stream.spmem  }
0xcd: {  	s29 =	simm.s32 $0x3;
	[bflag:$0x0] =	sbarrier.arrive $0xFFFF  }
0xce: {  	s30 =	simm.s32 $0x4;
	[sflag:s29] =	ssyncpa.u1 $0x1  }
0xcf: {  	s31 =	simm.s32 $0x3C;
	[sflag:s30] =	ssyncpa.u1 $0x1  }
0xd0: {  	p0 =	sne.s32 s3, $0x0;
	[sflag:s31] =	ssyncpa.u1 $0x1  }
0xd1: {  	s0 =	simm.s32 @p0 $0x1;
	_ =	sfence @p0  }
0xd2: {  	[sflag:s0] =	ssyncpa.u1 @p0 $0x1;
	s0 =	simm.s32 @p0 $0x2  }
0xd3: {  	[sflag:s0] =	ssyncpa.u1 @p0 $0x1  }
0xd4: {  	_ =	strace @p0 $0x9000005C  }
0xd5: {  	[bflag:$0x2] =	sbarrier.arrive @p0 $0xFFFF  }
0xd6: {  	_ =	shalt @p0  }
.LBB2_12:
0xd7: {  	_ =	sfence.stream.spmem;
	s4 =	simm.s32 $0x5  }
0xd8: {  	s2 =	simm.s32 $0x80;
	s3 =	simm.s32 $0xC0;
	[sflag:s4] =	ssyncpa.u1 $0x0  }
0xd9: {  	[tilespmem:s3], [sflag:$0x5] =	stream.linear.gather [spmem:s2], $0x20, $0x38;
	[tilespmem:$0x11A60] =	vst v63  }
0xda: {  	s2 =	simm.s32 $0x0;
	s3 =	simm.s32 $0xE0  }
0xdb: {  	[tilespmem:s3], [sflag:$0x5] =	stream.linear.gather [spmem:s2], $0x20, $0x38;
	[tilespmem:$0x11A60] =	vst v63  }
.Ltmp8:
0xdc: {  	_ = 	snop;
	(pc) =	sbr.rel .LBB2_13-.Ltmp8, $4  }
0xdd: {  	_ =	swait.ge [sflag:s4], $0x40  }
0xde: {  	[sflag:s4] =	ssyncset.done $0x0  }
0xdf: {  	s31 =	simm.s32 $0x6;
	[sflag:s4] =	ssyncadd.s32 $0xFFFFFFC0  }
0xe0: {  	s4 =	simm.s32 $0x0;
	[sflag:s31] =	ssyncpa.u1 $0x0  }
.LBB2_18:
0xe1: {  	p0 =	sgt.u32 s5, $0x27FF  }
0xe2: {  	s6 =	sshrl.u32 @!p0 s5, $0x3  }
0xe3: {  	s5 =	sand.u32 @!p0 $0x7, s5;
	s7 =	simm.s32 @!p0 $0xB0;
	s6 =	sadd.s32 @!p0 s1, s6  }
0xe4: {  	[tilespmem:s7], [sflag:$0x6] =	stream.linear.gather @!p0 [hbm4b:s6+s5], $0x1, $0x38;
	[tilespmem:$0x11A60] =	vst v63  }
0xe5: {  	s5 =	simm.s32 @!p0 $0x6  }
0xe6: {  	_ =	swait.ge @!p0 [sflag:s5], $0x1  }
0xe7: {  	[sflag:s5] =	ssyncset.done @!p0 $0x0  }
0xe8: {  	[sflag:s5] =	ssyncadd.s32 @!p0 $0xFFFFFFFF  }
0xe9: {  	v2 =	vmov @!p0 s4;
	v1 =	vld.msk @!p0 [tilespmem:$0xB0], $0x1;
	_ =	sdelay $0x3  }
0xea: {  	s5 =	simm.s32 @!p0 $0xE0  }
0xeb: {  	[tilespmem:v2+s5+$0x0], v1 =	vst.idx.ret.add.f32.msk @!p0 $0x1, v1  }
0xec: {  	[tilespmem:s2+$0xC0] =	vst.msk $0x1, v0  }
0xed: {  	v0 =	vld.msk [tilespmem:s4+$0xE0], $0x1;
	_ =	sdelay $0x4  }
0xee: {  	[tilespmem:s2+$0xE0] =	vst.msk $0x1, v0;
	s2 =	sadd.s32 $0x1, s2  }
.LBB2_20:
0xef: {  	s4 =	sadd.s32 $0x1, s4  }
0xf0: {  	p0 =	sne.s32 s4, $0x20  }
.Ltmp9:
0xf1: {  	_ = 	snop;
	(pc) =	sbr.rel @!p0 .LBB2_21-.Ltmp9, $1  }
0xf2: {  	_ =	sdelay $0x3  }
.LBB2_13:
0xf3: {  	v0 =	vld.msk [tilespmem:s4+$0xC0], $0x1;
	_ =	sdelay $0x4  }
0xf4: {  	(v2sf) =	vpush v0, $0x0;
	_ =	sdelay $0xe  }
0xf5: {  	s5 =	spop (v2sf)  }
0xf6: {  	p0 =	seq.s32 s5, $0xFFFFFFFF  }
.Ltmp10:
0xf7: {  	_ = 	snop;
	(pc) =	sbr.rel @p0 .LBB2_20-.Ltmp10, $1  }
0xf8: {  	_ =	sdelay $0x3  }
0xf9: {  	p0 =	slt.s32 s2, $0x1  }
.Ltmp11:
0xfa: {  	_ = 	snop;
	(pc) =	sbr.rel @p0 .LBB2_18-.Ltmp11, $1  }
0xfb: {  	_ =	sdelay $0x3  }
0xfc: {  	s6 =	simm.s32 $0xC0;
	p0 =	por $0x0, $0x0  }
0xfd: {  	v1 =	vld.msk @!p0 [tilespmem:s6+$0x0], $0x1;
	_ =	sdelay $0x4  }
0xfe: {  	(v2sf) =	vpush @!p0 v1, $0x0;
	_ =	sdelay $0xd  }
0xff: {  	p2 =	sne.s32 s2, $0x1  }
.Ltmp12:
0x100: {  	s7 =	spop @!p0 (v2sf);
	(pc) =	sbr.rel @!p2 .LBB2_17-.Ltmp12, $4  }
0x101: {  	p1 =	seq.s32 @!p0 s5, s7  }
0x102: {  	s7 =	simm.s32 $0x0;
	p1 =	por !p1, p0  }
0x103: {  	s9 =	simm.s32 $0xFFFFFFFF;
	s7 =	simm.s32 @p1 $0xFFFFFFFF  }
0x104: {  	s8 =	simm.s32 $0x1;
	s7 =	smov.u32 @p0 s9  }
.LBB2_16:
0x105: {  	s9 =	smov.u32 s7;
	p0 =	sne.s32 s7, $0xFFFFFFFF  }
0x106: {  	s6 =	sadd.s32 $0x1, s6;
	s7 =	smov.u32 s8;
	s8 =	sadd.s32 $0x1, s8  }
0x107: {  	p1 =	sne.s32 s2, s8;
	v1 =	vld.msk @!p0 [tilespmem:s6+$0x0], $0x1;
	_ =	sdelay $0x4  }
0x108: {  	(v2sf) =	vpush @!p0 v1, $0x0;
	_ =	sdelay $0xe  }
.Ltmp13:
0x109: {  	s10 =	spop @!p0 (v2sf);
	(pc) =	sbr.rel @p1 .LBB2_16-.Ltmp13, $4  }
0x10a: {  	p2 =	seq.s32 @!p0 s5, s10  }
0x10b: {  	p2 =	por !p2, p0  }
0x10c: {  	s7 =	simm.s32 @p2 $0xFFFFFFFF  }
0x10d: {  	s7 =	smov.u32 @p0 s9  }
.LBB2_17:
0x10e: {  	p0 =	sne.s32 s7, $0xFFFFFFFF  }
.Ltmp14:
0x10f: {  	_ = 	snop;
	(pc) =	sbr.rel @!p0 .LBB2_18-.Ltmp14, $1  }
0x110: {  	_ =	sdelay $0x3  }
0x111: {  	v0 =	vld.msk [tilespmem:s4+$0xE0], $0x1;
	v1 =	vmov s7  }
.Ltmp15:
0x112: {  	_ = 	snop;
	(pc) =	sbr.rel .LBB2_20-.Ltmp15, $2  }
0x113: {  	_ =	sdelay $0x2  }
0x114: {  	[tilespmem:v1+s3+$0x0], v0 =	vst.idx.ret.add.f32.msk $0x1, v0  }
.LBB2_21:
0x115: {  	p0 =	slt.s32 s2, $0x1  }
.Ltmp16:
0x116: {  	_ = 	snop;
	(pc) =	sbr.rel @p0 .LBB2_25-.Ltmp16, $3  }
0x117: {  	_ =	sdelay $0x1  }
0x118: {  	s3 =	simm.s32 $0x6  }
0x119: {  	[sflag:s3] =	ssyncpa.u1 $0x1;
	s3 =	simm.s32 $0x0  }
0x11a: {  	s4 =	simm.s32 $0xC0  }
0x11b: {  	v0 =	vld.msk [tilespmem:s4+$0x0], $0x1;
	_ =	sdelay $0x4  }
0x11c: {  	(v2sf) =	vpush v0, $0x0;
	_ =	sdelay $0xe  }
0x11d: {  	s2 =	sadd.s32 $0xFFFFFFFF, s2;
	s5 =	spop (v2sf)  }
0x11e: {  	p1 =	sne.s32 s2, $0x0;
	p0 =	sgt.u32 s5, $0x27FF  }
.Ltmp17:
0x11f: {  	s6 =	sshrl.u32 @!p0 s5, $0x3;
	(pc) =	sbr.rel @!p1 .LBB2_24-.Ltmp17, $4  }
0x120: {  	s4 =	simm.s32 $0xE0;
	s5 =	sand.u32 @!p0 $0x7, s5;
	s6 =	sadd.s32 @!p0 s1, s6  }
0x121: {  	[hbm4b:s6+s5] =	stream.linear.scatter @!p0 [tilespmem:s4], [sflag:$0x5], $0x1, $0x38;
	[tilespmem:$0x11A60] =	vst v63  }
0x122: {  	s6 =	simm.s32 $0x0  }
0x123: {  	s5 =	simm.s32 $0xC1;
	s6 =	simm.s32 @!p0 $0x4  }
.LBB2_23:
0x124: {  	v0 =	vld.msk [tilespmem:s5+$0x0], $0x1;
	s2 =	sadd.s32 $0xFFFFFFFF, s2;
	s3 =	sadd.s32 s3, s6  }
0x125: {  	p0 =	sne.s32 s2, $0x0;
	_ =	sdelay $0x3  }
0x126: {  	(v2sf) =	vpush v0, $0x0;
	_ =	sdelay $0xe  }
.Ltmp18:
0x127: {  	s7 =	spop (v2sf);
	(pc) =	sbr.rel @p0 .LBB2_23-.Ltmp18, $4  }
0x128: {  	s6 =	simm.s32 $0x0;
	p1 =	sgt.u32 s7, $0x27FF  }
0x129: {  	s4 =	sadd.s32 $0x1, s4;
	s6 =	simm.s32 @!p1 $0x4;
	s8 =	sshrl.u32 @!p1 s7, $0x3  }
0x12a: {  	s5 =	sadd.s32 $0x1, s5;
	s7 =	sand.u32 @!p1 $0x7, s7;
	s8 =	sadd.s32 @!p1 s1, s8  }
0x12b: {  	[hbm4b:s8+s7] =	stream.linear.scatter @!p1 [tilespmem:s4], [sflag:$0x5], $0x1, $0x38;
	[tilespmem:$0x11A60] =	vst v63  }
.LBB2_24:
0x12c: {  	s1 =	sadd.s32 s3, s6  }
0x12d: {  	s3 =	sshrl.u32 s1, $0x2  }
.LBB2_25:
0x12e: {  	s1 =	simm.s32 $0x5  }
0x12f: {  	_ =	swait.ge [sflag:s1], s3  }
0x130: {  	s2 =	ssub.s32 $0x0, s3;
	[sflag:s1] =	ssyncset.done $0x0  }
0x131: {  	[sflag:s1] =	ssyncadd.s32 s2  }
0x132: {  	[sflag:s1] =	ssyncpa.u1 $0x1  }
0x133: {  	s30 =	simm.s32 $0x1;
	_ =	sfence  }
0x134: {  	s31 =	simm.s32 $0x2;
	[sflag:s30] =	ssyncpa.u1 $0x1  }
0x135: {  	[sflag:s31] =	ssyncpa.u1 $0x1  }
0x136: {  	_ =	strace $0x9000005C  }
0x137: {  	s0 =	sadd.s32 $0x100000, s0;
	[bflag:$0x2] =	sbarrier.arrive $0xFFFF  }
0x138: {  	[sflag:s0] =	ssyncadd.tile.s32 $0x1;
	_ =	shalt  }
.Lfunc_end2:
_tile_overlayer_lowered:
.L_overlay_start_2:
0x139: {  	(tag) =	ssettag $0x2  }
0x13a: {  	s0 =	rddreg [dreg:$0x0];
	s2 =	stileid.u32  }
0x13b: {  	s1 =	rddreg [dreg:$0x1];
	p0 =	sne.s32 s2, $0x0  }
0x13c: {  	s3 =	rddreg [dreg:$0x2];
	[bflag:$0x3] =	sbarrier.arrive $0xFFFF;
	s2 =	simm.s32 @!p0 $0x1C01  }
0x13d: {  	[timem:s3], [sflag:s2] =	dma.local @!p0 [hbm:s0], s1  }
0x13e: {  	s0 =	simm.s32 @!p0 $0x1  }
0x13f: {  	_ =	swait.ge @!p0 [sflag:s0], s1  }
0x140: {  	s1 =	ssub.s32 @!p0 $0x0, s1;
	[sflag:s0] =	ssyncset.done @!p0 $0x0  }
0x141: {  	[sflag:s0] =	ssyncadd.s32 @!p0 s1  }
0x142: {  	[bflag:$0x3] =	sbarrier.arrive $0xFFFF  }
0x143: {  	_ =	shalt  }

// kernel: scatter_offload_async_start.5
scs
__scs_entry_jumppad:
0x0: {  	(pc) =	sbr.rel $0x88, $3  }
0x1: {  	(tag) =	ssettag $0x0;
	lr =	simm.s32 $0x1  }
0x2: {  	[smem:$0x3F9D] =	sst lr;
	_ =	strace $0xD0000000  }
0x3: {  	_ = 	snop  }
0x4: {  	_ = 	snop  }
0x5: {  	_ = 	snop  }
0x6: {  	_ = 	snop  }
0x7: {  	_ = 	snop  }
__scs_overlays_trampoline_lowered:
0x8: {  	[smem:$0x3FAC] =	sst s0  }
0x9: {  	[smem:$0x3FAD] =	sst s1  }
0xa: {  	[smem:$0x3FAE] =	sst s2  }
0xb: {  	[smem:$0x3FAF] =	sst s3  }
0xc: {  	[smem:$0x3FB0] =	sst s4  }
0xd: {  	[smem:$0x3FB1] =	sst s5  }
0xe: {  	[smem:$0x3FB2] =	sst s6  }
0xf: {  	[smem:$0x3FB3] =	sst s7  }
0x10: {  	[smem:$0x3FB4] =	sst s8  }
0x11: {  	[smem:$0x3FB5] =	sst s9;
	s0 =	simm.s32 @!p0 $0x0  }
0x12: {  	s1 =	sld [smem:$0x3F9B];
	s0 =	simm.s32 @p0 $0x1  }
0x13: {  	[smem:$0x3FB6] =	sst s0;
	s0 =	simm.s32 @!p1 $0x0  }
0x14: {  	s2 =	sld [smem:$0x3F9A];
	s0 =	simm.s32 @p1 $0x1  }
0x15: {  	[smem:$0x3FB7] =	sst s0;
	s0 =	simm.s32 @!p2 $0x0  }
0x16: {  	s3 =	sld [smem:$0x3FDB];
	s0 =	simm.s32 @p2 $0x1  }
0x17: {  	s4 =	simm.s32 $0x1BF5;
	[smem:$0x3FB9] =	sst s0  }
0x18: {  	s0 =	sld [smem:$0x3F9C];
	_ =	swait.ge [sflag:s4], $0x0  }
0x19: {  	s7 =	sld [smem:$0x3F9D]  }
0x1a: {  	s8 =	sadd.s32 $0xFFFFE003, lr  }
0x1b: {  	s9 =	sadd.s32 $0xFFFFFEF7, lr;
	s5 =	simm.s32 $0xFFFFFFFF;
	p2 =	slt.u32 s8, $0xFFFFF086  }
0x1c: {  	p1 =	slt.u32 s9, $0xF7A;
	s5 =	simm.s32 @!p2 $0x0  }
0x1d: {  	s5 =	simm.s32 @p1 $0x1;
	p0 =	seq.s32 s7, s2  }
0x1e: {  	s7 =	smul.u32 @!p0 $0xF7A, s2;
	p2 =	seq.s32 @!p0 s5, $0x0  }
0x1f: {  	s9 =	smul.u32 $0xF7A, s1;
	s8 =	simm.s32 @!p0 $0x1BF5;
	p2 =	por !p2, p0  }
0x20: {  	[sflag:s8] =	ssyncset.s32 @!p0 $0xFFFFF086;
	s6 =	sadd.s32 @!p0 s3, s7;
	s7 =	simm.s32 @!p0 $0x108  }
0x21: {  	s3 =	sadd.s32 s3, s9;
	s6 =	sadd.s32 @!p0 $0x88, s6;
	s7 =	simm.s32 @p2 $0x1082  }
0x22: {  	[simem:s7], [sflag:s8] =	dma.local @!p0 [hbm:s6], $0xF7A  }
0x23: {  	s9 =	sor.u32 $0xD0000000, s2;
	s6 =	simm.s32 $0x108;
	_ =	swait.ge @!p0 [sflag:s8], $0x0  }
0x24: {  	s3 =	sadd.s32 $0x88, s3;
	s6 =	simm.s32 @!p1 $0x1082;
	[sflag:s4] =	ssyncset.s32 $0xFFFFF086  }
0x25: {  	[simem:s6], [sflag:s4] =	dma.local [hbm:s3], $0xF7A  }
0x26: {  	[smem:$0x3F9D] =	sst s1;
	(tag) =	ssettag s2;
	_ =	strace s9  }
0x27: {  	s1 =	sld [smem:$0x3FAD]  }
0x28: {  	s2 =	sld [smem:$0x3FAE]  }
0x29: {  	s4 =	sld [smem:$0x3FB0]  }
0x2a: {  	p0 =	seq.s32 s5, $0x0;
	s5 =	sld [smem:$0x3FB1]  }
0x2b: {  	s6 =	sld [smem:$0x3FB2]  }
0x2c: {  	s7 =	sld [smem:$0x3FB3]  }
0x2d: {  	s3 =	simm.s32 $0x108;
	s8 =	sld [smem:$0x3FB4]  }
0x2e: {  	s3 =	simm.s32 @!p0 $0x1082;
	s9 =	sld [smem:$0x3FB5]  }
0x2f: {  	lr =	sadd.s32 s0, s3;
	s0 =	sld [smem:$0x3FAC]  }
0x30: {  	s3 =	sld [smem:$0x3FAF]  }
0x31: {  	[smem:$0x3FB8] =	sst s10  }
0x32: {  	s10 =	sld [smem:$0x3FB6];
	_ =	sdelay $0x3  }
0x33: {  	p0 =	seq.s32 s10, $0x1;
	s10 =	sld [smem:$0x3FB8];
	_ =	sdelay $0x3  }
0x34: {  	[smem:$0x3FB8] =	sst s10  }
0x35: {  	s10 =	sld [smem:$0x3FB7];
	_ =	sdelay $0x3  }
0x36: {  	p1 =	seq.s32 s10, $0x1;
	s10 =	sld [smem:$0x3FB8];
	_ =	sdelay $0x3  }
0x37: {  	[smem:$0x3FB8] =	sst s10  }
0x38: {  	s10 =	sld [smem:$0x3FB9]  }
0x39: {  	_ = 	snop;
	(pc) =	sbr.ind lr, $3  }
0x3a: {  	_ = 	snop  }
0x3b: {  	_ = 	snop  }
0x3c: {  	p2 =	seq.s32 s10, $0x1;
	s10 =	sld [smem:$0x3FB8]  }
0x3d: {  	_ =	shalt  }
0x3e: {  	_ =	shalt  }
0x3f: {  	_ =	shalt  }
0x40: {  	_ =	shalt  }
0x41: {  	_ =	shalt  }
0x42: {  	_ =	shalt  }
0x43: {  	_ =	shalt  }
0x44: {  	_ =	shalt  }
0x45: {  	_ =	shalt  }
0x46: {  	_ =	shalt  }
0x47: {  	_ =	shalt  }
0x48: {  	_ =	shalt  }
0x49: {  	_ =	shalt  }
0x4a: {  	_ =	shalt  }
0x4b: {  	_ =	shalt  }
0x4c: {  	_ =	shalt  }
0x4d: {  	_ =	shalt  }
0x4e: {  	_ =	shalt  }
0x4f: {  	_ =	shalt  }
0x50: {  	_ =	shalt  }
0x51: {  	_ =	shalt  }
0x52: {  	_ =	shalt  }
0x53: {  	_ =	shalt  }
0x54: {  	_ =	shalt  }
0x55: {  	_ =	shalt  }
0x56: {  	_ =	shalt  }
0x57: {  	_ =	shalt  }
0x58: {  	_ =	shalt  }
0x59: {  	_ =	shalt  }
0x5a: {  	_ =	shalt  }
0x5b: {  	_ =	shalt  }
0x5c: {  	_ =	shalt  }
0x5d: {  	_ =	shalt  }
0x5e: {  	_ =	shalt  }
0x5f: {  	_ =	shalt  }
0x60: {  	_ =	shalt  }
0x61: {  	_ =	shalt  }
0x62: {  	_ =	shalt  }
0x63: {  	_ =	shalt  }
0x64: {  	_ =	shalt  }
0x65: {  	_ =	shalt  }
0x66: {  	_ =	shalt  }
0x67: {  	_ =	shalt  }
0x68: {  	_ =	shalt  }
0x69: {  	_ =	shalt  }
0x6a: {  	_ =	shalt  }
0x6b: {  	_ =	shalt  }
0x6c: {  	_ =	shalt  }
0x6d: {  	_ =	shalt  }
0x6e: {  	_ =	shalt  }
0x6f: {  	_ =	shalt  }
0x70: {  	_ =	shalt  }
0x71: {  	_ =	shalt  }
0x72: {  	_ =	shalt  }
0x73: {  	_ =	shalt  }
0x74: {  	_ =	shalt  }
0x75: {  	_ =	shalt  }
0x76: {  	_ =	shalt  }
0x77: {  	_ =	shalt  }
0x78: {  	_ =	shalt  }
0x79: {  	_ =	shalt  }
0x7a: {  	_ =	shalt  }
0x7b: {  	_ =	shalt  }
0x7c: {  	_ =	shalt  }
0x7d: {  	_ =	shalt  }
0x7e: {  	_ =	shalt  }
0x7f: {  	_ =	shalt  }
0x80: {  	_ =	shalt  }
0x81: {  	_ =	shalt  }
0x82: {  	_ =	shalt  }
0x83: {  	_ =	shalt  }
0x84: {  	_ =	shalt  }
0x85: {  	_ =	shalt  }
0x86: {  	_ =	shalt  }
0x87: {  	_ =	shalt  }
.Lfunc_end0:
.L_simem_size_0:
called_computation.5_lowered:
.L_overlay_start_0:
0x88: {  	s0 =	sld [smem:$0x3FD9]  }
0x89: {  	s1 =	sld [smem:$0x3FFE];
	_ =	sdelay $0x3  }
0x8a: {  	s0 =	sadd.s32 s1, s0  }
0x8b: {  	[smem:$0x3FC4] =	sst s0  }
0x8c: {  	_ = 	snop  }
0x8d: {  	s0 =	sld [smem:$0x3FD0];
	_ =	sdelay $0x2  }
0x8e: {  	s13 =	simm.s32 $0xD;
	s2 =	simm.s32 $0x10  }
0x8f: {  	[smem:s2], [sflag:s13] =	dma.local [hbm:s0], $0x1  }
0x90: {  	_ =	swait.eq [sflag:s13], $0x1  }
0x91: {  	[sflag:s13] =	ssyncset.done $0x0  }
0x92: {  	s14 =	sld [smem:$0x11];
	[sflag:s13] =	ssyncadd.s32 $0xFFFFFFFF  }
0x93: {  	s15 =	sld [smem:$0x14];
	(tm) =	ssettm $0x1  }
0x94: {  	s16 =	sld [smem:$0x3FFB];
	_ =	sdelay $0x3  }
0x95: {  	_ =	strace s16  }
0x96: {  	s2 =	sld [smem:$0x3FFC];
	_ =	sdelay $0x3  }
0x97: {  	_ =	strace s2  }
0x98: {  	s2 =	sld [smem:$0x3FFD];
	_ =	sdelay $0x3  }
0x99: {  	_ =	strace s2  }
0x9a: {  	_ =	strace $0x8FFFFFFF  }
0x9b: {  	s17 =	sld [smem:$0x3FDB];
	_ =	sdelay $0x1  }
0x9c: {  	s3 =	simm.s32 $_scs_section_size  }
0x9d: {  	s4 =	simm.s32 $_size__tile_overlayer_lowered;
	s5 =	simm.s32 $_tile_overlayer_lowered  }
0x9e: {  	s20 =	simm.s32 $0x1BFF;
	s19 =	sshll.u32 s5, $0x1;
	s2 =	sadd.s32 s3, s17  }
0x9f: {  	s6 =	simm.s32 $0x0;
	s18 =	sshll.u32 s4, $0x1;
	s4 =	sadd.s32 s19, s2  }
0xa0: {  	[timem:s6], [sflag:s20] =	dma.local [hbm:s4], s18  }
0xa1: {  	_ =	swait.ge [sflag:s20], s18  }
0xa2: {  	s3 =	ssub.s32 $0x0, s18;
	[sflag:s20] =	ssyncset.done $0x0  }
0xa3: {  	[sflag:s20] =	ssyncadd.s32 s3;
	_ =	sdelay $0x1  }
0xa4: {  	s21 =	simm.s32 $0x1B8B  }
0xa5: {  	_ =	swait.ge [sflag:s21], $0x1  }
0xa6: {  	[sflag:s21] =	ssyncset.done $0x0  }
0xa7: {  	s23 =	simm.s32 $0x1B8E;
	s22 =	sld [smem:$0x3FFE];
	[sflag:s21] =	ssyncadd.s32 $0xFFFFFFFF  }
0xa8: {  	s24 =	simm.s32 $execute0_lowered;
	[smem:$0x3FD2] =	sst s23  }
0xa9: {  	s4 =	sshll.u32 s24, $0x1;
	_ =	strace $0x80000055;
	[dreg:$0x1] =	wrdreg $0xFFFFFFFF  }
0xaa: {  	s25 =	simm.s32 $_size_execute0_lowered;
	s2 =	sadd.s32 s2, s4;
	[dreg:$0x0] =	wrdreg $0x0  }
0xab: {  	s4 =	sshll.u32 s25, $0x1;
	[dreg:$0x2] =	wrdreg s2  }
0xac: {  	[dreg:$0x3] =	wrdreg s4  }
0xad: {  	[dreg:$0x4] =	wrdreg $0xC0  }
0xae: {  	_ =	task [dreg:s6], $0x5FFFF  }
0xaf: {  	[dreg:$0x1] =	wrdreg $0xFFFFFFFF  }
0xb0: {  	[dreg:$0x0] =	wrdreg $0x60  }
0xb1: {  	[dreg:$0x2] =	wrdreg s22  }
0xb2: {  	[dreg:$0x3] =	wrdreg s14  }
0xb3: {  	[dreg:$0x4] =	wrdreg s15  }
0xb4: {  	[dreg:$0x5] =	wrdreg $0x9  }
0xb5: {  	_ =	task.clear_ibuf [dreg:s6], $0x6FFFF;
	_ =	strace $0x90000055  }
0xb6: {  	s26 =	simm.s32 $0x9;
	_ =	strace $0x80000057  }
0xb7: {  	_ =	swait.ge [sflag:s26], $0x1  }
0xb8: {  	[sflag:s26] =	ssyncadd.s32 $0xFFFFFFFF  }
0xb9: {  	_ =	strace $0x90000057  }
0xba: {  	_ =	sfence  }
0xbb: {  	s28 =	sld [smem:$0x0];
	_ =	sdelay $0x1  }
0xbc: {  	s29 =	srdreg.scid  }
0xbd: {  	s30 =	sshll.u32 s29, $0xD;
	s31 =	sshrl.u32 s29, $0x2  }
0xbe: {  	s1 =	sand.u32 $0x1, s29;
	s2 =	sand.u32 $0x4000, s30;
	s0 =	sadd.s32 s31, s28  }
0xbf: {  	s1 =	sor.u32 s2, s1;
	s0 =	sshll.u32 s0, $0x11  }
0xc0: {  	s0 =	sor.u32 s0, s1  }
0xc1: {  	s0 =	sadd.s32 $0x8F2B, s0  }
0xc2: {  	[sflag:s0] =	ssyncadd.remote.s32 $0x1  }
0xc3: {  	_ =	sfence.sel $0xFFFF  }
0xc4: {  	[dreg:$0x0] =	wrdreg $0xFFFFFFFF;
	(pc) =	sbr.abs _section_cstart, $3  }
0xc5: {  	[dreg:$0x1] =	wrdreg $0xFFFFFFFF  }
0xc6: {  	_ =	task.clear_ibuf [dreg:s6], $0x2FFFF;
	_ =	strace $0x9FFFFFFF  }
0xc7: {  	(tm) =	ssettm $0x7FFFFFFF  }
tec
execute0_lowered:
.L_overlay_start_1:
0x0: {  	(tag) =	ssettag $0x1  }
0x1: {  	s0 =	rddreg [dreg:$0x0]  }
0x2: {  	s3 =	rddreg [dreg:$0x1]  }
0x3: {  	s14 =	stileid.u32;
	_ =	strace $0x80000056;
	s2 =	simm.s32 $0x1  }
0x4: {  	v1 =	vimm.s32 $0xFFFFFFFF;
	s1 =	smin.u32 s14, $0x4;
	[sflag:s2] =	ssyncpa.u1 $0x0  }
0x5: {  	s1 =	sadd.s32 s14, s1;
	[tilespmem:$0x10] =	vst v1  }
0x6: {  	v0 =	vimm.f32 $0.0e+00;
	p0 =	slt.u32 s14, $0x4;
	[tilespmem:$0x20] =	vst v1;
	s5 =	smul.u32 $0x1F40, s1;
	s1 =	simm.s32 $0x3E80  }
0x7: {  	[tilespmem:$0x30] =	vst v0;
	s1 =	simm.s32 @!p0 $0x1F40  }
0x8: {  	[tilespmem:$0x40] =	vst v0;
	s1 =	sadd.s32 s1, s5  }
0x9: {  	[tilespmem:$0x50] =	vst v0;
	s6 =	smin.u32 s1, $0x27100  }
0xa: {  	s7 =	simm.s32 $0x2;
	s8 =	simm.s32 $0x8;
	[tilespmem:$0x60] =	vst v1;
	s4 =	ssub.s32 s6, s5  }
0xb: {  	s31 =	simm.s32 $0x9;
	s16 =	simm.s32 $0x0;
	[tilespmem:$0x70] =	vst v1;
	p0 =	sgt.s32 s4, $0x0  }
0xc: {  	s17 =	simm.s32 $0xF0;
	s18 =	simm.s32 $0xFFFFFFFF;
	[tilespmem:$0x80] =	vst v1;
	s4 =	simm.s32 @!p0 $0x0  }
0xd: {  	s19 =	simm.s32 $0xFFFFC280;
	s20 =	simm.s32 $0xFFFFFFFE;
	v1 =	vimm.s32 $0x0;
	[tilespmem:$0xB0] =	vst v0;
	s30 =	smulhi.u32 $0x10624DD3, s4  }
0xe: {  	s21 =	simm.s32 $0xF;
	s22 =	simm.s32 $0x30;
	s25 =	simm.s32 $0x0;
	[tilespmem:$0x90] =	vst v1  }
0xf: {  	[tilespmem:$0xA0] =	vst v1;
	[sflag:s7] =	ssyncpa.u1 $0x0;
	s7 =	simm.s32 $0x7;
	s9 =	sshrl.u32 s30, $0x9  }
0x10: {  	s24 =	simm.s32 $0x0;
	[sflag:s7] =	ssyncpa.u1 $0x0;
	s10 =	smul.u32 $0x1F40, s9  }
.Ltmp0:
0x11: {  	[sflag:s8] =	ssyncpa.u1 $0x0;
	s23 =	smov.u32 s5;
	(pc) =	sbr.rel .LBB2_1-.Ltmp0, $4  }
0x12: {  	s1 =	sadd.s32 $0xF600, s0;
	[sflag:s31] =	ssyncpa.u1 $0x0;
	p0 =	sne.s32 s4, s10  }
0x13: {  	s10 =	sshll.u32 s14, $0x1;
	s14 =	sshllo.u32 s14, $0x1;
	s2 =	simm.s32 @!p0 $0x0  }
0x14: {  	vm0 =	vmmov $0xffff;
	v2 =	vlaneseq.u32;
	s13 =	sor.u32 $0x81, s10;
	s15 =	sor.u32 $0x80, s10;
	s9 =	sadd.s32 s2, s9  }
0x15: {  	vm1 =	vmxor vm1, vm1;
	vm2 =	vmmov $0x1;
	vm3 =	vcmask $0x3F3C;
	p0 =	por $0x0, $0x0;
	s11 =	sadd.s32 $0x1, s9;
	s12 =	sadd.s32 $0x2, s9  }
.LBB2_9:
0x16: {  	p1 =	slt.u32 s24, $0x3  }
0x17: {  	s0 =	simm.s32 @!p1 $0x2  }
0x18: {  	_ =	swait.ge @!p1 [sflag:s0], $0x1F40  }
0x19: {  	[sflag:s0] =	ssyncset.done @!p1 $0x0  }
0x1a: {  	[sflag:s0] =	ssyncadd.s32 @!p1 $0xFFFFE0C0;
	s0 =	simm.s32 @!p1 $0x9  }
0x1b: {  	_ =	swait.ge @!p1 [sflag:s0], $0x10  }
0x1c: {  	[sflag:s0] =	ssyncset.done @!p1 $0x0  }
0x1d: {  	[sflag:s0] =	ssyncadd.s32 @!p1 $0xFFFFFFF0;
	p1 =	sne.s32 s24, s12  }
.Ltmp1:
0x1e: {  	s2 =	sadd.s32 $0x1F40, s23;
	(pc) =	sbr.rel @!p1 .LBB2_10-.Ltmp1, $4  }
0x1f: {  	s4 =	smov.u32 s5;
	s31 =	sadd.s32 $0x1, s24;
	s17 =	sadd.s32 $0x1F40, s17  }
0x20: {  	s18 =	sadd.s32 $0x1, s18;
	s25 =	smov.u32 s23;
	p2 =	slt.s32 s2, s6  }
0x21: {  	p0 =	por !p0, !p0;
	s19 =	sadd.s32 $0x1F40, s19;
	s4 =	smov.u32 @p2 s2  }
0x22: {  	s20 =	sadd.s32 $0x1, s20;
	s23 =	smov.u32 s4;
	s24 =	smov.u32 s31  }
.LBB2_1:
0x23: {  	p1 =	sge.u32 s24, s9  }
0x24: {  	s0 =	smulhi.u32 @!p1 $0xAAAAAAAB, s24;
	_ =	sdelay $0x1  }
0x25: {  	s0 =	sshrl.u32 @!p1 s0, $0x1  }
0x26: {  	s0 =	smul.u32 @!p1 $0x3, s0;
	_ =	sdelay $0x1  }
0x27: {  	s0 =	ssub.s32 @!p1 s24, s0  }
0x28: {  	s0 =	smul.u32 @!p1 $0x7D00, s0;
	_ =	sdelay $0x1  }
0x29: {  	s2 =	sshrl.u32 @!p1 s23, $0x3;
	s0 =	sshrl.u32 @!p1 s0, $0x2  }
0x2a: {  	s4 =	sand.u32 @!p1 $0x7, s23;
	s2 =	sadd.s32 @!p1 s3, s2;
	s0 =	sadd.s32 @!p1 $0x100, s0  }
0x2b: {  	[tilespmem:s0], [sflag:$0x7] =	stream.linear.gather @!p1 [hbm4b:s2+s4], $0x1F40, $0x38;
	[tilespmem:$0x11A60] =	vst v63  }
0x2c: {  	s0 =	sadd.s32 $0xFFFFFFFF, s24  }
0x2d: {  	p1 =	sge.u32 s0, s9  }
.Ltmp2:
0x2e: {  	_ = 	snop;
	(pc) =	sbr.rel @p1 .LBB2_5-.Ltmp2, $1  }
0x2f: {  	_ =	sdelay $0x3  }
0x30: {  	s2 =	smulhi.u32 $0xAAAAAAAB, s0;
	_ =	sdelay $0x1  }
0x31: {  	s2 =	sshrl.u32 s2, $0x1  }
0x32: {  	s2 =	smul.u32 $0x3, s2;
	_ =	sdelay $0x1  }
0x33: {  	s2 =	ssub.s32 s0, s2  }
0x34: {  	s2 =	smul.u32 $0x7D00, s2  }
0x35: {  	_ =	swait.ge [sflag:s7], $0x1F40  }
0x36: {  	[sflag:s7] =	ssyncset.done $0x0;
	s2 =	sshrl.u32 s2, $0x2  }
0x37: {  	[sflag:s7] =	ssyncadd.s32 $0xFFFFE0C0;
	(ifvalue) =	ssetifvalue $0xFFFFFFFF;
	v3 =	vld.msk [tilespmem:s2+$0x100 ss:$0x1], $0xffff;
	_ =	sdelay $0x2  }
0x38: {  	s30 =	smulhi.u32 $0xAAAAAAAB, s18;
	p1 =	sne.s32 s24, $0x1  }
0x39: {  	v4 =	vimm.s32 @!p1 $0x0  }
0x3a: {  	s2 =	sshrl.u32 s30, $0x1;
	v4 =	vperm.xlane @!p1 v3, v4  }
0x3b: {  	s4 =	sshll.u32 s24, $0x4;
	s2 =	smul.u32 $0xFFFE8900, s2;
	vm4 =	vlt.u32 v3, $0x5F5E400  }
0x3c: {  	s4 =	sand.u32 $0x10, s4;
	v3 =	vnsel vm4, $0xFFFFFFFE, v3;
	vm4 =	vlt.u32 @!p1 v4, $0x5F5E400  }
0x3d: {  	s2 =	sshra.s32 s2, $0x2;
	[tilespmem:s4+$0x60] =	vst v3;
	v3 =	vnsel @!p1 vm4, $0xFFFFFFFE, v4  }
0x3e: {  	s28 =	sadd.s32 s2, s17;
	[tilespmem:$0x80] =	vst @!p1 v3  }
0x3f: {  	v3 =	vld.msk [tilespmem:s28+$0x0 ss:$0x1], $0xffff;
	_ =	sdelay $0x4  }
0x40: {  	(xrf1) =	vunique.msk.u32 $0xffff, v3;
	_ =	sdelay $0xd  }
0x41: {  	v4 =	vimm.s32 $0xFFFFFFFF;
	v5, _, _ =	vpop (xrf1)  }
0x42: {  	vm5 =	vne.s32 v3, v4;
	vm4 =	veq.s32 v5, v2  }
0x43: {  	vm6 =	vlt.u32 v3, $0x5F5E400;
	vm4 =	vmand vm5, vm4  }
0x44: {  	vm4 =	vmand vm6, vm4  }
0x45: {  	v4 =	vnsel vm4, $0xFFFFFFFF, v3  }
0x46: {  	s31 =	sand.u32 $0x1, s0  }
0x47: {  	s0 =	simm.s32 $0x1F40;
	p1 =	seq.s32 s31, $0x1  }
0x48: {  	s0 =	simm.s32 @!p1 $0x0  }
0x49: {  	s26 =	sadd.s32 $0x7DF0, s0;
	(ifvalue) =	ssetifvalue $0xFFFFFFFF  }
0x4a: {  	v3 =	vperm.xlane v3, v1;
	[tilespmem:s26], [sflag:$0x8] =	stream.indirect_vreg.gather [hbm4b:s1+s16], $0x1, v4, vm0, $0x4038;
	v4 =	vnsel vm6, $0xFFFFFFFE, v4;
	[tilespmem:$0x11A60] =	vst v63  }
0x4b: {  	s2 =	simm.s32 $0x0;
	s4 =	sadd.s32 $0xFFFFFFF0, s28;
	[tilespmem:s28+$0x0] =	vst v4  }
.LBB2_3:
0x4c: {  	v4 =	vld.msk [tilespmem:s4+$0x0 ss:$0x1], $0xffff;
	s2 =	sadd.s32 $0x10, s2;
	v5 =	vmov v3;
	s28 =	smov.u32 s4  }
0x4d: {  	p1 =	slt.u32 s2, $0x1F30;
	_ =	sdelay $0x4  }
0x4e: {  	v3 =	vperm.xlane v4, v1;
	(xrf1) =	vunique.msk.u32 $0xffff, v4;
	_ =	sdelay $0xd  }
0x4f: {  	v6, _, _ =	vpop (xrf1)  }
0x50: {  	vm5 =	vne.s32 v4, v5;
	vm4 =	veq.s32 v6, v2  }
0x51: {  	vm6 =	vlt.u32 v4, $0x5F5E400;
	vm4 =	vmand vm5, vm4  }
0x52: {  	vm4 =	vmand vm6, vm4  }
0x53: {  	v4 =	vnsel vm4, $0xFFFFFFFF, v4  }
.Ltmp3:
0x54: {  	v5 =	vnsel vm6, $0xFFFFFFFE, v4;
	(pc) =	sbr.rel @p1 .LBB2_3-.Ltmp3, $3  }
0x55: {  	_ =	sdelay $0x1  }
0x56: {  	s4 =	sadd.s32 $0xFFFFFFF0, s4;
	s26 =	sadd.s32 $0xFFFFFFF0, s26;
	(ifvalue) =	ssetifvalue $0xFFFFFFFF  }
0x57: {  	[tilespmem:s26], [sflag:$0x8] =	stream.indirect_vreg.gather [hbm4b:s1+s16], $0x1, v4, vm0, $0x4038;
	[tilespmem:s28+$0x0] =	vst v5  }
0x58: {  	s2 =	sshrl.u32 s25, $0x3;
	s4 =	rddreg [dreg:$0x2]  }
0x59: {  	s0 =	sadd.s32 $0x9D40, s0;
	s2 =	sadd.s32 s4, s2  }
0x5a: {  	[tilespmem:s0], [sflag:$0x8] =	stream.linear.gather [hbm:s2], $0x1F40, $0x38;
	[tilespmem:$0x11A60] =	vst v63  }
.LBB2_5:
0x5b: {  	p1 =	slt.u32 s24, $0x2  }
0x5c: {  	p2 =	sge.u32 @!p1 s24, s12  }
0x5d: {  	p1 =	por p1, p2  }
.Ltmp4:
0x5e: {  	_ = 	snop;
	(pc) =	sbr.rel @p1 .LBB2_9-.Ltmp4, $1  }
0x5f: {  	_ =	sdelay $0x3  }
0x60: {  	s0 =	sadd.s32 $0xFFFFFFFE, s24  }
0x61: {  	s2 =	smulhi.u32 $0xAAAAAAAB, s0;
	_ =	sdelay $0x1  }
0x62: {  	s2 =	sshrl.u32 s2, $0x1  }
0x63: {  	s2 =	smul.u32 $0x3, s2;
	_ =	sdelay $0x1  }
0x64: {  	s0 =	ssub.s32 s0, s2  }
0x65: {  	_ =	swait.ge [sflag:s8], $0x3E80;
	s0 =	smul.u32 $0x1F40, s0  }
0x66: {  	p1 =	sne.s32 s24, s11;
	[sflag:s8] =	ssyncset.done $0x0  }
0x67: {  	[sflag:s8] =	ssyncadd.s32 $0xFFFFC180;
	s2 =	sadd.s32 @!p1 $0x203F, s0  }
0x68: {  	[spmem:s13] =	stream.linear.scatter @!p1 [tilespmem:s2], [sflag:$0x1], $0x1, $0x38;
	[tilespmem:$0x11A60] =	vst v63  }
0x69: {  	s2 =	simm.s32 @!p1 $0x1  }
0x6a: {  	_ =	swait.ge @!p1 [sflag:s2], $0x1  }
0x6b: {  	s4 =	sshll.u32 s24, $0x4;
	[sflag:s2] =	ssyncset.done @!p1 $0x0  }
0x6c: {  	s25 =	sand.u32 $0x10, s4;
	[sflag:s2] =	ssyncadd.s32 @!p1 $0xFFFFFFFF  }
0x6d: {  	s2 =	sxor.u32 $0x10, s25;
	v4 =	vld [tilespmem:s25+$0x10]  }
0x6e: {  	v5 =	vld [tilespmem:s2+$0x60]  }
0x6f: {  	v3 =	vld [tilespmem:$0x80];
	_ =	sdelay $0x2  }
0x70: {  	(v2sf) =	vpush v4, $0x0  }
0x71: {  	(v2sf) =	vpush v5, $0x0  }
0x72: {  	(v2sf) =	vpush v3, $0x0;
	_ =	sdelay $0xc  }
0x73: {  	s4 =	spop (v2sf)  }
0x74: {  	s26 =	spop (v2sf)  }
0x75: {  	s28 =	spop (v2sf)  }
0x76: {  	p2 =	seq.s32 s4, s26;
	p3 =	seq.s32 s28, s4  }
0x77: {  	p3 =	por p2, p3  }
0x78: {  	s26 =	sand.u32 $0x1, s24;
	v4 =	vpsel p3, $0xFFFFFFFF, v4  }
0x79: {  	s29 =	smul.u32 $0x1F40, s26;
	[tilespmem:s25+$0x10] =	vst.msk $0x1, v4  }
0x7a: {  	v4 =	vld [tilespmem:$0x30]  }
0x7b: {  	v5 =	vld [tilespmem:s29+$0x9D40]  }
0x7c: {  	v6 =	vld [tilespmem:s25+$0x40];
	_ =	sdelay $0x3  }
0x7d: {  	vm4 =	vmmov vm1;
	v5 =	vadd.f32 v5, v4  }
0x7e: {  	vm5 =	vmmov vm2;
	vm4 =	vmmov @p2 vm2;
	s4 =	sshll.u32 s26, $0x4;
	v4 =	vadd.f32 v6, v4  }
0x7f: {  	s26 =	sor.u32 $0x11A40, s4;
	vm5 =	vmmov @p3 vm1;
	[tilespmem:s29+$0x9D40] =	vst.msk vm4, v5  }
0x80: {  	[tilespmem:s26+$0x0] =	vst.msk vm5, v4  }
0x81: {  	v4 =	vld [tilespmem:s29+$0x7DF0];
	_ =	sdelay $0x3  }
0x82: {  	v5 =	vimm.f32 $0.0e+00  }
0x83: {  	v4 =	vshift.insert v4, v5, s21  }
0x84: {  	s4 =	sor.u32 $0x40, s2  }
0x85: {  	[tilespmem:s4+$0x0] =	vst.msk $0x1, v4  }
0x86: {  	[tilespmem:s29+$0x7DFF] =	vst.msk $0x1, v5  }
0x87: {  	v4 =	vld [tilespmem:s0+$0x2030];
	_ =	sdelay $0x1  }
0x88: {  	s4 =	smulhi.u32 $0xAAAAAAAB, s20;
	s0 =	simm.s32 $0x1  }
0x89: {  	s0 =	simm.s32 @!p0 $0x0  }
0x8a: {  	s4 =	sshrl.u32 s4, $0x1;
	s0 =	smul.u32 $0x7D00, s0  }
0x8b: {  	s4 =	smul.u32 $0xFFFE8900, s4;
	v4 =	vshift.insert v4, v1, s21  }
0x8c: {  	s0 =	sshrl.u32 s0, $0x2  }
0x8d: {  	s4 =	sshra.s32 s4, $0x2;
	s30 =	sadd.s32 $0x9D40, s0;
	[tilespmem:s2+$0x10] =	vst.msk $0x1, v4  }
0x8e: {  	s4 =	sadd.s32 s4, s19;
	v6 =	vld [tilespmem:s30+$0x0]  }
0x8f: {  	v7 =	vld [tilespmem:s4+$0x0];
	_ =	sdelay $0x3  }
0x90: {  	v5 =	vadd.f32 v6, v5  }
0x91: {  	vm4 =	vne.s32 v7, $0xFFFFFFFF  }
0x92: {  	(xrf2) =	vadd.seg.scan.f32 vm4, v5;
	_ =	sdelay $0x3  }
0x93: {  	s31 =	sadd.s32 $0x5EC0, s0;
	v5 =	vperm.xlane v4, v1  }
0x94: {  	v6 =	vld [tilespmem:s31+$0x0]  }
0x95: {  	vm5 =	veq.s32 v7, v3;
	vm6 =	veq.s32 v7, v5  }
0x96: {  	vm7 =	vgt.u32 v7, $0xFFFFFFFD;
	vm6 =	vmor vm6, vm5  }
0x97: {  	vm6 =	vmor vm6, vm7  }
0x98: {  	v9 =	vld [tilespmem:$0xA0];
	v7 =	vsel vm6, $0xFFFFFFFF, v7  }
0x99: {  	v10 =	vld [tilespmem:$0x90];
	v6 =	vsel vm5, $0x0, v6;
	v8, _, _ =	vpop (xrf2)  }
0x9a: {  	v6 =	vadd.f32 v8, v6  }
0x9b: {  	s0 =	sadd.s32 $0xDBC0, s0  }
0x9c: {  	vm4 =	vmand vm4, vm3;
	[tilespmem:s0+$0x0] =	vst v6;
	(ifvalue) =	ssetifvalue $0xFFFFFFFF  }
0x9d: {  	vm6 =	veq.s32 v9, $0x1;
	[hbm4b:s1+s16] =	stream.indirect_vreg.scatter [tilespmem:s0], [sflag:$0x2], $0x1, v7, vm0, $0x4038;
	v7 =	vsel vm4, $0x0, v8;
	[tilespmem:$0x11A60] =	vst v63  }
0x9e: {  	s2 =	simm.s32 $0x0;
	s4 =	sadd.s32 $0x10, s4;
	vm4 =	vmor vm6, vm5;
	v6 =	vsel vm5, v8, v10;
	v7 =	vshift.insert v7, v0, s21  }
.LBB2_7:
0x9f: {  	v8 =	vld [tilespmem:s4+$0x0];
	s30 =	sadd.s32 $0x10, s30  }
0xa0: {  	s31 =	sadd.s32 $0x10, s31;
	v9 =	vld [tilespmem:s30+$0x0]  }
0xa1: {  	s2 =	sadd.s32 $0x10, s2;
	v10 =	vld [tilespmem:s31+$0x0]  }
0xa2: {  	p2 =	slt.u32 s2, $0x1F30;
	_ =	sdelay $0x2  }
0xa3: {  	v7 =	vadd.f32 v9, v7  }
0xa4: {  	vm5 =	vne.s32 v8, $0xFFFFFFFF  }
0xa5: {  	vm6 =	vmand vm5, vm3;
	(xrf2) =	vadd.seg.scan.f32 vm5, v7;
	_ =	sdelay $0x5  }
0xa6: {  	vm7 =	veq.s32 v8, v5;
	vm5 =	veq.s32 v8, v3  }
0xa7: {  	vm8 =	vgt.u32 v8, $0xFFFFFFFD;
	vm4 =	vmor vm4, vm5;
	vm7 =	vmor vm7, vm5  }
0xa8: {  	vm7 =	vmor vm7, vm8  }
0xa9: {  	v8 =	vsel vm7, $0xFFFFFFFF, v8  }
.Ltmp5:
0xaa: {  	v7 =	vsel vm5, $0x0, v10;
	v9, _, _ =	vpop (xrf2);
	(pc) =	sbr.rel @p2 .LBB2_7-.Ltmp5, $4  }
0xab: {  	v6 =	vsel vm5, v9, v6;
	v10 =	vadd.f32 v9, v7;
	v7 =	vsel vm6, $0x0, v9  }
0xac: {  	s0 =	sadd.s32 $0x10, s0;
	v7 =	vshift.insert v7, v0, s21  }
0xad: {  	s4 =	sadd.s32 $0x10, s4;
	[tilespmem:s0+$0x0] =	vst v10;
	(ifvalue) =	ssetifvalue $0xFFFFFFFF  }
0xae: {  	[hbm4b:s1+s16] =	stream.indirect_vreg.scatter [tilespmem:s0], [sflag:$0x2], $0x1, v8, vm0, $0x4038;
	[tilespmem:$0x11A60] =	vst v63  }
0xaf: {  	v3 =	vld [tilespmem:s29+$0xFAF0];
	_ =	sdelay $0x4  }
0xb0: {  	v3 =	vshift.insert v3, v0, s21;
	_ =	sdelay $0x1  }
0xb1: {  	[tilespmem:s22+$0x0] =	vst.msk $0x1, v3  }
0xb2: {  	v3 =	vsel vm4, $0x1, v1;
	[tilespmem:$0x90] =	vst v6  }
0xb3: {  	s0 =	sadd.s32 @!p1 $0xFAFF, s29;
	[tilespmem:$0xA0] =	vst v3  }
0xb4: {  	[spmem:s14] =	stream.linear.scatter @!p1 [tilespmem:s0], [sflag:$0x1], $0x1, $0x38;
	[tilespmem:$0x11A60] =	vst v63  }
0xb5: {  	s0 =	simm.s32 @!p1 $0x1  }
0xb6: {  	v3 =	vmctz.xlane @!p1 vm4;
	_ =	swait.ge @!p1 [sflag:s0], $0x1  }
0xb7: {  	(v2sf) =	vpush @!p1 v4, $0x0  }
0xb8: {  	(v2sf) =	vpush @!p1 v3, $0x0;
	_ =	sdelay $0xd  }
0xb9: {  	s2 =	spop @!p1 (v2sf)  }
0xba: {  	s4 =	spop @!p1 (v2sf)  }
0xbb: {  	p2 =	sne.s32 @!p1 s28, s2;
	p3 =	slt.s32 @!p1 s4, $0xF  }
0xbc: {  	[sflag:s0] =	ssyncset.done @!p1 $0x0;
	p2 =	por p2, p1;
	p3 =	por !p3, p1  }
0xbd: {  	[sflag:s0] =	ssyncadd.s32 @!p1 $0xFFFFFFFF;
	v3 =	vimm.s32 @!p2 $0xFFFFFFFF;
	s4 =	simm.s32 @p3 $0xF  }
0xbe: {  	[tilespmem:$0x80] =	vst @!p2 v3;
	s2 =	sadd.s32 @!p1 $0x90, s4  }
0xbf: {  	[spmem:s10] =	stream.linear.scatter @!p1 [tilespmem:s2], [sflag:$0x1], $0x1, $0x38;
	[tilespmem:$0x11A60] =	vst v63  }
0xc0: {  	_ =	swait.ge @!p1 [sflag:s0], $0x1  }
0xc1: {  	[sflag:s0] =	ssyncset.done @!p1 $0x0  }
0xc2: {  	s2 =	simm.s32 @!p1 $0x80;
	[sflag:s0] =	ssyncadd.s32 @!p1 $0xFFFFFFFF  }
0xc3: {  	[spmem:s15] =	stream.linear.scatter @!p1 [tilespmem:s2], [sflag:$0x1], $0x1, $0x38;
	[tilespmem:$0x11A60] =	vst v63  }
0xc4: {  	_ =	swait.ge @!p1 [sflag:s0], $0x1  }
0xc5: {  	[sflag:s0] =	ssyncset.done @!p1 $0x0  }
0xc6: {  	[sflag:s0] =	ssyncadd.s32 @!p1 $0xFFFFFFFF;
	(ifvalue) =	ssetifvalue $0xFFFFFFFF;
	v3 =	vld [tilespmem:s25+$0x10];
	_ =	sdelay $0x3  }
.Ltmp6:
0xc7: {  	_ = 	snop;
	(pc) =	sbr.rel .LBB2_9-.Ltmp6, $3  }
0xc8: {  	_ =	sdelay $0x1  }
0xc9: {  	(ifvalue) =	ssetifvalue $0xFFFFFFFF  }
0xca: {  	[hbm4b:s1+s16] =	stream.indirect_vreg.scatter [tilespmem:s26], [sflag:$0x9], $0x1, v3, vm0, $0x4038;
	[tilespmem:$0x11A60] =	vst v63  }
.LBB2_10:
0xcb: {  	_ =	sfence.sel $0x180000  }
0xcc: {  	s0 =	simm.s32 $0x7;
	[bflag:$0x0] =	sbarrier.arrive $0xFFFF  }
0xcd: {  	s26 =	simm.s32 $0x8;
	[sflag:s0] =	ssyncpa.u1 $0x1  }
0xce: {  	s28 =	simm.s32 $0x9;
	[sflag:s26] =	ssyncpa.u1 $0x1  }
0xcf: {  	[sflag:s28] =	ssyncpa.u1 $0x1  }
0xd0: {  	_ =	sfence.stream.spmem  }
0xd1: {  	s29 =	simm.s32 $0x3;
	[bflag:$0x0] =	sbarrier.arrive $0xFFFF  }
0xd2: {  	s30 =	simm.s32 $0x4;
	[sflag:s29] =	ssyncpa.u1 $0x1  }
0xd3: {  	s31 =	simm.s32 $0x3C;
	s2 =	stileid.u32;
	[sflag:s30] =	ssyncpa.u1 $0x1  }
0xd4: {  	p0 =	sne.s32 s2, $0x0;
	[sflag:s31] =	ssyncpa.u1 $0x1  }
0xd5: {  	s0 =	simm.s32 @p0 $0x1;
	_ =	sfence @p0  }
0xd6: {  	[sflag:s0] =	ssyncpa.u1 @p0 $0x1;
	s0 =	simm.s32 @p0 $0x2  }
0xd7: {  	[sflag:s0] =	ssyncpa.u1 @p0 $0x1  }
0xd8: {  	_ =	strace @p0 $0x90000056  }
0xd9: {  	[bflag:$0x2] =	sbarrier.arrive @p0 $0xFFFF  }
0xda: {  	_ =	shalt @p0  }
.LBB2_11:
0xdb: {  	_ =	sfence.stream.spmem;
	s0 =	simm.s32 $0x5  }
0xdc: {  	s2 =	simm.s32 $0x80;
	s3 =	simm.s32 $0xC0;
	[sflag:s0] =	ssyncpa.u1 $0x0  }
0xdd: {  	[tilespmem:s3], [sflag:$0x5] =	stream.linear.gather [spmem:s2], $0x20, $0x38;
	[tilespmem:$0x11A60] =	vst v63  }
0xde: {  	s2 =	simm.s32 $0x0;
	s3 =	simm.s32 $0xE0  }
0xdf: {  	[tilespmem:s3], [sflag:$0x5] =	stream.linear.gather [spmem:s2], $0x20, $0x38;
	[tilespmem:$0x11A60] =	vst v63  }
.Ltmp7:
0xe0: {  	_ = 	snop;
	(pc) =	sbr.rel .LBB2_12-.Ltmp7, $4  }
0xe1: {  	_ =	swait.ge [sflag:s0], $0x40  }
0xe2: {  	[sflag:s0] =	ssyncset.done $0x0  }
0xe3: {  	s31 =	simm.s32 $0x6;
	[sflag:s0] =	ssyncadd.s32 $0xFFFFFFC0  }
0xe4: {  	s4 =	simm.s32 $0x0;
	[sflag:s31] =	ssyncpa.u1 $0x0  }
.LBB2_17:
0xe5: {  	p0 =	sgt.u32 s5, $0x5F5E3FF  }
0xe6: {  	s0 =	sshrl.u32 @!p0 s5, $0x3  }
0xe7: {  	s5 =	sand.u32 @!p0 $0x7, s5;
	s6 =	simm.s32 @!p0 $0xB0;
	s0 =	sadd.s32 @!p0 s1, s0  }
0xe8: {  	[tilespmem:s6], [sflag:$0x6] =	stream.linear.gather @!p0 [hbm4b:s0+s5], $0x1, $0x38;
	[tilespmem:$0x11A60] =	vst v63  }
0xe9: {  	s0 =	simm.s32 @!p0 $0x6  }
0xea: {  	_ =	swait.ge @!p0 [sflag:s0], $0x1  }
0xeb: {  	[sflag:s0] =	ssyncset.done @!p0 $0x0  }
0xec: {  	[sflag:s0] =	ssyncadd.s32 @!p0 $0xFFFFFFFF  }
0xed: {  	v2 =	vmov @!p0 s4;
	v1 =	vld.msk @!p0 [tilespmem:$0xB0], $0x1;
	_ =	sdelay $0x3  }
0xee: {  	s0 =	simm.s32 @!p0 $0xE0  }
0xef: {  	[tilespmem:v2+s0+$0x0], v1 =	vst.idx.ret.add.f32.msk @!p0 $0x1, v1  }
0xf0: {  	[tilespmem:s2+$0xC0] =	vst.msk $0x1, v0  }
0xf1: {  	v0 =	vld.msk [tilespmem:s4+$0xE0], $0x1;
	_ =	sdelay $0x4  }
0xf2: {  	[tilespmem:s2+$0xE0] =	vst.msk $0x1, v0;
	s2 =	sadd.s32 $0x1, s2  }
.LBB2_19:
0xf3: {  	s4 =	sadd.s32 $0x1, s4  }
0xf4: {  	p0 =	sne.s32 s4, $0x20  }
.Ltmp8:
0xf5: {  	_ = 	snop;
	(pc) =	sbr.rel @!p0 .LBB2_20-.Ltmp8, $1  }
0xf6: {  	_ =	sdelay $0x3  }
.LBB2_12:
0xf7: {  	v0 =	vld.msk [tilespmem:s4+$0xC0], $0x1;
	_ =	sdelay $0x4  }
0xf8: {  	(v2sf) =	vpush v0, $0x0;
	_ =	sdelay $0xe  }
0xf9: {  	s5 =	spop (v2sf)  }
0xfa: {  	p0 =	seq.s32 s5, $0xFFFFFFFF  }
.Ltmp9:
0xfb: {  	_ = 	snop;
	(pc) =	sbr.rel @p0 .LBB2_19-.Ltmp9, $1  }
0xfc: {  	_ =	sdelay $0x3  }
0xfd: {  	p0 =	slt.s32 s2, $0x1  }
.Ltmp10:
0xfe: {  	_ = 	snop;
	(pc) =	sbr.rel @p0 .LBB2_17-.Ltmp10, $1  }
0xff: {  	_ =	sdelay $0x3  }
0x100: {  	s0 =	simm.s32 $0xC0;
	p0 =	por $0x0, $0x0  }
0x101: {  	v1 =	vld.msk @!p0 [tilespmem:s0+$0x0], $0x1;
	_ =	sdelay $0x4  }
0x102: {  	(v2sf) =	vpush @!p0 v1, $0x0;
	_ =	sdelay $0xd  }
0x103: {  	p2 =	sne.s32 s2, $0x1  }
.Ltmp11:
0x104: {  	s6 =	spop @!p0 (v2sf);
	(pc) =	sbr.rel @!p2 .LBB2_16-.Ltmp11, $4  }
0x105: {  	p1 =	seq.s32 @!p0 s5, s6  }
0x106: {  	s6 =	simm.s32 $0x0;
	p1 =	por !p1, p0  }
0x107: {  	s8 =	simm.s32 $0xFFFFFFFF;
	s6 =	simm.s32 @p1 $0xFFFFFFFF  }
0x108: {  	s7 =	simm.s32 $0x1;
	s6 =	smov.u32 @p0 s8  }
.LBB2_15:
0x109: {  	s8 =	smov.u32 s6;
	p0 =	sne.s32 s6, $0xFFFFFFFF  }
0x10a: {  	s0 =	sadd.s32 $0x1, s0;
	s6 =	smov.u32 s7;
	s7 =	sadd.s32 $0x1, s7  }
0x10b: {  	p1 =	sne.s32 s2, s7;
	v1 =	vld.msk @!p0 [tilespmem:s0+$0x0], $0x1;
	_ =	sdelay $0x4  }
0x10c: {  	(v2sf) =	vpush @!p0 v1, $0x0;
	_ =	sdelay $0xe  }
.Ltmp12:
0x10d: {  	s9 =	spop @!p0 (v2sf);
	(pc) =	sbr.rel @p1 .LBB2_15-.Ltmp12, $4  }
0x10e: {  	p2 =	seq.s32 @!p0 s5, s9  }
0x10f: {  	p2 =	por !p2, p0  }
0x110: {  	s6 =	simm.s32 @p2 $0xFFFFFFFF  }
0x111: {  	s6 =	smov.u32 @p0 s8  }
.LBB2_16:
0x112: {  	p0 =	sne.s32 s6, $0xFFFFFFFF  }
.Ltmp13:
0x113: {  	_ = 	snop;
	(pc) =	sbr.rel @!p0 .LBB2_17-.Ltmp13, $1  }
0x114: {  	_ =	sdelay $0x3  }
0x115: {  	v0 =	vld.msk [tilespmem:s4+$0xE0], $0x1;
	v1 =	vmov s6  }
.Ltmp14:
0x116: {  	_ = 	snop;
	(pc) =	sbr.rel .LBB2_19-.Ltmp14, $2  }
0x117: {  	_ =	sdelay $0x2  }
0x118: {  	[tilespmem:v1+s3+$0x0], v0 =	vst.idx.ret.add.f32.msk $0x1, v0  }
.LBB2_20:
0x119: {  	p0 =	slt.s32 s2, $0x1  }
.Ltmp15:
0x11a: {  	_ = 	snop;
	(pc) =	sbr.rel @p0 .LBB2_24-.Ltmp15, $3  }
0x11b: {  	_ =	sdelay $0x1  }
0x11c: {  	s0 =	simm.s32 $0x6  }
0x11d: {  	s3 =	simm.s32 $0x0;
	[sflag:s0] =	ssyncpa.u1 $0x1  }
0x11e: {  	s0 =	simm.s32 $0xC0  }
0x11f: {  	v0 =	vld.msk [tilespmem:s0+$0x0], $0x1;
	_ =	sdelay $0x4  }
0x120: {  	(v2sf) =	vpush v0, $0x0;
	_ =	sdelay $0xe  }
0x121: {  	s2 =	sadd.s32 $0xFFFFFFFF, s2;
	s4 =	spop (v2sf)  }
0x122: {  	p1 =	sne.s32 s2, $0x0;
	p0 =	sgt.u32 s4, $0x5F5E3FF  }
.Ltmp16:
0x123: {  	s5 =	sshrl.u32 @!p0 s4, $0x3;
	(pc) =	sbr.rel @!p1 .LBB2_23-.Ltmp16, $4  }
0x124: {  	s0 =	simm.s32 $0xE0;
	s4 =	sand.u32 @!p0 $0x7, s4;
	s5 =	sadd.s32 @!p0 s1, s5  }
0x125: {  	[hbm4b:s5+s4] =	stream.linear.scatter @!p0 [tilespmem:s0], [sflag:$0x5], $0x1, $0x38;
	[tilespmem:$0x11A60] =	vst v63  }
0x126: {  	s5 =	simm.s32 $0x0  }
0x127: {  	s4 =	simm.s32 $0xC1;
	s5 =	simm.s32 @!p0 $0x4  }
.LBB2_22:
0x128: {  	v0 =	vld.msk [tilespmem:s4+$0x0], $0x1;
	s2 =	sadd.s32 $0xFFFFFFFF, s2;
	s3 =	sadd.s32 s3, s5  }
0x129: {  	p0 =	sne.s32 s2, $0x0;
	_ =	sdelay $0x3  }
0x12a: {  	(v2sf) =	vpush v0, $0x0;
	_ =	sdelay $0xe  }
.Ltmp17:
0x12b: {  	s6 =	spop (v2sf);
	(pc) =	sbr.rel @p0 .LBB2_22-.Ltmp17, $4  }
0x12c: {  	s5 =	simm.s32 $0x0;
	p1 =	sgt.u32 s6, $0x5F5E3FF  }
0x12d: {  	s0 =	sadd.s32 $0x1, s0;
	s5 =	simm.s32 @!p1 $0x4;
	s7 =	sshrl.u32 @!p1 s6, $0x3  }
0x12e: {  	s4 =	sadd.s32 $0x1, s4;
	s6 =	sand.u32 @!p1 $0x7, s6;
	s7 =	sadd.s32 @!p1 s1, s7  }
0x12f: {  	[hbm4b:s7+s6] =	stream.linear.scatter @!p1 [tilespmem:s0], [sflag:$0x5], $0x1, $0x38;
	[tilespmem:$0x11A60] =	vst v63  }
.LBB2_23:
0x130: {  	s0 =	sadd.s32 s3, s5  }
0x131: {  	s3 =	sshrl.u32 s0, $0x2  }
.LBB2_24:
0x132: {  	s0 =	simm.s32 $0x5  }
0x133: {  	_ =	swait.ge [sflag:s0], s3  }
0x134: {  	s1 =	ssub.s32 $0x0, s3;
	[sflag:s0] =	ssyncset.done $0x0  }
0x135: {  	[sflag:s0] =	ssyncadd.s32 s1  }
0x136: {  	[sflag:s0] =	ssyncpa.u1 $0x1  }
0x137: {  	s29 =	simm.s32 $0x1;
	_ =	sfence  }
0x138: {  	s30 =	simm.s32 $0x2;
	[sflag:s29] =	ssyncpa.u1 $0x1  }
0x139: {  	[sflag:s30] =	ssyncpa.u1 $0x1  }
0x13a: {  	_ =	strace $0x90000056  }
0x13b: {  	[bflag:$0x2] =	sbarrier.arrive $0xFFFF  }
0x13c: {  	s31 =	rddreg [dreg:$0x3]  }
0x13d: {  	s0 =	sadd.s32 $0x100000, s31  }
0x13e: {  	[sflag:s0] =	ssyncadd.tile.s32 $0x1;
	_ =	shalt  }
.Lfunc_end2:
_tile_overlayer_lowered:
.L_overlay_start_2:
0x13f: {  	(tag) =	ssettag $0x2  }
0x140: {  	s0 =	rddreg [dreg:$0x0];
	s2 =	stileid.u32  }
0x141: {  	s1 =	rddreg [dreg:$0x1];
	p0 =	sne.s32 s2, $0x0  }
0x142: {  	s3 =	rddreg [dreg:$0x2];
	[bflag:$0x3] =	sbarrier.arrive $0xFFFF;
	s2 =	simm.s32 @!p0 $0x1C01  }
0x143: {  	[timem:s3], [sflag:s2] =	dma.local @!p0 [hbm:s0], s1  }
0x144: {  	s0 =	simm.s32 @!p0 $0x1  }
0x145: {  	_ =	swait.ge @!p0 [sflag:s0], s1  }
0x146: {  	s1 =	ssub.s32 @!p0 $0x0, s1;
	[sflag:s0] =	ssyncset.done @!p0 $0x0  }
0x147: {  	[sflag:s0] =	ssyncadd.s32 @!p0 s1  }
0x148: {  	[bflag:$0x3] =	sbarrier.arrive $0xFFFF  }
0x149: {  	_ =	shalt  }

// kernel: scatter_offload_async_start
scs
__scs_entry_jumppad:
0x0: {  	(pc) =	sbr.rel $0x88, $3  }
0x1: {  	(tag) =	ssettag $0x0;
	lr =	simm.s32 $0x1  }
0x2: {  	[smem:$0x3F9D] =	sst lr;
	_ =	strace $0xD0000000  }
0x3: {  	_ = 	snop  }
0x4: {  	_ = 	snop  }
0x5: {  	_ = 	snop  }
0x6: {  	_ = 	snop  }
0x7: {  	_ = 	snop  }
__scs_overlays_trampoline_lowered:
0x8: {  	[smem:$0x3FAC] =	sst s0  }
0x9: {  	[smem:$0x3FAD] =	sst s1  }
0xa: {  	[smem:$0x3FAE] =	sst s2  }
0xb: {  	[smem:$0x3FAF] =	sst s3  }
0xc: {  	[smem:$0x3FB0] =	sst s4  }
0xd: {  	[smem:$0x3FB1] =	sst s5  }
0xe: {  	[smem:$0x3FB2] =	sst s6  }
0xf: {  	[smem:$0x3FB3] =	sst s7  }
0x10: {  	[smem:$0x3FB4] =	sst s8  }
0x11: {  	[smem:$0x3FB5] =	sst s9;
	s0 =	simm.s32 @!p0 $0x0  }
0x12: {  	s1 =	sld [smem:$0x3F9B];
	s0 =	simm.s32 @p0 $0x1  }
0x13: {  	[smem:$0x3FB6] =	sst s0;
	s0 =	simm.s32 @!p1 $0x0  }
0x14: {  	s2 =	sld [smem:$0x3F9A];
	s0 =	simm.s32 @p1 $0x1  }
0x15: {  	[smem:$0x3FB7] =	sst s0;
	s0 =	simm.s32 @!p2 $0x0  }
0x16: {  	s3 =	sld [smem:$0x3FDB];
	s0 =	simm.s32 @p2 $0x1  }
0x17: {  	s4 =	simm.s32 $0x1BF5;
	[smem:$0x3FB9] =	sst s0  }
0x18: {  	s0 =	sld [smem:$0x3F9C];
	_ =	swait.ge [sflag:s4], $0x0  }
0x19: {  	s7 =	sld [smem:$0x3F9D]  }
0x1a: {  	s8 =	sadd.s32 $0xFFFFE003, lr  }
0x1b: {  	s9 =	sadd.s32 $0xFFFFFEF7, lr;
	s5 =	simm.s32 $0xFFFFFFFF;
	p2 =	slt.u32 s8, $0xFFFFF086  }
0x1c: {  	p1 =	slt.u32 s9, $0xF7A;
	s5 =	simm.s32 @!p2 $0x0  }
0x1d: {  	s5 =	simm.s32 @p1 $0x1;
	p0 =	seq.s32 s7, s2  }
0x1e: {  	s7 =	smul.u32 @!p0 $0xF7A, s2;
	p2 =	seq.s32 @!p0 s5, $0x0  }
0x1f: {  	s9 =	smul.u32 $0xF7A, s1;
	s8 =	simm.s32 @!p0 $0x1BF5;
	p2 =	por !p2, p0  }
0x20: {  	[sflag:s8] =	ssyncset.s32 @!p0 $0xFFFFF086;
	s6 =	sadd.s32 @!p0 s3, s7;
	s7 =	simm.s32 @!p0 $0x108  }
0x21: {  	s3 =	sadd.s32 s3, s9;
	s6 =	sadd.s32 @!p0 $0x88, s6;
	s7 =	simm.s32 @p2 $0x1082  }
0x22: {  	[simem:s7], [sflag:s8] =	dma.local @!p0 [hbm:s6], $0xF7A  }
0x23: {  	s9 =	sor.u32 $0xD0000000, s2;
	s6 =	simm.s32 $0x108;
	_ =	swait.ge @!p0 [sflag:s8], $0x0  }
0x24: {  	s3 =	sadd.s32 $0x88, s3;
	s6 =	simm.s32 @!p1 $0x1082;
	[sflag:s4] =	ssyncset.s32 $0xFFFFF086  }
0x25: {  	[simem:s6], [sflag:s4] =	dma.local [hbm:s3], $0xF7A  }
0x26: {  	[smem:$0x3F9D] =	sst s1;
	(tag) =	ssettag s2;
	_ =	strace s9  }
0x27: {  	s1 =	sld [smem:$0x3FAD]  }
0x28: {  	s2 =	sld [smem:$0x3FAE]  }
0x29: {  	s4 =	sld [smem:$0x3FB0]  }
0x2a: {  	p0 =	seq.s32 s5, $0x0;
	s5 =	sld [smem:$0x3FB1]  }
0x2b: {  	s6 =	sld [smem:$0x3FB2]  }
0x2c: {  	s7 =	sld [smem:$0x3FB3]  }
0x2d: {  	s3 =	simm.s32 $0x108;
	s8 =	sld [smem:$0x3FB4]  }
0x2e: {  	s3 =	simm.s32 @!p0 $0x1082;
	s9 =	sld [smem:$0x3FB5]  }
0x2f: {  	lr =	sadd.s32 s0, s3;
	s0 =	sld [smem:$0x3FAC]  }
0x30: {  	s3 =	sld [smem:$0x3FAF]  }
0x31: {  	[smem:$0x3FB8] =	sst s10  }
0x32: {  	s10 =	sld [smem:$0x3FB6];
	_ =	sdelay $0x3  }
0x33: {  	p0 =	seq.s32 s10, $0x1;
	s10 =	sld [smem:$0x3FB8];
	_ =	sdelay $0x3  }
0x34: {  	[smem:$0x3FB8] =	sst s10  }
0x35: {  	s10 =	sld [smem:$0x3FB7];
	_ =	sdelay $0x3  }
0x36: {  	p1 =	seq.s32 s10, $0x1;
	s10 =	sld [smem:$0x3FB8];
	_ =	sdelay $0x3  }
0x37: {  	[smem:$0x3FB8] =	sst s10  }
0x38: {  	s10 =	sld [smem:$0x3FB9]  }
0x39: {  	_ = 	snop;
	(pc) =	sbr.ind lr, $3  }
0x3a: {  	_ = 	snop  }
0x3b: {  	_ = 	snop  }
0x3c: {  	p2 =	seq.s32 s10, $0x1;
	s10 =	sld [smem:$0x3FB8]  }
0x3d: {  	_ =	shalt  }
0x3e: {  	_ =	shalt  }
0x3f: {  	_ =	shalt  }
0x40: {  	_ =	shalt  }
0x41: {  	_ =	shalt  }
0x42: {  	_ =	shalt  }
0x43: {  	_ =	shalt  }
0x44: {  	_ =	shalt  }
0x45: {  	_ =	shalt  }
0x46: {  	_ =	shalt  }
0x47: {  	_ =	shalt  }
0x48: {  	_ =	shalt  }
0x49: {  	_ =	shalt  }
0x4a: {  	_ =	shalt  }
0x4b: {  	_ =	shalt  }
0x4c: {  	_ =	shalt  }
0x4d: {  	_ =	shalt  }
0x4e: {  	_ =	shalt  }
0x4f: {  	_ =	shalt  }
0x50: {  	_ =	shalt  }
0x51: {  	_ =	shalt  }
0x52: {  	_ =	shalt  }
0x53: {  	_ =	shalt  }
0x54: {  	_ =	shalt  }
0x55: {  	_ =	shalt  }
0x56: {  	_ =	shalt  }
0x57: {  	_ =	shalt  }
0x58: {  	_ =	shalt  }
0x59: {  	_ =	shalt  }
0x5a: {  	_ =	shalt  }
0x5b: {  	_ =	shalt  }
0x5c: {  	_ =	shalt  }
0x5d: {  	_ =	shalt  }
0x5e: {  	_ =	shalt  }
0x5f: {  	_ =	shalt  }
0x60: {  	_ =	shalt  }
0x61: {  	_ =	shalt  }
0x62: {  	_ =	shalt  }
0x63: {  	_ =	shalt  }
0x64: {  	_ =	shalt  }
0x65: {  	_ =	shalt  }
0x66: {  	_ =	shalt  }
0x67: {  	_ =	shalt  }
0x68: {  	_ =	shalt  }
0x69: {  	_ =	shalt  }
0x6a: {  	_ =	shalt  }
0x6b: {  	_ =	shalt  }
0x6c: {  	_ =	shalt  }
0x6d: {  	_ =	shalt  }
0x6e: {  	_ =	shalt  }
0x6f: {  	_ =	shalt  }
0x70: {  	_ =	shalt  }
0x71: {  	_ =	shalt  }
0x72: {  	_ =	shalt  }
0x73: {  	_ =	shalt  }
0x74: {  	_ =	shalt  }
0x75: {  	_ =	shalt  }
0x76: {  	_ =	shalt  }
0x77: {  	_ =	shalt  }
0x78: {  	_ =	shalt  }
0x79: {  	_ =	shalt  }
0x7a: {  	_ =	shalt  }
0x7b: {  	_ =	shalt  }
0x7c: {  	_ =	shalt  }
0x7d: {  	_ =	shalt  }
0x7e: {  	_ =	shalt  }
0x7f: {  	_ =	shalt  }
0x80: {  	_ =	shalt  }
0x81: {  	_ =	shalt  }
0x82: {  	_ =	shalt  }
0x83: {  	_ =	shalt  }
0x84: {  	_ =	shalt  }
0x85: {  	_ =	shalt  }
0x86: {  	_ =	shalt  }
0x87: {  	_ =	shalt  }
.Lfunc_end0:
.L_simem_size_0:
called_computation_lowered:
.L_overlay_start_0:
0x88: {  	s0 =	sld [smem:$0x3FD9]  }
0x89: {  	s1 =	sld [smem:$0x3FFE];
	_ =	sdelay $0x3  }
0x8a: {  	s0 =	sadd.s32 s1, s0  }
0x8b: {  	[smem:$0x3FC4] =	sst s0  }
0x8c: {  	_ = 	snop  }
0x8d: {  	s0 =	sld [smem:$0x3FD0];
	_ =	sdelay $0x2  }
0x8e: {  	s12 =	simm.s32 $0xD;
	s2 =	simm.s32 $0x10  }
0x8f: {  	[smem:s2], [sflag:s12] =	dma.local [hbm:s0], $0x1  }
0x90: {  	_ =	swait.eq [sflag:s12], $0x1  }
0x91: {  	[sflag:s12] =	ssyncset.done $0x0  }
0x92: {  	[sflag:s12] =	ssyncadd.s32 $0xFFFFFFFF  }
0x93: {  	s13 =	sld [smem:$0x10];
	(tm) =	ssettm $0x1  }
0x94: {  	s14 =	sld [smem:$0x3FFB];
	_ =	sdelay $0x3  }
0x95: {  	_ =	strace s14  }
0x96: {  	s0 =	sld [smem:$0x3FFC];
	_ =	sdelay $0x3  }
0x97: {  	_ =	strace s0  }
0x98: {  	s0 =	sld [smem:$0x3FFD];
	_ =	sdelay $0x3  }
0x99: {  	_ =	strace s0  }
0x9a: {  	_ =	strace $0x8FFFFFFF  }
0x9b: {  	s15 =	sld [smem:$0x3FDB];
	_ =	sdelay $0x1  }
0x9c: {  	s16 =	simm.s32 $_scs_section_size  }
0x9d: {  	s3 =	simm.s32 $_size__tile_overlayer_lowered;
	s4 =	simm.s32 $_tile_overlayer_lowered  }
0x9e: {  	s5 =	simm.s32 $0x1BFF;
	s17 =	sshll.u32 s4, $0x1;
	s2 =	sadd.s32 s16, s15  }
0x9f: {  	s18 =	simm.s32 $0x0;
	s3 =	sshll.u32 s3, $0x1;
	s4 =	sadd.s32 s17, s2  }
0xa0: {  	[timem:s18], [sflag:s5] =	dma.local [hbm:s4], s3  }
0xa1: {  	_ =	swait.ge [sflag:s5], s3  }
0xa2: {  	s3 =	ssub.s32 $0x0, s3;
	[sflag:s5] =	ssyncset.done $0x0  }
0xa3: {  	[sflag:s5] =	ssyncadd.s32 s3;
	_ =	sdelay $0x1  }
0xa4: {  	s19 =	simm.s32 $0x1B8B  }
0xa5: {  	_ =	swait.ge [sflag:s19], $0x1  }
0xa6: {  	[sflag:s19] =	ssyncset.done $0x0  }
0xa7: {  	s21 =	simm.s32 $0x1B8E;
	s20 =	sld [smem:$0x3FFE];
	[sflag:s19] =	ssyncadd.s32 $0xFFFFFFFF  }
0xa8: {  	s22 =	simm.s32 $execute0_lowered;
	[smem:$0x3FD2] =	sst s21  }
0xa9: {  	s4 =	sshll.u32 s22, $0x1;
	_ =	strace $0x80000046;
	[dreg:$0x1] =	wrdreg $0xFFFFFFFF  }
0xaa: {  	s23 =	simm.s32 $_size_execute0_lowered;
	s4 =	sadd.s32 s2, s4;
	[dreg:$0x0] =	wrdreg $0x0  }
0xab: {  	s5 =	sshll.u32 s23, $0x1;
	[dreg:$0x2] =	wrdreg s4  }
0xac: {  	[dreg:$0x3] =	wrdreg s5  }
0xad: {  	[dreg:$0x4] =	wrdreg $0xC0  }
0xae: {  	s24 =	simm.s32 $execute1_lowered;
	_ =	task [dreg:s18], $0x5FFFF  }
0xaf: {  	s4 =	sshll.u32 s24, $0x1;
	[dreg:$0x1] =	wrdreg $0xFFFFFFFF  }
0xb0: {  	s2 =	sadd.s32 s2, s4;
	[dreg:$0x0] =	wrdreg $0x60  }
0xb1: {  	[dreg:$0x2] =	wrdreg s2  }
0xb2: {  	[dreg:$0x3] =	wrdreg s20  }
0xb3: {  	[dreg:$0x4] =	wrdreg $0x9  }
0xb4: {  	_ =	task.clear_ibuf [dreg:s18], $0x5FFFF;
	_ =	strace $0x90000046  }
0xb5: {  	s25 =	simm.s32 $0x9;
	_ =	strace $0x80000048  }
0xb6: {  	_ =	swait.ge [sflag:s25], $0x1  }
0xb7: {  	[sflag:s25] =	ssyncadd.s32 $0xFFFFFFFF  }
0xb8: {  	_ =	strace $0x90000048  }
0xb9: {  	_ =	strace $0x80000049;
	[dreg:$0x1] =	wrdreg $0xFFFFFFFF  }
0xba: {  	[dreg:$0x0] =	wrdreg $0x2030  }
0xbb: {  	[dreg:$0x2] =	wrdreg s20  }
0xbc: {  	[dreg:$0x3] =	wrdreg s13  }
0xbd: {  	[dreg:$0x4] =	wrdreg $0xA  }
0xbe: {  	_ =	task.clear_ibuf [dreg:s18], $0x5FFFF;
	_ =	strace $0x90000049  }
0xbf: {  	s26 =	simm.s32 $0xA;
	_ =	strace $0x8000004B  }
0xc0: {  	_ =	swait.ge [sflag:s26], $0x1  }
0xc1: {  	[sflag:s26] =	ssyncadd.s32 $0xFFFFFFFF  }
0xc2: {  	_ =	strace $0x9000004B  }
0xc3: {  	_ =	sfence  }
0xc4: {  	s28 =	sld [smem:$0x0];
	_ =	sdelay $0x1  }
0xc5: {  	s29 =	srdreg.scid  }
0xc6: {  	s30 =	sshll.u32 s29, $0xD;
	s31 =	sshrl.u32 s29, $0x2  }
0xc7: {  	s3 =	sand.u32 $0x4000, s30;
	s2 =	sand.u32 $0x1, s29;
	s1 =	sadd.s32 s31, s28  }
0xc8: {  	s2 =	sor.u32 s3, s2;
	s1 =	sshll.u32 s1, $0x11  }
0xc9: {  	s1 =	sor.u32 s1, s2  }
0xca: {  	s1 =	sadd.s32 $0x8F2B, s1  }
0xcb: {  	[sflag:s1] =	ssyncadd.remote.s32 $0x1  }
0xcc: {  	_ =	sfence.sel $0xFFFF  }
0xcd: {  	[dreg:$0x0] =	wrdreg $0xFFFFFFFF;
	(pc) =	sbr.abs _section_cstart, $3  }
0xce: {  	[dreg:$0x1] =	wrdreg $0xFFFFFFFF  }
0xcf: {  	_ =	task.clear_ibuf [dreg:s18], $0x2FFFF;
	_ =	strace $0x9FFFFFFF  }
0xd0: {  	(tm) =	ssettm $0x7FFFFFFF  }
0xd1: {  	_ =	shalt  }
tec
execute0_lowered:
.L_overlay_start_1:
0x0: {  	(tag) =	ssettag $0x1  }
0x1: {  	s2 =	rddreg [dreg:$0x0]  }
0x2: {  	s4 =	rddreg [dreg:$0x1]  }
0x3: {  	s0 =	rddreg [dreg:$0x2];
	s3 =	stileid.u32  }
0x4: {  	[bflag:$0x3] =	sbarrier.arrive $0xFFFF;
	s1 =	simm.s32 $_size_execute1_lowered;
	p0 =	sne.s32 s3, $0x0  }
0x5: {  	s1 =	sshll.u32 s1, $0x1;
	s5 =	simm.s32 @!p0 $0x1C3F;
	s6 =	simm.s32 @!p0 $0x4060  }
0x6: {  	[timem:s6], [sflag:s5] =	dma.local @!p0 [hbm:s2], s1  }
0x7: {  	s2 =	smul.u32 $0x280, s3  }
.Ltmp0:
0x8: {  	s31 =	simm.s32 $0x2;
	s7 =	simm.s32 $0x280;
	(pc) =	sbr.rel .LBB2_1-.Ltmp0, $4  }
0x9: {  	s8 =	simm.s32 $0x780;
	s10 =	simm.s32 $0x0;
	s9 =	simm.s32 $0x0  }
0xa: {  	s3 =	simm.s32 $0x1;
	_ =	strace $0x80000047;
	s30 =	sshrl.u32 s2, $0x3  }
0xb: {  	s6 =	simm.s32 $0x0;
	[sflag:s3] =	ssyncpa.u1 $0x0;
	s5 =	sadd.s32 s30, s4  }
0xc: {  	s4 =	sadd.s32 $0xF600, s4;
	[sflag:s31] =	ssyncpa.u1 $0x0;
	s5 =	sadd.s32 $0xF000, s5  }
.LBB2_8:
0xd: {  	p1 =	seq.s32 s9, $0x2  }
.Ltmp1:
0xe: {  	_ = 	snop;
	(pc) =	sbr.rel @p1 .LBB2_10-.Ltmp1, $1  }
0xf: {  	_ =	sdelay $0x3  }
.LBB2_9:
0x10: {  	s9 =	sadd.s32 $0x1, s9;
	s10 =	smov.u32 s2  }
.LBB2_1:
0x11: {  	p1 =	sne.s32 s9, $0x0  }
.Ltmp2:
0x12: {  	_ = 	snop;
	(pc) =	sbr.rel @!p1 .LBB2_2-.Ltmp2, $1  }
0x13: {  	_ =	sdelay $0x3  }
0x14: {  	s11 =	sand.u32 $0x1, s9  }
0x15: {  	p1 =	seq.s32 s11, $0x0  }
.Ltmp3:
0x16: {  	_ = 	snop;
	(pc) =	sbr.rel @p1 .LBB2_8-.Ltmp3, $1  }
0x17: {  	_ =	sdelay $0x3  }
0x18: {  	_ =	swait.ge [sflag:s3], $0x280  }
0x19: {  	[sflag:s3] =	ssyncset.done $0x0  }
0x1a: {  	s11 =	simm.s32 $0x0;
	p1 =	por $0x1, $0x1;
	[sflag:s3] =	ssyncadd.s32 $0xFFFFFD80  }
.LBB2_5:
0x1b: {  	v0 =	vld [tilespmem:s11+$0x280]  }
0x1c: {  	v1 =	vld [tilespmem:s11+$0x290]  }
0x1d: {  	v2 =	vld [tilespmem:s11+$0x2A0]  }
0x1e: {  	v3 =	vld [tilespmem:s11+$0x2B0]  }
0x1f: {  	v4 =	vld [tilespmem:s11+$0x2C0]  }
0x20: {  	v53 =	vld [tilespmem:s11+$0x2D0];
	[tilespmem:s11+$0x780] =	vst v0  }
0x21: {  	v54 =	vld [tilespmem:s11+$0x2E0];
	[tilespmem:s11+$0x790] =	vst v1  }
0x22: {  	v55 =	vld [tilespmem:s11+$0x2F0];
	[tilespmem:s11+$0x7A0] =	vst v2  }
0x23: {  	v56 =	vld [tilespmem:s11+$0x300];
	[tilespmem:s11+$0x7B0] =	vst v3  }
0x24: {  	v57 =	vld [tilespmem:s11+$0x310];
	[tilespmem:s11+$0x7C0] =	vst v4  }
0x25: {  	v58 =	vld [tilespmem:s11+$0x320];
	[tilespmem:s11+$0x7D0] =	vst v53  }
0x26: {  	v59 =	vld [tilespmem:s11+$0x330];
	[tilespmem:s11+$0x7E0] =	vst v54  }
0x27: {  	v60 =	vld [tilespmem:s11+$0x340];
	[tilespmem:s11+$0x7F0] =	vst v55  }
0x28: {  	v61 =	vld [tilespmem:s11+$0x350];
	[tilespmem:s11+$0x800] =	vst v56  }
0x29: {  	v62 =	vld [tilespmem:s11+$0x360];
	[tilespmem:s11+$0x810] =	vst v57  }
0x2a: {  	v63 =	vld [tilespmem:s11+$0x370];
	p2 =	por p1, p1;
	[tilespmem:s11+$0x820] =	vst v58  }
.Ltmp4:
0x2b: {  	[tilespmem:s11+$0x830] =	vst v59;
	(pc) =	sbr.rel @p2 .LBB2_5-.Ltmp4, $4  }
0x2c: {  	[tilespmem:s11+$0x840] =	vst v60  }
0x2d: {  	[tilespmem:s11+$0x850] =	vst v61  }
0x2e: {  	s12 =	simm.s32 $0x1F0;
	s13 =	simm.s32 $0x980;
	[tilespmem:s11+$0x860] =	vst v62  }
0x2f: {  	s14 =	simm.s32 $0x480;
	p1 =	por $0x0, $0x0;
	[tilespmem:s11+$0x870] =	vst v63;
	s11 =	simm.s32 $0x100  }
.LBB2_6:
0x30: {  	s12 =	sadd.s32 $0x10, s12  }
0x31: {  	v0 =	vld [tilespmem:s14+$0x0];
	p1 =	slt.u32 s12, $0x270  }
.Ltmp5:
0x32: {  	_ = 	snop;
	(pc) =	sbr.rel @p1 .LBB2_6-.Ltmp5, $2  }
0x33: {  	_ =	sdelay $0x2  }
0x34: {  	s14 =	sadd.s32 $0x10, s14;
	[tilespmem:s13+$0x0] =	vst v0;
	s13 =	sadd.s32 $0x10, s13  }
.Ltmp6:
0x35: {  	(pc) =	sbr.rel .LBB2_8-.Ltmp6, $4  }
0x36: {  	_ = 	snop  }
0x37: {  	s10 =	sshrl.u32 s10, $0x3  }
0x38: {  	s10 =	sadd.s32 s4, s10  }
0x39: {  	[hbm4b:s10+s6] =	stream.linear.scatter [tilespmem:s8], [sflag:$0x2], $0x280, $0x38;
	[tilespmem:$0xA00] =	vst v63  }
.LBB2_2:
.Ltmp7:
0x3a: {  	(pc) =	sbr.rel .LBB2_9-.Ltmp7, $2  }
0x3b: {  	_ =	sdelay $0x2  }
0x3c: {  	[tilespmem:s7], [sflag:$0x1] =	stream.linear.gather [hbm4b:s5+s6], $0x280, $0x38;
	[tilespmem:$0xA00] =	vst v63  }
.LBB2_10:
0x3d: {  	s2 =	simm.s32 $0x2  }
0x3e: {  	_ =	swait.ge [sflag:s2], $0x280  }
0x3f: {  	[sflag:s2] =	ssyncset.done $0x0  }
0x40: {  	[sflag:s2] =	ssyncadd.s32 $0xFFFFFD80  }
0x41: {  	_ =	sfence.sel $0x180000  }
0x42: {  	s3 =	simm.s32 $0x1;
	[bflag:$0x0] =	sbarrier.arrive $0xFFFF  }
0x43: {  	[sflag:s3] =	ssyncpa.u1 $0x1  }
0x44: {  	[sflag:s2] =	ssyncpa.u1 $0x1  }
0x45: {  	_ =	strace $0x90000047  }
0x46: {  	s0 =	sadd.s32 @!p0 $0x100000, s0;
	[bflag:$0x2] =	sbarrier.arrive $0xFFFF  }
0x47: {  	[sflag:s0] =	ssyncadd.tile.s32 @!p0 $0x1;
	s0 =	simm.s32 @!p0 $0x3F  }
0x48: {  	_ =	swait.ge @!p0 [sflag:s0], s1  }
0x49: {  	s1 =	ssub.s32 @!p0 $0x0, s1;
	[sflag:s0] =	ssyncset.done @!p0 $0x0  }
0x4a: {  	[sflag:s0] =	ssyncadd.s32 @!p0 s1  }
0x4b: {  	[bflag:$0x3] =	sbarrier.arrive $0xFFFF  }
0x4c: {  	_ =	shalt  }
.Lfunc_end2:
execute1_lowered:
.L_overlay_start_2:
0x4d: {  	(tag) =	ssettag $0x2  }
0x4e: {  	s0 =	rddreg [dreg:$0x0]  }
0x4f: {  	s3 =	rddreg [dreg:$0x1];
	s14 =	stileid.u32  }
0x50: {  	_ =	strace $0x8000004A;
	s2 =	simm.s32 $0x1;
	s1 =	smin.u32 s14, $0x4  }
0x51: {  	v1 =	vimm.s32 $0xFFFFFFFF;
	[sflag:s2] =	ssyncpa.u1 $0x0;
	s1 =	sadd.s32 s14, s1  }
0x52: {  	p0 =	slt.u32 s14, $0x4;
	[tilespmem:$0x10] =	vst v1;
	s4 =	smul.u32 $0x1F40, s1;
	s1 =	simm.s32 $0x3E80  }
0x53: {  	v0 =	vimm.f32 $0.0e+00;
	[tilespmem:$0x20] =	vst v1;
	s1 =	simm.s32 @!p0 $0x1F40  }
0x54: {  	[tilespmem:$0x30] =	vst v0;
	s1 =	sadd.s32 s1, s4  }
0x55: {  	[tilespmem:$0x40] =	vst v0;
	s5 =	smin.u32 s1, $0x27100  }
0x56: {  	[tilespmem:$0x50] =	vst v0;
	s9 =	ssub.s32 s5, s4  }
0x57: {  	s7 =	simm.s32 $0x2;
	[tilespmem:$0x60] =	vst v1;
	p0 =	sgt.s32 s9, $0x0  }
0x58: {  	s8 =	simm.s32 $0x8;
	s31 =	simm.s32 $0x9;
	[tilespmem:$0x70] =	vst v1;
	s9 =	simm.s32 @!p0 $0x0  }
0x59: {  	s16 =	simm.s32 $0x0;
	s17 =	simm.s32 $0xF0;
	[tilespmem:$0x80] =	vst v1;
	s30 =	smulhi.u32 $0x10624DD3, s9  }
0x5a: {  	s18 =	simm.s32 $0xFFFFFFFF;
	s19 =	simm.s32 $0xFFFFC280;
	s20 =	simm.s32 $0xFFFFFFFE;
	v1 =	vimm.s32 $0x0;
	[tilespmem:$0xB0] =	vst v0  }
0x5b: {  	s21 =	simm.s32 $0xF;
	s25 =	simm.s32 $0x0;
	[tilespmem:$0x90] =	vst v1;
	s10 =	sshrl.u32 s30, $0x9  }
0x5c: {  	[tilespmem:$0xA0] =	vst v1;
	[sflag:s7] =	ssyncpa.u1 $0x0;
	s7 =	simm.s32 $0x7;
	s11 =	smul.u32 $0x1F40, s10  }
0x5d: {  	s24 =	simm.s32 $0x0;
	s6 =	sadd.s32 $0xA000, s0;
	[sflag:s7] =	ssyncpa.u1 $0x0  }
.Ltmp8:
0x5e: {  	[sflag:s8] =	ssyncpa.u1 $0x0;
	p0 =	sne.s32 s9, s11;
	(pc) =	sbr.rel .LBB3_1-.Ltmp8, $4  }
0x5f: {  	s23 =	smov.u32 s4;
	s1 =	sadd.s32 $0xF600, s0;
	s2 =	simm.s32 @!p0 $0x0  }
0x60: {  	[sflag:s31] =	ssyncpa.u1 $0x0;
	p0 =	por $0x0, $0x0;
	s9 =	sadd.s32 s2, s10  }
0x61: {  	vm0 =	vmmov $0xffff;
	v2 =	vlaneseq.u32;
	s10 =	sshll.u32 s14, $0x1;
	s14 =	sshllo.u32 s14, $0x1;
	s11 =	sadd.s32 $0x1, s9  }
0x62: {  	vm1 =	vmxor vm1, vm1;
	vm2 =	vmmov $0x1;
	vm3 =	vcmask $0x3F3C;
	s12 =	sadd.s32 $0x2, s9;
	s13 =	sor.u32 $0x81, s10;
	s15 =	sor.u32 $0x80, s10  }
.LBB3_9:
0x63: {  	p1 =	slt.u32 s24, $0x3  }
0x64: {  	s0 =	simm.s32 @!p1 $0x2  }
0x65: {  	_ =	swait.ge @!p1 [sflag:s0], $0x1F40  }
0x66: {  	[sflag:s0] =	ssyncset.done @!p1 $0x0  }
0x67: {  	[sflag:s0] =	ssyncadd.s32 @!p1 $0xFFFFE0C0;
	s0 =	simm.s32 @!p1 $0x9  }
0x68: {  	_ =	swait.ge @!p1 [sflag:s0], $0x10  }
0x69: {  	[sflag:s0] =	ssyncset.done @!p1 $0x0  }
0x6a: {  	[sflag:s0] =	ssyncadd.s32 @!p1 $0xFFFFFFF0;
	p1 =	sne.s32 s24, s12  }
.Ltmp9:
0x6b: {  	s2 =	sadd.s32 $0x1F40, s23;
	(pc) =	sbr.rel @!p1 .LBB3_10-.Ltmp9, $4  }
0x6c: {  	s22 =	smov.u32 s4;
	s31 =	sadd.s32 $0x1, s24;
	s17 =	sadd.s32 $0x1F40, s17  }
0x6d: {  	s18 =	sadd.s32 $0x1, s18;
	s25 =	smov.u32 s23;
	p2 =	slt.s32 s2, s5  }
0x6e: {  	p0 =	por !p0, !p0;
	s19 =	sadd.s32 $0x1F40, s19;
	s22 =	smov.u32 @p2 s2  }
0x6f: {  	s20 =	sadd.s32 $0x1, s20;
	s23 =	smov.u32 s22;
	s24 =	smov.u32 s31  }
.LBB3_1:
0x70: {  	p1 =	sge.u32 s24, s9  }
0x71: {  	s0 =	smulhi.u32 @!p1 $0xAAAAAAAB, s24;
	_ =	sdelay $0x1  }
0x72: {  	s0 =	sshrl.u32 @!p1 s0, $0x1  }
0x73: {  	s0 =	smul.u32 @!p1 $0x3, s0;
	_ =	sdelay $0x1  }
0x74: {  	s0 =	ssub.s32 @!p1 s24, s0  }
0x75: {  	s0 =	smul.u32 @!p1 $0x7D00, s0;
	_ =	sdelay $0x1  }
0x76: {  	s2 =	sshrl.u32 @!p1 s23, $0x3;
	s0 =	sshrl.u32 @!p1 s0, $0x2  }
0x77: {  	s22 =	sand.u32 @!p1 $0x7, s23;
	s2 =	sadd.s32 @!p1 s3, s2;
	s0 =	sadd.s32 @!p1 $0x100, s0  }
0x78: {  	[tilespmem:s0], [sflag:$0x7] =	stream.linear.gather @!p1 [hbm4b:s2+s22], $0x1F40, $0x38;
	[tilespmem:$0x11A60] =	vst v63  }
0x79: {  	s0 =	sadd.s32 $0xFFFFFFFF, s24  }
0x7a: {  	p1 =	sge.u32 s0, s9  }
.Ltmp10:
0x7b: {  	_ = 	snop;
	(pc) =	sbr.rel @p1 .LBB3_5-.Ltmp10, $1  }
0x7c: {  	_ =	sdelay $0x3  }
0x7d: {  	s2 =	smulhi.u32 $0xAAAAAAAB, s0;
	_ =	sdelay $0x1  }
0x7e: {  	s2 =	sshrl.u32 s2, $0x1  }
0x7f: {  	s2 =	smul.u32 $0x3, s2;
	_ =	sdelay $0x1  }
0x80: {  	s2 =	ssub.s32 s0, s2  }
0x81: {  	s2 =	smul.u32 $0x7D00, s2  }
0x82: {  	_ =	swait.ge [sflag:s7], $0x1F40  }
0x83: {  	[sflag:s7] =	ssyncset.done $0x0;
	s2 =	sshrl.u32 s2, $0x2  }
0x84: {  	[sflag:s7] =	ssyncadd.s32 $0xFFFFE0C0;
	(ifvalue) =	ssetifvalue $0xFFFFFFFF;
	v3 =	vld.msk [tilespmem:s2+$0x100 ss:$0x1], $0xffff;
	_ =	sdelay $0x2  }
0x85: {  	s30 =	smulhi.u32 $0xAAAAAAAB, s18;
	p1 =	sne.s32 s24, $0x1  }
0x86: {  	v4 =	vimm.s32 @!p1 $0x0  }
0x87: {  	s2 =	sshrl.u32 s30, $0x1;
	v4 =	vperm.xlane @!p1 v3, v4  }
0x88: {  	s22 =	sshll.u32 s24, $0x4;
	s2 =	smul.u32 $0xFFFE8900, s2;
	vm4 =	vlt.u32 v3, $0x2800  }
0x89: {  	s22 =	sand.u32 $0x10, s22;
	v3 =	vnsel vm4, $0xFFFFFFFE, v3;
	vm4 =	vlt.u32 @!p1 v4, $0x2800  }
0x8a: {  	s2 =	sshra.s32 s2, $0x2;
	[tilespmem:s22+$0x60] =	vst v3;
	v3 =	vnsel @!p1 vm4, $0xFFFFFFFE, v4  }
0x8b: {  	s28 =	sadd.s32 s2, s17;
	[tilespmem:$0x80] =	vst @!p1 v3  }
0x8c: {  	v3 =	vld.msk [tilespmem:s28+$0x0 ss:$0x1], $0xffff;
	_ =	sdelay $0x4  }
0x8d: {  	(xrf1) =	vunique.msk.u32 $0xffff, v3;
	_ =	sdelay $0xd  }
0x8e: {  	v4 =	vimm.s32 $0xFFFFFFFF;
	v5, _, _ =	vpop (xrf1)  }
0x8f: {  	vm5 =	vne.s32 v3, v4;
	vm4 =	veq.s32 v5, v2  }
0x90: {  	vm6 =	vlt.u32 v3, $0x2800;
	vm4 =	vmand vm5, vm4  }
0x91: {  	vm4 =	vmand vm6, vm4  }
0x92: {  	v4 =	vnsel vm4, $0xFFFFFFFF, v3  }
0x93: {  	s31 =	sand.u32 $0x1, s0  }
0x94: {  	s0 =	simm.s32 $0x1F40;
	p1 =	seq.s32 s31, $0x1  }
0x95: {  	s0 =	simm.s32 @!p1 $0x0  }
0x96: {  	s26 =	sadd.s32 $0x7DF0, s0;
	(ifvalue) =	ssetifvalue $0xFFFFFFFF  }
0x97: {  	v3 =	vperm.xlane v3, v1;
	[tilespmem:s26], [sflag:$0x8] =	stream.indirect_vreg.gather [hbm4b:s1+s16], $0x1, v4, vm0, $0x4038;
	v4 =	vnsel vm6, $0xFFFFFFFE, v4;
	[tilespmem:$0x11A60] =	vst v63  }
0x98: {  	s2 =	simm.s32 $0x0;
	s22 =	sadd.s32 $0xFFFFFFF0, s28;
	[tilespmem:s28+$0x0] =	vst v4  }
.LBB3_3:
0x99: {  	v4 =	vld.msk [tilespmem:s22+$0x0 ss:$0x1], $0xffff;
	s2 =	sadd.s32 $0x10, s2;
	v5 =	vmov v3;
	s28 =	smov.u32 s22  }
0x9a: {  	p1 =	slt.u32 s2, $0x1F30;
	_ =	sdelay $0x4  }
0x9b: {  	v3 =	vperm.xlane v4, v1;
	(xrf1) =	vunique.msk.u32 $0xffff, v4;
	_ =	sdelay $0xd  }
0x9c: {  	v6, _, _ =	vpop (xrf1)  }
0x9d: {  	vm5 =	vne.s32 v4, v5;
	vm4 =	veq.s32 v6, v2  }
0x9e: {  	vm6 =	vlt.u32 v4, $0x2800;
	vm4 =	vmand vm5, vm4  }
0x9f: {  	vm4 =	vmand vm6, vm4  }
0xa0: {  	v4 =	vnsel vm4, $0xFFFFFFFF, v4  }
.Ltmp11:
0xa1: {  	v5 =	vnsel vm6, $0xFFFFFFFE, v4;
	(pc) =	sbr.rel @p1 .LBB3_3-.Ltmp11, $3  }
0xa2: {  	_ =	sdelay $0x1  }
0xa3: {  	s22 =	sadd.s32 $0xFFFFFFF0, s22;
	s26 =	sadd.s32 $0xFFFFFFF0, s26;
	(ifvalue) =	ssetifvalue $0xFFFFFFFF  }
0xa4: {  	[tilespmem:s26], [sflag:$0x8] =	stream.indirect_vreg.gather [hbm4b:s1+s16], $0x1, v4, vm0, $0x4038;
	[tilespmem:s28+$0x0] =	vst v5  }
0xa5: {  	s2 =	sshrl.u32 s25, $0x3  }
0xa6: {  	s0 =	sadd.s32 $0x9D40, s0;
	s2 =	sadd.s32 s6, s2  }
0xa7: {  	[tilespmem:s0], [sflag:$0x8] =	stream.linear.gather [hbm:s2], $0x1F40, $0x38;
	[tilespmem:$0x11A60] =	vst v63  }
.LBB3_5:
0xa8: {  	p1 =	slt.u32 s24, $0x2  }
0xa9: {  	p2 =	sge.u32 @!p1 s24, s12  }
0xaa: {  	p1 =	por p1, p2  }
.Ltmp12:
0xab: {  	_ = 	snop;
	(pc) =	sbr.rel @p1 .LBB3_9-.Ltmp12, $1  }
0xac: {  	_ =	sdelay $0x3  }
0xad: {  	s0 =	sadd.s32 $0xFFFFFFFE, s24  }
0xae: {  	s2 =	smulhi.u32 $0xAAAAAAAB, s0;
	_ =	sdelay $0x1  }
0xaf: {  	s2 =	sshrl.u32 s2, $0x1  }
0xb0: {  	s2 =	smul.u32 $0x3, s2;
	_ =	sdelay $0x1  }
0xb1: {  	s0 =	ssub.s32 s0, s2  }
0xb2: {  	_ =	swait.ge [sflag:s8], $0x3E80;
	s0 =	smul.u32 $0x1F40, s0  }
0xb3: {  	p1 =	sne.s32 s24, s11;
	[sflag:s8] =	ssyncset.done $0x0  }
0xb4: {  	[sflag:s8] =	ssyncadd.s32 $0xFFFFC180;
	s2 =	sadd.s32 @!p1 $0x203F, s0  }
0xb5: {  	[spmem:s13] =	stream.linear.scatter @!p1 [tilespmem:s2], [sflag:$0x1], $0x1, $0x38;
	[tilespmem:$0x11A60] =	vst v63  }
0xb6: {  	s2 =	simm.s32 @!p1 $0x1  }
0xb7: {  	_ =	swait.ge @!p1 [sflag:s2], $0x1  }
0xb8: {  	s22 =	sshll.u32 s24, $0x4;
	[sflag:s2] =	ssyncset.done @!p1 $0x0  }
0xb9: {  	s25 =	sand.u32 $0x10, s22;
	[sflag:s2] =	ssyncadd.s32 @!p1 $0xFFFFFFFF  }
0xba: {  	s2 =	sxor.u32 $0x10, s25;
	v4 =	vld [tilespmem:s25+$0x10]  }
0xbb: {  	v5 =	vld [tilespmem:s2+$0x60]  }
0xbc: {  	v3 =	vld [tilespmem:$0x80];
	_ =	sdelay $0x2  }
0xbd: {  	(v2sf) =	vpush v4, $0x0  }
0xbe: {  	(v2sf) =	vpush v5, $0x0  }
0xbf: {  	(v2sf) =	vpush v3, $0x0;
	_ =	sdelay $0xc  }
0xc0: {  	s22 =	spop (v2sf)  }
0xc1: {  	s26 =	spop (v2sf)  }
0xc2: {  	s28 =	spop (v2sf)  }
0xc3: {  	p2 =	seq.s32 s22, s26;
	p3 =	seq.s32 s28, s22  }
0xc4: {  	p3 =	por p2, p3  }
0xc5: {  	s26 =	sand.u32 $0x1, s24;
	v4 =	vpsel p3, $0xFFFFFFFF, v4  }
0xc6: {  	s29 =	smul.u32 $0x1F40, s26;
	[tilespmem:s25+$0x10] =	vst.msk $0x1, v4  }
0xc7: {  	v4 =	vld [tilespmem:$0x30]  }
0xc8: {  	v5 =	vld [tilespmem:s29+$0x9D40]  }
0xc9: {  	v6 =	vld [tilespmem:s25+$0x40];
	_ =	sdelay $0x3  }
0xca: {  	vm4 =	vmmov vm1;
	v5 =	vadd.f32 v5, v4  }
0xcb: {  	vm5 =	vmmov vm2;
	vm4 =	vmmov @p2 vm2;
	s22 =	sshll.u32 s26, $0x4;
	v4 =	vadd.f32 v6, v4  }
0xcc: {  	s26 =	sor.u32 $0x11A40, s22;
	vm5 =	vmmov @p3 vm1;
	[tilespmem:s29+$0x9D40] =	vst.msk vm4, v5  }
0xcd: {  	[tilespmem:s26+$0x0] =	vst.msk vm5, v4  }
0xce: {  	v4 =	vld [tilespmem:s29+$0x7DF0];
	_ =	sdelay $0x3  }
0xcf: {  	v5 =	vimm.f32 $0.0e+00  }
0xd0: {  	v4 =	vshift.insert v4, v5, s21  }
0xd1: {  	s22 =	sor.u32 $0x40, s2  }
0xd2: {  	[tilespmem:s22+$0x0] =	vst.msk $0x1, v4  }
0xd3: {  	[tilespmem:s29+$0x7DFF] =	vst.msk $0x1, v5  }
0xd4: {  	v4 =	vld [tilespmem:s0+$0x2030];
	_ =	sdelay $0x1  }
0xd5: {  	s22 =	smulhi.u32 $0xAAAAAAAB, s20;
	s0 =	simm.s32 $0x1  }
0xd6: {  	s0 =	simm.s32 @!p0 $0x0  }
0xd7: {  	s22 =	sshrl.u32 s22, $0x1;
	s0 =	smul.u32 $0x7D00, s0  }
0xd8: {  	s22 =	smul.u32 $0xFFFE8900, s22;
	v4 =	vshift.insert v4, v1, s21  }
0xd9: {  	s0 =	sshrl.u32 s0, $0x2  }
0xda: {  	s22 =	sshra.s32 s22, $0x2;
	s30 =	sadd.s32 $0x9D40, s0;
	[tilespmem:s2+$0x10] =	vst.msk $0x1, v4  }
0xdb: {  	s22 =	sadd.s32 s22, s19;
	v6 =	vld [tilespmem:s30+$0x0]  }
0xdc: {  	v7 =	vld [tilespmem:s22+$0x0];
	_ =	sdelay $0x3  }
0xdd: {  	v5 =	vadd.f32 v6, v5  }
0xde: {  	vm4 =	vne.s32 v7, $0xFFFFFFFF  }
0xdf: {  	(xrf2) =	vadd.seg.scan.f32 vm4, v5;
	_ =	sdelay $0x3  }
0xe0: {  	s31 =	sadd.s32 $0x5EC0, s0;
	v5 =	vperm.xlane v4, v1  }
0xe1: {  	v6 =	vld [tilespmem:s31+$0x0]  }
0xe2: {  	vm5 =	veq.s32 v7, v3;
	vm6 =	veq.s32 v7, v5  }
0xe3: {  	vm7 =	vgt.u32 v7, $0xFFFFFFFD;
	vm6 =	vmor vm6, vm5  }
0xe4: {  	vm6 =	vmor vm6, vm7  }
0xe5: {  	v9 =	vld [tilespmem:$0xA0];
	v7 =	vsel vm6, $0xFFFFFFFF, v7  }
0xe6: {  	v10 =	vld [tilespmem:$0x90];
	v6 =	vsel vm5, $0x0, v6;
	v8, _, _ =	vpop (xrf2)  }
0xe7: {  	v6 =	vadd.f32 v8, v6  }
0xe8: {  	s0 =	sadd.s32 $0xDBC0, s0  }
0xe9: {  	vm4 =	vmand vm4, vm3;
	[tilespmem:s0+$0x0] =	vst v6;
	(ifvalue) =	ssetifvalue $0xFFFFFFFF  }
0xea: {  	vm6 =	veq.s32 v9, $0x1;
	[hbm4b:s1+s16] =	stream.indirect_vreg.scatter [tilespmem:s0], [sflag:$0x2], $0x1, v7, vm0, $0x4038;
	v7 =	vsel vm4, $0x0, v8;
	[tilespmem:$0x11A60] =	vst v63  }
0xeb: {  	s2 =	simm.s32 $0x0;
	s22 =	sadd.s32 $0x10, s22;
	vm4 =	vmor vm6, vm5;
	v6 =	vsel vm5, v8, v10;
	v7 =	vshift.insert v7, v0, s21  }
.LBB3_7:
0xec: {  	v8 =	vld [tilespmem:s22+$0x0];
	s30 =	sadd.s32 $0x10, s30  }
0xed: {  	s31 =	sadd.s32 $0x10, s31;
	v9 =	vld [tilespmem:s30+$0x0]  }
0xee: {  	s2 =	sadd.s32 $0x10, s2;
	v10 =	vld [tilespmem:s31+$0x0]  }
0xef: {  	p2 =	slt.u32 s2, $0x1F30;
	_ =	sdelay $0x2  }
0xf0: {  	v7 =	vadd.f32 v9, v7  }
0xf1: {  	vm5 =	vne.s32 v8, $0xFFFFFFFF  }
0xf2: {  	vm6 =	vmand vm5, vm3;
	(xrf2) =	vadd.seg.scan.f32 vm5, v7;
	_ =	sdelay $0x5  }
0xf3: {  	vm7 =	veq.s32 v8, v5;
	vm5 =	veq.s32 v8, v3  }
0xf4: {  	vm8 =	vgt.u32 v8, $0xFFFFFFFD;
	vm4 =	vmor vm4, vm5;
	vm7 =	vmor vm7, vm5  }
0xf5: {  	vm7 =	vmor vm7, vm8  }
0xf6: {  	v8 =	vsel vm7, $0xFFFFFFFF, v8  }
.Ltmp13:
0xf7: {  	v7 =	vsel vm5, $0x0, v10;
	v9, _, _ =	vpop (xrf2);
	(pc) =	sbr.rel @p2 .LBB3_7-.Ltmp13, $4  }
0xf8: {  	v6 =	vsel vm5, v9, v6;
	v10 =	vadd.f32 v9, v7;
	v7 =	vsel vm6, $0x0, v9  }
0xf9: {  	s0 =	sadd.s32 $0x10, s0;
	v7 =	vshift.insert v7, v0, s21  }
0xfa: {  	s22 =	sadd.s32 $0x10, s22;
	[tilespmem:s0+$0x0] =	vst v10;
	(ifvalue) =	ssetifvalue $0xFFFFFFFF  }
0xfb: {  	[hbm4b:s1+s16] =	stream.indirect_vreg.scatter [tilespmem:s0], [sflag:$0x2], $0x1, v8, vm0, $0x4038;
	[tilespmem:$0x11A60] =	vst v63  }
0xfc: {  	v3 =	vld [tilespmem:s29+$0xFAF0];
	_ =	sdelay $0x4  }
0xfd: {  	v3 =	vshift.insert v3, v0, s21  }
0xfe: {  	s0 =	simm.s32 $0x30  }
0xff: {  	[tilespmem:s0+$0x0] =	vst.msk $0x1, v3  }
0x100: {  	v3 =	vsel vm4, $0x1, v1;
	[tilespmem:$0x90] =	vst v6  }
0x101: {  	s0 =	sadd.s32 @!p1 $0xFAFF, s29;
	[tilespmem:$0xA0] =	vst v3  }
0x102: {  	[spmem:s14] =	stream.linear.scatter @!p1 [tilespmem:s0], [sflag:$0x1], $0x1, $0x38;
	[tilespmem:$0x11A60] =	vst v63  }
0x103: {  	s0 =	simm.s32 @!p1 $0x1  }
0x104: {  	v3 =	vmctz.xlane @!p1 vm4;
	_ =	swait.ge @!p1 [sflag:s0], $0x1  }
0x105: {  	(v2sf) =	vpush @!p1 v4, $0x0  }
0x106: {  	(v2sf) =	vpush @!p1 v3, $0x0;
	_ =	sdelay $0xd  }
0x107: {  	s2 =	spop @!p1 (v2sf)  }
0x108: {  	s22 =	spop @!p1 (v2sf)  }
0x109: {  	p2 =	sne.s32 @!p1 s28, s2;
	p3 =	slt.s32 @!p1 s22, $0xF  }
0x10a: {  	[sflag:s0] =	ssyncset.done @!p1 $0x0;
	p2 =	por p2, p1;
	p3 =	por !p3, p1  }
0x10b: {  	[sflag:s0] =	ssyncadd.s32 @!p1 $0xFFFFFFFF;
	v3 =	vimm.s32 @!p2 $0xFFFFFFFF;
	s22 =	simm.s32 @p3 $0xF  }
0x10c: {  	[tilespmem:$0x80] =	vst @!p2 v3;
	s2 =	sadd.s32 @!p1 $0x90, s22  }
0x10d: {  	[spmem:s10] =	stream.linear.scatter @!p1 [tilespmem:s2], [sflag:$0x1], $0x1, $0x38;
	[tilespmem:$0x11A60] =	vst v63  }
0x10e: {  	_ =	swait.ge @!p1 [sflag:s0], $0x1  }
0x10f: {  	[sflag:s0] =	ssyncset.done @!p1 $0x0  }
0x110: {  	s2 =	simm.s32 @!p1 $0x80;
	[sflag:s0] =	ssyncadd.s32 @!p1 $0xFFFFFFFF  }
0x111: {  	[spmem:s15] =	stream.linear.scatter @!p1 [tilespmem:s2], [sflag:$0x1], $0x1, $0x38;
	[tilespmem:$0x11A60] =	vst v63  }
0x112: {  	_ =	swait.ge @!p1 [sflag:s0], $0x1  }
0x113: {  	[sflag:s0] =	ssyncset.done @!p1 $0x0  }
0x114: {  	[sflag:s0] =	ssyncadd.s32 @!p1 $0xFFFFFFFF;
	(ifvalue) =	ssetifvalue $0xFFFFFFFF;
	v3 =	vld [tilespmem:s25+$0x10];
	_ =	sdelay $0x3  }
.Ltmp14:
0x115: {  	_ = 	snop;
	(pc) =	sbr.rel .LBB3_9-.Ltmp14, $3  }
0x116: {  	_ =	sdelay $0x1  }
0x117: {  	(ifvalue) =	ssetifvalue $0xFFFFFFFF  }
0x118: {  	[hbm4b:s1+s16] =	stream.indirect_vreg.scatter [tilespmem:s26], [sflag:$0x9], $0x1, v3, vm0, $0x4038;
	[tilespmem:$0x11A60] =	vst v63  }
.LBB3_10:
0x119: {  	_ =	sfence.sel $0x180000  }
0x11a: {  	s0 =	simm.s32 $0x7;
	[bflag:$0x0] =	sbarrier.arrive $0xFFFF  }
0x11b: {  	s26 =	simm.s32 $0x8;
	[sflag:s0] =	ssyncpa.u1 $0x1  }
0x11c: {  	s28 =	simm.s32 $0x9;
	[sflag:s26] =	ssyncpa.u1 $0x1  }
0x11d: {  	[sflag:s28] =	ssyncpa.u1 $0x1  }
0x11e: {  	_ =	sfence.stream.spmem  }
0x11f: {  	s29 =	simm.s32 $0x3;
	[bflag:$0x0] =	sbarrier.arrive $0xFFFF  }
0x120: {  	s30 =	simm.s32 $0x4;
	[sflag:s29] =	ssyncpa.u1 $0x1  }
0x121: {  	s31 =	simm.s32 $0x3C;
	s2 =	stileid.u32;
	[sflag:s30] =	ssyncpa.u1 $0x1  }
0x122: {  	p0 =	sne.s32 s2, $0x0;
	[sflag:s31] =	ssyncpa.u1 $0x1  }
0x123: {  	s0 =	simm.s32 @p0 $0x1;
	_ =	sfence @p0  }
0x124: {  	[sflag:s0] =	ssyncpa.u1 @p0 $0x1;
	s0 =	simm.s32 @p0 $0x2  }
0x125: {  	[sflag:s0] =	ssyncpa.u1 @p0 $0x1  }
0x126: {  	_ =	strace @p0 $0x9000004A  }
0x127: {  	[bflag:$0x2] =	sbarrier.arrive @p0 $0xFFFF  }
0x128: {  	_ =	shalt @p0  }
.LBB3_11:
0x129: {  	_ =	sfence.stream.spmem;
	s0 =	simm.s32 $0x5  }
0x12a: {  	s2 =	simm.s32 $0x80;
	s3 =	simm.s32 $0xC0;
	[sflag:s0] =	ssyncpa.u1 $0x0  }
0x12b: {  	[tilespmem:s3], [sflag:$0x5] =	stream.linear.gather [spmem:s2], $0x20, $0x38;
	[tilespmem:$0x11A60] =	vst v63  }
0x12c: {  	s2 =	simm.s32 $0x0;
	s3 =	simm.s32 $0xE0  }
0x12d: {  	[tilespmem:s3], [sflag:$0x5] =	stream.linear.gather [spmem:s2], $0x20, $0x38;
	[tilespmem:$0x11A60] =	vst v63  }
.Ltmp15:
0x12e: {  	_ = 	snop;
	(pc) =	sbr.rel .LBB3_12-.Ltmp15, $4  }
0x12f: {  	_ =	swait.ge [sflag:s0], $0x40  }
0x130: {  	[sflag:s0] =	ssyncset.done $0x0  }
0x131: {  	s31 =	simm.s32 $0x6;
	[sflag:s0] =	ssyncadd.s32 $0xFFFFFFC0  }
0x132: {  	s4 =	simm.s32 $0x0;
	[sflag:s31] =	ssyncpa.u1 $0x0  }
.LBB3_17:
0x133: {  	p0 =	sgt.u32 s5, $0x27FF  }
0x134: {  	s0 =	sshrl.u32 @!p0 s5, $0x3  }
0x135: {  	s5 =	sand.u32 @!p0 $0x7, s5;
	s6 =	simm.s32 @!p0 $0xB0;
	s0 =	sadd.s32 @!p0 s1, s0  }
0x136: {  	[tilespmem:s6], [sflag:$0x6] =	stream.linear.gather @!p0 [hbm4b:s0+s5], $0x1, $0x38;
	[tilespmem:$0x11A60] =	vst v63  }
0x137: {  	s0 =	simm.s32 @!p0 $0x6  }
0x138: {  	_ =	swait.ge @!p0 [sflag:s0], $0x1  }
0x139: {  	[sflag:s0] =	ssyncset.done @!p0 $0x0  }
0x13a: {  	[sflag:s0] =	ssyncadd.s32 @!p0 $0xFFFFFFFF  }
0x13b: {  	v2 =	vmov @!p0 s4;
	v1 =	vld.msk @!p0 [tilespmem:$0xB0], $0x1;
	_ =	sdelay $0x3  }
0x13c: {  	s0 =	simm.s32 @!p0 $0xE0  }
0x13d: {  	[tilespmem:v2+s0+$0x0], v1 =	vst.idx.ret.add.f32.msk @!p0 $0x1, v1  }
0x13e: {  	[tilespmem:s2+$0xC0] =	vst.msk $0x1, v0  }
0x13f: {  	v0 =	vld.msk [tilespmem:s4+$0xE0], $0x1;
	_ =	sdelay $0x4  }
0x140: {  	[tilespmem:s2+$0xE0] =	vst.msk $0x1, v0;
	s2 =	sadd.s32 $0x1, s2  }
.LBB3_19:
0x141: {  	s4 =	sadd.s32 $0x1, s4  }
0x142: {  	p0 =	sne.s32 s4, $0x20  }
.Ltmp16:
0x143: {  	_ = 	snop;
	(pc) =	sbr.rel @!p0 .LBB3_20-.Ltmp16, $1  }
0x144: {  	_ =	sdelay $0x3  }
.LBB3_12:
0x145: {  	v0 =	vld.msk [tilespmem:s4+$0xC0], $0x1;
	_ =	sdelay $0x4  }
0x146: {  	(v2sf) =	vpush v0, $0x0;
	_ =	sdelay $0xe  }
0x147: {  	s5 =	spop (v2sf)  }
0x148: {  	p0 =	seq.s32 s5, $0xFFFFFFFF  }
.Ltmp17:
0x149: {  	_ = 	snop;
	(pc) =	sbr.rel @p0 .LBB3_19-.Ltmp17, $1  }
0x14a: {  	_ =	sdelay $0x3  }
0x14b: {  	p0 =	slt.s32 s2, $0x1  }
.Ltmp18:
0x14c: {  	_ = 	snop;
	(pc) =	sbr.rel @p0 .LBB3_17-.Ltmp18, $1  }
0x14d: {  	_ =	sdelay $0x3  }
0x14e: {  	s0 =	simm.s32 $0xC0;
	p0 =	por $0x0, $0x0  }
0x14f: {  	v1 =	vld.msk @!p0 [tilespmem:s0+$0x0], $0x1;
	_ =	sdelay $0x4  }
0x150: {  	(v2sf) =	vpush @!p0 v1, $0x0;
	_ =	sdelay $0xd  }
0x151: {  	p2 =	sne.s32 s2, $0x1  }
.Ltmp19:
0x152: {  	s6 =	spop @!p0 (v2sf);
	(pc) =	sbr.rel @!p2 .LBB3_16-.Ltmp19, $4  }
0x153: {  	p1 =	seq.s32 @!p0 s5, s6  }
0x154: {  	s6 =	simm.s32 $0x0;
	p1 =	por !p1, p0  }
0x155: {  	s8 =	simm.s32 $0xFFFFFFFF;
	s6 =	simm.s32 @p1 $0xFFFFFFFF  }
0x156: {  	s7 =	simm.s32 $0x1;
	s6 =	smov.u32 @p0 s8  }
.LBB3_15:
0x157: {  	s8 =	smov.u32 s6;
	p0 =	sne.s32 s6, $0xFFFFFFFF  }
0x158: {  	s0 =	sadd.s32 $0x1, s0;
	s6 =	smov.u32 s7;
	s7 =	sadd.s32 $0x1, s7  }
0x159: {  	p1 =	sne.s32 s2, s7;
	v1 =	vld.msk @!p0 [tilespmem:s0+$0x0], $0x1;
	_ =	sdelay $0x4  }
0x15a: {  	(v2sf) =	vpush @!p0 v1, $0x0;
	_ =	sdelay $0xe  }
.Ltmp20:
0x15b: {  	s9 =	spop @!p0 (v2sf);
	(pc) =	sbr.rel @p1 .LBB3_15-.Ltmp20, $4  }
0x15c: {  	p2 =	seq.s32 @!p0 s5, s9  }
0x15d: {  	p2 =	por !p2, p0  }
0x15e: {  	s6 =	simm.s32 @p2 $0xFFFFFFFF  }
0x15f: {  	s6 =	smov.u32 @p0 s8  }
.LBB3_16:
0x160: {  	p0 =	sne.s32 s6, $0xFFFFFFFF  }
.Ltmp21:
0x161: {  	_ = 	snop;
	(pc) =	sbr.rel @!p0 .LBB3_17-.Ltmp21, $1  }
0x162: {  	_ =	sdelay $0x3  }
0x163: {  	v0 =	vld.msk [tilespmem:s4+$0xE0], $0x1;
	v1 =	vmov s6  }
.Ltmp22:
0x164: {  	_ = 	snop;
	(pc) =	sbr.rel .LBB3_19-.Ltmp22, $2  }
0x165: {  	_ =	sdelay $0x2  }
0x166: {  	[tilespmem:v1+s3+$0x0], v0 =	vst.idx.ret.add.f32.msk $0x1, v0  }
.LBB3_20:
0x167: {  	p0 =	slt.s32 s2, $0x1  }
.Ltmp23:
0x168: {  	_ = 	snop;
	(pc) =	sbr.rel @p0 .LBB3_24-.Ltmp23, $3  }
0x169: {  	_ =	sdelay $0x1  }
0x16a: {  	s0 =	simm.s32 $0x6  }
0x16b: {  	s3 =	simm.s32 $0x0;
	[sflag:s0] =	ssyncpa.u1 $0x1  }
0x16c: {  	s0 =	simm.s32 $0xC0  }
0x16d: {  	v0 =	vld.msk [tilespmem:s0+$0x0], $0x1;
	_ =	sdelay $0x4  }
0x16e: {  	(v2sf) =	vpush v0, $0x0;
	_ =	sdelay $0xe  }
0x16f: {  	s2 =	sadd.s32 $0xFFFFFFFF, s2;
	s4 =	spop (v2sf)  }
0x170: {  	p1 =	sne.s32 s2, $0x0;
	p0 =	sgt.u32 s4, $0x27FF  }
.Ltmp24:
0x171: {  	s5 =	sshrl.u32 @!p0 s4, $0x3;
	(pc) =	sbr.rel @!p1 .LBB3_23-.Ltmp24, $4  }
0x172: {  	s0 =	simm.s32 $0xE0;
	s4 =	sand.u32 @!p0 $0x7, s4;
	s5 =	sadd.s32 @!p0 s1, s5  }
0x173: {  	[hbm4b:s5+s4] =	stream.linear.scatter @!p0 [tilespmem:s0], [sflag:$0x5], $0x1, $0x38;
	[tilespmem:$0x11A60] =	vst v63  }
0x174: {  	s5 =	simm.s32 $0x0  }
0x175: {  	s4 =	simm.s32 $0xC1;
	s5 =	simm.s32 @!p0 $0x4  }
.LBB3_22:
0x176: {  	v0 =	vld.msk [tilespmem:s4+$0x0], $0x1;
	s2 =	sadd.s32 $0xFFFFFFFF, s2;
	s3 =	sadd.s32 s3, s5  }
0x177: {  	p0 =	sne.s32 s2, $0x0;
	_ =	sdelay $0x3  }
0x178: {  	(v2sf) =	vpush v0, $0x0;
	_ =	sdelay $0xe  }
.Ltmp25:
0x179: {  	s6 =	spop (v2sf);
	(pc) =	sbr.rel @p0 .LBB3_22-.Ltmp25, $4  }
0x17a: {  	s5 =	simm.s32 $0x0;
	p1 =	sgt.u32 s6, $0x27FF  }
0x17b: {  	s0 =	sadd.s32 $0x1, s0;
	s5 =	simm.s32 @!p1 $0x4;
	s7 =	sshrl.u32 @!p1 s6, $0x3  }
0x17c: {  	s4 =	sadd.s32 $0x1, s4;
	s6 =	sand.u32 @!p1 $0x7, s6;
	s7 =	sadd.s32 @!p1 s1, s7  }
0x17d: {  	[hbm4b:s7+s6] =	stream.linear.scatter @!p1 [tilespmem:s0], [sflag:$0x5], $0x1, $0x38;
	[tilespmem:$0x11A60] =	vst v63  }
.LBB3_23:
0x17e: {  	s0 =	sadd.s32 s3, s5  }
0x17f: {  	s3 =	sshrl.u32 s0, $0x2  }
.LBB3_24:
0x180: {  	s0 =	simm.s32 $0x5  }
0x181: {  	_ =	swait.ge [sflag:s0], s3  }
0x182: {  	s1 =	ssub.s32 $0x0, s3;
	[sflag:s0] =	ssyncset.done $0x0  }
0x183: {  	[sflag:s0] =	ssyncadd.s32 s1  }
0x184: {  	[sflag:s0] =	ssyncpa.u1 $0x1  }
0x185: {  	s29 =	simm.s32 $0x1;
	_ =	sfence  }
0x186: {  	s30 =	simm.s32 $0x2;
	[sflag:s29] =	ssyncpa.u1 $0x1  }
0x187: {  	[sflag:s30] =	ssyncpa.u1 $0x1  }
0x188: {  	_ =	strace $0x9000004A  }
0x189: {  	[bflag:$0x2] =	sbarrier.arrive $0xFFFF  }
0x18a: {  	s31 =	rddreg [dreg:$0x2]  }
0x18b: {  	s0 =	sadd.s32 $0x100000, s31  }
0x18c: {  	[sflag:s0] =	ssyncadd.tile.s32 $0x1;
	_ =	shalt  }
.Lfunc_end3:
_tile_overlayer_lowered:
.L_overlay_start_3:
0x18d: {  	(tag) =	ssettag $0x3  }
0x18e: {  	s0 =	rddreg [dreg:$0x0];
	s2 =	stileid.u32  }
0x18f: {  	s1 =	rddreg [dreg:$0x1];
	p0 =	sne.s32 s2, $0x0  }
0x190: {  	s3 =	rddreg [dreg:$0x2];
	[bflag:$0x3] =	sbarrier.arrive $0xFFFF;
	s2 =	simm.s32 @!p0 $0x1C01  }
0x191: {  	[timem:s3], [sflag:s2] =	dma.local @!p0 [hbm:s0], s1  }
0x192: {  	s0 =	simm.s32 @!p0 $0x1  }
0x193: {  	_ =	swait.ge @!p0 [sflag:s0], s1  }
0x194: {  	s1 =	ssub.s32 @!p0 $0x0, s1;
	[sflag:s0] =	ssyncset.done @!p0 $0x0  }
0x195: {  	[sflag:s0] =	ssyncadd.s32 @!p0 s1  }
0x196: {  	[bflag:$0x3] =	sbarrier.arrive $0xFFFF  }
0x197: {  	_ =	shalt  }

</sc_bundles>
